<compile_context>
chip_gen: v7x
topology: tpu7x:2x2x1
jax: 0.10.2.dev20260603
libtpu: 0.0.44.dev20260713+nightly
codegen_flags: <defaults>
</compile_context>

<pallas_src>
import functools

import jax
import jax.numpy as jnp
from jax import lax
from jax.experimental import pallas as pl
from jax.experimental.pallas import tpu as pltpu
from jax.experimental.pallas import tpu_sc as plsc

HID = 1024
FFN = 3584
E = 8
T = 128
FB = 896
NFB = FFN // FB

L = 16
NW = 32
TPW = T // NW
NCH = HID // L


def _all_reduce(v, op):
    lane = lax.iota(jnp.int32, L)
    for k in (1, 2, 4, 8):
        v = op(v, v.at[lane ^ k].get(mode="promise_in_bounds"))
    return v


def _router_sc(x_hbm, gw_hbm, comb_hbm, xv, gwv, combv):
    wid = lax.axis_index("s") * 2 + lax.axis_index("c")
    base = wid * TPW
    pltpu.sync_copy(x_hbm.at[pl.ds(base, TPW)], xv)
    pltpu.sync_copy(gw_hbm, gwv)
    lane = lax.iota(jnp.int32, L)
    for t in range(TPW):
        def body(i, accs):
            xc = xv[t, pl.ds(i * L, L)]
            return tuple(
                accs[e] + xc * gwv[e, pl.ds(i * L, L)] for e in range(E))
        accs = lax.fori_loop(
            0, NCH, body, tuple(jnp.zeros((L,), jnp.float32)
                                for _ in range(E)))
        logits = jnp.full((L,), -1e30, jnp.float32)
        for e in range(E):
            logits = jnp.where(lane == e, _all_reduce(accs[e], jnp.add),
                               logits)
        m1 = _all_reduce(logits, jnp.maximum)
        i1 = _all_reduce(jnp.where(logits == m1, lane, L), jnp.minimum)
        masked = jnp.where(lane == i1, -jnp.inf, logits)
        m2 = _all_reduce(masked, jnp.maximum)
        i2 = _all_reduce(jnp.where(masked == m2, lane, L), jnp.minimum)
        p1 = 1.0 / (1.0 + jnp.exp(m2 - m1))
        row = jnp.where(lane == i1, p1,
                        jnp.where(lane == i2, 1.0 - p1,
                                  jnp.zeros((L,), jnp.float32)))
        combv[t, :] = row
    pltpu.sync_copy(combv, comb_hbm.at[pl.ds(base, TPW)])


@functools.partial(
    pl.kernel,
    mesh=plsc.VectorSubcoreMesh(core_axis_name="c", subcore_axis_name="s"),
    out_type=jax.ShapeDtypeStruct((T, L), jnp.float32),
    scratch_types=[
        pltpu.VMEM((TPW, HID), jnp.float32),
        pltpu.VMEM((E, HID), jnp.float32),
        pltpu.VMEM((TPW, L), jnp.float32),
    ],
)
def _router(x_hbm, gw_hbm, comb_hbm, xv, gwv, combv):
    _router_sc(x_hbm, gw_hbm, comb_hbm, xv, gwv, combv)


def _moe_body(x_ref, comb_ref, w1_ref, w3_ref, w2_ref, out_ref):
    e = pl.program_id(0)
    f = pl.program_id(1)
    x = x_ref[...]

    lane = lax.broadcasted_iota(jnp.int32, (T, L), 1)
    combine = jnp.sum(jnp.where(lane == e, comb_ref[...], 0.0),
                      axis=1, keepdims=True)

    w1b = w1_ref[0]
    w3b = w3_ref[0]
    w2b = w2_ref[0]
    dn = (((1,), (1,)), ((), ()))
    h = jax.lax.dot_general(x, w1b, dn)
    g = jax.lax.dot_general(x, w3b, dn)
    act = (h * jax.nn.sigmoid(h)) * g
    act = act * combine
    outp = jax.lax.dot_general(act, w2b, dn)

    @pl.when(jnp.logical_and(e == 0, f == 0))
    def _init():
        out_ref[...] = jnp.zeros_like(out_ref)

    out_ref[...] += outp


def kernel(hidden_states, gate_w, w1, w3, w2):
    comb = _router(hidden_states, gate_w)
    return pl.pallas_call(
        _moe_body,
        grid=(E, NFB),
        in_specs=[
            pl.BlockSpec((T, HID), lambda e, f: (0, 0)),
            pl.BlockSpec((T, L), lambda e, f: (0, 0)),
            pl.BlockSpec((1, FB, HID), lambda e, f: (e, f, 0)),
            pl.BlockSpec((1, FB, HID), lambda e, f: (e, f, 0)),
            pl.BlockSpec((1, HID, FB), lambda e, f: (e, 0, f)),
        ],
        out_specs=pl.BlockSpec((T, HID), lambda e, f: (0, 0)),
        out_shape=jax.ShapeDtypeStruct((T, HID), hidden_states.dtype),
        compiler_params=pltpu.CompilerParams(
            dimension_semantics=("arbitrary", "arbitrary"),
        ),
    )(hidden_states, comb, w1, w3, w2)

# --- scband reference (transcript-rebuilt; emitter-appended) ---
"""Pipeline reference for scband-mixtral-mo-e-37520834298349 (READ-ONLY COPY).

The authoritative reference and input builder live on the scoring server;
editing this copy changes nothing except your own understanding.
"""

import jax, jax.numpy as jnp
import numpy as np

HID = 1024
FFN = 3584
E = 8
TOPK = 2
T = 128

def setup_inputs(seed: int = 0) -> dict:
    key = jax.random.key(seed)
    ks = jax.random.split(key, 5)
    return {
        "hidden_states": jax.random.normal(ks[0], (T, HID), dtype=jnp.float32),
        "gate_w": jax.random.normal(ks[1], (E, HID), dtype=jnp.float32) * 0.02,
        "w1": jax.random.normal(ks[2], (E, FFN, HID), dtype=jnp.float32) * 0.02,
        "w3": jax.random.normal(ks[3], (E, FFN, HID), dtype=jnp.float32) * 0.02,
        "w2": jax.random.normal(ks[4], (E, HID, FFN), dtype=jnp.float32) * 0.02,
    }

def reference(hidden_states, gate_w, w1, w3, w2):
    # router (gate Linear, no bias)
    router_logits = hidden_states @ gate_w.T  # [T, E]
    # RenormalizeMoeRoutingMethod: top-k over logits, softmax over selected logits
    top_vals, top_idx = jax.lax.top_k(router_logits, TOPK)  # [T, K]
    probs = jax.nn.softmax(top_vals, axis=-1)  # [T, K]
    n_tok = hidden_states.shape[0]
    combine = jnp.zeros((n_tok, E), dtype=hidden_states.dtype)
    combine = combine.at[jnp.arange(n_tok)[:, None], top_idx].add(probs)  # [T, E]
    # expert SwiGLU FFN computed for all experts, combined with routing weights
    h = jnp.einsum('td,efd->tef', hidden_states, w1)  # gate proj
    g = jnp.einsum('td,efd->tef', hidden_states, w3)  # up proj
    act = jax.nn.silu(h) * g
    out_e = jnp.einsum('tef,edf->ted', act, w2)  # down proj per expert
    final = jnp.einsum('te,ted->td', combine, out_e)
    return final

if __name__ == "__main__":
    import jax
    _d = setup_inputs()
    print(jax.jit(kernel)(*tuple(_d.values())))

</pallas_src>

<mosaic_0001>
#map = affine_map<(d0, d1) -> (0, 0)>
module attributes {stable_mosaic.version = 14 : i64} {
  func.func @_router(%arg0: i32, %arg1: i32, %arg2: memref<128x1024xf32, #tpu.memory_space<hbm>>, %arg3: memref<8x1024xf32, #tpu.memory_space<hbm>>, %arg4: memref<128x16xf32, #tpu.memory_space<hbm>>, %arg5: memref<4x1024xf32, #tpu.memory_space<vmem>>, %arg6: memref<8x1024xf32, #tpu.memory_space<vmem>>, %arg7: memref<4x16xf32, #tpu.memory_space<vmem>>) attributes {dimension_semantics = [#tpu.dimension_semantics<core_parallel>, #tpu.dimension_semantics<subcore_parallel>], iteration_bounds = array<i64: 2, 16>, scalar_prefetch = 0 : i64, scratch_operands = 3 : i64, tpu.core_type = #tpu.core_type<sc_vector_subcore>, window_params = [{transform_indices = #map}, {transform_indices = #map}, {transform_indices = #map}]} {
    %mul3A = arith.constant 2 : i32
    %mul3A_0 = arith.muli %arg1, %mul3A : i32
    %add3A = arith.addi %mul3A_0, %arg0 : i32
    %mul3A_1 = arith.constant 4 : i32
    %mul3A_2 = arith.muli %add3A, %mul3A_1 : i32
    "tpu.region"() ({
      %run_scoped3A = tpu.sem_alloc : memref<!tpu.dma_semaphore, #tpu.memory_space<semaphore_mem>>
      %dma_start3A = arith.constant 0 : i32
      %dma_start3A_3089 = tpu.memref_slice %arg2[%mul3A_2, %dma_start3A] : memref<128x1024xf32, #tpu.memory_space<hbm>> -> memref<4x1024xf32, #tpu.memory_space<hbm>>
      %dma_start3A_3090 = arith.constant 0 : i32
      %dma_start3A_3091 = tpu.memref_slice %arg2[%mul3A_2, %dma_start3A_3090] : memref<128x1024xf32, #tpu.memory_space<hbm>> -> memref<4x1024xf32, #tpu.memory_space<hbm>>
      tpu.enqueue_dma source(%dma_start3A_3091 : memref<4x1024xf32, #tpu.memory_space<hbm>>) target(%arg5 : memref<4x1024xf32, #tpu.memory_space<vmem>>) target_semaphore(%run_scoped3A : memref<!tpu.dma_semaphore, #tpu.memory_space<semaphore_mem>>)
      %dma_wait3A = arith.constant 0 : i32
      %dma_wait3A_3092 = tpu.memref_slice %arg2[%mul3A_2, %dma_wait3A] : memref<128x1024xf32, #tpu.memory_space<hbm>> -> memref<4x1024xf32, #tpu.memory_space<hbm>>
      %dma_wait3A_3093 = arith.constant 0 : i32
      %dma_wait3A_3094 = tpu.memref_slice %arg2[%mul3A_2, %dma_wait3A_3093] : memref<128x1024xf32, #tpu.memory_space<hbm>> -> memref<4x1024xf32, #tpu.memory_space<hbm>>
      tpu.wait_dma2 semaphore(%run_scoped3A : memref<!tpu.dma_semaphore, #tpu.memory_space<semaphore_mem>>) src(%dma_wait3A_3094 : memref<4x1024xf32, #tpu.memory_space<hbm>>) dst(%arg5 : memref<4x1024xf32, #tpu.memory_space<vmem>>)
      tpu.yield
    }) : () -> ()
    "tpu.region"() ({
      %run_scoped3A = tpu.sem_alloc : memref<!tpu.dma_semaphore, #tpu.memory_space<semaphore_mem>>
      tpu.enqueue_dma source(%arg3 : memref<8x1024xf32, #tpu.memory_space<hbm>>) target(%arg6 : memref<8x1024xf32, #tpu.memory_space<vmem>>) target_semaphore(%run_scoped3A : memref<!tpu.dma_semaphore, #tpu.memory_space<semaphore_mem>>)
      tpu.wait_dma2 semaphore(%run_scoped3A : memref<!tpu.dma_semaphore, #tpu.memory_space<semaphore_mem>>) src(%arg3 : memref<8x1024xf32, #tpu.memory_space<hbm>>) dst(%arg6 : memref<8x1024xf32, #tpu.memory_space<vmem>>)
      tpu.yield
    }) : () -> ()
    %iota3A = tpu.iota {dimensions = array<i32: 0>} : vector<16xi32>
    %broadcast_in_dim3A = arith.constant 0.000000e+00 : f32
    %broadcast_in_dim3A_3 = vector.broadcast %broadcast_in_dim3A : f32 to vector<16xf32>
    %broadcast_in_dim3A_4 = arith.constant 0.000000e+00 : f32
    %broadcast_in_dim3A_5 = vector.broadcast %broadcast_in_dim3A_4 : f32 to vector<16xf32>
    %broadcast_in_dim3A_6 = arith.constant 0.000000e+00 : f32
    %broadcast_in_dim3A_7 = vector.broadcast %broadcast_in_dim3A_6 : f32 to vector<16xf32>
    %broadcast_in_dim3A_8 = arith.constant 0.000000e+00 : f32
    %broadcast_in_dim3A_9 = vector.broadcast %broadcast_in_dim3A_8 : f32 to vector<16xf32>
    %broadcast_in_dim3A_10 = arith.constant 0.000000e+00 : f32
    %broadcast_in_dim3A_11 = vector.broadcast %broadcast_in_dim3A_10 : f32 to vector<16xf32>
    %broadcast_in_dim3A_12 = arith.constant 0.000000e+00 : f32
    %broadcast_in_dim3A_13 = vector.broadcast %broadcast_in_dim3A_12 : f32 to vector<16xf32>
    %broadcast_in_dim3A_14 = arith.constant 0.000000e+00 : f32
    %broadcast_in_dim3A_15 = vector.broadcast %broadcast_in_dim3A_14 : f32 to vector<16xf32>
    %broadcast_in_dim3A_16 = arith.constant 0.000000e+00 : f32
    %broadcast_in_dim3A_17 = vector.broadcast %broadcast_in_dim3A_16 : f32 to vector<16xf32>
    %scan3A = arith.constant 0 : i32
    %scan3A_18 = arith.constant 64 : i32
    %scan3A_19 = arith.addi %scan3A, %scan3A_18 : i32
    %scan3A_20 = arith.constant 1 : i32
    %scan3A_21:8 = scf.for %scan3A_3089 = %scan3A to %scan3A_19 step %scan3A_20 iter_args(%scan3A_3090 = %broadcast_in_dim3A_3, %scan3A_3091 = %broadcast_in_dim3A_5, %scan3A_3092 = %broadcast_in_dim3A_7, %scan3A_3093 = %broadcast_in_dim3A_9, %scan3A_3094 = %broadcast_in_dim3A_11, %scan3A_3095 = %broadcast_in_dim3A_13, %scan3A_3096 = %broadcast_in_dim3A_15, %scan3A_3097 = %broadcast_in_dim3A_17) -> (vector<16xf32>, vector<16xf32>, vector<16xf32>, vector<16xf32>, vector<16xf32>, vector<16xf32>, vector<16xf32>, vector<16xf32>)  : i32 {
      %mul3A_3098 = arith.constant 16 : i32
      %mul3A_3099 = arith.muli %scan3A_3089, %mul3A_3098 : i32
      %get3A = arith.constant 0 : i32
      %get3A_3100 = arith.index_cast %get3A : i32 to index
      %get3A_3101 = arith.index_cast %mul3A_3099 : i32 to index
      %get3A_3102 = tpu.vector_load %arg5[%get3A_3100, %get3A_3101] {strides = array<i32>} : memref<4x1024xf32, #tpu.memory_space<vmem>>, vector<1x16xf32>,
      %get3A_3103 = vector.shape_cast %get3A_3102 : vector<1x16xf32> to vector<16xf32>
      %mul3A_3104 = arith.constant 16 : i32
      %mul3A_3105 = arith.muli %scan3A_3089, %mul3A_3104 : i32
      %get3A_3106 = arith.constant 0 : i32
      %get3A_3107 = arith.index_cast %get3A_3106 : i32 to index
      %get3A_3108 = arith.index_cast %mul3A_3105 : i32 to index
      %get3A_3109 = tpu.vector_load %arg6[%get3A_3107, %get3A_3108] {strides = array<i32>} : memref<8x1024xf32, #tpu.memory_space<vmem>>, vector<1x16xf32>,
      %get3A_3110 = vector.shape_cast %get3A_3109 : vector<1x16xf32> to vector<16xf32>
      %mul3A_3111 = arith.mulf %get3A_3103, %get3A_3110 : vector<16xf32>
      %add3A_3112 = arith.addf %scan3A_3090, %mul3A_3111 : vector<16xf32>
      %mul3A_3113 = arith.constant 16 : i32
      %mul3A_3114 = arith.muli %scan3A_3089, %mul3A_3113 : i32
      %get3A_3115 = arith.constant 1 : i32
      %get3A_3116 = arith.index_cast %get3A_3115 : i32 to index
      %get3A_3117 = arith.index_cast %mul3A_3114 : i32 to index
      %get3A_3118 = tpu.vector_load %arg6[%get3A_3116, %get3A_3117] {strides = array<i32>} : memref<8x1024xf32, #tpu.memory_space<vmem>>, vector<1x16xf32>,
      %get3A_3119 = vector.shape_cast %get3A_3118 : vector<1x16xf32> to vector<16xf32>
      %mul3A_3120 = arith.mulf %get3A_3103, %get3A_3119 : vector<16xf32>
      %add3A_3121 = arith.addf %scan3A_3091, %mul3A_3120 : vector<16xf32>
      %mul3A_3122 = arith.constant 16 : i32
      %mul3A_3123 = arith.muli %scan3A_3089, %mul3A_3122 : i32
      %get3A_3124 = arith.constant 2 : i32
      %get3A_3125 = arith.index_cast %get3A_3124 : i32 to index
      %get3A_3126 = arith.index_cast %mul3A_3123 : i32 to index
      %get3A_3127 = tpu.vector_load %arg6[%get3A_3125, %get3A_3126] {strides = array<i32>} : memref<8x1024xf32, #tpu.memory_space<vmem>>, vector<1x16xf32>,
      %get3A_3128 = vector.shape_cast %get3A_3127 : vector<1x16xf32> to vector<16xf32>
      %mul3A_3129 = arith.mulf %get3A_3103, %get3A_3128 : vector<16xf32>
      %add3A_3130 = arith.addf %scan3A_3092, %mul3A_3129 : vector<16xf32>
      %mul3A_3131 = arith.constant 16 : i32
      %mul3A_3132 = arith.muli %scan3A_3089, %mul3A_3131 : i32
      %get3A_3133 = arith.constant 3 : i32
      %get3A_3134 = arith.index_cast %get3A_3133 : i32 to index
      %get3A_3135 = arith.index_cast %mul3A_3132 : i32 to index
      %get3A_3136 = tpu.vector_load %arg6[%get3A_3134, %get3A_3135] {strides = array<i32>} : memref<8x1024xf32, #tpu.memory_space<vmem>>, vector<1x16xf32>,
      %get3A_3137 = vector.shape_cast %get3A_3136 : vector<1x16xf32> to vector<16xf32>
      %mul3A_3138 = arith.mulf %get3A_3103, %get3A_3137 : vector<16xf32>
      %add3A_3139 = arith.addf %scan3A_3093, %mul3A_3138 : vector<16xf32>
      %mul3A_3140 = arith.constant 16 : i32
      %mul3A_3141 = arith.muli %scan3A_3089, %mul3A_3140 : i32
      %get3A_3142 = arith.constant 4 : i32
      %get3A_3143 = arith.index_cast %get3A_3142 : i32 to index
      %get3A_3144 = arith.index_cast %mul3A_3141 : i32 to index
      %get3A_3145 = tpu.vector_load %arg6[%get3A_3143, %get3A_3144] {strides = array<i32>} : memref<8x1024xf32, #tpu.memory_space<vmem>>, vector<1x16xf32>,
      %get3A_3146 = vector.shape_cast %get3A_3145 : vector<1x16xf32> to vector<16xf32>
      %mul3A_3147 = arith.mulf %get3A_3103, %get3A_3146 : vector<16xf32>
      %add3A_3148 = arith.addf %scan3A_3094, %mul3A_3147 : vector<16xf32>
      %mul3A_3149 = arith.constant 16 : i32
      %mul3A_3150 = arith.muli %scan3A_3089, %mul3A_3149 : i32
      %get3A_3151 = arith.constant 5 : i32
      %get3A_3152 = arith.index_cast %get3A_3151 : i32 to index
      %get3A_3153 = arith.index_cast %mul3A_3150 : i32 to index
      %get3A_3154 = tpu.vector_load %arg6[%get3A_3152, %get3A_3153] {strides = array<i32>} : memref<8x1024xf32, #tpu.memory_space<vmem>>, vector<1x16xf32>,
      %get3A_3155 = vector.shape_cast %get3A_3154 : vector<1x16xf32> to vector<16xf32>
      %mul3A_3156 = arith.mulf %get3A_3103, %get3A_3155 : vector<16xf32>
      %add3A_3157 = arith.addf %scan3A_3095, %mul3A_3156 : vector<16xf32>
      %mul3A_3158 = arith.constant 16 : i32
      %mul3A_3159 = arith.muli %scan3A_3089, %mul3A_3158 : i32
      %get3A_3160 = arith.constant 6 : i32
      %get3A_3161 = arith.index_cast %get3A_3160 : i32 to index
      %get3A_3162 = arith.index_cast %mul3A_3159 : i32 to index
      %get3A_3163 = tpu.vector_load %arg6[%get3A_3161, %get3A_3162] {strides = array<i32>} : memref<8x1024xf32, #tpu.memory_space<vmem>>, vector<1x16xf32>,
      %get3A_3164 = vector.shape_cast %get3A_3163 : vector<1x16xf32> to vector<16xf32>
      %mul3A_3165 = arith.mulf %get3A_3103, %get3A_3164 : vector<16xf32>
      %add3A_3166 = arith.addf %scan3A_3096, %mul3A_3165 : vector<16xf32>
      %mul3A_3167 = arith.constant 16 : i32
      %mul3A_3168 = arith.muli %scan3A_3089, %mul3A_3167 : i32
      %get3A_3169 = arith.constant 7 : i32
      %get3A_3170 = arith.index_cast %get3A_3169 : i32 to index
      %get3A_3171 = arith.index_cast %mul3A_3168 : i32 to index
      %get3A_3172 = tpu.vector_load %arg6[%get3A_3170, %get3A_3171] {strides = array<i32>} : memref<8x1024xf32, #tpu.memory_space<vmem>>, vector<1x16xf32>,
      %get3A_3173 = vector.shape_cast %get3A_3172 : vector<1x16xf32> to vector<16xf32>
      %mul3A_3174 = arith.mulf %get3A_3103, %get3A_3173 : vector<16xf32>
      %add3A_3175 = arith.addf %scan3A_3097, %mul3A_3174 : vector<16xf32>
      scf.yield %add3A_3112, %add3A_3121, %add3A_3130, %add3A_3139, %add3A_3148, %add3A_3157, %add3A_3166, %add3A_3175 : vector<16xf32>, vector<16xf32>, vector<16xf32>, vector<16xf32>, vector<16xf32>, vector<16xf32>, vector<16xf32>, vector<16xf32>
    }
    %scan3A_22 = arith.constant 64 : i32
    %broadcast_in_dim3A_23 = arith.constant -1.000000e+30 : f32
    %broadcast_in_dim3A_24 = vector.broadcast %broadcast_in_dim3A_23 : f32 to vector<16xf32>
    %eq3A = arith.constant 0 : i32
    %eq3A_25 = vector.broadcast %eq3A : i32 to vector<16xi32>
    %eq3A_26 = arith.cmpi eq, %iota3A, %eq3A_25 : vector<16xi32>
    %iota3A_27 = tpu.iota {dimensions = array<i32: 0>} : vector<16xi32>
    %xor3A = arith.constant 1 : i32
    %xor3A_28 = vector.broadcast %xor3A : i32 to vector<16xi32>
    %xor3A_29 = arith.xori %iota3A_27, %xor3A_28 : vector<16xi32>
    %lt3A = arith.constant 0 : i32
    %lt3A_30 = vector.broadcast %lt3A : i32 to vector<16xi32>
    %lt3A_31 = arith.cmpi slt, %xor3A_29, %lt3A_30 : vector<16xi32>
    %add3A_32 = arith.constant 16 : i32
    %add3A_33 = vector.broadcast %add3A_32 : i32 to vector<16xi32>
    %add3A_34 = arith.addi %xor3A_29, %add3A_33 : vector<16xi32>
    %select_n3A = arith.select %lt3A_31, %add3A_34, %xor3A_29 : vector<16xi1>, vector<16xi32>
    %broadcast_in_dim3A_35 = vector.shape_cast %select_n3A : vector<16xi32> to vector<16x1xi32>
    %gather3A = vector.shape_cast %broadcast_in_dim3A_35 : vector<16x1xi32> to vector<16xi32>
    %gather3A_36 = tpu.dynamic_gather %scan3A_21#0[%gather3A] in [0] : vector<16xf32>, vector<16xi32> -> vector<16xf32>
    %add3A_37 = arith.addf %scan3A_21#0, %gather3A_36 : vector<16xf32>
    %xor3A_38 = arith.constant 2 : i32
    %xor3A_39 = vector.broadcast %xor3A_38 : i32 to vector<16xi32>
    %xor3A_40 = arith.xori %iota3A_27, %xor3A_39 : vector<16xi32>
    %lt3A_41 = arith.constant 0 : i32
    %lt3A_42 = vector.broadcast %lt3A_41 : i32 to vector<16xi32>
    %lt3A_43 = arith.cmpi slt, %xor3A_40, %lt3A_42 : vector<16xi32>
    %add3A_44 = arith.constant 16 : i32
    %add3A_45 = vector.broadcast %add3A_44 : i32 to vector<16xi32>
    %add3A_46 = arith.addi %xor3A_40, %add3A_45 : vector<16xi32>
    %select_n3A_47 = arith.select %lt3A_43, %add3A_46, %xor3A_40 : vector<16xi1>, vector<16xi32>
    %broadcast_in_dim3A_48 = vector.shape_cast %select_n3A_47 : vector<16xi32> to vector<16x1xi32>
    %gather3A_49 = vector.shape_cast %broadcast_in_dim3A_48 : vector<16x1xi32> to vector<16xi32>
    %gather3A_50 = tpu.dynamic_gather %add3A_37[%gather3A_49] in [0] : vector<16xf32>, vector<16xi32> -> vector<16xf32>
    %add3A_51 = arith.addf %add3A_37, %gather3A_50 : vector<16xf32>
    %xor3A_52 = arith.constant 4 : i32
    %xor3A_53 = vector.broadcast %xor3A_52 : i32 to vector<16xi32>
    %xor3A_54 = arith.xori %iota3A_27, %xor3A_53 : vector<16xi32>
    %lt3A_55 = arith.constant 0 : i32
    %lt3A_56 = vector.broadcast %lt3A_55 : i32 to vector<16xi32>
    %lt3A_57 = arith.cmpi slt, %xor3A_54, %lt3A_56 : vector<16xi32>
    %add3A_58 = arith.constant 16 : i32
    %add3A_59 = vector.broadcast %add3A_58 : i32 to vector<16xi32>
    %add3A_60 = arith.addi %xor3A_54, %add3A_59 : vector<16xi32>
    %select_n3A_61 = arith.select %lt3A_57, %add3A_60, %xor3A_54 : vector<16xi1>, vector<16xi32>
    %broadcast_in_dim3A_62 = vector.shape_cast %select_n3A_61 : vector<16xi32> to vector<16x1xi32>
    %gather3A_63 = vector.shape_cast %broadcast_in_dim3A_62 : vector<16x1xi32> to vector<16xi32>
    %gather3A_64 = tpu.dynamic_gather %add3A_51[%gather3A_63] in [0] : vector<16xf32>, vector<16xi32> -> vector<16xf32>
    %add3A_65 = arith.addf %add3A_51, %gather3A_64 : vector<16xf32>
    %xor3A_66 = arith.constant 8 : i32
    %xor3A_67 = vector.broadcast %xor3A_66 : i32 to vector<16xi32>
    %xor3A_68 = arith.xori %iota3A_27, %xor3A_67 : vector<16xi32>
    %lt3A_69 = arith.constant 0 : i32
    %lt3A_70 = vector.broadcast %lt3A_69 : i32 to vector<16xi32>
    %lt3A_71 = arith.cmpi slt, %xor3A_68, %lt3A_70 : vector<16xi32>
    %add3A_72 = arith.constant 16 : i32
    %add3A_73 = vector.broadcast %add3A_72 : i32 to vector<16xi32>
    %add3A_74 = arith.addi %xor3A_68, %add3A_73 : vector<16xi32>
    %select_n3A_75 = arith.select %lt3A_71, %add3A_74, %xor3A_68 : vector<16xi1>, vector<16xi32>
    %broadcast_in_dim3A_76 = vector.shape_cast %select_n3A_75 : vector<16xi32> to vector<16x1xi32>
    %gather3A_77 = vector.shape_cast %broadcast_in_dim3A_76 : vector<16x1xi32> to vector<16xi32>
    %gather3A_78 = tpu.dynamic_gather %add3A_65[%gather3A_77] in [0] : vector<16xf32>, vector<16xi32> -> vector<16xf32>
    %add3A_79 = arith.addf %add3A_65, %gather3A_78 : vector<16xf32>
    %select_n3A_80 = arith.select %eq3A_26, %add3A_79, %broadcast_in_dim3A_24 : vector<16xi1>, vector<16xf32>
    %eq3A_81 = arith.constant 1 : i32
    %eq3A_82 = vector.broadcast %eq3A_81 : i32 to vector<16xi32>
    %eq3A_83 = arith.cmpi eq, %iota3A, %eq3A_82 : vector<16xi32>
    %iota3A_84 = tpu.iota {dimensions = array<i32: 0>} : vector<16xi32>
    %xor3A_85 = arith.constant 1 : i32
    %xor3A_86 = vector.broadcast %xor3A_85 : i32 to vector<16xi32>
    %xor3A_87 = arith.xori %iota3A_84, %xor3A_86 : vector<16xi32>
    %lt3A_88 = arith.constant 0 : i32
    %lt3A_89 = vector.broadcast %lt3A_88 : i32 to vector<16xi32>
    %lt3A_90 = arith.cmpi slt, %xor3A_87, %lt3A_89 : vector<16xi32>
    %add3A_91 = arith.constant 16 : i32
    %add3A_92 = vector.broadcast %add3A_91 : i32 to vector<16xi32>
    %add3A_93 = arith.addi %xor3A_87, %add3A_92 : vector<16xi32>
    %select_n3A_94 = arith.select %lt3A_90, %add3A_93, %xor3A_87 : vector<16xi1>, vector<16xi32>
    %broadcast_in_dim3A_95 = vector.shape_cast %select_n3A_94 : vector<16xi32> to vector<16x1xi32>
    %gather3A_96 = vector.shape_cast %broadcast_in_dim3A_95 : vector<16x1xi32> to vector<16xi32>
    %gather3A_97 = tpu.dynamic_gather %scan3A_21#1[%gather3A_96] in [0] : vector<16xf32>, vector<16xi32> -> vector<16xf32>
    %add3A_98 = arith.addf %scan3A_21#1, %gather3A_97 : vector<16xf32>
    %xor3A_99 = arith.constant 2 : i32
    %xor3A_100 = vector.broadcast %xor3A_99 : i32 to vector<16xi32>
    %xor3A_101 = arith.xori %iota3A_84, %xor3A_100 : vector<16xi32>
    %lt3A_102 = arith.constant 0 : i32
    %lt3A_103 = vector.broadcast %lt3A_102 : i32 to vector<16xi32>
    %lt3A_104 = arith.cmpi slt, %xor3A_101, %lt3A_103 : vector<16xi32>
    %add3A_105 = arith.constant 16 : i32
    %add3A_106 = vector.broadcast %add3A_105 : i32 to vector<16xi32>
    %add3A_107 = arith.addi %xor3A_101, %add3A_106 : vector<16xi32>
    %select_n3A_108 = arith.select %lt3A_104, %add3A_107, %xor3A_101 : vector<16xi1>, vector<16xi32>
    %broadcast_in_dim3A_109 = vector.shape_cast %select_n3A_108 : vector<16xi32> to vector<16x1xi32>
    %gather3A_110 = vector.shape_cast %broadcast_in_dim3A_109 : vector<16x1xi32> to vector<16xi32>
    %gather3A_111 = tpu.dynamic_gather %add3A_98[%gather3A_110] in [0] : vector<16xf32>, vector<16xi32> -> vector<16xf32>
    %add3A_112 = arith.addf %add3A_98, %gather3A_111 : vector<16xf32>
    %xor3A_113 = arith.constant 4 : i32
    %xor3A_114 = vector.broadcast %xor3A_113 : i32 to vector<16xi32>
    %xor3A_115 = arith.xori %iota3A_84, %xor3A_114 : vector<16xi32>
    %lt3A_116 = arith.constant 0 : i32
    %lt3A_117 = vector.broadcast %lt3A_116 : i32 to vector<16xi32>
    %lt3A_118 = arith.cmpi slt, %xor3A_115, %lt3A_117 : vector<16xi32>
    %add3A_119 = arith.constant 16 : i32
    %add3A_120 = vector.broadcast %add3A_119 : i32 to vector<16xi32>
    %add3A_121 = arith.addi %xor3A_115, %add3A_120 : vector<16xi32>
    %select_n3A_122 = arith.select %lt3A_118, %add3A_121, %xor3A_115 : vector<16xi1>, vector<16xi32>
    %broadcast_in_dim3A_123 = vector.shape_cast %select_n3A_122 : vector<16xi32> to vector<16x1xi32>
    %gather3A_124 = vector.shape_cast %broadcast_in_dim3A_123 : vector<16x1xi32> to vector<16xi32>
    %gather3A_125 = tpu.dynamic_gather %add3A_112[%gather3A_124] in [0] : vector<16xf32>, vector<16xi32> -> vector<16xf32>
    %add3A_126 = arith.addf %add3A_112, %gather3A_125 : vector<16xf32>
    %xor3A_127 = arith.constant 8 : i32
    %xor3A_128 = vector.broadcast %xor3A_127 : i32 to vector<16xi32>
    %xor3A_129 = arith.xori %iota3A_84, %xor3A_128 : vector<16xi32>
    %lt3A_130 = arith.constant 0 : i32
    %lt3A_131 = vector.broadcast %lt3A_130 : i32 to vector<16xi32>
    %lt3A_132 = arith.cmpi slt, %xor3A_129, %lt3A_131 : vector<16xi32>
    %add3A_133 = arith.constant 16 : i32
    %add3A_134 = vector.broadcast %add3A_133 : i32 to vector<16xi32>
    %add3A_135 = arith.addi %xor3A_129, %add3A_134 : vector<16xi32>
    %select_n3A_136 = arith.select %lt3A_132, %add3A_135, %xor3A_129 : vector<16xi1>, vector<16xi32>
    %broadcast_in_dim3A_137 = vector.shape_cast %select_n3A_136 : vector<16xi32> to vector<16x1xi32>
    %gather3A_138 = vector.shape_cast %broadcast_in_dim3A_137 : vector<16x1xi32> to vector<16xi32>
    %gather3A_139 = tpu.dynamic_gather %add3A_126[%gather3A_138] in [0] : vector<16xf32>, vector<16xi32> -> vector<16xf32>
    %add3A_140 = arith.addf %add3A_126, %gather3A_139 : vector<16xf32>
    %select_n3A_141 = arith.select %eq3A_83, %add3A_140, %select_n3A_80 : vector<16xi1>, vector<16xf32>
    %eq3A_142 = arith.constant 2 : i32
    %eq3A_143 = vector.broadcast %eq3A_142 : i32 to vector<16xi32>
    %eq3A_144 = arith.cmpi eq, %iota3A, %eq3A_143 : vector<16xi32>
    %iota3A_145 = tpu.iota {dimensions = array<i32: 0>} : vector<16xi32>
    %xor3A_146 = arith.constant 1 : i32
    %xor3A_147 = vector.broadcast %xor3A_146 : i32 to vector<16xi32>
    %xor3A_148 = arith.xori %iota3A_145, %xor3A_147 : vector<16xi32>
    %lt3A_149 = arith.constant 0 : i32
    %lt3A_150 = vector.broadcast %lt3A_149 : i32 to vector<16xi32>
    %lt3A_151 = arith.cmpi slt, %xor3A_148, %lt3A_150 : vector<16xi32>
    %add3A_152 = arith.constant 16 : i32
    %add3A_153 = vector.broadcast %add3A_152 : i32 to vector<16xi32>
    %add3A_154 = arith.addi %xor3A_148, %add3A_153 : vector<16xi32>
    %select_n3A_155 = arith.select %lt3A_151, %add3A_154, %xor3A_148 : vector<16xi1>, vector<16xi32>
    %broadcast_in_dim3A_156 = vector.shape_cast %select_n3A_155 : vector<16xi32> to vector<16x1xi32>
    %gather3A_157 = vector.shape_cast %broadcast_in_dim3A_156 : vector<16x1xi32> to vector<16xi32>
    %gather3A_158 = tpu.dynamic_gather %scan3A_21#2[%gather3A_157] in [0] : vector<16xf32>, vector<16xi32> -> vector<16xf32>
    %add3A_159 = arith.addf %scan3A_21#2, %gather3A_158 : vector<16xf32>
    %xor3A_160 = arith.constant 2 : i32
    %xor3A_161 = vector.broadcast %xor3A_160 : i32 to vector<16xi32>
    %xor3A_162 = arith.xori %iota3A_145, %xor3A_161 : vector<16xi32>
    %lt3A_163 = arith.constant 0 : i32
    %lt3A_164 = vector.broadcast %lt3A_163 : i32 to vector<16xi32>
    %lt3A_165 = arith.cmpi slt, %xor3A_162, %lt3A_164 : vector<16xi32>
    %add3A_166 = arith.constant 16 : i32
    %add3A_167 = vector.broadcast %add3A_166 : i32 to vector<16xi32>
    %add3A_168 = arith.addi %xor3A_162, %add3A_167 : vector<16xi32>
    %select_n3A_169 = arith.select %lt3A_165, %add3A_168, %xor3A_162 : vector<16xi1>, vector<16xi32>
    %broadcast_in_dim3A_170 = vector.shape_cast %select_n3A_169 : vector<16xi32> to vector<16x1xi32>
    %gather3A_171 = vector.shape_cast %broadcast_in_dim3A_170 : vector<16x1xi32> to vector<16xi32>
    %gather3A_172 = tpu.dynamic_gather %add3A_159[%gather3A_171] in [0] : vector<16xf32>, vector<16xi32> -> vector<16xf32>
    %add3A_173 = arith.addf %add3A_159, %gather3A_172 : vector<16xf32>
    %xor3A_174 = arith.constant 4 : i32
    %xor3A_175 = vector.broadcast %xor3A_174 : i32 to vector<16xi32>
    %xor3A_176 = arith.xori %iota3A_145, %xor3A_175 : vector<16xi32>
    %lt3A_177 = arith.constant 0 : i32
    %lt3A_178 = vector.broadcast %lt3A_177 : i32 to vector<16xi32>
    %lt3A_179 = arith.cmpi slt, %xor3A_176, %lt3A_178 : vector<16xi32>
    %add3A_180 = arith.constant 16 : i32
    %add3A_181 = vector.broadcast %add3A_180 : i32 to vector<16xi32>
    %add3A_182 = arith.addi %xor3A_176, %add3A_181 : vector<16xi32>
    %select_n3A_183 = arith.select %lt3A_179, %add3A_182, %xor3A_176 : vector<16xi1>, vector<16xi32>
    %broadcast_in_dim3A_184 = vector.shape_cast %select_n3A_183 : vector<16xi32> to vector<16x1xi32>
    %gather3A_185 = vector.shape_cast %broadcast_in_dim3A_184 : vector<16x1xi32> to vector<16xi32>
    %gather3A_186 = tpu.dynamic_gather %add3A_173[%gather3A_185] in [0] : vector<16xf32>, vector<16xi32> -> vector<16xf32>
    %add3A_187 = arith.addf %add3A_173, %gather3A_186 : vector<16xf32>
    %xor3A_188 = arith.constant 8 : i32
    %xor3A_189 = vector.broadcast %xor3A_188 : i32 to vector<16xi32>
    %xor3A_190 = arith.xori %iota3A_145, %xor3A_189 : vector<16xi32>
    %lt3A_191 = arith.constant 0 : i32
    %lt3A_192 = vector.broadcast %lt3A_191 : i32 to vector<16xi32>
    %lt3A_193 = arith.cmpi slt, %xor3A_190, %lt3A_192 : vector<16xi32>
    %add3A_194 = arith.constant 16 : i32
    %add3A_195 = vector.broadcast %add3A_194 : i32 to vector<16xi32>
    %add3A_196 = arith.addi %xor3A_190, %add3A_195 : vector<16xi32>
    %select_n3A_197 = arith.select %lt3A_193, %add3A_196, %xor3A_190 : vector<16xi1>, vector<16xi32>
    %broadcast_in_dim3A_198 = vector.shape_cast %select_n3A_197 : vector<16xi32> to vector<16x1xi32>
    %gather3A_199 = vector.shape_cast %broadcast_in_dim3A_198 : vector<16x1xi32> to vector<16xi32>
    %gather3A_200 = tpu.dynamic_gather %add3A_187[%gather3A_199] in [0] : vector<16xf32>, vector<16xi32> -> vector<16xf32>
    %add3A_201 = arith.addf %add3A_187, %gather3A_200 : vector<16xf32>
    %select_n3A_202 = arith.select %eq3A_144, %add3A_201, %select_n3A_141 : vector<16xi1>, vector<16xf32>
    %eq3A_203 = arith.constant 3 : i32
    %eq3A_204 = vector.broadcast %eq3A_203 : i32 to vector<16xi32>
    %eq3A_205 = arith.cmpi eq, %iota3A, %eq3A_204 : vector<16xi32>
    %iota3A_206 = tpu.iota {dimensions = array<i32: 0>} : vector<16xi32>
    %xor3A_207 = arith.constant 1 : i32
    %xor3A_208 = vector.broadcast %xor3A_207 : i32 to vector<16xi32>
    %xor3A_209 = arith.xori %iota3A_206, %xor3A_208 : vector<16xi32>
    %lt3A_210 = arith.constant 0 : i32
    %lt3A_211 = vector.broadcast %lt3A_210 : i32 to vector<16xi32>
    %lt3A_212 = arith.cmpi slt, %xor3A_209, %lt3A_211 : vector<16xi32>
    %add3A_213 = arith.constant 16 : i32
    %add3A_214 = vector.broadcast %add3A_213 : i32 to vector<16xi32>
    %add3A_215 = arith.addi %xor3A_209, %add3A_214 : vector<16xi32>
    %select_n3A_216 = arith.select %lt3A_212, %add3A_215, %xor3A_209 : vector<16xi1>, vector<16xi32>
    %broadcast_in_dim3A_217 = vector.shape_cast %select_n3A_216 : vector<16xi32> to vector<16x1xi32>
    %gather3A_218 = vector.shape_cast %broadcast_in_dim3A_217 : vector<16x1xi32> to vector<16xi32>
    %gather3A_219 = tpu.dynamic_gather %scan3A_21#3[%gather3A_218] in [0] : vector<16xf32>, vector<16xi32> -> vector<16xf32>
    %add3A_220 = arith.addf %scan3A_21#3, %gather3A_219 : vector<16xf32>
    %xor3A_221 = arith.constant 2 : i32
    %xor3A_222 = vector.broadcast %xor3A_221 : i32 to vector<16xi32>
    %xor3A_223 = arith.xori %iota3A_206, %xor3A_222 : vector<16xi32>
    %lt3A_224 = arith.constant 0 : i32
    %lt3A_225 = vector.broadcast %lt3A_224 : i32 to vector<16xi32>
    %lt3A_226 = arith.cmpi slt, %xor3A_223, %lt3A_225 : vector<16xi32>
    %add3A_227 = arith.constant 16 : i32
    %add3A_228 = vector.broadcast %add3A_227 : i32 to vector<16xi32>
    %add3A_229 = arith.addi %xor3A_223, %add3A_228 : vector<16xi32>
    %select_n3A_230 = arith.select %lt3A_226, %add3A_229, %xor3A_223 : vector<16xi1>, vector<16xi32>
    %broadcast_in_dim3A_231 = vector.shape_cast %select_n3A_230 : vector<16xi32> to vector<16x1xi32>
    %gather3A_232 = vector.shape_cast %broadcast_in_dim3A_231 : vector<16x1xi32> to vector<16xi32>
    %gather3A_233 = tpu.dynamic_gather %add3A_220[%gather3A_232] in [0] : vector<16xf32>, vector<16xi32> -> vector<16xf32>
    %add3A_234 = arith.addf %add3A_220, %gather3A_233 : vector<16xf32>
    %xor3A_235 = arith.constant 4 : i32
    %xor3A_236 = vector.broadcast %xor3A_235 : i32 to vector<16xi32>
    %xor3A_237 = arith.xori %iota3A_206, %xor3A_236 : vector<16xi32>
    %lt3A_238 = arith.constant 0 : i32
    %lt3A_239 = vector.broadcast %lt3A_238 : i32 to vector<16xi32>
    %lt3A_240 = arith.cmpi slt, %xor3A_237, %lt3A_239 : vector<16xi32>
    %add3A_241 = arith.constant 16 : i32
    %add3A_242 = vector.broadcast %add3A_241 : i32 to vector<16xi32>
    %add3A_243 = arith.addi %xor3A_237, %add3A_242 : vector<16xi32>
    %select_n3A_244 = arith.select %lt3A_240, %add3A_243, %xor3A_237 : vector<16xi1>, vector<16xi32>
    %broadcast_in_dim3A_245 = vector.shape_cast %select_n3A_244 : vector<16xi32> to vector<16x1xi32>
    %gather3A_246 = vector.shape_cast %broadcast_in_dim3A_245 : vector<16x1xi32> to vector<16xi32>
    %gather3A_247 = tpu.dynamic_gather %add3A_234[%gather3A_246] in [0] : vector<16xf32>, vector<16xi32> -> vector<16xf32>
    %add3A_248 = arith.addf %add3A_234, %gather3A_247 : vector<16xf32>
    %xor3A_249 = arith.constant 8 : i32
    %xor3A_250 = vector.broadcast %xor3A_249 : i32 to vector<16xi32>
    %xor3A_251 = arith.xori %iota3A_206, %xor3A_250 : vector<16xi32>
    %lt3A_252 = arith.constant 0 : i32
    %lt3A_253 = vector.broadcast %lt3A_252 : i32 to vector<16xi32>
    %lt3A_254 = arith.cmpi slt, %xor3A_251, %lt3A_253 : vector<16xi32>
    %add3A_255 = arith.constant 16 : i32
    %add3A_256 = vector.broadcast %add3A_255 : i32 to vector<16xi32>
    %add3A_257 = arith.addi %xor3A_251, %add3A_256 : vector<16xi32>
    %select_n3A_258 = arith.select %lt3A_254, %add3A_257, %xor3A_251 : vector<16xi1>, vector<16xi32>
    %broadcast_in_dim3A_259 = vector.shape_cast %select_n3A_258 : vector<16xi32> to vector<16x1xi32>
    %gather3A_260 = vector.shape_cast %broadcast_in_dim3A_259 : vector<16x1xi32> to vector<16xi32>
    %gather3A_261 = tpu.dynamic_gather %add3A_248[%gather3A_260] in [0] : vector<16xf32>, vector<16xi32> -> vector<16xf32>
    %add3A_262 = arith.addf %add3A_248, %gather3A_261 : vector<16xf32>
    %select_n3A_263 = arith.select %eq3A_205, %add3A_262, %select_n3A_202 : vector<16xi1>, vector<16xf32>
    %eq3A_264 = arith.constant 4 : i32
    %eq3A_265 = vector.broadcast %eq3A_264 : i32 to vector<16xi32>
    %eq3A_266 = arith.cmpi eq, %iota3A, %eq3A_265 : vector<16xi32>
    %iota3A_267 = tpu.iota {dimensions = array<i32: 0>} : vector<16xi32>
    %xor3A_268 = arith.constant 1 : i32
    %xor3A_269 = vector.broadcast %xor3A_268 : i32 to vector<16xi32>
    %xor3A_270 = arith.xori %iota3A_267, %xor3A_269 : vector<16xi32>
    %lt3A_271 = arith.constant 0 : i32
    %lt3A_272 = vector.broadcast %lt3A_271 : i32 to vector<16xi32>
    %lt3A_273 = arith.cmpi slt, %xor3A_270, %lt3A_272 : vector<16xi32>
    %add3A_274 = arith.constant 16 : i32
    %add3A_275 = vector.broadcast %add3A_274 : i32 to vector<16xi32>
    %add3A_276 = arith.addi %xor3A_270, %add3A_275 : vector<16xi32>
    %select_n3A_277 = arith.select %lt3A_273, %add3A_276, %xor3A_270 : vector<16xi1>, vector<16xi32>
    %broadcast_in_dim3A_278 = vector.shape_cast %select_n3A_277 : vector<16xi32> to vector<16x1xi32>
    %gather3A_279 = vector.shape_cast %broadcast_in_dim3A_278 : vector<16x1xi32> to vector<16xi32>
    %gather3A_280 = tpu.dynamic_gather %scan3A_21#4[%gather3A_279] in [0] : vector<16xf32>, vector<16xi32> -> vector<16xf32>
    %add3A_281 = arith.addf %scan3A_21#4, %gather3A_280 : vector<16xf32>
    %xor3A_282 = arith.constant 2 : i32
    %xor3A_283 = vector.broadcast %xor3A_282 : i32 to vector<16xi32>
    %xor3A_284 = arith.xori %iota3A_267, %xor3A_283 : vector<16xi32>
    %lt3A_285 = arith.constant 0 : i32
    %lt3A_286 = vector.broadcast %lt3A_285 : i32 to vector<16xi32>
    %lt3A_287 = arith.cmpi slt, %xor3A_284, %lt3A_286 : vector<16xi32>
    %add3A_288 = arith.constant 16 : i32
    %add3A_289 = vector.broadcast %add3A_288 : i32 to vector<16xi32>
    %add3A_290 = arith.addi %xor3A_284, %add3A_289 : vector<16xi32>
    %select_n3A_291 = arith.select %lt3A_287, %add3A_290, %xor3A_284 : vector<16xi1>, vector<16xi32>
    %broadcast_in_dim3A_292 = vector.shape_cast %select_n3A_291 : vector<16xi32> to vector<16x1xi32>
    %gather3A_293 = vector.shape_cast %broadcast_in_dim3A_292 : vector<16x1xi32> to vector<16xi32>
    %gather3A_294 = tpu.dynamic_gather %add3A_281[%gather3A_293] in [0] : vector<16xf32>, vector<16xi32> -> vector<16xf32>
    %add3A_295 = arith.addf %add3A_281, %gather3A_294 : vector<16xf32>
    %xor3A_296 = arith.constant 4 : i32
    %xor3A_297 = vector.broadcast %xor3A_296 : i32 to vector<16xi32>
    %xor3A_298 = arith.xori %iota3A_267, %xor3A_297 : vector<16xi32>
    %lt3A_299 = arith.constant 0 : i32
    %lt3A_300 = vector.broadcast %lt3A_299 : i32 to vector<16xi32>
    %lt3A_301 = arith.cmpi slt, %xor3A_298, %lt3A_300 : vector<16xi32>
    %add3A_302 = arith.constant 16 : i32
    %add3A_303 = vector.broadcast %add3A_302 : i32 to vector<16xi32>
    %add3A_304 = arith.addi %xor3A_298, %add3A_303 : vector<16xi32>
    %select_n3A_305 = arith.select %lt3A_301, %add3A_304, %xor3A_298 : vector<16xi1>, vector<16xi32>
    %broadcast_in_dim3A_306 = vector.shape_cast %select_n3A_305 : vector<16xi32> to vector<16x1xi32>
    %gather3A_307 = vector.shape_cast %broadcast_in_dim3A_306 : vector<16x1xi32> to vector<16xi32>
    %gather3A_308 = tpu.dynamic_gather %add3A_295[%gather3A_307] in [0] : vector<16xf32>, vector<16xi32> -> vector<16xf32>
    %add3A_309 = arith.addf %add3A_295, %gather3A_308 : vector<16xf32>
    %xor3A_310 = arith.constant 8 : i32
    %xor3A_311 = vector.broadcast %xor3A_310 : i32 to vector<16xi32>
    %xor3A_312 = arith.xori %iota3A_267, %xor3A_311 : vector<16xi32>
    %lt3A_313 = arith.constant 0 : i32
    %lt3A_314 = vector.broadcast %lt3A_313 : i32 to vector<16xi32>
    %lt3A_315 = arith.cmpi slt, %xor3A_312, %lt3A_314 : vector<16xi32>
    %add3A_316 = arith.constant 16 : i32
    %add3A_317 = vector.broadcast %add3A_316 : i32 to vector<16xi32>
    %add3A_318 = arith.addi %xor3A_312, %add3A_317 : vector<16xi32>
    %select_n3A_319 = arith.select %lt3A_315, %add3A_318, %xor3A_312 : vector<16xi1>, vector<16xi32>
    %broadcast_in_dim3A_320 = vector.shape_cast %select_n3A_319 : vector<16xi32> to vector<16x1xi32>
    %gather3A_321 = vector.shape_cast %broadcast_in_dim3A_320 : vector<16x1xi32> to vector<16xi32>
    %gather3A_322 = tpu.dynamic_gather %add3A_309[%gather3A_321] in [0] : vector<16xf32>, vector<16xi32> -> vector<16xf32>
    %add3A_323 = arith.addf %add3A_309, %gather3A_322 : vector<16xf32>
    %select_n3A_324 = arith.select %eq3A_266, %add3A_323, %select_n3A_263 : vector<16xi1>, vector<16xf32>
    %eq3A_325 = arith.constant 5 : i32
    %eq3A_326 = vector.broadcast %eq3A_325 : i32 to vector<16xi32>
    %eq3A_327 = arith.cmpi eq, %iota3A, %eq3A_326 : vector<16xi32>
    %iota3A_328 = tpu.iota {dimensions = array<i32: 0>} : vector<16xi32>
    %xor3A_329 = arith.constant 1 : i32
    %xor3A_330 = vector.broadcast %xor3A_329 : i32 to vector<16xi32>
    %xor3A_331 = arith.xori %iota3A_328, %xor3A_330 : vector<16xi32>
    %lt3A_332 = arith.constant 0 : i32
    %lt3A_333 = vector.broadcast %lt3A_332 : i32 to vector<16xi32>
    %lt3A_334 = arith.cmpi slt, %xor3A_331, %lt3A_333 : vector<16xi32>
    %add3A_335 = arith.constant 16 : i32
    %add3A_336 = vector.broadcast %add3A_335 : i32 to vector<16xi32>
    %add3A_337 = arith.addi %xor3A_331, %add3A_336 : vector<16xi32>
    %select_n3A_338 = arith.select %lt3A_334, %add3A_337, %xor3A_331 : vector<16xi1>, vector<16xi32>
    %broadcast_in_dim3A_339 = vector.shape_cast %select_n3A_338 : vector<16xi32> to vector<16x1xi32>
    %gather3A_340 = vector.shape_cast %broadcast_in_dim3A_339 : vector<16x1xi32> to vector<16xi32>
    %gather3A_341 = tpu.dynamic_gather %scan3A_21#5[%gather3A_340] in [0] : vector<16xf32>, vector<16xi32> -> vector<16xf32>
    %add3A_342 = arith.addf %scan3A_21#5, %gather3A_341 : vector<16xf32>
    %xor3A_343 = arith.constant 2 : i32
    %xor3A_344 = vector.broadcast %xor3A_343 : i32 to vector<16xi32>
    %xor3A_345 = arith.xori %iota3A_328, %xor3A_344 : vector<16xi32>
    %lt3A_346 = arith.constant 0 : i32
    %lt3A_347 = vector.broadcast %lt3A_346 : i32 to vector<16xi32>
    %lt3A_348 = arith.cmpi slt, %xor3A_345, %lt3A_347 : vector<16xi32>
    %add3A_349 = arith.constant 16 : i32
    %add3A_350 = vector.broadcast %add3A_349 : i32 to vector<16xi32>
    %add3A_351 = arith.addi %xor3A_345, %add3A_350 : vector<16xi32>
    %select_n3A_352 = arith.select %lt3A_348, %add3A_351, %xor3A_345 : vector<16xi1>, vector<16xi32>
    %broadcast_in_dim3A_353 = vector.shape_cast %select_n3A_352 : vector<16xi32> to vector<16x1xi32>
    %gather3A_354 = vector.shape_cast %broadcast_in_dim3A_353 : vector<16x1xi32> to vector<16xi32>
    %gather3A_355 = tpu.dynamic_gather %add3A_342[%gather3A_354] in [0] : vector<16xf32>, vector<16xi32> -> vector<16xf32>
    %add3A_356 = arith.addf %add3A_342, %gather3A_355 : vector<16xf32>
    %xor3A_357 = arith.constant 4 : i32
    %xor3A_358 = vector.broadcast %xor3A_357 : i32 to vector<16xi32>
    %xor3A_359 = arith.xori %iota3A_328, %xor3A_358 : vector<16xi32>
    %lt3A_360 = arith.constant 0 : i32
    %lt3A_361 = vector.broadcast %lt3A_360 : i32 to vector<16xi32>
    %lt3A_362 = arith.cmpi slt, %xor3A_359, %lt3A_361 : vector<16xi32>
    %add3A_363 = arith.constant 16 : i32
    %add3A_364 = vector.broadcast %add3A_363 : i32 to vector<16xi32>
    %add3A_365 = arith.addi %xor3A_359, %add3A_364 : vector<16xi32>
    %select_n3A_366 = arith.select %lt3A_362, %add3A_365, %xor3A_359 : vector<16xi1>, vector<16xi32>
    %broadcast_in_dim3A_367 = vector.shape_cast %select_n3A_366 : vector<16xi32> to vector<16x1xi32>
    %gather3A_368 = vector.shape_cast %broadcast_in_dim3A_367 : vector<16x1xi32> to vector<16xi32>
    %gather3A_369 = tpu.dynamic_gather %add3A_356[%gather3A_368] in [0] : vector<16xf32>, vector<16xi32> -> vector<16xf32>
    %add3A_370 = arith.addf %add3A_356, %gather3A_369 : vector<16xf32>
    %xor3A_371 = arith.constant 8 : i32
    %xor3A_372 = vector.broadcast %xor3A_371 : i32 to vector<16xi32>
    %xor3A_373 = arith.xori %iota3A_328, %xor3A_372 : vector<16xi32>
    %lt3A_374 = arith.constant 0 : i32
    %lt3A_375 = vector.broadcast %lt3A_374 : i32 to vector<16xi32>
    %lt3A_376 = arith.cmpi slt, %xor3A_373, %lt3A_375 : vector<16xi32>
    %add3A_377 = arith.constant 16 : i32
    %add3A_378 = vector.broadcast %add3A_377 : i32 to vector<16xi32>
    %add3A_379 = arith.addi %xor3A_373, %add3A_378 : vector<16xi32>
    %select_n3A_380 = arith.select %lt3A_376, %add3A_379, %xor3A_373 : vector<16xi1>, vector<16xi32>
    %broadcast_in_dim3A_381 = vector.shape_cast %select_n3A_380 : vector<16xi32> to vector<16x1xi32>
    %gather3A_382 = vector.shape_cast %broadcast_in_dim3A_381 : vector<16x1xi32> to vector<16xi32>
    %gather3A_383 = tpu.dynamic_gather %add3A_370[%gather3A_382] in [0] : vector<16xf32>, vector<16xi32> -> vector<16xf32>
    %add3A_384 = arith.addf %add3A_370, %gather3A_383 : vector<16xf32>
    %select_n3A_385 = arith.select %eq3A_327, %add3A_384, %select_n3A_324 : vector<16xi1>, vector<16xf32>
    %eq3A_386 = arith.constant 6 : i32
    %eq3A_387 = vector.broadcast %eq3A_386 : i32 to vector<16xi32>
    %eq3A_388 = arith.cmpi eq, %iota3A, %eq3A_387 : vector<16xi32>
    %iota3A_389 = tpu.iota {dimensions = array<i32: 0>} : vector<16xi32>
    %xor3A_390 = arith.constant 1 : i32
    %xor3A_391 = vector.broadcast %xor3A_390 : i32 to vector<16xi32>
    %xor3A_392 = arith.xori %iota3A_389, %xor3A_391 : vector<16xi32>
    %lt3A_393 = arith.constant 0 : i32
    %lt3A_394 = vector.broadcast %lt3A_393 : i32 to vector<16xi32>
    %lt3A_395 = arith.cmpi slt, %xor3A_392, %lt3A_394 : vector<16xi32>
    %add3A_396 = arith.constant 16 : i32
    %add3A_397 = vector.broadcast %add3A_396 : i32 to vector<16xi32>
    %add3A_398 = arith.addi %xor3A_392, %add3A_397 : vector<16xi32>
    %select_n3A_399 = arith.select %lt3A_395, %add3A_398, %xor3A_392 : vector<16xi1>, vector<16xi32>
    %broadcast_in_dim3A_400 = vector.shape_cast %select_n3A_399 : vector<16xi32> to vector<16x1xi32>
    %gather3A_401 = vector.shape_cast %broadcast_in_dim3A_400 : vector<16x1xi32> to vector<16xi32>
    %gather3A_402 = tpu.dynamic_gather %scan3A_21#6[%gather3A_401] in [0] : vector<16xf32>, vector<16xi32> -> vector<16xf32>
    %add3A_403 = arith.addf %scan3A_21#6, %gather3A_402 : vector<16xf32>
    %xor3A_404 = arith.constant 2 : i32
    %xor3A_405 = vector.broadcast %xor3A_404 : i32 to vector<16xi32>
    %xor3A_406 = arith.xori %iota3A_389, %xor3A_405 : vector<16xi32>
    %lt3A_407 = arith.constant 0 : i32
    %lt3A_408 = vector.broadcast %lt3A_407 : i32 to vector<16xi32>
    %lt3A_409 = arith.cmpi slt, %xor3A_406, %lt3A_408 : vector<16xi32>
    %add3A_410 = arith.constant 16 : i32
    %add3A_411 = vector.broadcast %add3A_410 : i32 to vector<16xi32>
    %add3A_412 = arith.addi %xor3A_406, %add3A_411 : vector<16xi32>
    %select_n3A_413 = arith.select %lt3A_409, %add3A_412, %xor3A_406 : vector<16xi1>, vector<16xi32>
    %broadcast_in_dim3A_414 = vector.shape_cast %select_n3A_413 : vector<16xi32> to vector<16x1xi32>
    %gather3A_415 = vector.shape_cast %broadcast_in_dim3A_414 : vector<16x1xi32> to vector<16xi32>
    %gather3A_416 = tpu.dynamic_gather %add3A_403[%gather3A_415] in [0] : vector<16xf32>, vector<16xi32> -> vector<16xf32>
    %add3A_417 = arith.addf %add3A_403, %gather3A_416 : vector<16xf32>
    %xor3A_418 = arith.constant 4 : i32
    %xor3A_419 = vector.broadcast %xor3A_418 : i32 to vector<16xi32>
    %xor3A_420 = arith.xori %iota3A_389, %xor3A_419 : vector<16xi32>
    %lt3A_421 = arith.constant 0 : i32
    %lt3A_422 = vector.broadcast %lt3A_421 : i32 to vector<16xi32>
    %lt3A_423 = arith.cmpi slt, %xor3A_420, %lt3A_422 : vector<16xi32>
    %add3A_424 = arith.constant 16 : i32
    %add3A_425 = vector.broadcast %add3A_424 : i32 to vector<16xi32>
    %add3A_426 = arith.addi %xor3A_420, %add3A_425 : vector<16xi32>
    %select_n3A_427 = arith.select %lt3A_423, %add3A_426, %xor3A_420 : vector<16xi1>, vector<16xi32>
    %broadcast_in_dim3A_428 = vector.shape_cast %select_n3A_427 : vector<16xi32> to vector<16x1xi32>
    %gather3A_429 = vector.shape_cast %broadcast_in_dim3A_428 : vector<16x1xi32> to vector<16xi32>
    %gather3A_430 = tpu.dynamic_gather %add3A_417[%gather3A_429] in [0] : vector<16xf32>, vector<16xi32> -> vector<16xf32>
    %add3A_431 = arith.addf %add3A_417, %gather3A_430 : vector<16xf32>
    %xor3A_432 = arith.constant 8 : i32
    %xor3A_433 = vector.broadcast %xor3A_432 : i32 to vector<16xi32>
    %xor3A_434 = arith.xori %iota3A_389, %xor3A_433 : vector<16xi32>
    %lt3A_435 = arith.constant 0 : i32
    %lt3A_436 = vector.broadcast %lt3A_435 : i32 to vector<16xi32>
    %lt3A_437 = arith.cmpi slt, %xor3A_434, %lt3A_436 : vector<16xi32>
    %add3A_438 = arith.constant 16 : i32
    %add3A_439 = vector.broadcast %add3A_438 : i32 to vector<16xi32>
    %add3A_440 = arith.addi %xor3A_434, %add3A_439 : vector<16xi32>
    %select_n3A_441 = arith.select %lt3A_437, %add3A_440, %xor3A_434 : vector<16xi1>, vector<16xi32>
    %broadcast_in_dim3A_442 = vector.shape_cast %select_n3A_441 : vector<16xi32> to vector<16x1xi32>
    %gather3A_443 = vector.shape_cast %broadcast_in_dim3A_442 : vector<16x1xi32> to vector<16xi32>
    %gather3A_444 = tpu.dynamic_gather %add3A_431[%gather3A_443] in [0] : vector<16xf32>, vector<16xi32> -> vector<16xf32>
    %add3A_445 = arith.addf %add3A_431, %gather3A_444 : vector<16xf32>
    %select_n3A_446 = arith.select %eq3A_388, %add3A_445, %select_n3A_385 : vector<16xi1>, vector<16xf32>
    %eq3A_447 = arith.constant 7 : i32
    %eq3A_448 = vector.broadcast %eq3A_447 : i32 to vector<16xi32>
    %eq3A_449 = arith.cmpi eq, %iota3A, %eq3A_448 : vector<16xi32>
    %iota3A_450 = tpu.iota {dimensions = array<i32: 0>} : vector<16xi32>
    %xor3A_451 = arith.constant 1 : i32
    %xor3A_452 = vector.broadcast %xor3A_451 : i32 to vector<16xi32>
    %xor3A_453 = arith.xori %iota3A_450, %xor3A_452 : vector<16xi32>
    %lt3A_454 = arith.constant 0 : i32
    %lt3A_455 = vector.broadcast %lt3A_454 : i32 to vector<16xi32>
    %lt3A_456 = arith.cmpi slt, %xor3A_453, %lt3A_455 : vector<16xi32>
    %add3A_457 = arith.constant 16 : i32
    %add3A_458 = vector.broadcast %add3A_457 : i32 to vector<16xi32>
    %add3A_459 = arith.addi %xor3A_453, %add3A_458 : vector<16xi32>
    %select_n3A_460 = arith.select %lt3A_456, %add3A_459, %xor3A_453 : vector<16xi1>, vector<16xi32>
    %broadcast_in_dim3A_461 = vector.shape_cast %select_n3A_460 : vector<16xi32> to vector<16x1xi32>
    %gather3A_462 = vector.shape_cast %broadcast_in_dim3A_461 : vector<16x1xi32> to vector<16xi32>
    %gather3A_463 = tpu.dynamic_gather %scan3A_21#7[%gather3A_462] in [0] : vector<16xf32>, vector<16xi32> -> vector<16xf32>
    %add3A_464 = arith.addf %scan3A_21#7, %gather3A_463 : vector<16xf32>
    %xor3A_465 = arith.constant 2 : i32
    %xor3A_466 = vector.broadcast %xor3A_465 : i32 to vector<16xi32>
    %xor3A_467 = arith.xori %iota3A_450, %xor3A_466 : vector<16xi32>
    %lt3A_468 = arith.constant 0 : i32
    %lt3A_469 = vector.broadcast %lt3A_468 : i32 to vector<16xi32>
    %lt3A_470 = arith.cmpi slt, %xor3A_467, %lt3A_469 : vector<16xi32>
    %add3A_471 = arith.constant 16 : i32
    %add3A_472 = vector.broadcast %add3A_471 : i32 to vector<16xi32>
    %add3A_473 = arith.addi %xor3A_467, %add3A_472 : vector<16xi32>
    %select_n3A_474 = arith.select %lt3A_470, %add3A_473, %xor3A_467 : vector<16xi1>, vector<16xi32>
    %broadcast_in_dim3A_475 = vector.shape_cast %select_n3A_474 : vector<16xi32> to vector<16x1xi32>
    %gather3A_476 = vector.shape_cast %broadcast_in_dim3A_475 : vector<16x1xi32> to vector<16xi32>
    %gather3A_477 = tpu.dynamic_gather %add3A_464[%gather3A_476] in [0] : vector<16xf32>, vector<16xi32> -> vector<16xf32>
    %add3A_478 = arith.addf %add3A_464, %gather3A_477 : vector<16xf32>
    %xor3A_479 = arith.constant 4 : i32
    %xor3A_480 = vector.broadcast %xor3A_479 : i32 to vector<16xi32>
    %xor3A_481 = arith.xori %iota3A_450, %xor3A_480 : vector<16xi32>
    %lt3A_482 = arith.constant 0 : i32
    %lt3A_483 = vector.broadcast %lt3A_482 : i32 to vector<16xi32>
    %lt3A_484 = arith.cmpi slt, %xor3A_481, %lt3A_483 : vector<16xi32>
    %add3A_485 = arith.constant 16 : i32
    %add3A_486 = vector.broadcast %add3A_485 : i32 to vector<16xi32>
    %add3A_487 = arith.addi %xor3A_481, %add3A_486 : vector<16xi32>
    %select_n3A_488 = arith.select %lt3A_484, %add3A_487, %xor3A_481 : vector<16xi1>, vector<16xi32>
    %broadcast_in_dim3A_489 = vector.shape_cast %select_n3A_488 : vector<16xi32> to vector<16x1xi32>
    %gather3A_490 = vector.shape_cast %broadcast_in_dim3A_489 : vector<16x1xi32> to vector<16xi32>
    %gather3A_491 = tpu.dynamic_gather %add3A_478[%gather3A_490] in [0] : vector<16xf32>, vector<16xi32> -> vector<16xf32>
    %add3A_492 = arith.addf %add3A_478, %gather3A_491 : vector<16xf32>
    %xor3A_493 = arith.constant 8 : i32
    %xor3A_494 = vector.broadcast %xor3A_493 : i32 to vector<16xi32>
    %xor3A_495 = arith.xori %iota3A_450, %xor3A_494 : vector<16xi32>
    %lt3A_496 = arith.constant 0 : i32
    %lt3A_497 = vector.broadcast %lt3A_496 : i32 to vector<16xi32>
    %lt3A_498 = arith.cmpi slt, %xor3A_495, %lt3A_497 : vector<16xi32>
    %add3A_499 = arith.constant 16 : i32
    %add3A_500 = vector.broadcast %add3A_499 : i32 to vector<16xi32>
    %add3A_501 = arith.addi %xor3A_495, %add3A_500 : vector<16xi32>
    %select_n3A_502 = arith.select %lt3A_498, %add3A_501, %xor3A_495 : vector<16xi1>, vector<16xi32>
    %broadcast_in_dim3A_503 = vector.shape_cast %select_n3A_502 : vector<16xi32> to vector<16x1xi32>
    %gather3A_504 = vector.shape_cast %broadcast_in_dim3A_503 : vector<16x1xi32> to vector<16xi32>
    %gather3A_505 = tpu.dynamic_gather %add3A_492[%gather3A_504] in [0] : vector<16xf32>, vector<16xi32> -> vector<16xf32>
    %add3A_506 = arith.addf %add3A_492, %gather3A_505 : vector<16xf32>
    %select_n3A_507 = arith.select %eq3A_449, %add3A_506, %select_n3A_446 : vector<16xi1>, vector<16xf32>
    %iota3A_508 = tpu.iota {dimensions = array<i32: 0>} : vector<16xi32>
    %xor3A_509 = arith.constant 1 : i32
    %xor3A_510 = vector.broadcast %xor3A_509 : i32 to vector<16xi32>
    %xor3A_511 = arith.xori %iota3A_508, %xor3A_510 : vector<16xi32>
    %lt3A_512 = arith.constant 0 : i32
    %lt3A_513 = vector.broadcast %lt3A_512 : i32 to vector<16xi32>
    %lt3A_514 = arith.cmpi slt, %xor3A_511, %lt3A_513 : vector<16xi32>
    %add3A_515 = arith.constant 16 : i32
    %add3A_516 = vector.broadcast %add3A_515 : i32 to vector<16xi32>
    %add3A_517 = arith.addi %xor3A_511, %add3A_516 : vector<16xi32>
    %select_n3A_518 = arith.select %lt3A_514, %add3A_517, %xor3A_511 : vector<16xi1>, vector<16xi32>
    %broadcast_in_dim3A_519 = vector.shape_cast %select_n3A_518 : vector<16xi32> to vector<16x1xi32>
    %gather3A_520 = vector.shape_cast %broadcast_in_dim3A_519 : vector<16x1xi32> to vector<16xi32>
    %gather3A_521 = tpu.dynamic_gather %select_n3A_507[%gather3A_520] in [0] : vector<16xf32>, vector<16xi32> -> vector<16xf32>
    %max3A = arith.maximumf %select_n3A_507, %gather3A_521 : vector<16xf32>
    %xor3A_522 = arith.constant 2 : i32
    %xor3A_523 = vector.broadcast %xor3A_522 : i32 to vector<16xi32>
    %xor3A_524 = arith.xori %iota3A_508, %xor3A_523 : vector<16xi32>
    %lt3A_525 = arith.constant 0 : i32
    %lt3A_526 = vector.broadcast %lt3A_525 : i32 to vector<16xi32>
    %lt3A_527 = arith.cmpi slt, %xor3A_524, %lt3A_526 : vector<16xi32>
    %add3A_528 = arith.constant 16 : i32
    %add3A_529 = vector.broadcast %add3A_528 : i32 to vector<16xi32>
    %add3A_530 = arith.addi %xor3A_524, %add3A_529 : vector<16xi32>
    %select_n3A_531 = arith.select %lt3A_527, %add3A_530, %xor3A_524 : vector<16xi1>, vector<16xi32>
    %broadcast_in_dim3A_532 = vector.shape_cast %select_n3A_531 : vector<16xi32> to vector<16x1xi32>
    %gather3A_533 = vector.shape_cast %broadcast_in_dim3A_532 : vector<16x1xi32> to vector<16xi32>
    %gather3A_534 = tpu.dynamic_gather %max3A[%gather3A_533] in [0] : vector<16xf32>, vector<16xi32> -> vector<16xf32>
    %max3A_535 = arith.maximumf %max3A, %gather3A_534 : vector<16xf32>
    %xor3A_536 = arith.constant 4 : i32
    %xor3A_537 = vector.broadcast %xor3A_536 : i32 to vector<16xi32>
    %xor3A_538 = arith.xori %iota3A_508, %xor3A_537 : vector<16xi32>
    %lt3A_539 = arith.constant 0 : i32
    %lt3A_540 = vector.broadcast %lt3A_539 : i32 to vector<16xi32>
    %lt3A_541 = arith.cmpi slt, %xor3A_538, %lt3A_540 : vector<16xi32>
    %add3A_542 = arith.constant 16 : i32
    %add3A_543 = vector.broadcast %add3A_542 : i32 to vector<16xi32>
    %add3A_544 = arith.addi %xor3A_538, %add3A_543 : vector<16xi32>
    %select_n3A_545 = arith.select %lt3A_541, %add3A_544, %xor3A_538 : vector<16xi1>, vector<16xi32>
    %broadcast_in_dim3A_546 = vector.shape_cast %select_n3A_545 : vector<16xi32> to vector<16x1xi32>
    %gather3A_547 = vector.shape_cast %broadcast_in_dim3A_546 : vector<16x1xi32> to vector<16xi32>
    %gather3A_548 = tpu.dynamic_gather %max3A_535[%gather3A_547] in [0] : vector<16xf32>, vector<16xi32> -> vector<16xf32>
    %max3A_549 = arith.maximumf %max3A_535, %gather3A_548 : vector<16xf32>
    %xor3A_550 = arith.constant 8 : i32
    %xor3A_551 = vector.broadcast %xor3A_550 : i32 to vector<16xi32>
    %xor3A_552 = arith.xori %iota3A_508, %xor3A_551 : vector<16xi32>
    %lt3A_553 = arith.constant 0 : i32
    %lt3A_554 = vector.broadcast %lt3A_553 : i32 to vector<16xi32>
    %lt3A_555 = arith.cmpi slt, %xor3A_552, %lt3A_554 : vector<16xi32>
    %add3A_556 = arith.constant 16 : i32
    %add3A_557 = vector.broadcast %add3A_556 : i32 to vector<16xi32>
    %add3A_558 = arith.addi %xor3A_552, %add3A_557 : vector<16xi32>
    %select_n3A_559 = arith.select %lt3A_555, %add3A_558, %xor3A_552 : vector<16xi1>, vector<16xi32>
    %broadcast_in_dim3A_560 = vector.shape_cast %select_n3A_559 : vector<16xi32> to vector<16x1xi32>
    %gather3A_561 = vector.shape_cast %broadcast_in_dim3A_560 : vector<16x1xi32> to vector<16xi32>
    %gather3A_562 = tpu.dynamic_gather %max3A_549[%gather3A_561] in [0] : vector<16xf32>, vector<16xi32> -> vector<16xf32>
    %max3A_563 = arith.maximumf %max3A_549, %gather3A_562 : vector<16xf32>
    %eq3A_564 = arith.cmpf oeq, %select_n3A_507, %max3A_563 : vector<16xf32>
    %jit3A = arith.constant 16 : i32
    %broadcast_in_dim3A_565 = vector.broadcast %jit3A : i32 to vector<16xi32>
    %select_n3A_566 = arith.select %eq3A_564, %iota3A, %broadcast_in_dim3A_565 : vector<16xi1>, vector<16xi32>
    %iota3A_567 = tpu.iota {dimensions = array<i32: 0>} : vector<16xi32>
    %xor3A_568 = arith.constant 1 : i32
    %xor3A_569 = vector.broadcast %xor3A_568 : i32 to vector<16xi32>
    %xor3A_570 = arith.xori %iota3A_567, %xor3A_569 : vector<16xi32>
    %lt3A_571 = arith.constant 0 : i32
    %lt3A_572 = vector.broadcast %lt3A_571 : i32 to vector<16xi32>
    %lt3A_573 = arith.cmpi slt, %xor3A_570, %lt3A_572 : vector<16xi32>
    %add3A_574 = arith.constant 16 : i32
    %add3A_575 = vector.broadcast %add3A_574 : i32 to vector<16xi32>
    %add3A_576 = arith.addi %xor3A_570, %add3A_575 : vector<16xi32>
    %select_n3A_577 = arith.select %lt3A_573, %add3A_576, %xor3A_570 : vector<16xi1>, vector<16xi32>
    %broadcast_in_dim3A_578 = vector.shape_cast %select_n3A_577 : vector<16xi32> to vector<16x1xi32>
    %gather3A_579 = vector.shape_cast %broadcast_in_dim3A_578 : vector<16x1xi32> to vector<16xi32>
    %gather3A_580 = tpu.dynamic_gather %select_n3A_566[%gather3A_579] in [0] : vector<16xi32>, vector<16xi32> -> vector<16xi32>
    %min3A = arith.minsi %select_n3A_566, %gather3A_580 : vector<16xi32>
    %xor3A_581 = arith.constant 2 : i32
    %xor3A_582 = vector.broadcast %xor3A_581 : i32 to vector<16xi32>
    %xor3A_583 = arith.xori %iota3A_567, %xor3A_582 : vector<16xi32>
    %lt3A_584 = arith.constant 0 : i32
    %lt3A_585 = vector.broadcast %lt3A_584 : i32 to vector<16xi32>
    %lt3A_586 = arith.cmpi slt, %xor3A_583, %lt3A_585 : vector<16xi32>
    %add3A_587 = arith.constant 16 : i32
    %add3A_588 = vector.broadcast %add3A_587 : i32 to vector<16xi32>
    %add3A_589 = arith.addi %xor3A_583, %add3A_588 : vector<16xi32>
    %select_n3A_590 = arith.select %lt3A_586, %add3A_589, %xor3A_583 : vector<16xi1>, vector<16xi32>
    %broadcast_in_dim3A_591 = vector.shape_cast %select_n3A_590 : vector<16xi32> to vector<16x1xi32>
    %gather3A_592 = vector.shape_cast %broadcast_in_dim3A_591 : vector<16x1xi32> to vector<16xi32>
    %gather3A_593 = tpu.dynamic_gather %min3A[%gather3A_592] in [0] : vector<16xi32>, vector<16xi32> -> vector<16xi32>
    %min3A_594 = arith.minsi %min3A, %gather3A_593 : vector<16xi32>
    %xor3A_595 = arith.constant 4 : i32
    %xor3A_596 = vector.broadcast %xor3A_595 : i32 to vector<16xi32>
    %xor3A_597 = arith.xori %iota3A_567, %xor3A_596 : vector<16xi32>
    %lt3A_598 = arith.constant 0 : i32
    %lt3A_599 = vector.broadcast %lt3A_598 : i32 to vector<16xi32>
    %lt3A_600 = arith.cmpi slt, %xor3A_597, %lt3A_599 : vector<16xi32>
    %add3A_601 = arith.constant 16 : i32
    %add3A_602 = vector.broadcast %add3A_601 : i32 to vector<16xi32>
    %add3A_603 = arith.addi %xor3A_597, %add3A_602 : vector<16xi32>
    %select_n3A_604 = arith.select %lt3A_600, %add3A_603, %xor3A_597 : vector<16xi1>, vector<16xi32>
    %broadcast_in_dim3A_605 = vector.shape_cast %select_n3A_604 : vector<16xi32> to vector<16x1xi32>
    %gather3A_606 = vector.shape_cast %broadcast_in_dim3A_605 : vector<16x1xi32> to vector<16xi32>
    %gather3A_607 = tpu.dynamic_gather %min3A_594[%gather3A_606] in [0] : vector<16xi32>, vector<16xi32> -> vector<16xi32>
    %min3A_608 = arith.minsi %min3A_594, %gather3A_607 : vector<16xi32>
    %xor3A_609 = arith.constant 8 : i32
    %xor3A_610 = vector.broadcast %xor3A_609 : i32 to vector<16xi32>
    %xor3A_611 = arith.xori %iota3A_567, %xor3A_610 : vector<16xi32>
    %lt3A_612 = arith.constant 0 : i32
    %lt3A_613 = vector.broadcast %lt3A_612 : i32 to vector<16xi32>
    %lt3A_614 = arith.cmpi slt, %xor3A_611, %lt3A_613 : vector<16xi32>
    %add3A_615 = arith.constant 16 : i32
    %add3A_616 = vector.broadcast %add3A_615 : i32 to vector<16xi32>
    %add3A_617 = arith.addi %xor3A_611, %add3A_616 : vector<16xi32>
    %select_n3A_618 = arith.select %lt3A_614, %add3A_617, %xor3A_611 : vector<16xi1>, vector<16xi32>
    %broadcast_in_dim3A_619 = vector.shape_cast %select_n3A_618 : vector<16xi32> to vector<16x1xi32>
    %gather3A_620 = vector.shape_cast %broadcast_in_dim3A_619 : vector<16x1xi32> to vector<16xi32>
    %gather3A_621 = tpu.dynamic_gather %min3A_608[%gather3A_620] in [0] : vector<16xi32>, vector<16xi32> -> vector<16xi32>
    %min3A_622 = arith.minsi %min3A_608, %gather3A_621 : vector<16xi32>
    %eq3A_623 = arith.cmpi eq, %iota3A, %min3A_622 : vector<16xi32>
    %jit3A_624 = arith.constant 0xFF800000 : f32
    %broadcast_in_dim3A_625 = vector.broadcast %jit3A_624 : f32 to vector<16xf32>
    %select_n3A_626 = arith.select %eq3A_623, %broadcast_in_dim3A_625, %select_n3A_507 : vector<16xi1>, vector<16xf32>
    %iota3A_627 = tpu.iota {dimensions = array<i32: 0>} : vector<16xi32>
    %xor3A_628 = arith.constant 1 : i32
    %xor3A_629 = vector.broadcast %xor3A_628 : i32 to vector<16xi32>
    %xor3A_630 = arith.xori %iota3A_627, %xor3A_629 : vector<16xi32>
    %lt3A_631 = arith.constant 0 : i32
    %lt3A_632 = vector.broadcast %lt3A_631 : i32 to vector<16xi32>
    %lt3A_633 = arith.cmpi slt, %xor3A_630, %lt3A_632 : vector<16xi32>
    %add3A_634 = arith.constant 16 : i32
    %add3A_635 = vector.broadcast %add3A_634 : i32 to vector<16xi32>
    %add3A_636 = arith.addi %xor3A_630, %add3A_635 : vector<16xi32>
    %select_n3A_637 = arith.select %lt3A_633, %add3A_636, %xor3A_630 : vector<16xi1>, vector<16xi32>
    %broadcast_in_dim3A_638 = vector.shape_cast %select_n3A_637 : vector<16xi32> to vector<16x1xi32>
    %gather3A_639 = vector.shape_cast %broadcast_in_dim3A_638 : vector<16x1xi32> to vector<16xi32>
    %gather3A_640 = tpu.dynamic_gather %select_n3A_626[%gather3A_639] in [0] : vector<16xf32>, vector<16xi32> -> vector<16xf32>
    %max3A_641 = arith.maximumf %select_n3A_626, %gather3A_640 : vector<16xf32>
    %xor3A_642 = arith.constant 2 : i32
    %xor3A_643 = vector.broadcast %xor3A_642 : i32 to vector<16xi32>
    %xor3A_644 = arith.xori %iota3A_627, %xor3A_643 : vector<16xi32>
    %lt3A_645 = arith.constant 0 : i32
    %lt3A_646 = vector.broadcast %lt3A_645 : i32 to vector<16xi32>
    %lt3A_647 = arith.cmpi slt, %xor3A_644, %lt3A_646 : vector<16xi32>
    %add3A_648 = arith.constant 16 : i32
    %add3A_649 = vector.broadcast %add3A_648 : i32 to vector<16xi32>
    %add3A_650 = arith.addi %xor3A_644, %add3A_649 : vector<16xi32>
    %select_n3A_651 = arith.select %lt3A_647, %add3A_650, %xor3A_644 : vector<16xi1>, vector<16xi32>
    %broadcast_in_dim3A_652 = vector.shape_cast %select_n3A_651 : vector<16xi32> to vector<16x1xi32>
    %gather3A_653 = vector.shape_cast %broadcast_in_dim3A_652 : vector<16x1xi32> to vector<16xi32>
    %gather3A_654 = tpu.dynamic_gather %max3A_641[%gather3A_653] in [0] : vector<16xf32>, vector<16xi32> -> vector<16xf32>
    %max3A_655 = arith.maximumf %max3A_641, %gather3A_654 : vector<16xf32>
    %xor3A_656 = arith.constant 4 : i32
    %xor3A_657 = vector.broadcast %xor3A_656 : i32 to vector<16xi32>
    %xor3A_658 = arith.xori %iota3A_627, %xor3A_657 : vector<16xi32>
    %lt3A_659 = arith.constant 0 : i32
    %lt3A_660 = vector.broadcast %lt3A_659 : i32 to vector<16xi32>
    %lt3A_661 = arith.cmpi slt, %xor3A_658, %lt3A_660 : vector<16xi32>
    %add3A_662 = arith.constant 16 : i32
    %add3A_663 = vector.broadcast %add3A_662 : i32 to vector<16xi32>
    %add3A_664 = arith.addi %xor3A_658, %add3A_663 : vector<16xi32>
    %select_n3A_665 = arith.select %lt3A_661, %add3A_664, %xor3A_658 : vector<16xi1>, vector<16xi32>
    %broadcast_in_dim3A_666 = vector.shape_cast %select_n3A_665 : vector<16xi32> to vector<16x1xi32>
    %gather3A_667 = vector.shape_cast %broadcast_in_dim3A_666 : vector<16x1xi32> to vector<16xi32>
    %gather3A_668 = tpu.dynamic_gather %max3A_655[%gather3A_667] in [0] : vector<16xf32>, vector<16xi32> -> vector<16xf32>
    %max3A_669 = arith.maximumf %max3A_655, %gather3A_668 : vector<16xf32>
    %xor3A_670 = arith.constant 8 : i32
    %xor3A_671 = vector.broadcast %xor3A_670 : i32 to vector<16xi32>
    %xor3A_672 = arith.xori %iota3A_627, %xor3A_671 : vector<16xi32>
    %lt3A_673 = arith.constant 0 : i32
    %lt3A_674 = vector.broadcast %lt3A_673 : i32 to vector<16xi32>
    %lt3A_675 = arith.cmpi slt, %xor3A_672, %lt3A_674 : vector<16xi32>
    %add3A_676 = arith.constant 16 : i32
    %add3A_677 = vector.broadcast %add3A_676 : i32 to vector<16xi32>
    %add3A_678 = arith.addi %xor3A_672, %add3A_677 : vector<16xi32>
    %select_n3A_679 = arith.select %lt3A_675, %add3A_678, %xor3A_672 : vector<16xi1>, vector<16xi32>
    %broadcast_in_dim3A_680 = vector.shape_cast %select_n3A_679 : vector<16xi32> to vector<16x1xi32>
    %gather3A_681 = vector.shape_cast %broadcast_in_dim3A_680 : vector<16x1xi32> to vector<16xi32>
    %gather3A_682 = tpu.dynamic_gather %max3A_669[%gather3A_681] in [0] : vector<16xf32>, vector<16xi32> -> vector<16xf32>
    %max3A_683 = arith.maximumf %max3A_669, %gather3A_682 : vector<16xf32>
    %eq3A_684 = arith.cmpf oeq, %select_n3A_626, %max3A_683 : vector<16xf32>
    %jit3A_685 = arith.constant 16 : i32
    %broadcast_in_dim3A_686 = vector.broadcast %jit3A_685 : i32 to vector<16xi32>
    %select_n3A_687 = arith.select %eq3A_684, %iota3A, %broadcast_in_dim3A_686 : vector<16xi1>, vector<16xi32>
    %iota3A_688 = tpu.iota {dimensions = array<i32: 0>} : vector<16xi32>
    %xor3A_689 = arith.constant 1 : i32
    %xor3A_690 = vector.broadcast %xor3A_689 : i32 to vector<16xi32>
    %xor3A_691 = arith.xori %iota3A_688, %xor3A_690 : vector<16xi32>
    %lt3A_692 = arith.constant 0 : i32
    %lt3A_693 = vector.broadcast %lt3A_692 : i32 to vector<16xi32>
    %lt3A_694 = arith.cmpi slt, %xor3A_691, %lt3A_693 : vector<16xi32>
    %add3A_695 = arith.constant 16 : i32
    %add3A_696 = vector.broadcast %add3A_695 : i32 to vector<16xi32>
    %add3A_697 = arith.addi %xor3A_691, %add3A_696 : vector<16xi32>
    %select_n3A_698 = arith.select %lt3A_694, %add3A_697, %xor3A_691 : vector<16xi1>, vector<16xi32>
    %broadcast_in_dim3A_699 = vector.shape_cast %select_n3A_698 : vector<16xi32> to vector<16x1xi32>
    %gather3A_700 = vector.shape_cast %broadcast_in_dim3A_699 : vector<16x1xi32> to vector<16xi32>
    %gather3A_701 = tpu.dynamic_gather %select_n3A_687[%gather3A_700] in [0] : vector<16xi32>, vector<16xi32> -> vector<16xi32>
    %min3A_702 = arith.minsi %select_n3A_687, %gather3A_701 : vector<16xi32>
    %xor3A_703 = arith.constant 2 : i32
    %xor3A_704 = vector.broadcast %xor3A_703 : i32 to vector<16xi32>
    %xor3A_705 = arith.xori %iota3A_688, %xor3A_704 : vector<16xi32>
    %lt3A_706 = arith.constant 0 : i32
    %lt3A_707 = vector.broadcast %lt3A_706 : i32 to vector<16xi32>
    %lt3A_708 = arith.cmpi slt, %xor3A_705, %lt3A_707 : vector<16xi32>
    %add3A_709 = arith.constant 16 : i32
    %add3A_710 = vector.broadcast %add3A_709 : i32 to vector<16xi32>
    %add3A_711 = arith.addi %xor3A_705, %add3A_710 : vector<16xi32>
    %select_n3A_712 = arith.select %lt3A_708, %add3A_711, %xor3A_705 : vector<16xi1>, vector<16xi32>
    %broadcast_in_dim3A_713 = vector.shape_cast %select_n3A_712 : vector<16xi32> to vector<16x1xi32>
    %gather3A_714 = vector.shape_cast %broadcast_in_dim3A_713 : vector<16x1xi32> to vector<16xi32>
    %gather3A_715 = tpu.dynamic_gather %min3A_702[%gather3A_714] in [0] : vector<16xi32>, vector<16xi32> -> vector<16xi32>
    %min3A_716 = arith.minsi %min3A_702, %gather3A_715 : vector<16xi32>
    %xor3A_717 = arith.constant 4 : i32
    %xor3A_718 = vector.broadcast %xor3A_717 : i32 to vector<16xi32>
    %xor3A_719 = arith.xori %iota3A_688, %xor3A_718 : vector<16xi32>
    %lt3A_720 = arith.constant 0 : i32
    %lt3A_721 = vector.broadcast %lt3A_720 : i32 to vector<16xi32>
    %lt3A_722 = arith.cmpi slt, %xor3A_719, %lt3A_721 : vector<16xi32>
    %add3A_723 = arith.constant 16 : i32
    %add3A_724 = vector.broadcast %add3A_723 : i32 to vector<16xi32>
    %add3A_725 = arith.addi %xor3A_719, %add3A_724 : vector<16xi32>
    %select_n3A_726 = arith.select %lt3A_722, %add3A_725, %xor3A_719 : vector<16xi1>, vector<16xi32>
    %broadcast_in_dim3A_727 = vector.shape_cast %select_n3A_726 : vector<16xi32> to vector<16x1xi32>
    %gather3A_728 = vector.shape_cast %broadcast_in_dim3A_727 : vector<16x1xi32> to vector<16xi32>
    %gather3A_729 = tpu.dynamic_gather %min3A_716[%gather3A_728] in [0] : vector<16xi32>, vector<16xi32> -> vector<16xi32>
    %min3A_730 = arith.minsi %min3A_716, %gather3A_729 : vector<16xi32>
    %xor3A_731 = arith.constant 8 : i32
    %xor3A_732 = vector.broadcast %xor3A_731 : i32 to vector<16xi32>
    %xor3A_733 = arith.xori %iota3A_688, %xor3A_732 : vector<16xi32>
    %lt3A_734 = arith.constant 0 : i32
    %lt3A_735 = vector.broadcast %lt3A_734 : i32 to vector<16xi32>
    %lt3A_736 = arith.cmpi slt, %xor3A_733, %lt3A_735 : vector<16xi32>
    %add3A_737 = arith.constant 16 : i32
    %add3A_738 = vector.broadcast %add3A_737 : i32 to vector<16xi32>
    %add3A_739 = arith.addi %xor3A_733, %add3A_738 : vector<16xi32>
    %select_n3A_740 = arith.select %lt3A_736, %add3A_739, %xor3A_733 : vector<16xi1>, vector<16xi32>
    %broadcast_in_dim3A_741 = vector.shape_cast %select_n3A_740 : vector<16xi32> to vector<16x1xi32>
    %gather3A_742 = vector.shape_cast %broadcast_in_dim3A_741 : vector<16x1xi32> to vector<16xi32>
    %gather3A_743 = tpu.dynamic_gather %min3A_730[%gather3A_742] in [0] : vector<16xi32>, vector<16xi32> -> vector<16xi32>
    %min3A_744 = arith.minsi %min3A_730, %gather3A_743 : vector<16xi32>
    %sub3A = arith.subf %max3A_683, %max3A_563 : vector<16xf32>
    %exp3A = math.exp %sub3A : vector<16xf32>
    %add3A_745 = arith.constant 1.000000e+00 : f32
    %add3A_746 = vector.broadcast %add3A_745 : f32 to vector<16xf32>
    %add3A_747 = arith.addf %add3A_746, %exp3A : vector<16xf32>
    %div3A = arith.constant 1.000000e+00 : f32
    %div3A_748 = vector.broadcast %div3A : f32 to vector<16xf32>
    %div3A_749 = arith.divf %div3A_748, %add3A_747 : vector<16xf32>
    %eq3A_750 = arith.cmpi eq, %iota3A, %min3A_622 : vector<16xi32>
    %eq3A_751 = arith.cmpi eq, %iota3A, %min3A_744 : vector<16xi32>
    %sub3A_752 = arith.constant 1.000000e+00 : f32
    %sub3A_753 = vector.broadcast %sub3A_752 : f32 to vector<16xf32>
    %sub3A_754 = arith.subf %sub3A_753, %div3A_749 : vector<16xf32>
    %broadcast_in_dim3A_755 = arith.constant 0.000000e+00 : f32
    %broadcast_in_dim3A_756 = vector.broadcast %broadcast_in_dim3A_755 : f32 to vector<16xf32>
    %select_n3A_757 = arith.select %eq3A_751, %sub3A_754, %broadcast_in_dim3A_756 : vector<16xi1>, vector<16xf32>
    %select_n3A_758 = arith.select %eq3A_750, %div3A_749, %select_n3A_757 : vector<16xi1>, vector<16xf32>
    %swap3A = arith.constant 0 : i32
    %swap3A_759 = arith.index_cast %swap3A : i32 to index
    %swap3A_760 = arith.constant 0 : index
    %swap3A_761 = tpu.vector_load %arg7[%swap3A_759, %swap3A_760] {strides = array<i32>} : memref<4x16xf32, #tpu.memory_space<vmem>>, vector<1x16xf32>,
    %swap3A_762 = vector.shape_cast %swap3A_761 : vector<1x16xf32> to vector<16xf32>
    %swap3A_763 = vector.shape_cast %select_n3A_758 : vector<16xf32> to vector<1x16xf32>
    tpu.vector_store %arg7[%swap3A_759, %swap3A_760], %swap3A_763 {strides = array<i32>} : memref<4x16xf32, #tpu.memory_space<vmem>>, vector<1x16xf32>,
    %broadcast_in_dim3A_764 = arith.constant 0.000000e+00 : f32
    %broadcast_in_dim3A_765 = vector.broadcast %broadcast_in_dim3A_764 : f32 to vector<16xf32>
    %broadcast_in_dim3A_766 = arith.constant 0.000000e+00 : f32
    %broadcast_in_dim3A_767 = vector.broadcast %broadcast_in_dim3A_766 : f32 to vector<16xf32>
    %broadcast_in_dim3A_768 = arith.constant 0.000000e+00 : f32
    %broadcast_in_dim3A_769 = vector.broadcast %broadcast_in_dim3A_768 : f32 to vector<16xf32>
    %broadcast_in_dim3A_770 = arith.constant 0.000000e+00 : f32
    %broadcast_in_dim3A_771 = vector.broadcast %broadcast_in_dim3A_770 : f32 to vector<16xf32>
    %broadcast_in_dim3A_772 = arith.constant 0.000000e+00 : f32
    %broadcast_in_dim3A_773 = vector.broadcast %broadcast_in_dim3A_772 : f32 to vector<16xf32>
    %broadcast_in_dim3A_774 = arith.constant 0.000000e+00 : f32
    %broadcast_in_dim3A_775 = vector.broadcast %broadcast_in_dim3A_774 : f32 to vector<16xf32>
    %broadcast_in_dim3A_776 = arith.constant 0.000000e+00 : f32
    %broadcast_in_dim3A_777 = vector.broadcast %broadcast_in_dim3A_776 : f32 to vector<16xf32>
    %broadcast_in_dim3A_778 = arith.constant 0.000000e+00 : f32
    %broadcast_in_dim3A_779 = vector.broadcast %broadcast_in_dim3A_778 : f32 to vector<16xf32>
    %scan3A_780 = arith.constant 0 : i32
    %scan3A_781 = arith.constant 64 : i32
    %scan3A_782 = arith.addi %scan3A_780, %scan3A_781 : i32
    %scan3A_783 = arith.constant 1 : i32
    %scan3A_784:8 = scf.for %scan3A_3089 = %scan3A_780 to %scan3A_782 step %scan3A_783 iter_args(%scan3A_3090 = %broadcast_in_dim3A_765, %scan3A_3091 = %broadcast_in_dim3A_767, %scan3A_3092 = %broadcast_in_dim3A_769, %scan3A_3093 = %broadcast_in_dim3A_771, %scan3A_3094 = %broadcast_in_dim3A_773, %scan3A_3095 = %broadcast_in_dim3A_775, %scan3A_3096 = %broadcast_in_dim3A_777, %scan3A_3097 = %broadcast_in_dim3A_779) -> (vector<16xf32>, vector<16xf32>, vector<16xf32>, vector<16xf32>, vector<16xf32>, vector<16xf32>, vector<16xf32>, vector<16xf32>)  : i32 {
      %mul3A_3098 = arith.constant 16 : i32
      %mul3A_3099 = arith.muli %scan3A_3089, %mul3A_3098 : i32
      %get3A = arith.constant 1 : i32
      %get3A_3100 = arith.index_cast %get3A : i32 to index
      %get3A_3101 = arith.index_cast %mul3A_3099 : i32 to index
      %get3A_3102 = tpu.vector_load %arg5[%get3A_3100, %get3A_3101] {strides = array<i32>} : memref<4x1024xf32, #tpu.memory_space<vmem>>, vector<1x16xf32>,
      %get3A_3103 = vector.shape_cast %get3A_3102 : vector<1x16xf32> to vector<16xf32>
      %mul3A_3104 = arith.constant 16 : i32
      %mul3A_3105 = arith.muli %scan3A_3089, %mul3A_3104 : i32
      %get3A_3106 = arith.constant 0 : i32
      %get3A_3107 = arith.index_cast %get3A_3106 : i32 to index
      %get3A_3108 = arith.index_cast %mul3A_3105 : i32 to index
      %get3A_3109 = tpu.vector_load %arg6[%get3A_3107, %get3A_3108] {strides = array<i32>} : memref<8x1024xf32, #tpu.memory_space<vmem>>, vector<1x16xf32>,
      %get3A_3110 = vector.shape_cast %get3A_3109 : vector<1x16xf32> to vector<16xf32>
      %mul3A_3111 = arith.mulf %get3A_3103, %get3A_3110 : vector<16xf32>
      %add3A_3112 = arith.addf %scan3A_3090, %mul3A_3111 : vector<16xf32>
      %mul3A_3113 = arith.constant 16 : i32
      %mul3A_3114 = arith.muli %scan3A_3089, %mul3A_3113 : i32
      %get3A_3115 = arith.constant 1 : i32
      %get3A_3116 = arith.index_cast %get3A_3115 : i32 to index
      %get3A_3117 = arith.index_cast %mul3A_3114 : i32 to index
      %get3A_3118 = tpu.vector_load %arg6[%get3A_3116, %get3A_3117] {strides = array<i32>} : memref<8x1024xf32, #tpu.memory_space<vmem>>, vector<1x16xf32>,
      %get3A_3119 = vector.shape_cast %get3A_3118 : vector<1x16xf32> to vector<16xf32>
      %mul3A_3120 = arith.mulf %get3A_3103, %get3A_3119 : vector<16xf32>
      %add3A_3121 = arith.addf %scan3A_3091, %mul3A_3120 : vector<16xf32>
      %mul3A_3122 = arith.constant 16 : i32
      %mul3A_3123 = arith.muli %scan3A_3089, %mul3A_3122 : i32
      %get3A_3124 = arith.constant 2 : i32
      %get3A_3125 = arith.index_cast %get3A_3124 : i32 to index
      %get3A_3126 = arith.index_cast %mul3A_3123 : i32 to index
      %get3A_3127 = tpu.vector_load %arg6[%get3A_3125, %get3A_3126] {strides = array<i32>} : memref<8x1024xf32, #tpu.memory_space<vmem>>, vector<1x16xf32>,
      %get3A_3128 = vector.shape_cast %get3A_3127 : vector<1x16xf32> to vector<16xf32>
      %mul3A_3129 = arith.mulf %get3A_3103, %get3A_3128 : vector<16xf32>
      %add3A_3130 = arith.addf %scan3A_3092, %mul3A_3129 : vector<16xf32>
      %mul3A_3131 = arith.constant 16 : i32
      %mul3A_3132 = arith.muli %scan3A_3089, %mul3A_3131 : i32
      %get3A_3133 = arith.constant 3 : i32
      %get3A_3134 = arith.index_cast %get3A_3133 : i32 to index
      %get3A_3135 = arith.index_cast %mul3A_3132 : i32 to index
      %get3A_3136 = tpu.vector_load %arg6[%get3A_3134, %get3A_3135] {strides = array<i32>} : memref<8x1024xf32, #tpu.memory_space<vmem>>, vector<1x16xf32>,
      %get3A_3137 = vector.shape_cast %get3A_3136 : vector<1x16xf32> to vector<16xf32>
      %mul3A_3138 = arith.mulf %get3A_3103, %get3A_3137 : vector<16xf32>
      %add3A_3139 = arith.addf %scan3A_3093, %mul3A_3138 : vector<16xf32>
      %mul3A_3140 = arith.constant 16 : i32
      %mul3A_3141 = arith.muli %scan3A_3089, %mul3A_3140 : i32
      %get3A_3142 = arith.constant 4 : i32
      %get3A_3143 = arith.index_cast %get3A_3142 : i32 to index
      %get3A_3144 = arith.index_cast %mul3A_3141 : i32 to index
      %get3A_3145 = tpu.vector_load %arg6[%get3A_3143, %get3A_3144] {strides = array<i32>} : memref<8x1024xf32, #tpu.memory_space<vmem>>, vector<1x16xf32>,
      %get3A_3146 = vector.shape_cast %get3A_3145 : vector<1x16xf32> to vector<16xf32>
      %mul3A_3147 = arith.mulf %get3A_3103, %get3A_3146 : vector<16xf32>
      %add3A_3148 = arith.addf %scan3A_3094, %mul3A_3147 : vector<16xf32>
      %mul3A_3149 = arith.constant 16 : i32
      %mul3A_3150 = arith.muli %scan3A_3089, %mul3A_3149 : i32
      %get3A_3151 = arith.constant 5 : i32
      %get3A_3152 = arith.index_cast %get3A_3151 : i32 to index
      %get3A_3153 = arith.index_cast %mul3A_3150 : i32 to index
      %get3A_3154 = tpu.vector_load %arg6[%get3A_3152, %get3A_3153] {strides = array<i32>} : memref<8x1024xf32, #tpu.memory_space<vmem>>, vector<1x16xf32>,
      %get3A_3155 = vector.shape_cast %get3A_3154 : vector<1x16xf32> to vector<16xf32>
      %mul3A_3156 = arith.mulf %get3A_3103, %get3A_3155 : vector<16xf32>
      %add3A_3157 = arith.addf %scan3A_3095, %mul3A_3156 : vector<16xf32>
      %mul3A_3158 = arith.constant 16 : i32
      %mul3A_3159 = arith.muli %scan3A_3089, %mul3A_3158 : i32
      %get3A_3160 = arith.constant 6 : i32
      %get3A_3161 = arith.index_cast %get3A_3160 : i32 to index
      %get3A_3162 = arith.index_cast %mul3A_3159 : i32 to index
      %get3A_3163 = tpu.vector_load %arg6[%get3A_3161, %get3A_3162] {strides = array<i32>} : memref<8x1024xf32, #tpu.memory_space<vmem>>, vector<1x16xf32>,
      %get3A_3164 = vector.shape_cast %get3A_3163 : vector<1x16xf32> to vector<16xf32>
      %mul3A_3165 = arith.mulf %get3A_3103, %get3A_3164 : vector<16xf32>
      %add3A_3166 = arith.addf %scan3A_3096, %mul3A_3165 : vector<16xf32>
      %mul3A_3167 = arith.constant 16 : i32
      %mul3A_3168 = arith.muli %scan3A_3089, %mul3A_3167 : i32
      %get3A_3169 = arith.constant 7 : i32
      %get3A_3170 = arith.index_cast %get3A_3169 : i32 to index
      %get3A_3171 = arith.index_cast %mul3A_3168 : i32 to index
      %get3A_3172 = tpu.vector_load %arg6[%get3A_3170, %get3A_3171] {strides = array<i32>} : memref<8x1024xf32, #tpu.memory_space<vmem>>, vector<1x16xf32>,
      %get3A_3173 = vector.shape_cast %get3A_3172 : vector<1x16xf32> to vector<16xf32>
      %mul3A_3174 = arith.mulf %get3A_3103, %get3A_3173 : vector<16xf32>
      %add3A_3175 = arith.addf %scan3A_3097, %mul3A_3174 : vector<16xf32>
      scf.yield %add3A_3112, %add3A_3121, %add3A_3130, %add3A_3139, %add3A_3148, %add3A_3157, %add3A_3166, %add3A_3175 : vector<16xf32>, vector<16xf32>, vector<16xf32>, vector<16xf32>, vector<16xf32>, vector<16xf32>, vector<16xf32>, vector<16xf32>
    }
    %scan3A_785 = arith.constant 64 : i32
    %broadcast_in_dim3A_786 = arith.constant -1.000000e+30 : f32
    %broadcast_in_dim3A_787 = vector.broadcast %broadcast_in_dim3A_786 : f32 to vector<16xf32>
    %eq3A_788 = arith.constant 0 : i32
    %eq3A_789 = vector.broadcast %eq3A_788 : i32 to vector<16xi32>
    %eq3A_790 = arith.cmpi eq, %iota3A, %eq3A_789 : vector<16xi32>
    %iota3A_791 = tpu.iota {dimensions = array<i32: 0>} : vector<16xi32>
    %xor3A_792 = arith.constant 1 : i32
    %xor3A_793 = vector.broadcast %xor3A_792 : i32 to vector<16xi32>
    %xor3A_794 = arith.xori %iota3A_791, %xor3A_793 : vector<16xi32>
    %lt3A_795 = arith.constant 0 : i32
    %lt3A_796 = vector.broadcast %lt3A_795 : i32 to vector<16xi32>
    %lt3A_797 = arith.cmpi slt, %xor3A_794, %lt3A_796 : vector<16xi32>
    %add3A_798 = arith.constant 16 : i32
    %add3A_799 = vector.broadcast %add3A_798 : i32 to vector<16xi32>
    %add3A_800 = arith.addi %xor3A_794, %add3A_799 : vector<16xi32>
    %select_n3A_801 = arith.select %lt3A_797, %add3A_800, %xor3A_794 : vector<16xi1>, vector<16xi32>
    %broadcast_in_dim3A_802 = vector.shape_cast %select_n3A_801 : vector<16xi32> to vector<16x1xi32>
    %gather3A_803 = vector.shape_cast %broadcast_in_dim3A_802 : vector<16x1xi32> to vector<16xi32>
    %gather3A_804 = tpu.dynamic_gather %scan3A_784#0[%gather3A_803] in [0] : vector<16xf32>, vector<16xi32> -> vector<16xf32>
    %add3A_805 = arith.addf %scan3A_784#0, %gather3A_804 : vector<16xf32>
    %xor3A_806 = arith.constant 2 : i32
    %xor3A_807 = vector.broadcast %xor3A_806 : i32 to vector<16xi32>
    %xor3A_808 = arith.xori %iota3A_791, %xor3A_807 : vector<16xi32>
    %lt3A_809 = arith.constant 0 : i32
    %lt3A_810 = vector.broadcast %lt3A_809 : i32 to vector<16xi32>
    %lt3A_811 = arith.cmpi slt, %xor3A_808, %lt3A_810 : vector<16xi32>
    %add3A_812 = arith.constant 16 : i32
    %add3A_813 = vector.broadcast %add3A_812 : i32 to vector<16xi32>
    %add3A_814 = arith.addi %xor3A_808, %add3A_813 : vector<16xi32>
    %select_n3A_815 = arith.select %lt3A_811, %add3A_814, %xor3A_808 : vector<16xi1>, vector<16xi32>
    %broadcast_in_dim3A_816 = vector.shape_cast %select_n3A_815 : vector<16xi32> to vector<16x1xi32>
    %gather3A_817 = vector.shape_cast %broadcast_in_dim3A_816 : vector<16x1xi32> to vector<16xi32>
    %gather3A_818 = tpu.dynamic_gather %add3A_805[%gather3A_817] in [0] : vector<16xf32>, vector<16xi32> -> vector<16xf32>
    %add3A_819 = arith.addf %add3A_805, %gather3A_818 : vector<16xf32>
    %xor3A_820 = arith.constant 4 : i32
    %xor3A_821 = vector.broadcast %xor3A_820 : i32 to vector<16xi32>
    %xor3A_822 = arith.xori %iota3A_791, %xor3A_821 : vector<16xi32>
    %lt3A_823 = arith.constant 0 : i32
    %lt3A_824 = vector.broadcast %lt3A_823 : i32 to vector<16xi32>
    %lt3A_825 = arith.cmpi slt, %xor3A_822, %lt3A_824 : vector<16xi32>
    %add3A_826 = arith.constant 16 : i32
    %add3A_827 = vector.broadcast %add3A_826 : i32 to vector<16xi32>
    %add3A_828 = arith.addi %xor3A_822, %add3A_827 : vector<16xi32>
    %select_n3A_829 = arith.select %lt3A_825, %add3A_828, %xor3A_822 : vector<16xi1>, vector<16xi32>
    %broadcast_in_dim3A_830 = vector.shape_cast %select_n3A_829 : vector<16xi32> to vector<16x1xi32>
    %gather3A_831 = vector.shape_cast %broadcast_in_dim3A_830 : vector<16x1xi32> to vector<16xi32>
    %gather3A_832 = tpu.dynamic_gather %add3A_819[%gather3A_831] in [0] : vector<16xf32>, vector<16xi32> -> vector<16xf32>
    %add3A_833 = arith.addf %add3A_819, %gather3A_832 : vector<16xf32>
    %xor3A_834 = arith.constant 8 : i32
    %xor3A_835 = vector.broadcast %xor3A_834 : i32 to vector<16xi32>
    %xor3A_836 = arith.xori %iota3A_791, %xor3A_835 : vector<16xi32>
    %lt3A_837 = arith.constant 0 : i32
    %lt3A_838 = vector.broadcast %lt3A_837 : i32 to vector<16xi32>
    %lt3A_839 = arith.cmpi slt, %xor3A_836, %lt3A_838 : vector<16xi32>
    %add3A_840 = arith.constant 16 : i32
    %add3A_841 = vector.broadcast %add3A_840 : i32 to vector<16xi32>
    %add3A_842 = arith.addi %xor3A_836, %add3A_841 : vector<16xi32>
    %select_n3A_843 = arith.select %lt3A_839, %add3A_842, %xor3A_836 : vector<16xi1>, vector<16xi32>
    %broadcast_in_dim3A_844 = vector.shape_cast %select_n3A_843 : vector<16xi32> to vector<16x1xi32>
    %gather3A_845 = vector.shape_cast %broadcast_in_dim3A_844 : vector<16x1xi32> to vector<16xi32>
    %gather3A_846 = tpu.dynamic_gather %add3A_833[%gather3A_845] in [0] : vector<16xf32>, vector<16xi32> -> vector<16xf32>
    %add3A_847 = arith.addf %add3A_833, %gather3A_846 : vector<16xf32>
    %select_n3A_848 = arith.select %eq3A_790, %add3A_847, %broadcast_in_dim3A_787 : vector<16xi1>, vector<16xf32>
    %eq3A_849 = arith.constant 1 : i32
    %eq3A_850 = vector.broadcast %eq3A_849 : i32 to vector<16xi32>
    %eq3A_851 = arith.cmpi eq, %iota3A, %eq3A_850 : vector<16xi32>
    %iota3A_852 = tpu.iota {dimensions = array<i32: 0>} : vector<16xi32>
    %xor3A_853 = arith.constant 1 : i32
    %xor3A_854 = vector.broadcast %xor3A_853 : i32 to vector<16xi32>
    %xor3A_855 = arith.xori %iota3A_852, %xor3A_854 : vector<16xi32>
    %lt3A_856 = arith.constant 0 : i32
    %lt3A_857 = vector.broadcast %lt3A_856 : i32 to vector<16xi32>
    %lt3A_858 = arith.cmpi slt, %xor3A_855, %lt3A_857 : vector<16xi32>
    %add3A_859 = arith.constant 16 : i32
    %add3A_860 = vector.broadcast %add3A_859 : i32 to vector<16xi32>
    %add3A_861 = arith.addi %xor3A_855, %add3A_860 : vector<16xi32>
    %select_n3A_862 = arith.select %lt3A_858, %add3A_861, %xor3A_855 : vector<16xi1>, vector<16xi32>
    %broadcast_in_dim3A_863 = vector.shape_cast %select_n3A_862 : vector<16xi32> to vector<16x1xi32>
    %gather3A_864 = vector.shape_cast %broadcast_in_dim3A_863 : vector<16x1xi32> to vector<16xi32>
    %gather3A_865 = tpu.dynamic_gather %scan3A_784#1[%gather3A_864] in [0] : vector<16xf32>, vector<16xi32> -> vector<16xf32>
    %add3A_866 = arith.addf %scan3A_784#1, %gather3A_865 : vector<16xf32>
    %xor3A_867 = arith.constant 2 : i32
    %xor3A_868 = vector.broadcast %xor3A_867 : i32 to vector<16xi32>
    %xor3A_869 = arith.xori %iota3A_852, %xor3A_868 : vector<16xi32>
    %lt3A_870 = arith.constant 0 : i32
    %lt3A_871 = vector.broadcast %lt3A_870 : i32 to vector<16xi32>
    %lt3A_872 = arith.cmpi slt, %xor3A_869, %lt3A_871 : vector<16xi32>
    %add3A_873 = arith.constant 16 : i32
    %add3A_874 = vector.broadcast %add3A_873 : i32 to vector<16xi32>
    %add3A_875 = arith.addi %xor3A_869, %add3A_874 : vector<16xi32>
    %select_n3A_876 = arith.select %lt3A_872, %add3A_875, %xor3A_869 : vector<16xi1>, vector<16xi32>
    %broadcast_in_dim3A_877 = vector.shape_cast %select_n3A_876 : vector<16xi32> to vector<16x1xi32>
    %gather3A_878 = vector.shape_cast %broadcast_in_dim3A_877 : vector<16x1xi32> to vector<16xi32>
    %gather3A_879 = tpu.dynamic_gather %add3A_866[%gather3A_878] in [0] : vector<16xf32>, vector<16xi32> -> vector<16xf32>
    %add3A_880 = arith.addf %add3A_866, %gather3A_879 : vector<16xf32>
    %xor3A_881 = arith.constant 4 : i32
    %xor3A_882 = vector.broadcast %xor3A_881 : i32 to vector<16xi32>
    %xor3A_883 = arith.xori %iota3A_852, %xor3A_882 : vector<16xi32>
    %lt3A_884 = arith.constant 0 : i32
    %lt3A_885 = vector.broadcast %lt3A_884 : i32 to vector<16xi32>
    %lt3A_886 = arith.cmpi slt, %xor3A_883, %lt3A_885 : vector<16xi32>
    %add3A_887 = arith.constant 16 : i32
    %add3A_888 = vector.broadcast %add3A_887 : i32 to vector<16xi32>
    %add3A_889 = arith.addi %xor3A_883, %add3A_888 : vector<16xi32>
    %select_n3A_890 = arith.select %lt3A_886, %add3A_889, %xor3A_883 : vector<16xi1>, vector<16xi32>
    %broadcast_in_dim3A_891 = vector.shape_cast %select_n3A_890 : vector<16xi32> to vector<16x1xi32>
    %gather3A_892 = vector.shape_cast %broadcast_in_dim3A_891 : vector<16x1xi32> to vector<16xi32>
    %gather3A_893 = tpu.dynamic_gather %add3A_880[%gather3A_892] in [0] : vector<16xf32>, vector<16xi32> -> vector<16xf32>
    %add3A_894 = arith.addf %add3A_880, %gather3A_893 : vector<16xf32>
    %xor3A_895 = arith.constant 8 : i32
    %xor3A_896 = vector.broadcast %xor3A_895 : i32 to vector<16xi32>
    %xor3A_897 = arith.xori %iota3A_852, %xor3A_896 : vector<16xi32>
    %lt3A_898 = arith.constant 0 : i32
    %lt3A_899 = vector.broadcast %lt3A_898 : i32 to vector<16xi32>
    %lt3A_900 = arith.cmpi slt, %xor3A_897, %lt3A_899 : vector<16xi32>
    %add3A_901 = arith.constant 16 : i32
    %add3A_902 = vector.broadcast %add3A_901 : i32 to vector<16xi32>
    %add3A_903 = arith.addi %xor3A_897, %add3A_902 : vector<16xi32>
    %select_n3A_904 = arith.select %lt3A_900, %add3A_903, %xor3A_897 : vector<16xi1>, vector<16xi32>
    %broadcast_in_dim3A_905 = vector.shape_cast %select_n3A_904 : vector<16xi32> to vector<16x1xi32>
    %gather3A_906 = vector.shape_cast %broadcast_in_dim3A_905 : vector<16x1xi32> to vector<16xi32>
    %gather3A_907 = tpu.dynamic_gather %add3A_894[%gather3A_906] in [0] : vector<16xf32>, vector<16xi32> -> vector<16xf32>
    %add3A_908 = arith.addf %add3A_894, %gather3A_907 : vector<16xf32>
    %select_n3A_909 = arith.select %eq3A_851, %add3A_908, %select_n3A_848 : vector<16xi1>, vector<16xf32>
    %eq3A_910 = arith.constant 2 : i32
    %eq3A_911 = vector.broadcast %eq3A_910 : i32 to vector<16xi32>
    %eq3A_912 = arith.cmpi eq, %iota3A, %eq3A_911 : vector<16xi32>
    %iota3A_913 = tpu.iota {dimensions = array<i32: 0>} : vector<16xi32>
    %xor3A_914 = arith.constant 1 : i32
    %xor3A_915 = vector.broadcast %xor3A_914 : i32 to vector<16xi32>
    %xor3A_916 = arith.xori %iota3A_913, %xor3A_915 : vector<16xi32>
    %lt3A_917 = arith.constant 0 : i32
    %lt3A_918 = vector.broadcast %lt3A_917 : i32 to vector<16xi32>
    %lt3A_919 = arith.cmpi slt, %xor3A_916, %lt3A_918 : vector<16xi32>
    %add3A_920 = arith.constant 16 : i32
    %add3A_921 = vector.broadcast %add3A_920 : i32 to vector<16xi32>
    %add3A_922 = arith.addi %xor3A_916, %add3A_921 : vector<16xi32>
    %select_n3A_923 = arith.select %lt3A_919, %add3A_922, %xor3A_916 : vector<16xi1>, vector<16xi32>
    %broadcast_in_dim3A_924 = vector.shape_cast %select_n3A_923 : vector<16xi32> to vector<16x1xi32>
    %gather3A_925 = vector.shape_cast %broadcast_in_dim3A_924 : vector<16x1xi32> to vector<16xi32>
    %gather3A_926 = tpu.dynamic_gather %scan3A_784#2[%gather3A_925] in [0] : vector<16xf32>, vector<16xi32> -> vector<16xf32>
    %add3A_927 = arith.addf %scan3A_784#2, %gather3A_926 : vector<16xf32>
    %xor3A_928 = arith.constant 2 : i32
    %xor3A_929 = vector.broadcast %xor3A_928 : i32 to vector<16xi32>
    %xor3A_930 = arith.xori %iota3A_913, %xor3A_929 : vector<16xi32>
    %lt3A_931 = arith.constant 0 : i32
    %lt3A_932 = vector.broadcast %lt3A_931 : i32 to vector<16xi32>
    %lt3A_933 = arith.cmpi slt, %xor3A_930, %lt3A_932 : vector<16xi32>
    %add3A_934 = arith.constant 16 : i32
    %add3A_935 = vector.broadcast %add3A_934 : i32 to vector<16xi32>
    %add3A_936 = arith.addi %xor3A_930, %add3A_935 : vector<16xi32>
    %select_n3A_937 = arith.select %lt3A_933, %add3A_936, %xor3A_930 : vector<16xi1>, vector<16xi32>
    %broadcast_in_dim3A_938 = vector.shape_cast %select_n3A_937 : vector<16xi32> to vector<16x1xi32>
    %gather3A_939 = vector.shape_cast %broadcast_in_dim3A_938 : vector<16x1xi32> to vector<16xi32>
    %gather3A_940 = tpu.dynamic_gather %add3A_927[%gather3A_939] in [0] : vector<16xf32>, vector<16xi32> -> vector<16xf32>
    %add3A_941 = arith.addf %add3A_927, %gather3A_940 : vector<16xf32>
    %xor3A_942 = arith.constant 4 : i32
    %xor3A_943 = vector.broadcast %xor3A_942 : i32 to vector<16xi32>
    %xor3A_944 = arith.xori %iota3A_913, %xor3A_943 : vector<16xi32>
    %lt3A_945 = arith.constant 0 : i32
    %lt3A_946 = vector.broadcast %lt3A_945 : i32 to vector<16xi32>
    %lt3A_947 = arith.cmpi slt, %xor3A_944, %lt3A_946 : vector<16xi32>
    %add3A_948 = arith.constant 16 : i32
    %add3A_949 = vector.broadcast %add3A_948 : i32 to vector<16xi32>
    %add3A_950 = arith.addi %xor3A_944, %add3A_949 : vector<16xi32>
    %select_n3A_951 = arith.select %lt3A_947, %add3A_950, %xor3A_944 : vector<16xi1>, vector<16xi32>
    %broadcast_in_dim3A_952 = vector.shape_cast %select_n3A_951 : vector<16xi32> to vector<16x1xi32>
    %gather3A_953 = vector.shape_cast %broadcast_in_dim3A_952 : vector<16x1xi32> to vector<16xi32>
    %gather3A_954 = tpu.dynamic_gather %add3A_941[%gather3A_953] in [0] : vector<16xf32>, vector<16xi32> -> vector<16xf32>
    %add3A_955 = arith.addf %add3A_941, %gather3A_954 : vector<16xf32>
    %xor3A_956 = arith.constant 8 : i32
    %xor3A_957 = vector.broadcast %xor3A_956 : i32 to vector<16xi32>
    %xor3A_958 = arith.xori %iota3A_913, %xor3A_957 : vector<16xi32>
    %lt3A_959 = arith.constant 0 : i32
    %lt3A_960 = vector.broadcast %lt3A_959 : i32 to vector<16xi32>
    %lt3A_961 = arith.cmpi slt, %xor3A_958, %lt3A_960 : vector<16xi32>
    %add3A_962 = arith.constant 16 : i32
    %add3A_963 = vector.broadcast %add3A_962 : i32 to vector<16xi32>
    %add3A_964 = arith.addi %xor3A_958, %add3A_963 : vector<16xi32>
    %select_n3A_965 = arith.select %lt3A_961, %add3A_964, %xor3A_958 : vector<16xi1>, vector<16xi32>
    %broadcast_in_dim3A_966 = vector.shape_cast %select_n3A_965 : vector<16xi32> to vector<16x1xi32>
    %gather3A_967 = vector.shape_cast %broadcast_in_dim3A_966 : vector<16x1xi32> to vector<16xi32>
    %gather3A_968 = tpu.dynamic_gather %add3A_955[%gather3A_967] in [0] : vector<16xf32>, vector<16xi32> -> vector<16xf32>
    %add3A_969 = arith.addf %add3A_955, %gather3A_968 : vector<16xf32>
    %select_n3A_970 = arith.select %eq3A_912, %add3A_969, %select_n3A_909 : vector<16xi1>, vector<16xf32>
    %eq3A_971 = arith.constant 3 : i32
    %eq3A_972 = vector.broadcast %eq3A_971 : i32 to vector<16xi32>
    %eq3A_973 = arith.cmpi eq, %iota3A, %eq3A_972 : vector<16xi32>
    %iota3A_974 = tpu.iota {dimensions = array<i32: 0>} : vector<16xi32>
    %xor3A_975 = arith.constant 1 : i32
    %xor3A_976 = vector.broadcast %xor3A_975 : i32 to vector<16xi32>
    %xor3A_977 = arith.xori %iota3A_974, %xor3A_976 : vector<16xi32>
    %lt3A_978 = arith.constant 0 : i32
    %lt3A_979 = vector.broadcast %lt3A_978 : i32 to vector<16xi32>
    %lt3A_980 = arith.cmpi slt, %xor3A_977, %lt3A_979 : vector<16xi32>
    %add3A_981 = arith.constant 16 : i32
    %add3A_982 = vector.broadcast %add3A_981 : i32 to vector<16xi32>
    %add3A_983 = arith.addi %xor3A_977, %add3A_982 : vector<16xi32>
    %select_n3A_984 = arith.select %lt3A_980, %add3A_983, %xor3A_977 : vector<16xi1>, vector<16xi32>
    %broadcast_in_dim3A_985 = vector.shape_cast %select_n3A_984 : vector<16xi32> to vector<16x1xi32>
    %gather3A_986 = vector.shape_cast %broadcast_in_dim3A_985 : vector<16x1xi32> to vector<16xi32>
    %gather3A_987 = tpu.dynamic_gather %scan3A_784#3[%gather3A_986] in [0] : vector<16xf32>, vector<16xi32> -> vector<16xf32>
    %add3A_988 = arith.addf %scan3A_784#3, %gather3A_987 : vector<16xf32>
    %xor3A_989 = arith.constant 2 : i32
    %xor3A_990 = vector.broadcast %xor3A_989 : i32 to vector<16xi32>
    %xor3A_991 = arith.xori %iota3A_974, %xor3A_990 : vector<16xi32>
    %lt3A_992 = arith.constant 0 : i32
    %lt3A_993 = vector.broadcast %lt3A_992 : i32 to vector<16xi32>
    %lt3A_994 = arith.cmpi slt, %xor3A_991, %lt3A_993 : vector<16xi32>
    %add3A_995 = arith.constant 16 : i32
    %add3A_996 = vector.broadcast %add3A_995 : i32 to vector<16xi32>
    %add3A_997 = arith.addi %xor3A_991, %add3A_996 : vector<16xi32>
    %select_n3A_998 = arith.select %lt3A_994, %add3A_997, %xor3A_991 : vector<16xi1>, vector<16xi32>
    %broadcast_in_dim3A_999 = vector.shape_cast %select_n3A_998 : vector<16xi32> to vector<16x1xi32>
    %gather3A_1000 = vector.shape_cast %broadcast_in_dim3A_999 : vector<16x1xi32> to vector<16xi32>
    %gather3A_1001 = tpu.dynamic_gather %add3A_988[%gather3A_1000] in [0] : vector<16xf32>, vector<16xi32> -> vector<16xf32>
    %add3A_1002 = arith.addf %add3A_988, %gather3A_1001 : vector<16xf32>
    %xor3A_1003 = arith.constant 4 : i32
    %xor3A_1004 = vector.broadcast %xor3A_1003 : i32 to vector<16xi32>
    %xor3A_1005 = arith.xori %iota3A_974, %xor3A_1004 : vector<16xi32>
    %lt3A_1006 = arith.constant 0 : i32
    %lt3A_1007 = vector.broadcast %lt3A_1006 : i32 to vector<16xi32>
    %lt3A_1008 = arith.cmpi slt, %xor3A_1005, %lt3A_1007 : vector<16xi32>
    %add3A_1009 = arith.constant 16 : i32
    %add3A_1010 = vector.broadcast %add3A_1009 : i32 to vector<16xi32>
    %add3A_1011 = arith.addi %xor3A_1005, %add3A_1010 : vector<16xi32>
    %select_n3A_1012 = arith.select %lt3A_1008, %add3A_1011, %xor3A_1005 : vector<16xi1>, vector<16xi32>
    %broadcast_in_dim3A_1013 = vector.shape_cast %select_n3A_1012 : vector<16xi32> to vector<16x1xi32>
    %gather3A_1014 = vector.shape_cast %broadcast_in_dim3A_1013 : vector<16x1xi32> to vector<16xi32>
    %gather3A_1015 = tpu.dynamic_gather %add3A_1002[%gather3A_1014] in [0] : vector<16xf32>, vector<16xi32> -> vector<16xf32>
    %add3A_1016 = arith.addf %add3A_1002, %gather3A_1015 : vector<16xf32>
    %xor3A_1017 = arith.constant 8 : i32
    %xor3A_1018 = vector.broadcast %xor3A_1017 : i32 to vector<16xi32>
    %xor3A_1019 = arith.xori %iota3A_974, %xor3A_1018 : vector<16xi32>
    %lt3A_1020 = arith.constant 0 : i32
    %lt3A_1021 = vector.broadcast %lt3A_1020 : i32 to vector<16xi32>
    %lt3A_1022 = arith.cmpi slt, %xor3A_1019, %lt3A_1021 : vector<16xi32>
    %add3A_1023 = arith.constant 16 : i32
    %add3A_1024 = vector.broadcast %add3A_1023 : i32 to vector<16xi32>
    %add3A_1025 = arith.addi %xor3A_1019, %add3A_1024 : vector<16xi32>
    %select_n3A_1026 = arith.select %lt3A_1022, %add3A_1025, %xor3A_1019 : vector<16xi1>, vector<16xi32>
    %broadcast_in_dim3A_1027 = vector.shape_cast %select_n3A_1026 : vector<16xi32> to vector<16x1xi32>
    %gather3A_1028 = vector.shape_cast %broadcast_in_dim3A_1027 : vector<16x1xi32> to vector<16xi32>
    %gather3A_1029 = tpu.dynamic_gather %add3A_1016[%gather3A_1028] in [0] : vector<16xf32>, vector<16xi32> -> vector<16xf32>
    %add3A_1030 = arith.addf %add3A_1016, %gather3A_1029 : vector<16xf32>
    %select_n3A_1031 = arith.select %eq3A_973, %add3A_1030, %select_n3A_970 : vector<16xi1>, vector<16xf32>
    %eq3A_1032 = arith.constant 4 : i32
    %eq3A_1033 = vector.broadcast %eq3A_1032 : i32 to vector<16xi32>
    %eq3A_1034 = arith.cmpi eq, %iota3A, %eq3A_1033 : vector<16xi32>
    %iota3A_1035 = tpu.iota {dimensions = array<i32: 0>} : vector<16xi32>
    %xor3A_1036 = arith.constant 1 : i32
    %xor3A_1037 = vector.broadcast %xor3A_1036 : i32 to vector<16xi32>
    %xor3A_1038 = arith.xori %iota3A_1035, %xor3A_1037 : vector<16xi32>
    %lt3A_1039 = arith.constant 0 : i32
    %lt3A_1040 = vector.broadcast %lt3A_1039 : i32 to vector<16xi32>
    %lt3A_1041 = arith.cmpi slt, %xor3A_1038, %lt3A_1040 : vector<16xi32>
    %add3A_1042 = arith.constant 16 : i32
    %add3A_1043 = vector.broadcast %add3A_1042 : i32 to vector<16xi32>
    %add3A_1044 = arith.addi %xor3A_1038, %add3A_1043 : vector<16xi32>
    %select_n3A_1045 = arith.select %lt3A_1041, %add3A_1044, %xor3A_1038 : vector<16xi1>, vector<16xi32>
    %broadcast_in_dim3A_1046 = vector.shape_cast %select_n3A_1045 : vector<16xi32> to vector<16x1xi32>
    %gather3A_1047 = vector.shape_cast %broadcast_in_dim3A_1046 : vector<16x1xi32> to vector<16xi32>
    %gather3A_1048 = tpu.dynamic_gather %scan3A_784#4[%gather3A_1047] in [0] : vector<16xf32>, vector<16xi32> -> vector<16xf32>
    %add3A_1049 = arith.addf %scan3A_784#4, %gather3A_1048 : vector<16xf32>
    %xor3A_1050 = arith.constant 2 : i32
    %xor3A_1051 = vector.broadcast %xor3A_1050 : i32 to vector<16xi32>
    %xor3A_1052 = arith.xori %iota3A_1035, %xor3A_1051 : vector<16xi32>
    %lt3A_1053 = arith.constant 0 : i32
    %lt3A_1054 = vector.broadcast %lt3A_1053 : i32 to vector<16xi32>
    %lt3A_1055 = arith.cmpi slt, %xor3A_1052, %lt3A_1054 : vector<16xi32>
    %add3A_1056 = arith.constant 16 : i32
    %add3A_1057 = vector.broadcast %add3A_1056 : i32 to vector<16xi32>
    %add3A_1058 = arith.addi %xor3A_1052, %add3A_1057 : vector<16xi32>
    %select_n3A_1059 = arith.select %lt3A_1055, %add3A_1058, %xor3A_1052 : vector<16xi1>, vector<16xi32>
    %broadcast_in_dim3A_1060 = vector.shape_cast %select_n3A_1059 : vector<16xi32> to vector<16x1xi32>
    %gather3A_1061 = vector.shape_cast %broadcast_in_dim3A_1060 : vector<16x1xi32> to vector<16xi32>
    %gather3A_1062 = tpu.dynamic_gather %add3A_1049[%gather3A_1061] in [0] : vector<16xf32>, vector<16xi32> -> vector<16xf32>
    %add3A_1063 = arith.addf %add3A_1049, %gather3A_1062 : vector<16xf32>
    %xor3A_1064 = arith.constant 4 : i32
    %xor3A_1065 = vector.broadcast %xor3A_1064 : i32 to vector<16xi32>
    %xor3A_1066 = arith.xori %iota3A_1035, %xor3A_1065 : vector<16xi32>
    %lt3A_1067 = arith.constant 0 : i32
    %lt3A_1068 = vector.broadcast %lt3A_1067 : i32 to vector<16xi32>
    %lt3A_1069 = arith.cmpi slt, %xor3A_1066, %lt3A_1068 : vector<16xi32>
    %add3A_1070 = arith.constant 16 : i32
    %add3A_1071 = vector.broadcast %add3A_1070 : i32 to vector<16xi32>
    %add3A_1072 = arith.addi %xor3A_1066, %add3A_1071 : vector<16xi32>
    %select_n3A_1073 = arith.select %lt3A_1069, %add3A_1072, %xor3A_1066 : vector<16xi1>, vector<16xi32>
    %broadcast_in_dim3A_1074 = vector.shape_cast %select_n3A_1073 : vector<16xi32> to vector<16x1xi32>
    %gather3A_1075 = vector.shape_cast %broadcast_in_dim3A_1074 : vector<16x1xi32> to vector<16xi32>
    %gather3A_1076 = tpu.dynamic_gather %add3A_1063[%gather3A_1075] in [0] : vector<16xf32>, vector<16xi32> -> vector<16xf32>
    %add3A_1077 = arith.addf %add3A_1063, %gather3A_1076 : vector<16xf32>
    %xor3A_1078 = arith.constant 8 : i32
    %xor3A_1079 = vector.broadcast %xor3A_1078 : i32 to vector<16xi32>
    %xor3A_1080 = arith.xori %iota3A_1035, %xor3A_1079 : vector<16xi32>
    %lt3A_1081 = arith.constant 0 : i32
    %lt3A_1082 = vector.broadcast %lt3A_1081 : i32 to vector<16xi32>
    %lt3A_1083 = arith.cmpi slt, %xor3A_1080, %lt3A_1082 : vector<16xi32>
    %add3A_1084 = arith.constant 16 : i32
    %add3A_1085 = vector.broadcast %add3A_1084 : i32 to vector<16xi32>
    %add3A_1086 = arith.addi %xor3A_1080, %add3A_1085 : vector<16xi32>
    %select_n3A_1087 = arith.select %lt3A_1083, %add3A_1086, %xor3A_1080 : vector<16xi1>, vector<16xi32>
    %broadcast_in_dim3A_1088 = vector.shape_cast %select_n3A_1087 : vector<16xi32> to vector<16x1xi32>
    %gather3A_1089 = vector.shape_cast %broadcast_in_dim3A_1088 : vector<16x1xi32> to vector<16xi32>
    %gather3A_1090 = tpu.dynamic_gather %add3A_1077[%gather3A_1089] in [0] : vector<16xf32>, vector<16xi32> -> vector<16xf32>
    %add3A_1091 = arith.addf %add3A_1077, %gather3A_1090 : vector<16xf32>
    %select_n3A_1092 = arith.select %eq3A_1034, %add3A_1091, %select_n3A_1031 : vector<16xi1>, vector<16xf32>
    %eq3A_1093 = arith.constant 5 : i32
    %eq3A_1094 = vector.broadcast %eq3A_1093 : i32 to vector<16xi32>
    %eq3A_1095 = arith.cmpi eq, %iota3A, %eq3A_1094 : vector<16xi32>
    %iota3A_1096 = tpu.iota {dimensions = array<i32: 0>} : vector<16xi32>
    %xor3A_1097 = arith.constant 1 : i32
    %xor3A_1098 = vector.broadcast %xor3A_1097 : i32 to vector<16xi32>
    %xor3A_1099 = arith.xori %iota3A_1096, %xor3A_1098 : vector<16xi32>
    %lt3A_1100 = arith.constant 0 : i32
    %lt3A_1101 = vector.broadcast %lt3A_1100 : i32 to vector<16xi32>
    %lt3A_1102 = arith.cmpi slt, %xor3A_1099, %lt3A_1101 : vector<16xi32>
    %add3A_1103 = arith.constant 16 : i32
    %add3A_1104 = vector.broadcast %add3A_1103 : i32 to vector<16xi32>
    %add3A_1105 = arith.addi %xor3A_1099, %add3A_1104 : vector<16xi32>
    %select_n3A_1106 = arith.select %lt3A_1102, %add3A_1105, %xor3A_1099 : vector<16xi1>, vector<16xi32>
    %broadcast_in_dim3A_1107 = vector.shape_cast %select_n3A_1106 : vector<16xi32> to vector<16x1xi32>
    %gather3A_1108 = vector.shape_cast %broadcast_in_dim3A_1107 : vector<16x1xi32> to vector<16xi32>
    %gather3A_1109 = tpu.dynamic_gather %scan3A_784#5[%gather3A_1108] in [0] : vector<16xf32>, vector<16xi32> -> vector<16xf32>
    %add3A_1110 = arith.addf %scan3A_784#5, %gather3A_1109 : vector<16xf32>
    %xor3A_1111 = arith.constant 2 : i32
    %xor3A_1112 = vector.broadcast %xor3A_1111 : i32 to vector<16xi32>
    %xor3A_1113 = arith.xori %iota3A_1096, %xor3A_1112 : vector<16xi32>
    %lt3A_1114 = arith.constant 0 : i32
    %lt3A_1115 = vector.broadcast %lt3A_1114 : i32 to vector<16xi32>
    %lt3A_1116 = arith.cmpi slt, %xor3A_1113, %lt3A_1115 : vector<16xi32>
    %add3A_1117 = arith.constant 16 : i32
    %add3A_1118 = vector.broadcast %add3A_1117 : i32 to vector<16xi32>
    %add3A_1119 = arith.addi %xor3A_1113, %add3A_1118 : vector<16xi32>
    %select_n3A_1120 = arith.select %lt3A_1116, %add3A_1119, %xor3A_1113 : vector<16xi1>, vector<16xi32>
    %broadcast_in_dim3A_1121 = vector.shape_cast %select_n3A_1120 : vector<16xi32> to vector<16x1xi32>
    %gather3A_1122 = vector.shape_cast %broadcast_in_dim3A_1121 : vector<16x1xi32> to vector<16xi32>
    %gather3A_1123 = tpu.dynamic_gather %add3A_1110[%gather3A_1122] in [0] : vector<16xf32>, vector<16xi32> -> vector<16xf32>
    %add3A_1124 = arith.addf %add3A_1110, %gather3A_1123 : vector<16xf32>
    %xor3A_1125 = arith.constant 4 : i32
    %xor3A_1126 = vector.broadcast %xor3A_1125 : i32 to vector<16xi32>
    %xor3A_1127 = arith.xori %iota3A_1096, %xor3A_1126 : vector<16xi32>
    %lt3A_1128 = arith.constant 0 : i32
    %lt3A_1129 = vector.broadcast %lt3A_1128 : i32 to vector<16xi32>
    %lt3A_1130 = arith.cmpi slt, %xor3A_1127, %lt3A_1129 : vector<16xi32>
    %add3A_1131 = arith.constant 16 : i32
    %add3A_1132 = vector.broadcast %add3A_1131 : i32 to vector<16xi32>
    %add3A_1133 = arith.addi %xor3A_1127, %add3A_1132 : vector<16xi32>
    %select_n3A_1134 = arith.select %lt3A_1130, %add3A_1133, %xor3A_1127 : vector<16xi1>, vector<16xi32>
    %broadcast_in_dim3A_1135 = vector.shape_cast %select_n3A_1134 : vector<16xi32> to vector<16x1xi32>
    %gather3A_1136 = vector.shape_cast %broadcast_in_dim3A_1135 : vector<16x1xi32> to vector<16xi32>
    %gather3A_1137 = tpu.dynamic_gather %add3A_1124[%gather3A_1136] in [0] : vector<16xf32>, vector<16xi32> -> vector<16xf32>
    %add3A_1138 = arith.addf %add3A_1124, %gather3A_1137 : vector<16xf32>
    %xor3A_1139 = arith.constant 8 : i32
    %xor3A_1140 = vector.broadcast %xor3A_1139 : i32 to vector<16xi32>
    %xor3A_1141 = arith.xori %iota3A_1096, %xor3A_1140 : vector<16xi32>
    %lt3A_1142 = arith.constant 0 : i32
    %lt3A_1143 = vector.broadcast %lt3A_1142 : i32 to vector<16xi32>
    %lt3A_1144 = arith.cmpi slt, %xor3A_1141, %lt3A_1143 : vector<16xi32>
    %add3A_1145 = arith.constant 16 : i32
    %add3A_1146 = vector.broadcast %add3A_1145 : i32 to vector<16xi32>
    %add3A_1147 = arith.addi %xor3A_1141, %add3A_1146 : vector<16xi32>
    %select_n3A_1148 = arith.select %lt3A_1144, %add3A_1147, %xor3A_1141 : vector<16xi1>, vector<16xi32>
    %broadcast_in_dim3A_1149 = vector.shape_cast %select_n3A_1148 : vector<16xi32> to vector<16x1xi32>
    %gather3A_1150 = vector.shape_cast %broadcast_in_dim3A_1149 : vector<16x1xi32> to vector<16xi32>
    %gather3A_1151 = tpu.dynamic_gather %add3A_1138[%gather3A_1150] in [0] : vector<16xf32>, vector<16xi32> -> vector<16xf32>
    %add3A_1152 = arith.addf %add3A_1138, %gather3A_1151 : vector<16xf32>
    %select_n3A_1153 = arith.select %eq3A_1095, %add3A_1152, %select_n3A_1092 : vector<16xi1>, vector<16xf32>
    %eq3A_1154 = arith.constant 6 : i32
    %eq3A_1155 = vector.broadcast %eq3A_1154 : i32 to vector<16xi32>
    %eq3A_1156 = arith.cmpi eq, %iota3A, %eq3A_1155 : vector<16xi32>
    %iota3A_1157 = tpu.iota {dimensions = array<i32: 0>} : vector<16xi32>
    %xor3A_1158 = arith.constant 1 : i32
    %xor3A_1159 = vector.broadcast %xor3A_1158 : i32 to vector<16xi32>
    %xor3A_1160 = arith.xori %iota3A_1157, %xor3A_1159 : vector<16xi32>
    %lt3A_1161 = arith.constant 0 : i32
    %lt3A_1162 = vector.broadcast %lt3A_1161 : i32 to vector<16xi32>
    %lt3A_1163 = arith.cmpi slt, %xor3A_1160, %lt3A_1162 : vector<16xi32>
    %add3A_1164 = arith.constant 16 : i32
    %add3A_1165 = vector.broadcast %add3A_1164 : i32 to vector<16xi32>
    %add3A_1166 = arith.addi %xor3A_1160, %add3A_1165 : vector<16xi32>
    %select_n3A_1167 = arith.select %lt3A_1163, %add3A_1166, %xor3A_1160 : vector<16xi1>, vector<16xi32>
    %broadcast_in_dim3A_1168 = vector.shape_cast %select_n3A_1167 : vector<16xi32> to vector<16x1xi32>
    %gather3A_1169 = vector.shape_cast %broadcast_in_dim3A_1168 : vector<16x1xi32> to vector<16xi32>
    %gather3A_1170 = tpu.dynamic_gather %scan3A_784#6[%gather3A_1169] in [0] : vector<16xf32>, vector<16xi32> -> vector<16xf32>
    %add3A_1171 = arith.addf %scan3A_784#6, %gather3A_1170 : vector<16xf32>
    %xor3A_1172 = arith.constant 2 : i32
    %xor3A_1173 = vector.broadcast %xor3A_1172 : i32 to vector<16xi32>
    %xor3A_1174 = arith.xori %iota3A_1157, %xor3A_1173 : vector<16xi32>
    %lt3A_1175 = arith.constant 0 : i32
    %lt3A_1176 = vector.broadcast %lt3A_1175 : i32 to vector<16xi32>
    %lt3A_1177 = arith.cmpi slt, %xor3A_1174, %lt3A_1176 : vector<16xi32>
    %add3A_1178 = arith.constant 16 : i32
    %add3A_1179 = vector.broadcast %add3A_1178 : i32 to vector<16xi32>
    %add3A_1180 = arith.addi %xor3A_1174, %add3A_1179 : vector<16xi32>
    %select_n3A_1181 = arith.select %lt3A_1177, %add3A_1180, %xor3A_1174 : vector<16xi1>, vector<16xi32>
    %broadcast_in_dim3A_1182 = vector.shape_cast %select_n3A_1181 : vector<16xi32> to vector<16x1xi32>
    %gather3A_1183 = vector.shape_cast %broadcast_in_dim3A_1182 : vector<16x1xi32> to vector<16xi32>
    %gather3A_1184 = tpu.dynamic_gather %add3A_1171[%gather3A_1183] in [0] : vector<16xf32>, vector<16xi32> -> vector<16xf32>
    %add3A_1185 = arith.addf %add3A_1171, %gather3A_1184 : vector<16xf32>
    %xor3A_1186 = arith.constant 4 : i32
    %xor3A_1187 = vector.broadcast %xor3A_1186 : i32 to vector<16xi32>
    %xor3A_1188 = arith.xori %iota3A_1157, %xor3A_1187 : vector<16xi32>
    %lt3A_1189 = arith.constant 0 : i32
    %lt3A_1190 = vector.broadcast %lt3A_1189 : i32 to vector<16xi32>
    %lt3A_1191 = arith.cmpi slt, %xor3A_1188, %lt3A_1190 : vector<16xi32>
    %add3A_1192 = arith.constant 16 : i32
    %add3A_1193 = vector.broadcast %add3A_1192 : i32 to vector<16xi32>
    %add3A_1194 = arith.addi %xor3A_1188, %add3A_1193 : vector<16xi32>
    %select_n3A_1195 = arith.select %lt3A_1191, %add3A_1194, %xor3A_1188 : vector<16xi1>, vector<16xi32>
    %broadcast_in_dim3A_1196 = vector.shape_cast %select_n3A_1195 : vector<16xi32> to vector<16x1xi32>
    %gather3A_1197 = vector.shape_cast %broadcast_in_dim3A_1196 : vector<16x1xi32> to vector<16xi32>
    %gather3A_1198 = tpu.dynamic_gather %add3A_1185[%gather3A_1197] in [0] : vector<16xf32>, vector<16xi32> -> vector<16xf32>
    %add3A_1199 = arith.addf %add3A_1185, %gather3A_1198 : vector<16xf32>
    %xor3A_1200 = arith.constant 8 : i32
    %xor3A_1201 = vector.broadcast %xor3A_1200 : i32 to vector<16xi32>
    %xor3A_1202 = arith.xori %iota3A_1157, %xor3A_1201 : vector<16xi32>
    %lt3A_1203 = arith.constant 0 : i32
    %lt3A_1204 = vector.broadcast %lt3A_1203 : i32 to vector<16xi32>
    %lt3A_1205 = arith.cmpi slt, %xor3A_1202, %lt3A_1204 : vector<16xi32>
    %add3A_1206 = arith.constant 16 : i32
    %add3A_1207 = vector.broadcast %add3A_1206 : i32 to vector<16xi32>
    %add3A_1208 = arith.addi %xor3A_1202, %add3A_1207 : vector<16xi32>
    %select_n3A_1209 = arith.select %lt3A_1205, %add3A_1208, %xor3A_1202 : vector<16xi1>, vector<16xi32>
    %broadcast_in_dim3A_1210 = vector.shape_cast %select_n3A_1209 : vector<16xi32> to vector<16x1xi32>
    %gather3A_1211 = vector.shape_cast %broadcast_in_dim3A_1210 : vector<16x1xi32> to vector<16xi32>
    %gather3A_1212 = tpu.dynamic_gather %add3A_1199[%gather3A_1211] in [0] : vector<16xf32>, vector<16xi32> -> vector<16xf32>
    %add3A_1213 = arith.addf %add3A_1199, %gather3A_1212 : vector<16xf32>
    %select_n3A_1214 = arith.select %eq3A_1156, %add3A_1213, %select_n3A_1153 : vector<16xi1>, vector<16xf32>
    %eq3A_1215 = arith.constant 7 : i32
    %eq3A_1216 = vector.broadcast %eq3A_1215 : i32 to vector<16xi32>
    %eq3A_1217 = arith.cmpi eq, %iota3A, %eq3A_1216 : vector<16xi32>
    %iota3A_1218 = tpu.iota {dimensions = array<i32: 0>} : vector<16xi32>
    %xor3A_1219 = arith.constant 1 : i32
    %xor3A_1220 = vector.broadcast %xor3A_1219 : i32 to vector<16xi32>
    %xor3A_1221 = arith.xori %iota3A_1218, %xor3A_1220 : vector<16xi32>
    %lt3A_1222 = arith.constant 0 : i32
    %lt3A_1223 = vector.broadcast %lt3A_1222 : i32 to vector<16xi32>
    %lt3A_1224 = arith.cmpi slt, %xor3A_1221, %lt3A_1223 : vector<16xi32>
    %add3A_1225 = arith.constant 16 : i32
    %add3A_1226 = vector.broadcast %add3A_1225 : i32 to vector<16xi32>
    %add3A_1227 = arith.addi %xor3A_1221, %add3A_1226 : vector<16xi32>
    %select_n3A_1228 = arith.select %lt3A_1224, %add3A_1227, %xor3A_1221 : vector<16xi1>, vector<16xi32>
    %broadcast_in_dim3A_1229 = vector.shape_cast %select_n3A_1228 : vector<16xi32> to vector<16x1xi32>
    %gather3A_1230 = vector.shape_cast %broadcast_in_dim3A_1229 : vector<16x1xi32> to vector<16xi32>
    %gather3A_1231 = tpu.dynamic_gather %scan3A_784#7[%gather3A_1230] in [0] : vector<16xf32>, vector<16xi32> -> vector<16xf32>
    %add3A_1232 = arith.addf %scan3A_784#7, %gather3A_1231 : vector<16xf32>
    %xor3A_1233 = arith.constant 2 : i32
    %xor3A_1234 = vector.broadcast %xor3A_1233 : i32 to vector<16xi32>
    %xor3A_1235 = arith.xori %iota3A_1218, %xor3A_1234 : vector<16xi32>
    %lt3A_1236 = arith.constant 0 : i32
    %lt3A_1237 = vector.broadcast %lt3A_1236 : i32 to vector<16xi32>
    %lt3A_1238 = arith.cmpi slt, %xor3A_1235, %lt3A_1237 : vector<16xi32>
    %add3A_1239 = arith.constant 16 : i32
    %add3A_1240 = vector.broadcast %add3A_1239 : i32 to vector<16xi32>
    %add3A_1241 = arith.addi %xor3A_1235, %add3A_1240 : vector<16xi32>
    %select_n3A_1242 = arith.select %lt3A_1238, %add3A_1241, %xor3A_1235 : vector<16xi1>, vector<16xi32>
    %broadcast_in_dim3A_1243 = vector.shape_cast %select_n3A_1242 : vector<16xi32> to vector<16x1xi32>
    %gather3A_1244 = vector.shape_cast %broadcast_in_dim3A_1243 : vector<16x1xi32> to vector<16xi32>
    %gather3A_1245 = tpu.dynamic_gather %add3A_1232[%gather3A_1244] in [0] : vector<16xf32>, vector<16xi32> -> vector<16xf32>
    %add3A_1246 = arith.addf %add3A_1232, %gather3A_1245 : vector<16xf32>
    %xor3A_1247 = arith.constant 4 : i32
    %xor3A_1248 = vector.broadcast %xor3A_1247 : i32 to vector<16xi32>
    %xor3A_1249 = arith.xori %iota3A_1218, %xor3A_1248 : vector<16xi32>
    %lt3A_1250 = arith.constant 0 : i32
    %lt3A_1251 = vector.broadcast %lt3A_1250 : i32 to vector<16xi32>
    %lt3A_1252 = arith.cmpi slt, %xor3A_1249, %lt3A_1251 : vector<16xi32>
    %add3A_1253 = arith.constant 16 : i32
    %add3A_1254 = vector.broadcast %add3A_1253 : i32 to vector<16xi32>
    %add3A_1255 = arith.addi %xor3A_1249, %add3A_1254 : vector<16xi32>
    %select_n3A_1256 = arith.select %lt3A_1252, %add3A_1255, %xor3A_1249 : vector<16xi1>, vector<16xi32>
    %broadcast_in_dim3A_1257 = vector.shape_cast %select_n3A_1256 : vector<16xi32> to vector<16x1xi32>
    %gather3A_1258 = vector.shape_cast %broadcast_in_dim3A_1257 : vector<16x1xi32> to vector<16xi32>
    %gather3A_1259 = tpu.dynamic_gather %add3A_1246[%gather3A_1258] in [0] : vector<16xf32>, vector<16xi32> -> vector<16xf32>
    %add3A_1260 = arith.addf %add3A_1246, %gather3A_1259 : vector<16xf32>
    %xor3A_1261 = arith.constant 8 : i32
    %xor3A_1262 = vector.broadcast %xor3A_1261 : i32 to vector<16xi32>
    %xor3A_1263 = arith.xori %iota3A_1218, %xor3A_1262 : vector<16xi32>
    %lt3A_1264 = arith.constant 0 : i32
    %lt3A_1265 = vector.broadcast %lt3A_1264 : i32 to vector<16xi32>
    %lt3A_1266 = arith.cmpi slt, %xor3A_1263, %lt3A_1265 : vector<16xi32>
    %add3A_1267 = arith.constant 16 : i32
    %add3A_1268 = vector.broadcast %add3A_1267 : i32 to vector<16xi32>
    %add3A_1269 = arith.addi %xor3A_1263, %add3A_1268 : vector<16xi32>
    %select_n3A_1270 = arith.select %lt3A_1266, %add3A_1269, %xor3A_1263 : vector<16xi1>, vector<16xi32>
    %broadcast_in_dim3A_1271 = vector.shape_cast %select_n3A_1270 : vector<16xi32> to vector<16x1xi32>
    %gather3A_1272 = vector.shape_cast %broadcast_in_dim3A_1271 : vector<16x1xi32> to vector<16xi32>
    %gather3A_1273 = tpu.dynamic_gather %add3A_1260[%gather3A_1272] in [0] : vector<16xf32>, vector<16xi32> -> vector<16xf32>
    %add3A_1274 = arith.addf %add3A_1260, %gather3A_1273 : vector<16xf32>
    %select_n3A_1275 = arith.select %eq3A_1217, %add3A_1274, %select_n3A_1214 : vector<16xi1>, vector<16xf32>
    %iota3A_1276 = tpu.iota {dimensions = array<i32: 0>} : vector<16xi32>
    %xor3A_1277 = arith.constant 1 : i32
    %xor3A_1278 = vector.broadcast %xor3A_1277 : i32 to vector<16xi32>
    %xor3A_1279 = arith.xori %iota3A_1276, %xor3A_1278 : vector<16xi32>
    %lt3A_1280 = arith.constant 0 : i32
    %lt3A_1281 = vector.broadcast %lt3A_1280 : i32 to vector<16xi32>
    %lt3A_1282 = arith.cmpi slt, %xor3A_1279, %lt3A_1281 : vector<16xi32>
    %add3A_1283 = arith.constant 16 : i32
    %add3A_1284 = vector.broadcast %add3A_1283 : i32 to vector<16xi32>
    %add3A_1285 = arith.addi %xor3A_1279, %add3A_1284 : vector<16xi32>
    %select_n3A_1286 = arith.select %lt3A_1282, %add3A_1285, %xor3A_1279 : vector<16xi1>, vector<16xi32>
    %broadcast_in_dim3A_1287 = vector.shape_cast %select_n3A_1286 : vector<16xi32> to vector<16x1xi32>
    %gather3A_1288 = vector.shape_cast %broadcast_in_dim3A_1287 : vector<16x1xi32> to vector<16xi32>
    %gather3A_1289 = tpu.dynamic_gather %select_n3A_1275[%gather3A_1288] in [0] : vector<16xf32>, vector<16xi32> -> vector<16xf32>
    %max3A_1290 = arith.maximumf %select_n3A_1275, %gather3A_1289 : vector<16xf32>
    %xor3A_1291 = arith.constant 2 : i32
    %xor3A_1292 = vector.broadcast %xor3A_1291 : i32 to vector<16xi32>
    %xor3A_1293 = arith.xori %iota3A_1276, %xor3A_1292 : vector<16xi32>
    %lt3A_1294 = arith.constant 0 : i32
    %lt3A_1295 = vector.broadcast %lt3A_1294 : i32 to vector<16xi32>
    %lt3A_1296 = arith.cmpi slt, %xor3A_1293, %lt3A_1295 : vector<16xi32>
    %add3A_1297 = arith.constant 16 : i32
    %add3A_1298 = vector.broadcast %add3A_1297 : i32 to vector<16xi32>
    %add3A_1299 = arith.addi %xor3A_1293, %add3A_1298 : vector<16xi32>
    %select_n3A_1300 = arith.select %lt3A_1296, %add3A_1299, %xor3A_1293 : vector<16xi1>, vector<16xi32>
    %broadcast_in_dim3A_1301 = vector.shape_cast %select_n3A_1300 : vector<16xi32> to vector<16x1xi32>
    %gather3A_1302 = vector.shape_cast %broadcast_in_dim3A_1301 : vector<16x1xi32> to vector<16xi32>
    %gather3A_1303 = tpu.dynamic_gather %max3A_1290[%gather3A_1302] in [0] : vector<16xf32>, vector<16xi32> -> vector<16xf32>
    %max3A_1304 = arith.maximumf %max3A_1290, %gather3A_1303 : vector<16xf32>
    %xor3A_1305 = arith.constant 4 : i32
    %xor3A_1306 = vector.broadcast %xor3A_1305 : i32 to vector<16xi32>
    %xor3A_1307 = arith.xori %iota3A_1276, %xor3A_1306 : vector<16xi32>
    %lt3A_1308 = arith.constant 0 : i32
    %lt3A_1309 = vector.broadcast %lt3A_1308 : i32 to vector<16xi32>
    %lt3A_1310 = arith.cmpi slt, %xor3A_1307, %lt3A_1309 : vector<16xi32>
    %add3A_1311 = arith.constant 16 : i32
    %add3A_1312 = vector.broadcast %add3A_1311 : i32 to vector<16xi32>
    %add3A_1313 = arith.addi %xor3A_1307, %add3A_1312 : vector<16xi32>
    %select_n3A_1314 = arith.select %lt3A_1310, %add3A_1313, %xor3A_1307 : vector<16xi1>, vector<16xi32>
    %broadcast_in_dim3A_1315 = vector.shape_cast %select_n3A_1314 : vector<16xi32> to vector<16x1xi32>
    %gather3A_1316 = vector.shape_cast %broadcast_in_dim3A_1315 : vector<16x1xi32> to vector<16xi32>
    %gather3A_1317 = tpu.dynamic_gather %max3A_1304[%gather3A_1316] in [0] : vector<16xf32>, vector<16xi32> -> vector<16xf32>
    %max3A_1318 = arith.maximumf %max3A_1304, %gather3A_1317 : vector<16xf32>
    %xor3A_1319 = arith.constant 8 : i32
    %xor3A_1320 = vector.broadcast %xor3A_1319 : i32 to vector<16xi32>
    %xor3A_1321 = arith.xori %iota3A_1276, %xor3A_1320 : vector<16xi32>
    %lt3A_1322 = arith.constant 0 : i32
    %lt3A_1323 = vector.broadcast %lt3A_1322 : i32 to vector<16xi32>
    %lt3A_1324 = arith.cmpi slt, %xor3A_1321, %lt3A_1323 : vector<16xi32>
    %add3A_1325 = arith.constant 16 : i32
    %add3A_1326 = vector.broadcast %add3A_1325 : i32 to vector<16xi32>
    %add3A_1327 = arith.addi %xor3A_1321, %add3A_1326 : vector<16xi32>
    %select_n3A_1328 = arith.select %lt3A_1324, %add3A_1327, %xor3A_1321 : vector<16xi1>, vector<16xi32>
    %broadcast_in_dim3A_1329 = vector.shape_cast %select_n3A_1328 : vector<16xi32> to vector<16x1xi32>
    %gather3A_1330 = vector.shape_cast %broadcast_in_dim3A_1329 : vector<16x1xi32> to vector<16xi32>
    %gather3A_1331 = tpu.dynamic_gather %max3A_1318[%gather3A_1330] in [0] : vector<16xf32>, vector<16xi32> -> vector<16xf32>
    %max3A_1332 = arith.maximumf %max3A_1318, %gather3A_1331 : vector<16xf32>
    %eq3A_1333 = arith.cmpf oeq, %select_n3A_1275, %max3A_1332 : vector<16xf32>
    %jit3A_1334 = arith.constant 16 : i32
    %broadcast_in_dim3A_1335 = vector.broadcast %jit3A_1334 : i32 to vector<16xi32>
    %select_n3A_1336 = arith.select %eq3A_1333, %iota3A, %broadcast_in_dim3A_1335 : vector<16xi1>, vector<16xi32>
    %iota3A_1337 = tpu.iota {dimensions = array<i32: 0>} : vector<16xi32>
    %xor3A_1338 = arith.constant 1 : i32
    %xor3A_1339 = vector.broadcast %xor3A_1338 : i32 to vector<16xi32>
    %xor3A_1340 = arith.xori %iota3A_1337, %xor3A_1339 : vector<16xi32>
    %lt3A_1341 = arith.constant 0 : i32
    %lt3A_1342 = vector.broadcast %lt3A_1341 : i32 to vector<16xi32>
    %lt3A_1343 = arith.cmpi slt, %xor3A_1340, %lt3A_1342 : vector<16xi32>
    %add3A_1344 = arith.constant 16 : i32
    %add3A_1345 = vector.broadcast %add3A_1344 : i32 to vector<16xi32>
    %add3A_1346 = arith.addi %xor3A_1340, %add3A_1345 : vector<16xi32>
    %select_n3A_1347 = arith.select %lt3A_1343, %add3A_1346, %xor3A_1340 : vector<16xi1>, vector<16xi32>
    %broadcast_in_dim3A_1348 = vector.shape_cast %select_n3A_1347 : vector<16xi32> to vector<16x1xi32>
    %gather3A_1349 = vector.shape_cast %broadcast_in_dim3A_1348 : vector<16x1xi32> to vector<16xi32>
    %gather3A_1350 = tpu.dynamic_gather %select_n3A_1336[%gather3A_1349] in [0] : vector<16xi32>, vector<16xi32> -> vector<16xi32>
    %min3A_1351 = arith.minsi %select_n3A_1336, %gather3A_1350 : vector<16xi32>
    %xor3A_1352 = arith.constant 2 : i32
    %xor3A_1353 = vector.broadcast %xor3A_1352 : i32 to vector<16xi32>
    %xor3A_1354 = arith.xori %iota3A_1337, %xor3A_1353 : vector<16xi32>
    %lt3A_1355 = arith.constant 0 : i32
    %lt3A_1356 = vector.broadcast %lt3A_1355 : i32 to vector<16xi32>
    %lt3A_1357 = arith.cmpi slt, %xor3A_1354, %lt3A_1356 : vector<16xi32>
    %add3A_1358 = arith.constant 16 : i32
    %add3A_1359 = vector.broadcast %add3A_1358 : i32 to vector<16xi32>
    %add3A_1360 = arith.addi %xor3A_1354, %add3A_1359 : vector<16xi32>
    %select_n3A_1361 = arith.select %lt3A_1357, %add3A_1360, %xor3A_1354 : vector<16xi1>, vector<16xi32>
    %broadcast_in_dim3A_1362 = vector.shape_cast %select_n3A_1361 : vector<16xi32> to vector<16x1xi32>
    %gather3A_1363 = vector.shape_cast %broadcast_in_dim3A_1362 : vector<16x1xi32> to vector<16xi32>
    %gather3A_1364 = tpu.dynamic_gather %min3A_1351[%gather3A_1363] in [0] : vector<16xi32>, vector<16xi32> -> vector<16xi32>
    %min3A_1365 = arith.minsi %min3A_1351, %gather3A_1364 : vector<16xi32>
    %xor3A_1366 = arith.constant 4 : i32
    %xor3A_1367 = vector.broadcast %xor3A_1366 : i32 to vector<16xi32>
    %xor3A_1368 = arith.xori %iota3A_1337, %xor3A_1367 : vector<16xi32>
    %lt3A_1369 = arith.constant 0 : i32
    %lt3A_1370 = vector.broadcast %lt3A_1369 : i32 to vector<16xi32>
    %lt3A_1371 = arith.cmpi slt, %xor3A_1368, %lt3A_1370 : vector<16xi32>
    %add3A_1372 = arith.constant 16 : i32
    %add3A_1373 = vector.broadcast %add3A_1372 : i32 to vector<16xi32>
    %add3A_1374 = arith.addi %xor3A_1368, %add3A_1373 : vector<16xi32>
    %select_n3A_1375 = arith.select %lt3A_1371, %add3A_1374, %xor3A_1368 : vector<16xi1>, vector<16xi32>
    %broadcast_in_dim3A_1376 = vector.shape_cast %select_n3A_1375 : vector<16xi32> to vector<16x1xi32>
    %gather3A_1377 = vector.shape_cast %broadcast_in_dim3A_1376 : vector<16x1xi32> to vector<16xi32>
    %gather3A_1378 = tpu.dynamic_gather %min3A_1365[%gather3A_1377] in [0] : vector<16xi32>, vector<16xi32> -> vector<16xi32>
    %min3A_1379 = arith.minsi %min3A_1365, %gather3A_1378 : vector<16xi32>
    %xor3A_1380 = arith.constant 8 : i32
    %xor3A_1381 = vector.broadcast %xor3A_1380 : i32 to vector<16xi32>
    %xor3A_1382 = arith.xori %iota3A_1337, %xor3A_1381 : vector<16xi32>
    %lt3A_1383 = arith.constant 0 : i32
    %lt3A_1384 = vector.broadcast %lt3A_1383 : i32 to vector<16xi32>
    %lt3A_1385 = arith.cmpi slt, %xor3A_1382, %lt3A_1384 : vector<16xi32>
    %add3A_1386 = arith.constant 16 : i32
    %add3A_1387 = vector.broadcast %add3A_1386 : i32 to vector<16xi32>
    %add3A_1388 = arith.addi %xor3A_1382, %add3A_1387 : vector<16xi32>
    %select_n3A_1389 = arith.select %lt3A_1385, %add3A_1388, %xor3A_1382 : vector<16xi1>, vector<16xi32>
    %broadcast_in_dim3A_1390 = vector.shape_cast %select_n3A_1389 : vector<16xi32> to vector<16x1xi32>
    %gather3A_1391 = vector.shape_cast %broadcast_in_dim3A_1390 : vector<16x1xi32> to vector<16xi32>
    %gather3A_1392 = tpu.dynamic_gather %min3A_1379[%gather3A_1391] in [0] : vector<16xi32>, vector<16xi32> -> vector<16xi32>
    %min3A_1393 = arith.minsi %min3A_1379, %gather3A_1392 : vector<16xi32>
    %eq3A_1394 = arith.cmpi eq, %iota3A, %min3A_1393 : vector<16xi32>
    %jit3A_1395 = arith.constant 0xFF800000 : f32
    %broadcast_in_dim3A_1396 = vector.broadcast %jit3A_1395 : f32 to vector<16xf32>
    %select_n3A_1397 = arith.select %eq3A_1394, %broadcast_in_dim3A_1396, %select_n3A_1275 : vector<16xi1>, vector<16xf32>
    %iota3A_1398 = tpu.iota {dimensions = array<i32: 0>} : vector<16xi32>
    %xor3A_1399 = arith.constant 1 : i32
    %xor3A_1400 = vector.broadcast %xor3A_1399 : i32 to vector<16xi32>
    %xor3A_1401 = arith.xori %iota3A_1398, %xor3A_1400 : vector<16xi32>
    %lt3A_1402 = arith.constant 0 : i32
    %lt3A_1403 = vector.broadcast %lt3A_1402 : i32 to vector<16xi32>
    %lt3A_1404 = arith.cmpi slt, %xor3A_1401, %lt3A_1403 : vector<16xi32>
    %add3A_1405 = arith.constant 16 : i32
    %add3A_1406 = vector.broadcast %add3A_1405 : i32 to vector<16xi32>
    %add3A_1407 = arith.addi %xor3A_1401, %add3A_1406 : vector<16xi32>
    %select_n3A_1408 = arith.select %lt3A_1404, %add3A_1407, %xor3A_1401 : vector<16xi1>, vector<16xi32>
    %broadcast_in_dim3A_1409 = vector.shape_cast %select_n3A_1408 : vector<16xi32> to vector<16x1xi32>
    %gather3A_1410 = vector.shape_cast %broadcast_in_dim3A_1409 : vector<16x1xi32> to vector<16xi32>
    %gather3A_1411 = tpu.dynamic_gather %select_n3A_1397[%gather3A_1410] in [0] : vector<16xf32>, vector<16xi32> -> vector<16xf32>
    %max3A_1412 = arith.maximumf %select_n3A_1397, %gather3A_1411 : vector<16xf32>
    %xor3A_1413 = arith.constant 2 : i32
    %xor3A_1414 = vector.broadcast %xor3A_1413 : i32 to vector<16xi32>
    %xor3A_1415 = arith.xori %iota3A_1398, %xor3A_1414 : vector<16xi32>
    %lt3A_1416 = arith.constant 0 : i32
    %lt3A_1417 = vector.broadcast %lt3A_1416 : i32 to vector<16xi32>
    %lt3A_1418 = arith.cmpi slt, %xor3A_1415, %lt3A_1417 : vector<16xi32>
    %add3A_1419 = arith.constant 16 : i32
    %add3A_1420 = vector.broadcast %add3A_1419 : i32 to vector<16xi32>
    %add3A_1421 = arith.addi %xor3A_1415, %add3A_1420 : vector<16xi32>
    %select_n3A_1422 = arith.select %lt3A_1418, %add3A_1421, %xor3A_1415 : vector<16xi1>, vector<16xi32>
    %broadcast_in_dim3A_1423 = vector.shape_cast %select_n3A_1422 : vector<16xi32> to vector<16x1xi32>
    %gather3A_1424 = vector.shape_cast %broadcast_in_dim3A_1423 : vector<16x1xi32> to vector<16xi32>
    %gather3A_1425 = tpu.dynamic_gather %max3A_1412[%gather3A_1424] in [0] : vector<16xf32>, vector<16xi32> -> vector<16xf32>
    %max3A_1426 = arith.maximumf %max3A_1412, %gather3A_1425 : vector<16xf32>
    %xor3A_1427 = arith.constant 4 : i32
    %xor3A_1428 = vector.broadcast %xor3A_1427 : i32 to vector<16xi32>
    %xor3A_1429 = arith.xori %iota3A_1398, %xor3A_1428 : vector<16xi32>
    %lt3A_1430 = arith.constant 0 : i32
    %lt3A_1431 = vector.broadcast %lt3A_1430 : i32 to vector<16xi32>
    %lt3A_1432 = arith.cmpi slt, %xor3A_1429, %lt3A_1431 : vector<16xi32>
    %add3A_1433 = arith.constant 16 : i32
    %add3A_1434 = vector.broadcast %add3A_1433 : i32 to vector<16xi32>
    %add3A_1435 = arith.addi %xor3A_1429, %add3A_1434 : vector<16xi32>
    %select_n3A_1436 = arith.select %lt3A_1432, %add3A_1435, %xor3A_1429 : vector<16xi1>, vector<16xi32>
    %broadcast_in_dim3A_1437 = vector.shape_cast %select_n3A_1436 : vector<16xi32> to vector<16x1xi32>
    %gather3A_1438 = vector.shape_cast %broadcast_in_dim3A_1437 : vector<16x1xi32> to vector<16xi32>
    %gather3A_1439 = tpu.dynamic_gather %max3A_1426[%gather3A_1438] in [0] : vector<16xf32>, vector<16xi32> -> vector<16xf32>
    %max3A_1440 = arith.maximumf %max3A_1426, %gather3A_1439 : vector<16xf32>
    %xor3A_1441 = arith.constant 8 : i32
    %xor3A_1442 = vector.broadcast %xor3A_1441 : i32 to vector<16xi32>
    %xor3A_1443 = arith.xori %iota3A_1398, %xor3A_1442 : vector<16xi32>
    %lt3A_1444 = arith.constant 0 : i32
    %lt3A_1445 = vector.broadcast %lt3A_1444 : i32 to vector<16xi32>
    %lt3A_1446 = arith.cmpi slt, %xor3A_1443, %lt3A_1445 : vector<16xi32>
    %add3A_1447 = arith.constant 16 : i32
    %add3A_1448 = vector.broadcast %add3A_1447 : i32 to vector<16xi32>
    %add3A_1449 = arith.addi %xor3A_1443, %add3A_1448 : vector<16xi32>
    %select_n3A_1450 = arith.select %lt3A_1446, %add3A_1449, %xor3A_1443 : vector<16xi1>, vector<16xi32>
    %broadcast_in_dim3A_1451 = vector.shape_cast %select_n3A_1450 : vector<16xi32> to vector<16x1xi32>
    %gather3A_1452 = vector.shape_cast %broadcast_in_dim3A_1451 : vector<16x1xi32> to vector<16xi32>
    %gather3A_1453 = tpu.dynamic_gather %max3A_1440[%gather3A_1452] in [0] : vector<16xf32>, vector<16xi32> -> vector<16xf32>
    %max3A_1454 = arith.maximumf %max3A_1440, %gather3A_1453 : vector<16xf32>
    %eq3A_1455 = arith.cmpf oeq, %select_n3A_1397, %max3A_1454 : vector<16xf32>
    %jit3A_1456 = arith.constant 16 : i32
    %broadcast_in_dim3A_1457 = vector.broadcast %jit3A_1456 : i32 to vector<16xi32>
    %select_n3A_1458 = arith.select %eq3A_1455, %iota3A, %broadcast_in_dim3A_1457 : vector<16xi1>, vector<16xi32>
    %iota3A_1459 = tpu.iota {dimensions = array<i32: 0>} : vector<16xi32>
    %xor3A_1460 = arith.constant 1 : i32
    %xor3A_1461 = vector.broadcast %xor3A_1460 : i32 to vector<16xi32>
    %xor3A_1462 = arith.xori %iota3A_1459, %xor3A_1461 : vector<16xi32>
    %lt3A_1463 = arith.constant 0 : i32
    %lt3A_1464 = vector.broadcast %lt3A_1463 : i32 to vector<16xi32>
    %lt3A_1465 = arith.cmpi slt, %xor3A_1462, %lt3A_1464 : vector<16xi32>
    %add3A_1466 = arith.constant 16 : i32
    %add3A_1467 = vector.broadcast %add3A_1466 : i32 to vector<16xi32>
    %add3A_1468 = arith.addi %xor3A_1462, %add3A_1467 : vector<16xi32>
    %select_n3A_1469 = arith.select %lt3A_1465, %add3A_1468, %xor3A_1462 : vector<16xi1>, vector<16xi32>
    %broadcast_in_dim3A_1470 = vector.shape_cast %select_n3A_1469 : vector<16xi32> to vector<16x1xi32>
    %gather3A_1471 = vector.shape_cast %broadcast_in_dim3A_1470 : vector<16x1xi32> to vector<16xi32>
    %gather3A_1472 = tpu.dynamic_gather %select_n3A_1458[%gather3A_1471] in [0] : vector<16xi32>, vector<16xi32> -> vector<16xi32>
    %min3A_1473 = arith.minsi %select_n3A_1458, %gather3A_1472 : vector<16xi32>
    %xor3A_1474 = arith.constant 2 : i32
    %xor3A_1475 = vector.broadcast %xor3A_1474 : i32 to vector<16xi32>
    %xor3A_1476 = arith.xori %iota3A_1459, %xor3A_1475 : vector<16xi32>
    %lt3A_1477 = arith.constant 0 : i32
    %lt3A_1478 = vector.broadcast %lt3A_1477 : i32 to vector<16xi32>
    %lt3A_1479 = arith.cmpi slt, %xor3A_1476, %lt3A_1478 : vector<16xi32>
    %add3A_1480 = arith.constant 16 : i32
    %add3A_1481 = vector.broadcast %add3A_1480 : i32 to vector<16xi32>
    %add3A_1482 = arith.addi %xor3A_1476, %add3A_1481 : vector<16xi32>
    %select_n3A_1483 = arith.select %lt3A_1479, %add3A_1482, %xor3A_1476 : vector<16xi1>, vector<16xi32>
    %broadcast_in_dim3A_1484 = vector.shape_cast %select_n3A_1483 : vector<16xi32> to vector<16x1xi32>
    %gather3A_1485 = vector.shape_cast %broadcast_in_dim3A_1484 : vector<16x1xi32> to vector<16xi32>
    %gather3A_1486 = tpu.dynamic_gather %min3A_1473[%gather3A_1485] in [0] : vector<16xi32>, vector<16xi32> -> vector<16xi32>
    %min3A_1487 = arith.minsi %min3A_1473, %gather3A_1486 : vector<16xi32>
    %xor3A_1488 = arith.constant 4 : i32
    %xor3A_1489 = vector.broadcast %xor3A_1488 : i32 to vector<16xi32>
    %xor3A_1490 = arith.xori %iota3A_1459, %xor3A_1489 : vector<16xi32>
    %lt3A_1491 = arith.constant 0 : i32
    %lt3A_1492 = vector.broadcast %lt3A_1491 : i32 to vector<16xi32>
    %lt3A_1493 = arith.cmpi slt, %xor3A_1490, %lt3A_1492 : vector<16xi32>
    %add3A_1494 = arith.constant 16 : i32
    %add3A_1495 = vector.broadcast %add3A_1494 : i32 to vector<16xi32>
    %add3A_1496 = arith.addi %xor3A_1490, %add3A_1495 : vector<16xi32>
    %select_n3A_1497 = arith.select %lt3A_1493, %add3A_1496, %xor3A_1490 : vector<16xi1>, vector<16xi32>
    %broadcast_in_dim3A_1498 = vector.shape_cast %select_n3A_1497 : vector<16xi32> to vector<16x1xi32>
    %gather3A_1499 = vector.shape_cast %broadcast_in_dim3A_1498 : vector<16x1xi32> to vector<16xi32>
    %gather3A_1500 = tpu.dynamic_gather %min3A_1487[%gather3A_1499] in [0] : vector<16xi32>, vector<16xi32> -> vector<16xi32>
    %min3A_1501 = arith.minsi %min3A_1487, %gather3A_1500 : vector<16xi32>
    %xor3A_1502 = arith.constant 8 : i32
    %xor3A_1503 = vector.broadcast %xor3A_1502 : i32 to vector<16xi32>
    %xor3A_1504 = arith.xori %iota3A_1459, %xor3A_1503 : vector<16xi32>
    %lt3A_1505 = arith.constant 0 : i32
    %lt3A_1506 = vector.broadcast %lt3A_1505 : i32 to vector<16xi32>
    %lt3A_1507 = arith.cmpi slt, %xor3A_1504, %lt3A_1506 : vector<16xi32>
    %add3A_1508 = arith.constant 16 : i32
    %add3A_1509 = vector.broadcast %add3A_1508 : i32 to vector<16xi32>
    %add3A_1510 = arith.addi %xor3A_1504, %add3A_1509 : vector<16xi32>
    %select_n3A_1511 = arith.select %lt3A_1507, %add3A_1510, %xor3A_1504 : vector<16xi1>, vector<16xi32>
    %broadcast_in_dim3A_1512 = vector.shape_cast %select_n3A_1511 : vector<16xi32> to vector<16x1xi32>
    %gather3A_1513 = vector.shape_cast %broadcast_in_dim3A_1512 : vector<16x1xi32> to vector<16xi32>
    %gather3A_1514 = tpu.dynamic_gather %min3A_1501[%gather3A_1513] in [0] : vector<16xi32>, vector<16xi32> -> vector<16xi32>
    %min3A_1515 = arith.minsi %min3A_1501, %gather3A_1514 : vector<16xi32>
    %sub3A_1516 = arith.subf %max3A_1454, %max3A_1332 : vector<16xf32>
    %exp3A_1517 = math.exp %sub3A_1516 : vector<16xf32>
    %add3A_1518 = arith.constant 1.000000e+00 : f32
    %add3A_1519 = vector.broadcast %add3A_1518 : f32 to vector<16xf32>
    %add3A_1520 = arith.addf %add3A_1519, %exp3A_1517 : vector<16xf32>
    %div3A_1521 = arith.constant 1.000000e+00 : f32
    %div3A_1522 = vector.broadcast %div3A_1521 : f32 to vector<16xf32>
    %div3A_1523 = arith.divf %div3A_1522, %add3A_1520 : vector<16xf32>
    %eq3A_1524 = arith.cmpi eq, %iota3A, %min3A_1393 : vector<16xi32>
    %eq3A_1525 = arith.cmpi eq, %iota3A, %min3A_1515 : vector<16xi32>
    %sub3A_1526 = arith.constant 1.000000e+00 : f32
    %sub3A_1527 = vector.broadcast %sub3A_1526 : f32 to vector<16xf32>
    %sub3A_1528 = arith.subf %sub3A_1527, %div3A_1523 : vector<16xf32>
    %broadcast_in_dim3A_1529 = arith.constant 0.000000e+00 : f32
    %broadcast_in_dim3A_1530 = vector.broadcast %broadcast_in_dim3A_1529 : f32 to vector<16xf32>
    %select_n3A_1531 = arith.select %eq3A_1525, %sub3A_1528, %broadcast_in_dim3A_1530 : vector<16xi1>, vector<16xf32>
    %select_n3A_1532 = arith.select %eq3A_1524, %div3A_1523, %select_n3A_1531 : vector<16xi1>, vector<16xf32>
    %swap3A_1533 = arith.constant 1 : i32
    %swap3A_1534 = arith.index_cast %swap3A_1533 : i32 to index
    %swap3A_1535 = arith.constant 0 : index
    %swap3A_1536 = tpu.vector_load %arg7[%swap3A_1534, %swap3A_1535] {strides = array<i32>} : memref<4x16xf32, #tpu.memory_space<vmem>>, vector<1x16xf32>,
    %swap3A_1537 = vector.shape_cast %swap3A_1536 : vector<1x16xf32> to vector<16xf32>
    %swap3A_1538 = vector.shape_cast %select_n3A_1532 : vector<16xf32> to vector<1x16xf32>
    tpu.vector_store %arg7[%swap3A_1534, %swap3A_1535], %swap3A_1538 {strides = array<i32>} : memref<4x16xf32, #tpu.memory_space<vmem>>, vector<1x16xf32>,
    %broadcast_in_dim3A_1539 = arith.constant 0.000000e+00 : f32
    %broadcast_in_dim3A_1540 = vector.broadcast %broadcast_in_dim3A_1539 : f32 to vector<16xf32>
    %broadcast_in_dim3A_1541 = arith.constant 0.000000e+00 : f32
    %broadcast_in_dim3A_1542 = vector.broadcast %broadcast_in_dim3A_1541 : f32 to vector<16xf32>
    %broadcast_in_dim3A_1543 = arith.constant 0.000000e+00 : f32
    %broadcast_in_dim3A_1544 = vector.broadcast %broadcast_in_dim3A_1543 : f32 to vector<16xf32>
    %broadcast_in_dim3A_1545 = arith.constant 0.000000e+00 : f32
    %broadcast_in_dim3A_1546 = vector.broadcast %broadcast_in_dim3A_1545 : f32 to vector<16xf32>
    %broadcast_in_dim3A_1547 = arith.constant 0.000000e+00 : f32
    %broadcast_in_dim3A_1548 = vector.broadcast %broadcast_in_dim3A_1547 : f32 to vector<16xf32>
    %broadcast_in_dim3A_1549 = arith.constant 0.000000e+00 : f32
    %broadcast_in_dim3A_1550 = vector.broadcast %broadcast_in_dim3A_1549 : f32 to vector<16xf32>
    %broadcast_in_dim3A_1551 = arith.constant 0.000000e+00 : f32
    %broadcast_in_dim3A_1552 = vector.broadcast %broadcast_in_dim3A_1551 : f32 to vector<16xf32>
    %broadcast_in_dim3A_1553 = arith.constant 0.000000e+00 : f32
    %broadcast_in_dim3A_1554 = vector.broadcast %broadcast_in_dim3A_1553 : f32 to vector<16xf32>
    %scan3A_1555 = arith.constant 0 : i32
    %scan3A_1556 = arith.constant 64 : i32
    %scan3A_1557 = arith.addi %scan3A_1555, %scan3A_1556 : i32
    %scan3A_1558 = arith.constant 1 : i32
    %scan3A_1559:8 = scf.for %scan3A_3089 = %scan3A_1555 to %scan3A_1557 step %scan3A_1558 iter_args(%scan3A_3090 = %broadcast_in_dim3A_1540, %scan3A_3091 = %broadcast_in_dim3A_1542, %scan3A_3092 = %broadcast_in_dim3A_1544, %scan3A_3093 = %broadcast_in_dim3A_1546, %scan3A_3094 = %broadcast_in_dim3A_1548, %scan3A_3095 = %broadcast_in_dim3A_1550, %scan3A_3096 = %broadcast_in_dim3A_1552, %scan3A_3097 = %broadcast_in_dim3A_1554) -> (vector<16xf32>, vector<16xf32>, vector<16xf32>, vector<16xf32>, vector<16xf32>, vector<16xf32>, vector<16xf32>, vector<16xf32>)  : i32 {
      %mul3A_3098 = arith.constant 16 : i32
      %mul3A_3099 = arith.muli %scan3A_3089, %mul3A_3098 : i32
      %get3A = arith.constant 2 : i32
      %get3A_3100 = arith.index_cast %get3A : i32 to index
      %get3A_3101 = arith.index_cast %mul3A_3099 : i32 to index
      %get3A_3102 = tpu.vector_load %arg5[%get3A_3100, %get3A_3101] {strides = array<i32>} : memref<4x1024xf32, #tpu.memory_space<vmem>>, vector<1x16xf32>,
      %get3A_3103 = vector.shape_cast %get3A_3102 : vector<1x16xf32> to vector<16xf32>
      %mul3A_3104 = arith.constant 16 : i32
      %mul3A_3105 = arith.muli %scan3A_3089, %mul3A_3104 : i32
      %get3A_3106 = arith.constant 0 : i32
      %get3A_3107 = arith.index_cast %get3A_3106 : i32 to index
      %get3A_3108 = arith.index_cast %mul3A_3105 : i32 to index
      %get3A_3109 = tpu.vector_load %arg6[%get3A_3107, %get3A_3108] {strides = array<i32>} : memref<8x1024xf32, #tpu.memory_space<vmem>>, vector<1x16xf32>,
      %get3A_3110 = vector.shape_cast %get3A_3109 : vector<1x16xf32> to vector<16xf32>
      %mul3A_3111 = arith.mulf %get3A_3103, %get3A_3110 : vector<16xf32>
      %add3A_3112 = arith.addf %scan3A_3090, %mul3A_3111 : vector<16xf32>
      %mul3A_3113 = arith.constant 16 : i32
      %mul3A_3114 = arith.muli %scan3A_3089, %mul3A_3113 : i32
      %get3A_3115 = arith.constant 1 : i32
      %get3A_3116 = arith.index_cast %get3A_3115 : i32 to index
      %get3A_3117 = arith.index_cast %mul3A_3114 : i32 to index
      %get3A_3118 = tpu.vector_load %arg6[%get3A_3116, %get3A_3117] {strides = array<i32>} : memref<8x1024xf32, #tpu.memory_space<vmem>>, vector<1x16xf32>,
      %get3A_3119 = vector.shape_cast %get3A_3118 : vector<1x16xf32> to vector<16xf32>
      %mul3A_3120 = arith.mulf %get3A_3103, %get3A_3119 : vector<16xf32>
      %add3A_3121 = arith.addf %scan3A_3091, %mul3A_3120 : vector<16xf32>
      %mul3A_3122 = arith.constant 16 : i32
      %mul3A_3123 = arith.muli %scan3A_3089, %mul3A_3122 : i32
      %get3A_3124 = arith.constant 2 : i32
      %get3A_3125 = arith.index_cast %get3A_3124 : i32 to index
      %get3A_3126 = arith.index_cast %mul3A_3123 : i32 to index
      %get3A_3127 = tpu.vector_load %arg6[%get3A_3125, %get3A_3126] {strides = array<i32>} : memref<8x1024xf32, #tpu.memory_space<vmem>>, vector<1x16xf32>,
      %get3A_3128 = vector.shape_cast %get3A_3127 : vector<1x16xf32> to vector<16xf32>
      %mul3A_3129 = arith.mulf %get3A_3103, %get3A_3128 : vector<16xf32>
      %add3A_3130 = arith.addf %scan3A_3092, %mul3A_3129 : vector<16xf32>
      %mul3A_3131 = arith.constant 16 : i32
      %mul3A_3132 = arith.muli %scan3A_3089, %mul3A_3131 : i32
      %get3A_3133 = arith.constant 3 : i32
      %get3A_3134 = arith.index_cast %get3A_3133 : i32 to index
      %get3A_3135 = arith.index_cast %mul3A_3132 : i32 to index
      %get3A_3136 = tpu.vector_load %arg6[%get3A_3134, %get3A_3135] {strides = array<i32>} : memref<8x1024xf32, #tpu.memory_space<vmem>>, vector<1x16xf32>,
      %get3A_3137 = vector.shape_cast %get3A_3136 : vector<1x16xf32> to vector<16xf32>
      %mul3A_3138 = arith.mulf %get3A_3103, %get3A_3137 : vector<16xf32>
      %add3A_3139 = arith.addf %scan3A_3093, %mul3A_3138 : vector<16xf32>
      %mul3A_3140 = arith.constant 16 : i32
      %mul3A_3141 = arith.muli %scan3A_3089, %mul3A_3140 : i32
      %get3A_3142 = arith.constant 4 : i32
      %get3A_3143 = arith.index_cast %get3A_3142 : i32 to index
      %get3A_3144 = arith.index_cast %mul3A_3141 : i32 to index
      %get3A_3145 = tpu.vector_load %arg6[%get3A_3143, %get3A_3144] {strides = array<i32>} : memref<8x1024xf32, #tpu.memory_space<vmem>>, vector<1x16xf32>,
      %get3A_3146 = vector.shape_cast %get3A_3145 : vector<1x16xf32> to vector<16xf32>
      %mul3A_3147 = arith.mulf %get3A_3103, %get3A_3146 : vector<16xf32>
      %add3A_3148 = arith.addf %scan3A_3094, %mul3A_3147 : vector<16xf32>
      %mul3A_3149 = arith.constant 16 : i32
      %mul3A_3150 = arith.muli %scan3A_3089, %mul3A_3149 : i32
      %get3A_3151 = arith.constant 5 : i32
      %get3A_3152 = arith.index_cast %get3A_3151 : i32 to index
      %get3A_3153 = arith.index_cast %mul3A_3150 : i32 to index
      %get3A_3154 = tpu.vector_load %arg6[%get3A_3152, %get3A_3153] {strides = array<i32>} : memref<8x1024xf32, #tpu.memory_space<vmem>>, vector<1x16xf32>,
      %get3A_3155 = vector.shape_cast %get3A_3154 : vector<1x16xf32> to vector<16xf32>
      %mul3A_3156 = arith.mulf %get3A_3103, %get3A_3155 : vector<16xf32>
      %add3A_3157 = arith.addf %scan3A_3095, %mul3A_3156 : vector<16xf32>
      %mul3A_3158 = arith.constant 16 : i32
      %mul3A_3159 = arith.muli %scan3A_3089, %mul3A_3158 : i32
      %get3A_3160 = arith.constant 6 : i32
      %get3A_3161 = arith.index_cast %get3A_3160 : i32 to index
      %get3A_3162 = arith.index_cast %mul3A_3159 : i32 to index
      %get3A_3163 = tpu.vector_load %arg6[%get3A_3161, %get3A_3162] {strides = array<i32>} : memref<8x1024xf32, #tpu.memory_space<vmem>>, vector<1x16xf32>,
      %get3A_3164 = vector.shape_cast %get3A_3163 : vector<1x16xf32> to vector<16xf32>
      %mul3A_3165 = arith.mulf %get3A_3103, %get3A_3164 : vector<16xf32>
      %add3A_3166 = arith.addf %scan3A_3096, %mul3A_3165 : vector<16xf32>
      %mul3A_3167 = arith.constant 16 : i32
      %mul3A_3168 = arith.muli %scan3A_3089, %mul3A_3167 : i32
      %get3A_3169 = arith.constant 7 : i32
      %get3A_3170 = arith.index_cast %get3A_3169 : i32 to index
      %get3A_3171 = arith.index_cast %mul3A_3168 : i32 to index
      %get3A_3172 = tpu.vector_load %arg6[%get3A_3170, %get3A_3171] {strides = array<i32>} : memref<8x1024xf32, #tpu.memory_space<vmem>>, vector<1x16xf32>,
      %get3A_3173 = vector.shape_cast %get3A_3172 : vector<1x16xf32> to vector<16xf32>
      %mul3A_3174 = arith.mulf %get3A_3103, %get3A_3173 : vector<16xf32>
      %add3A_3175 = arith.addf %scan3A_3097, %mul3A_3174 : vector<16xf32>
      scf.yield %add3A_3112, %add3A_3121, %add3A_3130, %add3A_3139, %add3A_3148, %add3A_3157, %add3A_3166, %add3A_3175 : vector<16xf32>, vector<16xf32>, vector<16xf32>, vector<16xf32>, vector<16xf32>, vector<16xf32>, vector<16xf32>, vector<16xf32>
    }
    %scan3A_1560 = arith.constant 64 : i32
    %broadcast_in_dim3A_1561 = arith.constant -1.000000e+30 : f32
    %broadcast_in_dim3A_1562 = vector.broadcast %broadcast_in_dim3A_1561 : f32 to vector<16xf32>
    %eq3A_1563 = arith.constant 0 : i32
    %eq3A_1564 = vector.broadcast %eq3A_1563 : i32 to vector<16xi32>
    %eq3A_1565 = arith.cmpi eq, %iota3A, %eq3A_1564 : vector<16xi32>
    %iota3A_1566 = tpu.iota {dimensions = array<i32: 0>} : vector<16xi32>
    %xor3A_1567 = arith.constant 1 : i32
    %xor3A_1568 = vector.broadcast %xor3A_1567 : i32 to vector<16xi32>
    %xor3A_1569 = arith.xori %iota3A_1566, %xor3A_1568 : vector<16xi32>
    %lt3A_1570 = arith.constant 0 : i32
    %lt3A_1571 = vector.broadcast %lt3A_1570 : i32 to vector<16xi32>
    %lt3A_1572 = arith.cmpi slt, %xor3A_1569, %lt3A_1571 : vector<16xi32>
    %add3A_1573 = arith.constant 16 : i32
    %add3A_1574 = vector.broadcast %add3A_1573 : i32 to vector<16xi32>
    %add3A_1575 = arith.addi %xor3A_1569, %add3A_1574 : vector<16xi32>
    %select_n3A_1576 = arith.select %lt3A_1572, %add3A_1575, %xor3A_1569 : vector<16xi1>, vector<16xi32>
    %broadcast_in_dim3A_1577 = vector.shape_cast %select_n3A_1576 : vector<16xi32> to vector<16x1xi32>
    %gather3A_1578 = vector.shape_cast %broadcast_in_dim3A_1577 : vector<16x1xi32> to vector<16xi32>
    %gather3A_1579 = tpu.dynamic_gather %scan3A_1559#0[%gather3A_1578] in [0] : vector<16xf32>, vector<16xi32> -> vector<16xf32>
    %add3A_1580 = arith.addf %scan3A_1559#0, %gather3A_1579 : vector<16xf32>
    %xor3A_1581 = arith.constant 2 : i32
    %xor3A_1582 = vector.broadcast %xor3A_1581 : i32 to vector<16xi32>
    %xor3A_1583 = arith.xori %iota3A_1566, %xor3A_1582 : vector<16xi32>
    %lt3A_1584 = arith.constant 0 : i32
    %lt3A_1585 = vector.broadcast %lt3A_1584 : i32 to vector<16xi32>
    %lt3A_1586 = arith.cmpi slt, %xor3A_1583, %lt3A_1585 : vector<16xi32>
    %add3A_1587 = arith.constant 16 : i32
    %add3A_1588 = vector.broadcast %add3A_1587 : i32 to vector<16xi32>
    %add3A_1589 = arith.addi %xor3A_1583, %add3A_1588 : vector<16xi32>
    %select_n3A_1590 = arith.select %lt3A_1586, %add3A_1589, %xor3A_1583 : vector<16xi1>, vector<16xi32>
    %broadcast_in_dim3A_1591 = vector.shape_cast %select_n3A_1590 : vector<16xi32> to vector<16x1xi32>
    %gather3A_1592 = vector.shape_cast %broadcast_in_dim3A_1591 : vector<16x1xi32> to vector<16xi32>
    %gather3A_1593 = tpu.dynamic_gather %add3A_1580[%gather3A_1592] in [0] : vector<16xf32>, vector<16xi32> -> vector<16xf32>
    %add3A_1594 = arith.addf %add3A_1580, %gather3A_1593 : vector<16xf32>
    %xor3A_1595 = arith.constant 4 : i32
    %xor3A_1596 = vector.broadcast %xor3A_1595 : i32 to vector<16xi32>
    %xor3A_1597 = arith.xori %iota3A_1566, %xor3A_1596 : vector<16xi32>
    %lt3A_1598 = arith.constant 0 : i32
    %lt3A_1599 = vector.broadcast %lt3A_1598 : i32 to vector<16xi32>
    %lt3A_1600 = arith.cmpi slt, %xor3A_1597, %lt3A_1599 : vector<16xi32>
    %add3A_1601 = arith.constant 16 : i32
    %add3A_1602 = vector.broadcast %add3A_1601 : i32 to vector<16xi32>
    %add3A_1603 = arith.addi %xor3A_1597, %add3A_1602 : vector<16xi32>
    %select_n3A_1604 = arith.select %lt3A_1600, %add3A_1603, %xor3A_1597 : vector<16xi1>, vector<16xi32>
    %broadcast_in_dim3A_1605 = vector.shape_cast %select_n3A_1604 : vector<16xi32> to vector<16x1xi32>
    %gather3A_1606 = vector.shape_cast %broadcast_in_dim3A_1605 : vector<16x1xi32> to vector<16xi32>
    %gather3A_1607 = tpu.dynamic_gather %add3A_1594[%gather3A_1606] in [0] : vector<16xf32>, vector<16xi32> -> vector<16xf32>
    %add3A_1608 = arith.addf %add3A_1594, %gather3A_1607 : vector<16xf32>
    %xor3A_1609 = arith.constant 8 : i32
    %xor3A_1610 = vector.broadcast %xor3A_1609 : i32 to vector<16xi32>
    %xor3A_1611 = arith.xori %iota3A_1566, %xor3A_1610 : vector<16xi32>
    %lt3A_1612 = arith.constant 0 : i32
    %lt3A_1613 = vector.broadcast %lt3A_1612 : i32 to vector<16xi32>
    %lt3A_1614 = arith.cmpi slt, %xor3A_1611, %lt3A_1613 : vector<16xi32>
    %add3A_1615 = arith.constant 16 : i32
    %add3A_1616 = vector.broadcast %add3A_1615 : i32 to vector<16xi32>
    %add3A_1617 = arith.addi %xor3A_1611, %add3A_1616 : vector<16xi32>
    %select_n3A_1618 = arith.select %lt3A_1614, %add3A_1617, %xor3A_1611 : vector<16xi1>, vector<16xi32>
    %broadcast_in_dim3A_1619 = vector.shape_cast %select_n3A_1618 : vector<16xi32> to vector<16x1xi32>
    %gather3A_1620 = vector.shape_cast %broadcast_in_dim3A_1619 : vector<16x1xi32> to vector<16xi32>
    %gather3A_1621 = tpu.dynamic_gather %add3A_1608[%gather3A_1620] in [0] : vector<16xf32>, vector<16xi32> -> vector<16xf32>
    %add3A_1622 = arith.addf %add3A_1608, %gather3A_1621 : vector<16xf32>
    %select_n3A_1623 = arith.select %eq3A_1565, %add3A_1622, %broadcast_in_dim3A_1562 : vector<16xi1>, vector<16xf32>
    %eq3A_1624 = arith.constant 1 : i32
    %eq3A_1625 = vector.broadcast %eq3A_1624 : i32 to vector<16xi32>
    %eq3A_1626 = arith.cmpi eq, %iota3A, %eq3A_1625 : vector<16xi32>
    %iota3A_1627 = tpu.iota {dimensions = array<i32: 0>} : vector<16xi32>
    %xor3A_1628 = arith.constant 1 : i32
    %xor3A_1629 = vector.broadcast %xor3A_1628 : i32 to vector<16xi32>
    %xor3A_1630 = arith.xori %iota3A_1627, %xor3A_1629 : vector<16xi32>
    %lt3A_1631 = arith.constant 0 : i32
    %lt3A_1632 = vector.broadcast %lt3A_1631 : i32 to vector<16xi32>
    %lt3A_1633 = arith.cmpi slt, %xor3A_1630, %lt3A_1632 : vector<16xi32>
    %add3A_1634 = arith.constant 16 : i32
    %add3A_1635 = vector.broadcast %add3A_1634 : i32 to vector<16xi32>
    %add3A_1636 = arith.addi %xor3A_1630, %add3A_1635 : vector<16xi32>
    %select_n3A_1637 = arith.select %lt3A_1633, %add3A_1636, %xor3A_1630 : vector<16xi1>, vector<16xi32>
    %broadcast_in_dim3A_1638 = vector.shape_cast %select_n3A_1637 : vector<16xi32> to vector<16x1xi32>
    %gather3A_1639 = vector.shape_cast %broadcast_in_dim3A_1638 : vector<16x1xi32> to vector<16xi32>
    %gather3A_1640 = tpu.dynamic_gather %scan3A_1559#1[%gather3A_1639] in [0] : vector<16xf32>, vector<16xi32> -> vector<16xf32>
    %add3A_1641 = arith.addf %scan3A_1559#1, %gather3A_1640 : vector<16xf32>
    %xor3A_1642 = arith.constant 2 : i32
    %xor3A_1643 = vector.broadcast %xor3A_1642 : i32 to vector<16xi32>
    %xor3A_1644 = arith.xori %iota3A_1627, %xor3A_1643 : vector<16xi32>
    %lt3A_1645 = arith.constant 0 : i32
    %lt3A_1646 = vector.broadcast %lt3A_1645 : i32 to vector<16xi32>
    %lt3A_1647 = arith.cmpi slt, %xor3A_1644, %lt3A_1646 : vector<16xi32>
    %add3A_1648 = arith.constant 16 : i32
    %add3A_1649 = vector.broadcast %add3A_1648 : i32 to vector<16xi32>
    %add3A_1650 = arith.addi %xor3A_1644, %add3A_1649 : vector<16xi32>
    %select_n3A_1651 = arith.select %lt3A_1647, %add3A_1650, %xor3A_1644 : vector<16xi1>, vector<16xi32>
    %broadcast_in_dim3A_1652 = vector.shape_cast %select_n3A_1651 : vector<16xi32> to vector<16x1xi32>
    %gather3A_1653 = vector.shape_cast %broadcast_in_dim3A_1652 : vector<16x1xi32> to vector<16xi32>
    %gather3A_1654 = tpu.dynamic_gather %add3A_1641[%gather3A_1653] in [0] : vector<16xf32>, vector<16xi32> -> vector<16xf32>
    %add3A_1655 = arith.addf %add3A_1641, %gather3A_1654 : vector<16xf32>
    %xor3A_1656 = arith.constant 4 : i32
    %xor3A_1657 = vector.broadcast %xor3A_1656 : i32 to vector<16xi32>
    %xor3A_1658 = arith.xori %iota3A_1627, %xor3A_1657 : vector<16xi32>
    %lt3A_1659 = arith.constant 0 : i32
    %lt3A_1660 = vector.broadcast %lt3A_1659 : i32 to vector<16xi32>
    %lt3A_1661 = arith.cmpi slt, %xor3A_1658, %lt3A_1660 : vector<16xi32>
    %add3A_1662 = arith.constant 16 : i32
    %add3A_1663 = vector.broadcast %add3A_1662 : i32 to vector<16xi32>
    %add3A_1664 = arith.addi %xor3A_1658, %add3A_1663 : vector<16xi32>
    %select_n3A_1665 = arith.select %lt3A_1661, %add3A_1664, %xor3A_1658 : vector<16xi1>, vector<16xi32>
    %broadcast_in_dim3A_1666 = vector.shape_cast %select_n3A_1665 : vector<16xi32> to vector<16x1xi32>
    %gather3A_1667 = vector.shape_cast %broadcast_in_dim3A_1666 : vector<16x1xi32> to vector<16xi32>
    %gather3A_1668 = tpu.dynamic_gather %add3A_1655[%gather3A_1667] in [0] : vector<16xf32>, vector<16xi32> -> vector<16xf32>
    %add3A_1669 = arith.addf %add3A_1655, %gather3A_1668 : vector<16xf32>
    %xor3A_1670 = arith.constant 8 : i32
    %xor3A_1671 = vector.broadcast %xor3A_1670 : i32 to vector<16xi32>
    %xor3A_1672 = arith.xori %iota3A_1627, %xor3A_1671 : vector<16xi32>
    %lt3A_1673 = arith.constant 0 : i32
    %lt3A_1674 = vector.broadcast %lt3A_1673 : i32 to vector<16xi32>
    %lt3A_1675 = arith.cmpi slt, %xor3A_1672, %lt3A_1674 : vector<16xi32>
    %add3A_1676 = arith.constant 16 : i32
    %add3A_1677 = vector.broadcast %add3A_1676 : i32 to vector<16xi32>
    %add3A_1678 = arith.addi %xor3A_1672, %add3A_1677 : vector<16xi32>
    %select_n3A_1679 = arith.select %lt3A_1675, %add3A_1678, %xor3A_1672 : vector<16xi1>, vector<16xi32>
    %broadcast_in_dim3A_1680 = vector.shape_cast %select_n3A_1679 : vector<16xi32> to vector<16x1xi32>
    %gather3A_1681 = vector.shape_cast %broadcast_in_dim3A_1680 : vector<16x1xi32> to vector<16xi32>
    %gather3A_1682 = tpu.dynamic_gather %add3A_1669[%gather3A_1681] in [0] : vector<16xf32>, vector<16xi32> -> vector<16xf32>
    %add3A_1683 = arith.addf %add3A_1669, %gather3A_1682 : vector<16xf32>
    %select_n3A_1684 = arith.select %eq3A_1626, %add3A_1683, %select_n3A_1623 : vector<16xi1>, vector<16xf32>
    %eq3A_1685 = arith.constant 2 : i32
    %eq3A_1686 = vector.broadcast %eq3A_1685 : i32 to vector<16xi32>
    %eq3A_1687 = arith.cmpi eq, %iota3A, %eq3A_1686 : vector<16xi32>
    %iota3A_1688 = tpu.iota {dimensions = array<i32: 0>} : vector<16xi32>
    %xor3A_1689 = arith.constant 1 : i32
    %xor3A_1690 = vector.broadcast %xor3A_1689 : i32 to vector<16xi32>
    %xor3A_1691 = arith.xori %iota3A_1688, %xor3A_1690 : vector<16xi32>
    %lt3A_1692 = arith.constant 0 : i32
    %lt3A_1693 = vector.broadcast %lt3A_1692 : i32 to vector<16xi32>
    %lt3A_1694 = arith.cmpi slt, %xor3A_1691, %lt3A_1693 : vector<16xi32>
    %add3A_1695 = arith.constant 16 : i32
    %add3A_1696 = vector.broadcast %add3A_1695 : i32 to vector<16xi32>
    %add3A_1697 = arith.addi %xor3A_1691, %add3A_1696 : vector<16xi32>
    %select_n3A_1698 = arith.select %lt3A_1694, %add3A_1697, %xor3A_1691 : vector<16xi1>, vector<16xi32>
    %broadcast_in_dim3A_1699 = vector.shape_cast %select_n3A_1698 : vector<16xi32> to vector<16x1xi32>
    %gather3A_1700 = vector.shape_cast %broadcast_in_dim3A_1699 : vector<16x1xi32> to vector<16xi32>
    %gather3A_1701 = tpu.dynamic_gather %scan3A_1559#2[%gather3A_1700] in [0] : vector<16xf32>, vector<16xi32> -> vector<16xf32>
    %add3A_1702 = arith.addf %scan3A_1559#2, %gather3A_1701 : vector<16xf32>
    %xor3A_1703 = arith.constant 2 : i32
    %xor3A_1704 = vector.broadcast %xor3A_1703 : i32 to vector<16xi32>
    %xor3A_1705 = arith.xori %iota3A_1688, %xor3A_1704 : vector<16xi32>
    %lt3A_1706 = arith.constant 0 : i32
    %lt3A_1707 = vector.broadcast %lt3A_1706 : i32 to vector<16xi32>
    %lt3A_1708 = arith.cmpi slt, %xor3A_1705, %lt3A_1707 : vector<16xi32>
    %add3A_1709 = arith.constant 16 : i32
    %add3A_1710 = vector.broadcast %add3A_1709 : i32 to vector<16xi32>
    %add3A_1711 = arith.addi %xor3A_1705, %add3A_1710 : vector<16xi32>
    %select_n3A_1712 = arith.select %lt3A_1708, %add3A_1711, %xor3A_1705 : vector<16xi1>, vector<16xi32>
    %broadcast_in_dim3A_1713 = vector.shape_cast %select_n3A_1712 : vector<16xi32> to vector<16x1xi32>
    %gather3A_1714 = vector.shape_cast %broadcast_in_dim3A_1713 : vector<16x1xi32> to vector<16xi32>
    %gather3A_1715 = tpu.dynamic_gather %add3A_1702[%gather3A_1714] in [0] : vector<16xf32>, vector<16xi32> -> vector<16xf32>
    %add3A_1716 = arith.addf %add3A_1702, %gather3A_1715 : vector<16xf32>
    %xor3A_1717 = arith.constant 4 : i32
    %xor3A_1718 = vector.broadcast %xor3A_1717 : i32 to vector<16xi32>
    %xor3A_1719 = arith.xori %iota3A_1688, %xor3A_1718 : vector<16xi32>
    %lt3A_1720 = arith.constant 0 : i32
    %lt3A_1721 = vector.broadcast %lt3A_1720 : i32 to vector<16xi32>
    %lt3A_1722 = arith.cmpi slt, %xor3A_1719, %lt3A_1721 : vector<16xi32>
    %add3A_1723 = arith.constant 16 : i32
    %add3A_1724 = vector.broadcast %add3A_1723 : i32 to vector<16xi32>
    %add3A_1725 = arith.addi %xor3A_1719, %add3A_1724 : vector<16xi32>
    %select_n3A_1726 = arith.select %lt3A_1722, %add3A_1725, %xor3A_1719 : vector<16xi1>, vector<16xi32>
    %broadcast_in_dim3A_1727 = vector.shape_cast %select_n3A_1726 : vector<16xi32> to vector<16x1xi32>
    %gather3A_1728 = vector.shape_cast %broadcast_in_dim3A_1727 : vector<16x1xi32> to vector<16xi32>
    %gather3A_1729 = tpu.dynamic_gather %add3A_1716[%gather3A_1728] in [0] : vector<16xf32>, vector<16xi32> -> vector<16xf32>
    %add3A_1730 = arith.addf %add3A_1716, %gather3A_1729 : vector<16xf32>
    %xor3A_1731 = arith.constant 8 : i32
    %xor3A_1732 = vector.broadcast %xor3A_1731 : i32 to vector<16xi32>
    %xor3A_1733 = arith.xori %iota3A_1688, %xor3A_1732 : vector<16xi32>
    %lt3A_1734 = arith.constant 0 : i32
    %lt3A_1735 = vector.broadcast %lt3A_1734 : i32 to vector<16xi32>
    %lt3A_1736 = arith.cmpi slt, %xor3A_1733, %lt3A_1735 : vector<16xi32>
    %add3A_1737 = arith.constant 16 : i32
    %add3A_1738 = vector.broadcast %add3A_1737 : i32 to vector<16xi32>
    %add3A_1739 = arith.addi %xor3A_1733, %add3A_1738 : vector<16xi32>
    %select_n3A_1740 = arith.select %lt3A_1736, %add3A_1739, %xor3A_1733 : vector<16xi1>, vector<16xi32>
    %broadcast_in_dim3A_1741 = vector.shape_cast %select_n3A_1740 : vector<16xi32> to vector<16x1xi32>
    %gather3A_1742 = vector.shape_cast %broadcast_in_dim3A_1741 : vector<16x1xi32> to vector<16xi32>
    %gather3A_1743 = tpu.dynamic_gather %add3A_1730[%gather3A_1742] in [0] : vector<16xf32>, vector<16xi32> -> vector<16xf32>
    %add3A_1744 = arith.addf %add3A_1730, %gather3A_1743 : vector<16xf32>
    %select_n3A_1745 = arith.select %eq3A_1687, %add3A_1744, %select_n3A_1684 : vector<16xi1>, vector<16xf32>
    %eq3A_1746 = arith.constant 3 : i32
    %eq3A_1747 = vector.broadcast %eq3A_1746 : i32 to vector<16xi32>
    %eq3A_1748 = arith.cmpi eq, %iota3A, %eq3A_1747 : vector<16xi32>
    %iota3A_1749 = tpu.iota {dimensions = array<i32: 0>} : vector<16xi32>
    %xor3A_1750 = arith.constant 1 : i32
    %xor3A_1751 = vector.broadcast %xor3A_1750 : i32 to vector<16xi32>
    %xor3A_1752 = arith.xori %iota3A_1749, %xor3A_1751 : vector<16xi32>
    %lt3A_1753 = arith.constant 0 : i32
    %lt3A_1754 = vector.broadcast %lt3A_1753 : i32 to vector<16xi32>
    %lt3A_1755 = arith.cmpi slt, %xor3A_1752, %lt3A_1754 : vector<16xi32>
    %add3A_1756 = arith.constant 16 : i32
    %add3A_1757 = vector.broadcast %add3A_1756 : i32 to vector<16xi32>
    %add3A_1758 = arith.addi %xor3A_1752, %add3A_1757 : vector<16xi32>
    %select_n3A_1759 = arith.select %lt3A_1755, %add3A_1758, %xor3A_1752 : vector<16xi1>, vector<16xi32>
    %broadcast_in_dim3A_1760 = vector.shape_cast %select_n3A_1759 : vector<16xi32> to vector<16x1xi32>
    %gather3A_1761 = vector.shape_cast %broadcast_in_dim3A_1760 : vector<16x1xi32> to vector<16xi32>
    %gather3A_1762 = tpu.dynamic_gather %scan3A_1559#3[%gather3A_1761] in [0] : vector<16xf32>, vector<16xi32> -> vector<16xf32>
    %add3A_1763 = arith.addf %scan3A_1559#3, %gather3A_1762 : vector<16xf32>
    %xor3A_1764 = arith.constant 2 : i32
    %xor3A_1765 = vector.broadcast %xor3A_1764 : i32 to vector<16xi32>
    %xor3A_1766 = arith.xori %iota3A_1749, %xor3A_1765 : vector<16xi32>
    %lt3A_1767 = arith.constant 0 : i32
    %lt3A_1768 = vector.broadcast %lt3A_1767 : i32 to vector<16xi32>
    %lt3A_1769 = arith.cmpi slt, %xor3A_1766, %lt3A_1768 : vector<16xi32>
    %add3A_1770 = arith.constant 16 : i32
    %add3A_1771 = vector.broadcast %add3A_1770 : i32 to vector<16xi32>
    %add3A_1772 = arith.addi %xor3A_1766, %add3A_1771 : vector<16xi32>
    %select_n3A_1773 = arith.select %lt3A_1769, %add3A_1772, %xor3A_1766 : vector<16xi1>, vector<16xi32>
    %broadcast_in_dim3A_1774 = vector.shape_cast %select_n3A_1773 : vector<16xi32> to vector<16x1xi32>
    %gather3A_1775 = vector.shape_cast %broadcast_in_dim3A_1774 : vector<16x1xi32> to vector<16xi32>
    %gather3A_1776 = tpu.dynamic_gather %add3A_1763[%gather3A_1775] in [0] : vector<16xf32>, vector<16xi32> -> vector<16xf32>
    %add3A_1777 = arith.addf %add3A_1763, %gather3A_1776 : vector<16xf32>
    %xor3A_1778 = arith.constant 4 : i32
    %xor3A_1779 = vector.broadcast %xor3A_1778 : i32 to vector<16xi32>
    %xor3A_1780 = arith.xori %iota3A_1749, %xor3A_1779 : vector<16xi32>
    %lt3A_1781 = arith.constant 0 : i32
    %lt3A_1782 = vector.broadcast %lt3A_1781 : i32 to vector<16xi32>
    %lt3A_1783 = arith.cmpi slt, %xor3A_1780, %lt3A_1782 : vector<16xi32>
    %add3A_1784 = arith.constant 16 : i32
    %add3A_1785 = vector.broadcast %add3A_1784 : i32 to vector<16xi32>
    %add3A_1786 = arith.addi %xor3A_1780, %add3A_1785 : vector<16xi32>
    %select_n3A_1787 = arith.select %lt3A_1783, %add3A_1786, %xor3A_1780 : vector<16xi1>, vector<16xi32>
    %broadcast_in_dim3A_1788 = vector.shape_cast %select_n3A_1787 : vector<16xi32> to vector<16x1xi32>
    %gather3A_1789 = vector.shape_cast %broadcast_in_dim3A_1788 : vector<16x1xi32> to vector<16xi32>
    %gather3A_1790 = tpu.dynamic_gather %add3A_1777[%gather3A_1789] in [0] : vector<16xf32>, vector<16xi32> -> vector<16xf32>
    %add3A_1791 = arith.addf %add3A_1777, %gather3A_1790 : vector<16xf32>
    %xor3A_1792 = arith.constant 8 : i32
    %xor3A_1793 = vector.broadcast %xor3A_1792 : i32 to vector<16xi32>
    %xor3A_1794 = arith.xori %iota3A_1749, %xor3A_1793 : vector<16xi32>
    %lt3A_1795 = arith.constant 0 : i32
    %lt3A_1796 = vector.broadcast %lt3A_1795 : i32 to vector<16xi32>
    %lt3A_1797 = arith.cmpi slt, %xor3A_1794, %lt3A_1796 : vector<16xi32>
    %add3A_1798 = arith.constant 16 : i32
    %add3A_1799 = vector.broadcast %add3A_1798 : i32 to vector<16xi32>
    %add3A_1800 = arith.addi %xor3A_1794, %add3A_1799 : vector<16xi32>
    %select_n3A_1801 = arith.select %lt3A_1797, %add3A_1800, %xor3A_1794 : vector<16xi1>, vector<16xi32>
    %broadcast_in_dim3A_1802 = vector.shape_cast %select_n3A_1801 : vector<16xi32> to vector<16x1xi32>
    %gather3A_1803 = vector.shape_cast %broadcast_in_dim3A_1802 : vector<16x1xi32> to vector<16xi32>
    %gather3A_1804 = tpu.dynamic_gather %add3A_1791[%gather3A_1803] in [0] : vector<16xf32>, vector<16xi32> -> vector<16xf32>
    %add3A_1805 = arith.addf %add3A_1791, %gather3A_1804 : vector<16xf32>
    %select_n3A_1806 = arith.select %eq3A_1748, %add3A_1805, %select_n3A_1745 : vector<16xi1>, vector<16xf32>
    %eq3A_1807 = arith.constant 4 : i32
    %eq3A_1808 = vector.broadcast %eq3A_1807 : i32 to vector<16xi32>
    %eq3A_1809 = arith.cmpi eq, %iota3A, %eq3A_1808 : vector<16xi32>
    %iota3A_1810 = tpu.iota {dimensions = array<i32: 0>} : vector<16xi32>
    %xor3A_1811 = arith.constant 1 : i32
    %xor3A_1812 = vector.broadcast %xor3A_1811 : i32 to vector<16xi32>
    %xor3A_1813 = arith.xori %iota3A_1810, %xor3A_1812 : vector<16xi32>
    %lt3A_1814 = arith.constant 0 : i32
    %lt3A_1815 = vector.broadcast %lt3A_1814 : i32 to vector<16xi32>
    %lt3A_1816 = arith.cmpi slt, %xor3A_1813, %lt3A_1815 : vector<16xi32>
    %add3A_1817 = arith.constant 16 : i32
    %add3A_1818 = vector.broadcast %add3A_1817 : i32 to vector<16xi32>
    %add3A_1819 = arith.addi %xor3A_1813, %add3A_1818 : vector<16xi32>
    %select_n3A_1820 = arith.select %lt3A_1816, %add3A_1819, %xor3A_1813 : vector<16xi1>, vector<16xi32>
    %broadcast_in_dim3A_1821 = vector.shape_cast %select_n3A_1820 : vector<16xi32> to vector<16x1xi32>
    %gather3A_1822 = vector.shape_cast %broadcast_in_dim3A_1821 : vector<16x1xi32> to vector<16xi32>
    %gather3A_1823 = tpu.dynamic_gather %scan3A_1559#4[%gather3A_1822] in [0] : vector<16xf32>, vector<16xi32> -> vector<16xf32>
    %add3A_1824 = arith.addf %scan3A_1559#4, %gather3A_1823 : vector<16xf32>
    %xor3A_1825 = arith.constant 2 : i32
    %xor3A_1826 = vector.broadcast %xor3A_1825 : i32 to vector<16xi32>
    %xor3A_1827 = arith.xori %iota3A_1810, %xor3A_1826 : vector<16xi32>
    %lt3A_1828 = arith.constant 0 : i32
    %lt3A_1829 = vector.broadcast %lt3A_1828 : i32 to vector<16xi32>
    %lt3A_1830 = arith.cmpi slt, %xor3A_1827, %lt3A_1829 : vector<16xi32>
    %add3A_1831 = arith.constant 16 : i32
    %add3A_1832 = vector.broadcast %add3A_1831 : i32 to vector<16xi32>
    %add3A_1833 = arith.addi %xor3A_1827, %add3A_1832 : vector<16xi32>
    %select_n3A_1834 = arith.select %lt3A_1830, %add3A_1833, %xor3A_1827 : vector<16xi1>, vector<16xi32>
    %broadcast_in_dim3A_1835 = vector.shape_cast %select_n3A_1834 : vector<16xi32> to vector<16x1xi32>
    %gather3A_1836 = vector.shape_cast %broadcast_in_dim3A_1835 : vector<16x1xi32> to vector<16xi32>
    %gather3A_1837 = tpu.dynamic_gather %add3A_1824[%gather3A_1836] in [0] : vector<16xf32>, vector<16xi32> -> vector<16xf32>
    %add3A_1838 = arith.addf %add3A_1824, %gather3A_1837 : vector<16xf32>
    %xor3A_1839 = arith.constant 4 : i32
    %xor3A_1840 = vector.broadcast %xor3A_1839 : i32 to vector<16xi32>
    %xor3A_1841 = arith.xori %iota3A_1810, %xor3A_1840 : vector<16xi32>
    %lt3A_1842 = arith.constant 0 : i32
    %lt3A_1843 = vector.broadcast %lt3A_1842 : i32 to vector<16xi32>
    %lt3A_1844 = arith.cmpi slt, %xor3A_1841, %lt3A_1843 : vector<16xi32>
    %add3A_1845 = arith.constant 16 : i32
    %add3A_1846 = vector.broadcast %add3A_1845 : i32 to vector<16xi32>
    %add3A_1847 = arith.addi %xor3A_1841, %add3A_1846 : vector<16xi32>
    %select_n3A_1848 = arith.select %lt3A_1844, %add3A_1847, %xor3A_1841 : vector<16xi1>, vector<16xi32>
    %broadcast_in_dim3A_1849 = vector.shape_cast %select_n3A_1848 : vector<16xi32> to vector<16x1xi32>
    %gather3A_1850 = vector.shape_cast %broadcast_in_dim3A_1849 : vector<16x1xi32> to vector<16xi32>
    %gather3A_1851 = tpu.dynamic_gather %add3A_1838[%gather3A_1850] in [0] : vector<16xf32>, vector<16xi32> -> vector<16xf32>
    %add3A_1852 = arith.addf %add3A_1838, %gather3A_1851 : vector<16xf32>
    %xor3A_1853 = arith.constant 8 : i32
    %xor3A_1854 = vector.broadcast %xor3A_1853 : i32 to vector<16xi32>
    %xor3A_1855 = arith.xori %iota3A_1810, %xor3A_1854 : vector<16xi32>
    %lt3A_1856 = arith.constant 0 : i32
    %lt3A_1857 = vector.broadcast %lt3A_1856 : i32 to vector<16xi32>
    %lt3A_1858 = arith.cmpi slt, %xor3A_1855, %lt3A_1857 : vector<16xi32>
    %add3A_1859 = arith.constant 16 : i32
    %add3A_1860 = vector.broadcast %add3A_1859 : i32 to vector<16xi32>
    %add3A_1861 = arith.addi %xor3A_1855, %add3A_1860 : vector<16xi32>
    %select_n3A_1862 = arith.select %lt3A_1858, %add3A_1861, %xor3A_1855 : vector<16xi1>, vector<16xi32>
    %broadcast_in_dim3A_1863 = vector.shape_cast %select_n3A_1862 : vector<16xi32> to vector<16x1xi32>
    %gather3A_1864 = vector.shape_cast %broadcast_in_dim3A_1863 : vector<16x1xi32> to vector<16xi32>
    %gather3A_1865 = tpu.dynamic_gather %add3A_1852[%gather3A_1864] in [0] : vector<16xf32>, vector<16xi32> -> vector<16xf32>
    %add3A_1866 = arith.addf %add3A_1852, %gather3A_1865 : vector<16xf32>
    %select_n3A_1867 = arith.select %eq3A_1809, %add3A_1866, %select_n3A_1806 : vector<16xi1>, vector<16xf32>
    %eq3A_1868 = arith.constant 5 : i32
    %eq3A_1869 = vector.broadcast %eq3A_1868 : i32 to vector<16xi32>
    %eq3A_1870 = arith.cmpi eq, %iota3A, %eq3A_1869 : vector<16xi32>
    %iota3A_1871 = tpu.iota {dimensions = array<i32: 0>} : vector<16xi32>
    %xor3A_1872 = arith.constant 1 : i32
    %xor3A_1873 = vector.broadcast %xor3A_1872 : i32 to vector<16xi32>
    %xor3A_1874 = arith.xori %iota3A_1871, %xor3A_1873 : vector<16xi32>
    %lt3A_1875 = arith.constant 0 : i32
    %lt3A_1876 = vector.broadcast %lt3A_1875 : i32 to vector<16xi32>
    %lt3A_1877 = arith.cmpi slt, %xor3A_1874, %lt3A_1876 : vector<16xi32>
    %add3A_1878 = arith.constant 16 : i32
    %add3A_1879 = vector.broadcast %add3A_1878 : i32 to vector<16xi32>
    %add3A_1880 = arith.addi %xor3A_1874, %add3A_1879 : vector<16xi32>
    %select_n3A_1881 = arith.select %lt3A_1877, %add3A_1880, %xor3A_1874 : vector<16xi1>, vector<16xi32>
    %broadcast_in_dim3A_1882 = vector.shape_cast %select_n3A_1881 : vector<16xi32> to vector<16x1xi32>
    %gather3A_1883 = vector.shape_cast %broadcast_in_dim3A_1882 : vector<16x1xi32> to vector<16xi32>
    %gather3A_1884 = tpu.dynamic_gather %scan3A_1559#5[%gather3A_1883] in [0] : vector<16xf32>, vector<16xi32> -> vector<16xf32>
    %add3A_1885 = arith.addf %scan3A_1559#5, %gather3A_1884 : vector<16xf32>
    %xor3A_1886 = arith.constant 2 : i32
    %xor3A_1887 = vector.broadcast %xor3A_1886 : i32 to vector<16xi32>
    %xor3A_1888 = arith.xori %iota3A_1871, %xor3A_1887 : vector<16xi32>
    %lt3A_1889 = arith.constant 0 : i32
    %lt3A_1890 = vector.broadcast %lt3A_1889 : i32 to vector<16xi32>
    %lt3A_1891 = arith.cmpi slt, %xor3A_1888, %lt3A_1890 : vector<16xi32>
    %add3A_1892 = arith.constant 16 : i32
    %add3A_1893 = vector.broadcast %add3A_1892 : i32 to vector<16xi32>
    %add3A_1894 = arith.addi %xor3A_1888, %add3A_1893 : vector<16xi32>
    %select_n3A_1895 = arith.select %lt3A_1891, %add3A_1894, %xor3A_1888 : vector<16xi1>, vector<16xi32>
    %broadcast_in_dim3A_1896 = vector.shape_cast %select_n3A_1895 : vector<16xi32> to vector<16x1xi32>
    %gather3A_1897 = vector.shape_cast %broadcast_in_dim3A_1896 : vector<16x1xi32> to vector<16xi32>
    %gather3A_1898 = tpu.dynamic_gather %add3A_1885[%gather3A_1897] in [0] : vector<16xf32>, vector<16xi32> -> vector<16xf32>
    %add3A_1899 = arith.addf %add3A_1885, %gather3A_1898 : vector<16xf32>
    %xor3A_1900 = arith.constant 4 : i32
    %xor3A_1901 = vector.broadcast %xor3A_1900 : i32 to vector<16xi32>
    %xor3A_1902 = arith.xori %iota3A_1871, %xor3A_1901 : vector<16xi32>
    %lt3A_1903 = arith.constant 0 : i32
    %lt3A_1904 = vector.broadcast %lt3A_1903 : i32 to vector<16xi32>
    %lt3A_1905 = arith.cmpi slt, %xor3A_1902, %lt3A_1904 : vector<16xi32>
    %add3A_1906 = arith.constant 16 : i32
    %add3A_1907 = vector.broadcast %add3A_1906 : i32 to vector<16xi32>
    %add3A_1908 = arith.addi %xor3A_1902, %add3A_1907 : vector<16xi32>
    %select_n3A_1909 = arith.select %lt3A_1905, %add3A_1908, %xor3A_1902 : vector<16xi1>, vector<16xi32>
    %broadcast_in_dim3A_1910 = vector.shape_cast %select_n3A_1909 : vector<16xi32> to vector<16x1xi32>
    %gather3A_1911 = vector.shape_cast %broadcast_in_dim3A_1910 : vector<16x1xi32> to vector<16xi32>
    %gather3A_1912 = tpu.dynamic_gather %add3A_1899[%gather3A_1911] in [0] : vector<16xf32>, vector<16xi32> -> vector<16xf32>
    %add3A_1913 = arith.addf %add3A_1899, %gather3A_1912 : vector<16xf32>
    %xor3A_1914 = arith.constant 8 : i32
    %xor3A_1915 = vector.broadcast %xor3A_1914 : i32 to vector<16xi32>
    %xor3A_1916 = arith.xori %iota3A_1871, %xor3A_1915 : vector<16xi32>
    %lt3A_1917 = arith.constant 0 : i32
    %lt3A_1918 = vector.broadcast %lt3A_1917 : i32 to vector<16xi32>
    %lt3A_1919 = arith.cmpi slt, %xor3A_1916, %lt3A_1918 : vector<16xi32>
    %add3A_1920 = arith.constant 16 : i32
    %add3A_1921 = vector.broadcast %add3A_1920 : i32 to vector<16xi32>
    %add3A_1922 = arith.addi %xor3A_1916, %add3A_1921 : vector<16xi32>
    %select_n3A_1923 = arith.select %lt3A_1919, %add3A_1922, %xor3A_1916 : vector<16xi1>, vector<16xi32>
    %broadcast_in_dim3A_1924 = vector.shape_cast %select_n3A_1923 : vector<16xi32> to vector<16x1xi32>
    %gather3A_1925 = vector.shape_cast %broadcast_in_dim3A_1924 : vector<16x1xi32> to vector<16xi32>
    %gather3A_1926 = tpu.dynamic_gather %add3A_1913[%gather3A_1925] in [0] : vector<16xf32>, vector<16xi32> -> vector<16xf32>
    %add3A_1927 = arith.addf %add3A_1913, %gather3A_1926 : vector<16xf32>
    %select_n3A_1928 = arith.select %eq3A_1870, %add3A_1927, %select_n3A_1867 : vector<16xi1>, vector<16xf32>
    %eq3A_1929 = arith.constant 6 : i32
    %eq3A_1930 = vector.broadcast %eq3A_1929 : i32 to vector<16xi32>
    %eq3A_1931 = arith.cmpi eq, %iota3A, %eq3A_1930 : vector<16xi32>
    %iota3A_1932 = tpu.iota {dimensions = array<i32: 0>} : vector<16xi32>
    %xor3A_1933 = arith.constant 1 : i32
    %xor3A_1934 = vector.broadcast %xor3A_1933 : i32 to vector<16xi32>
    %xor3A_1935 = arith.xori %iota3A_1932, %xor3A_1934 : vector<16xi32>
    %lt3A_1936 = arith.constant 0 : i32
    %lt3A_1937 = vector.broadcast %lt3A_1936 : i32 to vector<16xi32>
    %lt3A_1938 = arith.cmpi slt, %xor3A_1935, %lt3A_1937 : vector<16xi32>
    %add3A_1939 = arith.constant 16 : i32
    %add3A_1940 = vector.broadcast %add3A_1939 : i32 to vector<16xi32>
    %add3A_1941 = arith.addi %xor3A_1935, %add3A_1940 : vector<16xi32>
    %select_n3A_1942 = arith.select %lt3A_1938, %add3A_1941, %xor3A_1935 : vector<16xi1>, vector<16xi32>
    %broadcast_in_dim3A_1943 = vector.shape_cast %select_n3A_1942 : vector<16xi32> to vector<16x1xi32>
    %gather3A_1944 = vector.shape_cast %broadcast_in_dim3A_1943 : vector<16x1xi32> to vector<16xi32>
    %gather3A_1945 = tpu.dynamic_gather %scan3A_1559#6[%gather3A_1944] in [0] : vector<16xf32>, vector<16xi32> -> vector<16xf32>
    %add3A_1946 = arith.addf %scan3A_1559#6, %gather3A_1945 : vector<16xf32>
    %xor3A_1947 = arith.constant 2 : i32
    %xor3A_1948 = vector.broadcast %xor3A_1947 : i32 to vector<16xi32>
    %xor3A_1949 = arith.xori %iota3A_1932, %xor3A_1948 : vector<16xi32>
    %lt3A_1950 = arith.constant 0 : i32
    %lt3A_1951 = vector.broadcast %lt3A_1950 : i32 to vector<16xi32>
    %lt3A_1952 = arith.cmpi slt, %xor3A_1949, %lt3A_1951 : vector<16xi32>
    %add3A_1953 = arith.constant 16 : i32
    %add3A_1954 = vector.broadcast %add3A_1953 : i32 to vector<16xi32>
    %add3A_1955 = arith.addi %xor3A_1949, %add3A_1954 : vector<16xi32>
    %select_n3A_1956 = arith.select %lt3A_1952, %add3A_1955, %xor3A_1949 : vector<16xi1>, vector<16xi32>
    %broadcast_in_dim3A_1957 = vector.shape_cast %select_n3A_1956 : vector<16xi32> to vector<16x1xi32>
    %gather3A_1958 = vector.shape_cast %broadcast_in_dim3A_1957 : vector<16x1xi32> to vector<16xi32>
    %gather3A_1959 = tpu.dynamic_gather %add3A_1946[%gather3A_1958] in [0] : vector<16xf32>, vector<16xi32> -> vector<16xf32>
    %add3A_1960 = arith.addf %add3A_1946, %gather3A_1959 : vector<16xf32>
    %xor3A_1961 = arith.constant 4 : i32
    %xor3A_1962 = vector.broadcast %xor3A_1961 : i32 to vector<16xi32>
    %xor3A_1963 = arith.xori %iota3A_1932, %xor3A_1962 : vector<16xi32>
    %lt3A_1964 = arith.constant 0 : i32
    %lt3A_1965 = vector.broadcast %lt3A_1964 : i32 to vector<16xi32>
    %lt3A_1966 = arith.cmpi slt, %xor3A_1963, %lt3A_1965 : vector<16xi32>
    %add3A_1967 = arith.constant 16 : i32
    %add3A_1968 = vector.broadcast %add3A_1967 : i32 to vector<16xi32>
    %add3A_1969 = arith.addi %xor3A_1963, %add3A_1968 : vector<16xi32>
    %select_n3A_1970 = arith.select %lt3A_1966, %add3A_1969, %xor3A_1963 : vector<16xi1>, vector<16xi32>
    %broadcast_in_dim3A_1971 = vector.shape_cast %select_n3A_1970 : vector<16xi32> to vector<16x1xi32>
    %gather3A_1972 = vector.shape_cast %broadcast_in_dim3A_1971 : vector<16x1xi32> to vector<16xi32>
    %gather3A_1973 = tpu.dynamic_gather %add3A_1960[%gather3A_1972] in [0] : vector<16xf32>, vector<16xi32> -> vector<16xf32>
    %add3A_1974 = arith.addf %add3A_1960, %gather3A_1973 : vector<16xf32>
    %xor3A_1975 = arith.constant 8 : i32
    %xor3A_1976 = vector.broadcast %xor3A_1975 : i32 to vector<16xi32>
    %xor3A_1977 = arith.xori %iota3A_1932, %xor3A_1976 : vector<16xi32>
    %lt3A_1978 = arith.constant 0 : i32
    %lt3A_1979 = vector.broadcast %lt3A_1978 : i32 to vector<16xi32>
    %lt3A_1980 = arith.cmpi slt, %xor3A_1977, %lt3A_1979 : vector<16xi32>
    %add3A_1981 = arith.constant 16 : i32
    %add3A_1982 = vector.broadcast %add3A_1981 : i32 to vector<16xi32>
    %add3A_1983 = arith.addi %xor3A_1977, %add3A_1982 : vector<16xi32>
    %select_n3A_1984 = arith.select %lt3A_1980, %add3A_1983, %xor3A_1977 : vector<16xi1>, vector<16xi32>
    %broadcast_in_dim3A_1985 = vector.shape_cast %select_n3A_1984 : vector<16xi32> to vector<16x1xi32>
    %gather3A_1986 = vector.shape_cast %broadcast_in_dim3A_1985 : vector<16x1xi32> to vector<16xi32>
    %gather3A_1987 = tpu.dynamic_gather %add3A_1974[%gather3A_1986] in [0] : vector<16xf32>, vector<16xi32> -> vector<16xf32>
    %add3A_1988 = arith.addf %add3A_1974, %gather3A_1987 : vector<16xf32>
    %select_n3A_1989 = arith.select %eq3A_1931, %add3A_1988, %select_n3A_1928 : vector<16xi1>, vector<16xf32>
    %eq3A_1990 = arith.constant 7 : i32
    %eq3A_1991 = vector.broadcast %eq3A_1990 : i32 to vector<16xi32>
    %eq3A_1992 = arith.cmpi eq, %iota3A, %eq3A_1991 : vector<16xi32>
    %iota3A_1993 = tpu.iota {dimensions = array<i32: 0>} : vector<16xi32>
    %xor3A_1994 = arith.constant 1 : i32
    %xor3A_1995 = vector.broadcast %xor3A_1994 : i32 to vector<16xi32>
    %xor3A_1996 = arith.xori %iota3A_1993, %xor3A_1995 : vector<16xi32>
    %lt3A_1997 = arith.constant 0 : i32
    %lt3A_1998 = vector.broadcast %lt3A_1997 : i32 to vector<16xi32>
    %lt3A_1999 = arith.cmpi slt, %xor3A_1996, %lt3A_1998 : vector<16xi32>
    %add3A_2000 = arith.constant 16 : i32
    %add3A_2001 = vector.broadcast %add3A_2000 : i32 to vector<16xi32>
    %add3A_2002 = arith.addi %xor3A_1996, %add3A_2001 : vector<16xi32>
    %select_n3A_2003 = arith.select %lt3A_1999, %add3A_2002, %xor3A_1996 : vector<16xi1>, vector<16xi32>
    %broadcast_in_dim3A_2004 = vector.shape_cast %select_n3A_2003 : vector<16xi32> to vector<16x1xi32>
    %gather3A_2005 = vector.shape_cast %broadcast_in_dim3A_2004 : vector<16x1xi32> to vector<16xi32>
    %gather3A_2006 = tpu.dynamic_gather %scan3A_1559#7[%gather3A_2005] in [0] : vector<16xf32>, vector<16xi32> -> vector<16xf32>
    %add3A_2007 = arith.addf %scan3A_1559#7, %gather3A_2006 : vector<16xf32>
    %xor3A_2008 = arith.constant 2 : i32
    %xor3A_2009 = vector.broadcast %xor3A_2008 : i32 to vector<16xi32>
    %xor3A_2010 = arith.xori %iota3A_1993, %xor3A_2009 : vector<16xi32>
    %lt3A_2011 = arith.constant 0 : i32
    %lt3A_2012 = vector.broadcast %lt3A_2011 : i32 to vector<16xi32>
    %lt3A_2013 = arith.cmpi slt, %xor3A_2010, %lt3A_2012 : vector<16xi32>
    %add3A_2014 = arith.constant 16 : i32
    %add3A_2015 = vector.broadcast %add3A_2014 : i32 to vector<16xi32>
    %add3A_2016 = arith.addi %xor3A_2010, %add3A_2015 : vector<16xi32>
    %select_n3A_2017 = arith.select %lt3A_2013, %add3A_2016, %xor3A_2010 : vector<16xi1>, vector<16xi32>
    %broadcast_in_dim3A_2018 = vector.shape_cast %select_n3A_2017 : vector<16xi32> to vector<16x1xi32>
    %gather3A_2019 = vector.shape_cast %broadcast_in_dim3A_2018 : vector<16x1xi32> to vector<16xi32>
    %gather3A_2020 = tpu.dynamic_gather %add3A_2007[%gather3A_2019] in [0] : vector<16xf32>, vector<16xi32> -> vector<16xf32>
    %add3A_2021 = arith.addf %add3A_2007, %gather3A_2020 : vector<16xf32>
    %xor3A_2022 = arith.constant 4 : i32
    %xor3A_2023 = vector.broadcast %xor3A_2022 : i32 to vector<16xi32>
    %xor3A_2024 = arith.xori %iota3A_1993, %xor3A_2023 : vector<16xi32>
    %lt3A_2025 = arith.constant 0 : i32
    %lt3A_2026 = vector.broadcast %lt3A_2025 : i32 to vector<16xi32>
    %lt3A_2027 = arith.cmpi slt, %xor3A_2024, %lt3A_2026 : vector<16xi32>
    %add3A_2028 = arith.constant 16 : i32
    %add3A_2029 = vector.broadcast %add3A_2028 : i32 to vector<16xi32>
    %add3A_2030 = arith.addi %xor3A_2024, %add3A_2029 : vector<16xi32>
    %select_n3A_2031 = arith.select %lt3A_2027, %add3A_2030, %xor3A_2024 : vector<16xi1>, vector<16xi32>
    %broadcast_in_dim3A_2032 = vector.shape_cast %select_n3A_2031 : vector<16xi32> to vector<16x1xi32>
    %gather3A_2033 = vector.shape_cast %broadcast_in_dim3A_2032 : vector<16x1xi32> to vector<16xi32>
    %gather3A_2034 = tpu.dynamic_gather %add3A_2021[%gather3A_2033] in [0] : vector<16xf32>, vector<16xi32> -> vector<16xf32>
    %add3A_2035 = arith.addf %add3A_2021, %gather3A_2034 : vector<16xf32>
    %xor3A_2036 = arith.constant 8 : i32
    %xor3A_2037 = vector.broadcast %xor3A_2036 : i32 to vector<16xi32>
    %xor3A_2038 = arith.xori %iota3A_1993, %xor3A_2037 : vector<16xi32>
    %lt3A_2039 = arith.constant 0 : i32
    %lt3A_2040 = vector.broadcast %lt3A_2039 : i32 to vector<16xi32>
    %lt3A_2041 = arith.cmpi slt, %xor3A_2038, %lt3A_2040 : vector<16xi32>
    %add3A_2042 = arith.constant 16 : i32
    %add3A_2043 = vector.broadcast %add3A_2042 : i32 to vector<16xi32>
    %add3A_2044 = arith.addi %xor3A_2038, %add3A_2043 : vector<16xi32>
    %select_n3A_2045 = arith.select %lt3A_2041, %add3A_2044, %xor3A_2038 : vector<16xi1>, vector<16xi32>
    %broadcast_in_dim3A_2046 = vector.shape_cast %select_n3A_2045 : vector<16xi32> to vector<16x1xi32>
    %gather3A_2047 = vector.shape_cast %broadcast_in_dim3A_2046 : vector<16x1xi32> to vector<16xi32>
    %gather3A_2048 = tpu.dynamic_gather %add3A_2035[%gather3A_2047] in [0] : vector<16xf32>, vector<16xi32> -> vector<16xf32>
    %add3A_2049 = arith.addf %add3A_2035, %gather3A_2048 : vector<16xf32>
    %select_n3A_2050 = arith.select %eq3A_1992, %add3A_2049, %select_n3A_1989 : vector<16xi1>, vector<16xf32>
    %iota3A_2051 = tpu.iota {dimensions = array<i32: 0>} : vector<16xi32>
    %xor3A_2052 = arith.constant 1 : i32
    %xor3A_2053 = vector.broadcast %xor3A_2052 : i32 to vector<16xi32>
    %xor3A_2054 = arith.xori %iota3A_2051, %xor3A_2053 : vector<16xi32>
    %lt3A_2055 = arith.constant 0 : i32
    %lt3A_2056 = vector.broadcast %lt3A_2055 : i32 to vector<16xi32>
    %lt3A_2057 = arith.cmpi slt, %xor3A_2054, %lt3A_2056 : vector<16xi32>
    %add3A_2058 = arith.constant 16 : i32
    %add3A_2059 = vector.broadcast %add3A_2058 : i32 to vector<16xi32>
    %add3A_2060 = arith.addi %xor3A_2054, %add3A_2059 : vector<16xi32>
    %select_n3A_2061 = arith.select %lt3A_2057, %add3A_2060, %xor3A_2054 : vector<16xi1>, vector<16xi32>
    %broadcast_in_dim3A_2062 = vector.shape_cast %select_n3A_2061 : vector<16xi32> to vector<16x1xi32>
    %gather3A_2063 = vector.shape_cast %broadcast_in_dim3A_2062 : vector<16x1xi32> to vector<16xi32>
    %gather3A_2064 = tpu.dynamic_gather %select_n3A_2050[%gather3A_2063] in [0] : vector<16xf32>, vector<16xi32> -> vector<16xf32>
    %max3A_2065 = arith.maximumf %select_n3A_2050, %gather3A_2064 : vector<16xf32>
    %xor3A_2066 = arith.constant 2 : i32
    %xor3A_2067 = vector.broadcast %xor3A_2066 : i32 to vector<16xi32>
    %xor3A_2068 = arith.xori %iota3A_2051, %xor3A_2067 : vector<16xi32>
    %lt3A_2069 = arith.constant 0 : i32
    %lt3A_2070 = vector.broadcast %lt3A_2069 : i32 to vector<16xi32>
    %lt3A_2071 = arith.cmpi slt, %xor3A_2068, %lt3A_2070 : vector<16xi32>
    %add3A_2072 = arith.constant 16 : i32
    %add3A_2073 = vector.broadcast %add3A_2072 : i32 to vector<16xi32>
    %add3A_2074 = arith.addi %xor3A_2068, %add3A_2073 : vector<16xi32>
    %select_n3A_2075 = arith.select %lt3A_2071, %add3A_2074, %xor3A_2068 : vector<16xi1>, vector<16xi32>
    %broadcast_in_dim3A_2076 = vector.shape_cast %select_n3A_2075 : vector<16xi32> to vector<16x1xi32>
    %gather3A_2077 = vector.shape_cast %broadcast_in_dim3A_2076 : vector<16x1xi32> to vector<16xi32>
    %gather3A_2078 = tpu.dynamic_gather %max3A_2065[%gather3A_2077] in [0] : vector<16xf32>, vector<16xi32> -> vector<16xf32>
    %max3A_2079 = arith.maximumf %max3A_2065, %gather3A_2078 : vector<16xf32>
    %xor3A_2080 = arith.constant 4 : i32
    %xor3A_2081 = vector.broadcast %xor3A_2080 : i32 to vector<16xi32>
    %xor3A_2082 = arith.xori %iota3A_2051, %xor3A_2081 : vector<16xi32>
    %lt3A_2083 = arith.constant 0 : i32
    %lt3A_2084 = vector.broadcast %lt3A_2083 : i32 to vector<16xi32>
    %lt3A_2085 = arith.cmpi slt, %xor3A_2082, %lt3A_2084 : vector<16xi32>
    %add3A_2086 = arith.constant 16 : i32
    %add3A_2087 = vector.broadcast %add3A_2086 : i32 to vector<16xi32>
    %add3A_2088 = arith.addi %xor3A_2082, %add3A_2087 : vector<16xi32>
    %select_n3A_2089 = arith.select %lt3A_2085, %add3A_2088, %xor3A_2082 : vector<16xi1>, vector<16xi32>
    %broadcast_in_dim3A_2090 = vector.shape_cast %select_n3A_2089 : vector<16xi32> to vector<16x1xi32>
    %gather3A_2091 = vector.shape_cast %broadcast_in_dim3A_2090 : vector<16x1xi32> to vector<16xi32>
    %gather3A_2092 = tpu.dynamic_gather %max3A_2079[%gather3A_2091] in [0] : vector<16xf32>, vector<16xi32> -> vector<16xf32>
    %max3A_2093 = arith.maximumf %max3A_2079, %gather3A_2092 : vector<16xf32>
    %xor3A_2094 = arith.constant 8 : i32
    %xor3A_2095 = vector.broadcast %xor3A_2094 : i32 to vector<16xi32>
    %xor3A_2096 = arith.xori %iota3A_2051, %xor3A_2095 : vector<16xi32>
    %lt3A_2097 = arith.constant 0 : i32
    %lt3A_2098 = vector.broadcast %lt3A_2097 : i32 to vector<16xi32>
    %lt3A_2099 = arith.cmpi slt, %xor3A_2096, %lt3A_2098 : vector<16xi32>
    %add3A_2100 = arith.constant 16 : i32
    %add3A_2101 = vector.broadcast %add3A_2100 : i32 to vector<16xi32>
    %add3A_2102 = arith.addi %xor3A_2096, %add3A_2101 : vector<16xi32>
    %select_n3A_2103 = arith.select %lt3A_2099, %add3A_2102, %xor3A_2096 : vector<16xi1>, vector<16xi32>
    %broadcast_in_dim3A_2104 = vector.shape_cast %select_n3A_2103 : vector<16xi32> to vector<16x1xi32>
    %gather3A_2105 = vector.shape_cast %broadcast_in_dim3A_2104 : vector<16x1xi32> to vector<16xi32>
    %gather3A_2106 = tpu.dynamic_gather %max3A_2093[%gather3A_2105] in [0] : vector<16xf32>, vector<16xi32> -> vector<16xf32>
    %max3A_2107 = arith.maximumf %max3A_2093, %gather3A_2106 : vector<16xf32>
    %eq3A_2108 = arith.cmpf oeq, %select_n3A_2050, %max3A_2107 : vector<16xf32>
    %jit3A_2109 = arith.constant 16 : i32
    %broadcast_in_dim3A_2110 = vector.broadcast %jit3A_2109 : i32 to vector<16xi32>
    %select_n3A_2111 = arith.select %eq3A_2108, %iota3A, %broadcast_in_dim3A_2110 : vector<16xi1>, vector<16xi32>
    %iota3A_2112 = tpu.iota {dimensions = array<i32: 0>} : vector<16xi32>
    %xor3A_2113 = arith.constant 1 : i32
    %xor3A_2114 = vector.broadcast %xor3A_2113 : i32 to vector<16xi32>
    %xor3A_2115 = arith.xori %iota3A_2112, %xor3A_2114 : vector<16xi32>
    %lt3A_2116 = arith.constant 0 : i32
    %lt3A_2117 = vector.broadcast %lt3A_2116 : i32 to vector<16xi32>
    %lt3A_2118 = arith.cmpi slt, %xor3A_2115, %lt3A_2117 : vector<16xi32>
    %add3A_2119 = arith.constant 16 : i32
    %add3A_2120 = vector.broadcast %add3A_2119 : i32 to vector<16xi32>
    %add3A_2121 = arith.addi %xor3A_2115, %add3A_2120 : vector<16xi32>
    %select_n3A_2122 = arith.select %lt3A_2118, %add3A_2121, %xor3A_2115 : vector<16xi1>, vector<16xi32>
    %broadcast_in_dim3A_2123 = vector.shape_cast %select_n3A_2122 : vector<16xi32> to vector<16x1xi32>
    %gather3A_2124 = vector.shape_cast %broadcast_in_dim3A_2123 : vector<16x1xi32> to vector<16xi32>
    %gather3A_2125 = tpu.dynamic_gather %select_n3A_2111[%gather3A_2124] in [0] : vector<16xi32>, vector<16xi32> -> vector<16xi32>
    %min3A_2126 = arith.minsi %select_n3A_2111, %gather3A_2125 : vector<16xi32>
    %xor3A_2127 = arith.constant 2 : i32
    %xor3A_2128 = vector.broadcast %xor3A_2127 : i32 to vector<16xi32>
    %xor3A_2129 = arith.xori %iota3A_2112, %xor3A_2128 : vector<16xi32>
    %lt3A_2130 = arith.constant 0 : i32
    %lt3A_2131 = vector.broadcast %lt3A_2130 : i32 to vector<16xi32>
    %lt3A_2132 = arith.cmpi slt, %xor3A_2129, %lt3A_2131 : vector<16xi32>
    %add3A_2133 = arith.constant 16 : i32
    %add3A_2134 = vector.broadcast %add3A_2133 : i32 to vector<16xi32>
    %add3A_2135 = arith.addi %xor3A_2129, %add3A_2134 : vector<16xi32>
    %select_n3A_2136 = arith.select %lt3A_2132, %add3A_2135, %xor3A_2129 : vector<16xi1>, vector<16xi32>
    %broadcast_in_dim3A_2137 = vector.shape_cast %select_n3A_2136 : vector<16xi32> to vector<16x1xi32>
    %gather3A_2138 = vector.shape_cast %broadcast_in_dim3A_2137 : vector<16x1xi32> to vector<16xi32>
    %gather3A_2139 = tpu.dynamic_gather %min3A_2126[%gather3A_2138] in [0] : vector<16xi32>, vector<16xi32> -> vector<16xi32>
    %min3A_2140 = arith.minsi %min3A_2126, %gather3A_2139 : vector<16xi32>
    %xor3A_2141 = arith.constant 4 : i32
    %xor3A_2142 = vector.broadcast %xor3A_2141 : i32 to vector<16xi32>
    %xor3A_2143 = arith.xori %iota3A_2112, %xor3A_2142 : vector<16xi32>
    %lt3A_2144 = arith.constant 0 : i32
    %lt3A_2145 = vector.broadcast %lt3A_2144 : i32 to vector<16xi32>
    %lt3A_2146 = arith.cmpi slt, %xor3A_2143, %lt3A_2145 : vector<16xi32>
    %add3A_2147 = arith.constant 16 : i32
    %add3A_2148 = vector.broadcast %add3A_2147 : i32 to vector<16xi32>
    %add3A_2149 = arith.addi %xor3A_2143, %add3A_2148 : vector<16xi32>
    %select_n3A_2150 = arith.select %lt3A_2146, %add3A_2149, %xor3A_2143 : vector<16xi1>, vector<16xi32>
    %broadcast_in_dim3A_2151 = vector.shape_cast %select_n3A_2150 : vector<16xi32> to vector<16x1xi32>
    %gather3A_2152 = vector.shape_cast %broadcast_in_dim3A_2151 : vector<16x1xi32> to vector<16xi32>
    %gather3A_2153 = tpu.dynamic_gather %min3A_2140[%gather3A_2152] in [0] : vector<16xi32>, vector<16xi32> -> vector<16xi32>
    %min3A_2154 = arith.minsi %min3A_2140, %gather3A_2153 : vector<16xi32>
    %xor3A_2155 = arith.constant 8 : i32
    %xor3A_2156 = vector.broadcast %xor3A_2155 : i32 to vector<16xi32>
    %xor3A_2157 = arith.xori %iota3A_2112, %xor3A_2156 : vector<16xi32>
    %lt3A_2158 = arith.constant 0 : i32
    %lt3A_2159 = vector.broadcast %lt3A_2158 : i32 to vector<16xi32>
    %lt3A_2160 = arith.cmpi slt, %xor3A_2157, %lt3A_2159 : vector<16xi32>
    %add3A_2161 = arith.constant 16 : i32
    %add3A_2162 = vector.broadcast %add3A_2161 : i32 to vector<16xi32>
    %add3A_2163 = arith.addi %xor3A_2157, %add3A_2162 : vector<16xi32>
    %select_n3A_2164 = arith.select %lt3A_2160, %add3A_2163, %xor3A_2157 : vector<16xi1>, vector<16xi32>
    %broadcast_in_dim3A_2165 = vector.shape_cast %select_n3A_2164 : vector<16xi32> to vector<16x1xi32>
    %gather3A_2166 = vector.shape_cast %broadcast_in_dim3A_2165 : vector<16x1xi32> to vector<16xi32>
    %gather3A_2167 = tpu.dynamic_gather %min3A_2154[%gather3A_2166] in [0] : vector<16xi32>, vector<16xi32> -> vector<16xi32>
    %min3A_2168 = arith.minsi %min3A_2154, %gather3A_2167 : vector<16xi32>
    %eq3A_2169 = arith.cmpi eq, %iota3A, %min3A_2168 : vector<16xi32>
    %jit3A_2170 = arith.constant 0xFF800000 : f32
    %broadcast_in_dim3A_2171 = vector.broadcast %jit3A_2170 : f32 to vector<16xf32>
    %select_n3A_2172 = arith.select %eq3A_2169, %broadcast_in_dim3A_2171, %select_n3A_2050 : vector<16xi1>, vector<16xf32>
    %iota3A_2173 = tpu.iota {dimensions = array<i32: 0>} : vector<16xi32>
    %xor3A_2174 = arith.constant 1 : i32
    %xor3A_2175 = vector.broadcast %xor3A_2174 : i32 to vector<16xi32>
    %xor3A_2176 = arith.xori %iota3A_2173, %xor3A_2175 : vector<16xi32>
    %lt3A_2177 = arith.constant 0 : i32
    %lt3A_2178 = vector.broadcast %lt3A_2177 : i32 to vector<16xi32>
    %lt3A_2179 = arith.cmpi slt, %xor3A_2176, %lt3A_2178 : vector<16xi32>
    %add3A_2180 = arith.constant 16 : i32
    %add3A_2181 = vector.broadcast %add3A_2180 : i32 to vector<16xi32>
    %add3A_2182 = arith.addi %xor3A_2176, %add3A_2181 : vector<16xi32>
    %select_n3A_2183 = arith.select %lt3A_2179, %add3A_2182, %xor3A_2176 : vector<16xi1>, vector<16xi32>
    %broadcast_in_dim3A_2184 = vector.shape_cast %select_n3A_2183 : vector<16xi32> to vector<16x1xi32>
    %gather3A_2185 = vector.shape_cast %broadcast_in_dim3A_2184 : vector<16x1xi32> to vector<16xi32>
    %gather3A_2186 = tpu.dynamic_gather %select_n3A_2172[%gather3A_2185] in [0] : vector<16xf32>, vector<16xi32> -> vector<16xf32>
    %max3A_2187 = arith.maximumf %select_n3A_2172, %gather3A_2186 : vector<16xf32>
    %xor3A_2188 = arith.constant 2 : i32
    %xor3A_2189 = vector.broadcast %xor3A_2188 : i32 to vector<16xi32>
    %xor3A_2190 = arith.xori %iota3A_2173, %xor3A_2189 : vector<16xi32>
    %lt3A_2191 = arith.constant 0 : i32
    %lt3A_2192 = vector.broadcast %lt3A_2191 : i32 to vector<16xi32>
    %lt3A_2193 = arith.cmpi slt, %xor3A_2190, %lt3A_2192 : vector<16xi32>
    %add3A_2194 = arith.constant 16 : i32
    %add3A_2195 = vector.broadcast %add3A_2194 : i32 to vector<16xi32>
    %add3A_2196 = arith.addi %xor3A_2190, %add3A_2195 : vector<16xi32>
    %select_n3A_2197 = arith.select %lt3A_2193, %add3A_2196, %xor3A_2190 : vector<16xi1>, vector<16xi32>
    %broadcast_in_dim3A_2198 = vector.shape_cast %select_n3A_2197 : vector<16xi32> to vector<16x1xi32>
    %gather3A_2199 = vector.shape_cast %broadcast_in_dim3A_2198 : vector<16x1xi32> to vector<16xi32>
    %gather3A_2200 = tpu.dynamic_gather %max3A_2187[%gather3A_2199] in [0] : vector<16xf32>, vector<16xi32> -> vector<16xf32>
    %max3A_2201 = arith.maximumf %max3A_2187, %gather3A_2200 : vector<16xf32>
    %xor3A_2202 = arith.constant 4 : i32
    %xor3A_2203 = vector.broadcast %xor3A_2202 : i32 to vector<16xi32>
    %xor3A_2204 = arith.xori %iota3A_2173, %xor3A_2203 : vector<16xi32>
    %lt3A_2205 = arith.constant 0 : i32
    %lt3A_2206 = vector.broadcast %lt3A_2205 : i32 to vector<16xi32>
    %lt3A_2207 = arith.cmpi slt, %xor3A_2204, %lt3A_2206 : vector<16xi32>
    %add3A_2208 = arith.constant 16 : i32
    %add3A_2209 = vector.broadcast %add3A_2208 : i32 to vector<16xi32>
    %add3A_2210 = arith.addi %xor3A_2204, %add3A_2209 : vector<16xi32>
    %select_n3A_2211 = arith.select %lt3A_2207, %add3A_2210, %xor3A_2204 : vector<16xi1>, vector<16xi32>
    %broadcast_in_dim3A_2212 = vector.shape_cast %select_n3A_2211 : vector<16xi32> to vector<16x1xi32>
    %gather3A_2213 = vector.shape_cast %broadcast_in_dim3A_2212 : vector<16x1xi32> to vector<16xi32>
    %gather3A_2214 = tpu.dynamic_gather %max3A_2201[%gather3A_2213] in [0] : vector<16xf32>, vector<16xi32> -> vector<16xf32>
    %max3A_2215 = arith.maximumf %max3A_2201, %gather3A_2214 : vector<16xf32>
    %xor3A_2216 = arith.constant 8 : i32
    %xor3A_2217 = vector.broadcast %xor3A_2216 : i32 to vector<16xi32>
    %xor3A_2218 = arith.xori %iota3A_2173, %xor3A_2217 : vector<16xi32>
    %lt3A_2219 = arith.constant 0 : i32
    %lt3A_2220 = vector.broadcast %lt3A_2219 : i32 to vector<16xi32>
    %lt3A_2221 = arith.cmpi slt, %xor3A_2218, %lt3A_2220 : vector<16xi32>
    %add3A_2222 = arith.constant 16 : i32
    %add3A_2223 = vector.broadcast %add3A_2222 : i32 to vector<16xi32>
    %add3A_2224 = arith.addi %xor3A_2218, %add3A_2223 : vector<16xi32>
    %select_n3A_2225 = arith.select %lt3A_2221, %add3A_2224, %xor3A_2218 : vector<16xi1>, vector<16xi32>
    %broadcast_in_dim3A_2226 = vector.shape_cast %select_n3A_2225 : vector<16xi32> to vector<16x1xi32>
    %gather3A_2227 = vector.shape_cast %broadcast_in_dim3A_2226 : vector<16x1xi32> to vector<16xi32>
    %gather3A_2228 = tpu.dynamic_gather %max3A_2215[%gather3A_2227] in [0] : vector<16xf32>, vector<16xi32> -> vector<16xf32>
    %max3A_2229 = arith.maximumf %max3A_2215, %gather3A_2228 : vector<16xf32>
    %eq3A_2230 = arith.cmpf oeq, %select_n3A_2172, %max3A_2229 : vector<16xf32>
    %jit3A_2231 = arith.constant 16 : i32
    %broadcast_in_dim3A_2232 = vector.broadcast %jit3A_2231 : i32 to vector<16xi32>
    %select_n3A_2233 = arith.select %eq3A_2230, %iota3A, %broadcast_in_dim3A_2232 : vector<16xi1>, vector<16xi32>
    %iota3A_2234 = tpu.iota {dimensions = array<i32: 0>} : vector<16xi32>
    %xor3A_2235 = arith.constant 1 : i32
    %xor3A_2236 = vector.broadcast %xor3A_2235 : i32 to vector<16xi32>
    %xor3A_2237 = arith.xori %iota3A_2234, %xor3A_2236 : vector<16xi32>
    %lt3A_2238 = arith.constant 0 : i32
    %lt3A_2239 = vector.broadcast %lt3A_2238 : i32 to vector<16xi32>
    %lt3A_2240 = arith.cmpi slt, %xor3A_2237, %lt3A_2239 : vector<16xi32>
    %add3A_2241 = arith.constant 16 : i32
    %add3A_2242 = vector.broadcast %add3A_2241 : i32 to vector<16xi32>
    %add3A_2243 = arith.addi %xor3A_2237, %add3A_2242 : vector<16xi32>
    %select_n3A_2244 = arith.select %lt3A_2240, %add3A_2243, %xor3A_2237 : vector<16xi1>, vector<16xi32>
    %broadcast_in_dim3A_2245 = vector.shape_cast %select_n3A_2244 : vector<16xi32> to vector<16x1xi32>
    %gather3A_2246 = vector.shape_cast %broadcast_in_dim3A_2245 : vector<16x1xi32> to vector<16xi32>
    %gather3A_2247 = tpu.dynamic_gather %select_n3A_2233[%gather3A_2246] in [0] : vector<16xi32>, vector<16xi32> -> vector<16xi32>
    %min3A_2248 = arith.minsi %select_n3A_2233, %gather3A_2247 : vector<16xi32>
    %xor3A_2249 = arith.constant 2 : i32
    %xor3A_2250 = vector.broadcast %xor3A_2249 : i32 to vector<16xi32>
    %xor3A_2251 = arith.xori %iota3A_2234, %xor3A_2250 : vector<16xi32>
    %lt3A_2252 = arith.constant 0 : i32
    %lt3A_2253 = vector.broadcast %lt3A_2252 : i32 to vector<16xi32>
    %lt3A_2254 = arith.cmpi slt, %xor3A_2251, %lt3A_2253 : vector<16xi32>
    %add3A_2255 = arith.constant 16 : i32
    %add3A_2256 = vector.broadcast %add3A_2255 : i32 to vector<16xi32>
    %add3A_2257 = arith.addi %xor3A_2251, %add3A_2256 : vector<16xi32>
    %select_n3A_2258 = arith.select %lt3A_2254, %add3A_2257, %xor3A_2251 : vector<16xi1>, vector<16xi32>
    %broadcast_in_dim3A_2259 = vector.shape_cast %select_n3A_2258 : vector<16xi32> to vector<16x1xi32>
    %gather3A_2260 = vector.shape_cast %broadcast_in_dim3A_2259 : vector<16x1xi32> to vector<16xi32>
    %gather3A_2261 = tpu.dynamic_gather %min3A_2248[%gather3A_2260] in [0] : vector<16xi32>, vector<16xi32> -> vector<16xi32>
    %min3A_2262 = arith.minsi %min3A_2248, %gather3A_2261 : vector<16xi32>
    %xor3A_2263 = arith.constant 4 : i32
    %xor3A_2264 = vector.broadcast %xor3A_2263 : i32 to vector<16xi32>
    %xor3A_2265 = arith.xori %iota3A_2234, %xor3A_2264 : vector<16xi32>
    %lt3A_2266 = arith.constant 0 : i32
    %lt3A_2267 = vector.broadcast %lt3A_2266 : i32 to vector<16xi32>
    %lt3A_2268 = arith.cmpi slt, %xor3A_2265, %lt3A_2267 : vector<16xi32>
    %add3A_2269 = arith.constant 16 : i32
    %add3A_2270 = vector.broadcast %add3A_2269 : i32 to vector<16xi32>
    %add3A_2271 = arith.addi %xor3A_2265, %add3A_2270 : vector<16xi32>
    %select_n3A_2272 = arith.select %lt3A_2268, %add3A_2271, %xor3A_2265 : vector<16xi1>, vector<16xi32>
    %broadcast_in_dim3A_2273 = vector.shape_cast %select_n3A_2272 : vector<16xi32> to vector<16x1xi32>
    %gather3A_2274 = vector.shape_cast %broadcast_in_dim3A_2273 : vector<16x1xi32> to vector<16xi32>
    %gather3A_2275 = tpu.dynamic_gather %min3A_2262[%gather3A_2274] in [0] : vector<16xi32>, vector<16xi32> -> vector<16xi32>
    %min3A_2276 = arith.minsi %min3A_2262, %gather3A_2275 : vector<16xi32>
    %xor3A_2277 = arith.constant 8 : i32
    %xor3A_2278 = vector.broadcast %xor3A_2277 : i32 to vector<16xi32>
    %xor3A_2279 = arith.xori %iota3A_2234, %xor3A_2278 : vector<16xi32>
    %lt3A_2280 = arith.constant 0 : i32
    %lt3A_2281 = vector.broadcast %lt3A_2280 : i32 to vector<16xi32>
    %lt3A_2282 = arith.cmpi slt, %xor3A_2279, %lt3A_2281 : vector<16xi32>
    %add3A_2283 = arith.constant 16 : i32
    %add3A_2284 = vector.broadcast %add3A_2283 : i32 to vector<16xi32>
    %add3A_2285 = arith.addi %xor3A_2279, %add3A_2284 : vector<16xi32>
    %select_n3A_2286 = arith.select %lt3A_2282, %add3A_2285, %xor3A_2279 : vector<16xi1>, vector<16xi32>
    %broadcast_in_dim3A_2287 = vector.shape_cast %select_n3A_2286 : vector<16xi32> to vector<16x1xi32>
    %gather3A_2288 = vector.shape_cast %broadcast_in_dim3A_2287 : vector<16x1xi32> to vector<16xi32>
    %gather3A_2289 = tpu.dynamic_gather %min3A_2276[%gather3A_2288] in [0] : vector<16xi32>, vector<16xi32> -> vector<16xi32>
    %min3A_2290 = arith.minsi %min3A_2276, %gather3A_2289 : vector<16xi32>
    %sub3A_2291 = arith.subf %max3A_2229, %max3A_2107 : vector<16xf32>
    %exp3A_2292 = math.exp %sub3A_2291 : vector<16xf32>
    %add3A_2293 = arith.constant 1.000000e+00 : f32
    %add3A_2294 = vector.broadcast %add3A_2293 : f32 to vector<16xf32>
    %add3A_2295 = arith.addf %add3A_2294, %exp3A_2292 : vector<16xf32>
    %div3A_2296 = arith.constant 1.000000e+00 : f32
    %div3A_2297 = vector.broadcast %div3A_2296 : f32 to vector<16xf32>
    %div3A_2298 = arith.divf %div3A_2297, %add3A_2295 : vector<16xf32>
    %eq3A_2299 = arith.cmpi eq, %iota3A, %min3A_2168 : vector<16xi32>
    %eq3A_2300 = arith.cmpi eq, %iota3A, %min3A_2290 : vector<16xi32>
    %sub3A_2301 = arith.constant 1.000000e+00 : f32
    %sub3A_2302 = vector.broadcast %sub3A_2301 : f32 to vector<16xf32>
    %sub3A_2303 = arith.subf %sub3A_2302, %div3A_2298 : vector<16xf32>
    %broadcast_in_dim3A_2304 = arith.constant 0.000000e+00 : f32
    %broadcast_in_dim3A_2305 = vector.broadcast %broadcast_in_dim3A_2304 : f32 to vector<16xf32>
    %select_n3A_2306 = arith.select %eq3A_2300, %sub3A_2303, %broadcast_in_dim3A_2305 : vector<16xi1>, vector<16xf32>
    %select_n3A_2307 = arith.select %eq3A_2299, %div3A_2298, %select_n3A_2306 : vector<16xi1>, vector<16xf32>
    %swap3A_2308 = arith.constant 2 : i32
    %swap3A_2309 = arith.index_cast %swap3A_2308 : i32 to index
    %swap3A_2310 = arith.constant 0 : index
    %swap3A_2311 = tpu.vector_load %arg7[%swap3A_2309, %swap3A_2310] {strides = array<i32>} : memref<4x16xf32, #tpu.memory_space<vmem>>, vector<1x16xf32>,
    %swap3A_2312 = vector.shape_cast %swap3A_2311 : vector<1x16xf32> to vector<16xf32>
    %swap3A_2313 = vector.shape_cast %select_n3A_2307 : vector<16xf32> to vector<1x16xf32>
    tpu.vector_store %arg7[%swap3A_2309, %swap3A_2310], %swap3A_2313 {strides = array<i32>} : memref<4x16xf32, #tpu.memory_space<vmem>>, vector<1x16xf32>,
    %broadcast_in_dim3A_2314 = arith.constant 0.000000e+00 : f32
    %broadcast_in_dim3A_2315 = vector.broadcast %broadcast_in_dim3A_2314 : f32 to vector<16xf32>
    %broadcast_in_dim3A_2316 = arith.constant 0.000000e+00 : f32
    %broadcast_in_dim3A_2317 = vector.broadcast %broadcast_in_dim3A_2316 : f32 to vector<16xf32>
    %broadcast_in_dim3A_2318 = arith.constant 0.000000e+00 : f32
    %broadcast_in_dim3A_2319 = vector.broadcast %broadcast_in_dim3A_2318 : f32 to vector<16xf32>
    %broadcast_in_dim3A_2320 = arith.constant 0.000000e+00 : f32
    %broadcast_in_dim3A_2321 = vector.broadcast %broadcast_in_dim3A_2320 : f32 to vector<16xf32>
    %broadcast_in_dim3A_2322 = arith.constant 0.000000e+00 : f32
    %broadcast_in_dim3A_2323 = vector.broadcast %broadcast_in_dim3A_2322 : f32 to vector<16xf32>
    %broadcast_in_dim3A_2324 = arith.constant 0.000000e+00 : f32
    %broadcast_in_dim3A_2325 = vector.broadcast %broadcast_in_dim3A_2324 : f32 to vector<16xf32>
    %broadcast_in_dim3A_2326 = arith.constant 0.000000e+00 : f32
    %broadcast_in_dim3A_2327 = vector.broadcast %broadcast_in_dim3A_2326 : f32 to vector<16xf32>
    %broadcast_in_dim3A_2328 = arith.constant 0.000000e+00 : f32
    %broadcast_in_dim3A_2329 = vector.broadcast %broadcast_in_dim3A_2328 : f32 to vector<16xf32>
    %scan3A_2330 = arith.constant 0 : i32
    %scan3A_2331 = arith.constant 64 : i32
    %scan3A_2332 = arith.addi %scan3A_2330, %scan3A_2331 : i32
    %scan3A_2333 = arith.constant 1 : i32
    %scan3A_2334:8 = scf.for %scan3A_3089 = %scan3A_2330 to %scan3A_2332 step %scan3A_2333 iter_args(%scan3A_3090 = %broadcast_in_dim3A_2315, %scan3A_3091 = %broadcast_in_dim3A_2317, %scan3A_3092 = %broadcast_in_dim3A_2319, %scan3A_3093 = %broadcast_in_dim3A_2321, %scan3A_3094 = %broadcast_in_dim3A_2323, %scan3A_3095 = %broadcast_in_dim3A_2325, %scan3A_3096 = %broadcast_in_dim3A_2327, %scan3A_3097 = %broadcast_in_dim3A_2329) -> (vector<16xf32>, vector<16xf32>, vector<16xf32>, vector<16xf32>, vector<16xf32>, vector<16xf32>, vector<16xf32>, vector<16xf32>)  : i32 {
      %mul3A_3098 = arith.constant 16 : i32
      %mul3A_3099 = arith.muli %scan3A_3089, %mul3A_3098 : i32
      %get3A = arith.constant 3 : i32
      %get3A_3100 = arith.index_cast %get3A : i32 to index
      %get3A_3101 = arith.index_cast %mul3A_3099 : i32 to index
      %get3A_3102 = tpu.vector_load %arg5[%get3A_3100, %get3A_3101] {strides = array<i32>} : memref<4x1024xf32, #tpu.memory_space<vmem>>, vector<1x16xf32>,
      %get3A_3103 = vector.shape_cast %get3A_3102 : vector<1x16xf32> to vector<16xf32>
      %mul3A_3104 = arith.constant 16 : i32
      %mul3A_3105 = arith.muli %scan3A_3089, %mul3A_3104 : i32
      %get3A_3106 = arith.constant 0 : i32
      %get3A_3107 = arith.index_cast %get3A_3106 : i32 to index
      %get3A_3108 = arith.index_cast %mul3A_3105 : i32 to index
      %get3A_3109 = tpu.vector_load %arg6[%get3A_3107, %get3A_3108] {strides = array<i32>} : memref<8x1024xf32, #tpu.memory_space<vmem>>, vector<1x16xf32>,
      %get3A_3110 = vector.shape_cast %get3A_3109 : vector<1x16xf32> to vector<16xf32>
      %mul3A_3111 = arith.mulf %get3A_3103, %get3A_3110 : vector<16xf32>
      %add3A_3112 = arith.addf %scan3A_3090, %mul3A_3111 : vector<16xf32>
      %mul3A_3113 = arith.constant 16 : i32
      %mul3A_3114 = arith.muli %scan3A_3089, %mul3A_3113 : i32
      %get3A_3115 = arith.constant 1 : i32
      %get3A_3116 = arith.index_cast %get3A_3115 : i32 to index
      %get3A_3117 = arith.index_cast %mul3A_3114 : i32 to index
      %get3A_3118 = tpu.vector_load %arg6[%get3A_3116, %get3A_3117] {strides = array<i32>} : memref<8x1024xf32, #tpu.memory_space<vmem>>, vector<1x16xf32>,
      %get3A_3119 = vector.shape_cast %get3A_3118 : vector<1x16xf32> to vector<16xf32>
      %mul3A_3120 = arith.mulf %get3A_3103, %get3A_3119 : vector<16xf32>
      %add3A_3121 = arith.addf %scan3A_3091, %mul3A_3120 : vector<16xf32>
      %mul3A_3122 = arith.constant 16 : i32
      %mul3A_3123 = arith.muli %scan3A_3089, %mul3A_3122 : i32
      %get3A_3124 = arith.constant 2 : i32
      %get3A_3125 = arith.index_cast %get3A_3124 : i32 to index
      %get3A_3126 = arith.index_cast %mul3A_3123 : i32 to index
      %get3A_3127 = tpu.vector_load %arg6[%get3A_3125, %get3A_3126] {strides = array<i32>} : memref<8x1024xf32, #tpu.memory_space<vmem>>, vector<1x16xf32>,
      %get3A_3128 = vector.shape_cast %get3A_3127 : vector<1x16xf32> to vector<16xf32>
      %mul3A_3129 = arith.mulf %get3A_3103, %get3A_3128 : vector<16xf32>
      %add3A_3130 = arith.addf %scan3A_3092, %mul3A_3129 : vector<16xf32>
      %mul3A_3131 = arith.constant 16 : i32
      %mul3A_3132 = arith.muli %scan3A_3089, %mul3A_3131 : i32
      %get3A_3133 = arith.constant 3 : i32
      %get3A_3134 = arith.index_cast %get3A_3133 : i32 to index
      %get3A_3135 = arith.index_cast %mul3A_3132 : i32 to index
      %get3A_3136 = tpu.vector_load %arg6[%get3A_3134, %get3A_3135] {strides = array<i32>} : memref<8x1024xf32, #tpu.memory_space<vmem>>, vector<1x16xf32>,
      %get3A_3137 = vector.shape_cast %get3A_3136 : vector<1x16xf32> to vector<16xf32>
      %mul3A_3138 = arith.mulf %get3A_3103, %get3A_3137 : vector<16xf32>
      %add3A_3139 = arith.addf %scan3A_3093, %mul3A_3138 : vector<16xf32>
      %mul3A_3140 = arith.constant 16 : i32
      %mul3A_3141 = arith.muli %scan3A_3089, %mul3A_3140 : i32
      %get3A_3142 = arith.constant 4 : i32
      %get3A_3143 = arith.index_cast %get3A_3142 : i32 to index
      %get3A_3144 = arith.index_cast %mul3A_3141 : i32 to index
      %get3A_3145 = tpu.vector_load %arg6[%get3A_3143, %get3A_3144] {strides = array<i32>} : memref<8x1024xf32, #tpu.memory_space<vmem>>, vector<1x16xf32>,
      %get3A_3146 = vector.shape_cast %get3A_3145 : vector<1x16xf32> to vector<16xf32>
      %mul3A_3147 = arith.mulf %get3A_3103, %get3A_3146 : vector<16xf32>
      %add3A_3148 = arith.addf %scan3A_3094, %mul3A_3147 : vector<16xf32>
      %mul3A_3149 = arith.constant 16 : i32
      %mul3A_3150 = arith.muli %scan3A_3089, %mul3A_3149 : i32
      %get3A_3151 = arith.constant 5 : i32
      %get3A_3152 = arith.index_cast %get3A_3151 : i32 to index
      %get3A_3153 = arith.index_cast %mul3A_3150 : i32 to index
      %get3A_3154 = tpu.vector_load %arg6[%get3A_3152, %get3A_3153] {strides = array<i32>} : memref<8x1024xf32, #tpu.memory_space<vmem>>, vector<1x16xf32>,
      %get3A_3155 = vector.shape_cast %get3A_3154 : vector<1x16xf32> to vector<16xf32>
      %mul3A_3156 = arith.mulf %get3A_3103, %get3A_3155 : vector<16xf32>
      %add3A_3157 = arith.addf %scan3A_3095, %mul3A_3156 : vector<16xf32>
      %mul3A_3158 = arith.constant 16 : i32
      %mul3A_3159 = arith.muli %scan3A_3089, %mul3A_3158 : i32
      %get3A_3160 = arith.constant 6 : i32
      %get3A_3161 = arith.index_cast %get3A_3160 : i32 to index
      %get3A_3162 = arith.index_cast %mul3A_3159 : i32 to index
      %get3A_3163 = tpu.vector_load %arg6[%get3A_3161, %get3A_3162] {strides = array<i32>} : memref<8x1024xf32, #tpu.memory_space<vmem>>, vector<1x16xf32>,
      %get3A_3164 = vector.shape_cast %get3A_3163 : vector<1x16xf32> to vector<16xf32>
      %mul3A_3165 = arith.mulf %get3A_3103, %get3A_3164 : vector<16xf32>
      %add3A_3166 = arith.addf %scan3A_3096, %mul3A_3165 : vector<16xf32>
      %mul3A_3167 = arith.constant 16 : i32
      %mul3A_3168 = arith.muli %scan3A_3089, %mul3A_3167 : i32
      %get3A_3169 = arith.constant 7 : i32
      %get3A_3170 = arith.index_cast %get3A_3169 : i32 to index
      %get3A_3171 = arith.index_cast %mul3A_3168 : i32 to index
      %get3A_3172 = tpu.vector_load %arg6[%get3A_3170, %get3A_3171] {strides = array<i32>} : memref<8x1024xf32, #tpu.memory_space<vmem>>, vector<1x16xf32>,
      %get3A_3173 = vector.shape_cast %get3A_3172 : vector<1x16xf32> to vector<16xf32>
      %mul3A_3174 = arith.mulf %get3A_3103, %get3A_3173 : vector<16xf32>
      %add3A_3175 = arith.addf %scan3A_3097, %mul3A_3174 : vector<16xf32>
      scf.yield %add3A_3112, %add3A_3121, %add3A_3130, %add3A_3139, %add3A_3148, %add3A_3157, %add3A_3166, %add3A_3175 : vector<16xf32>, vector<16xf32>, vector<16xf32>, vector<16xf32>, vector<16xf32>, vector<16xf32>, vector<16xf32>, vector<16xf32>
    }
    %scan3A_2335 = arith.constant 64 : i32
    %broadcast_in_dim3A_2336 = arith.constant -1.000000e+30 : f32
    %broadcast_in_dim3A_2337 = vector.broadcast %broadcast_in_dim3A_2336 : f32 to vector<16xf32>
    %eq3A_2338 = arith.constant 0 : i32
    %eq3A_2339 = vector.broadcast %eq3A_2338 : i32 to vector<16xi32>
    %eq3A_2340 = arith.cmpi eq, %iota3A, %eq3A_2339 : vector<16xi32>
    %iota3A_2341 = tpu.iota {dimensions = array<i32: 0>} : vector<16xi32>
    %xor3A_2342 = arith.constant 1 : i32
    %xor3A_2343 = vector.broadcast %xor3A_2342 : i32 to vector<16xi32>
    %xor3A_2344 = arith.xori %iota3A_2341, %xor3A_2343 : vector<16xi32>
    %lt3A_2345 = arith.constant 0 : i32
    %lt3A_2346 = vector.broadcast %lt3A_2345 : i32 to vector<16xi32>
    %lt3A_2347 = arith.cmpi slt, %xor3A_2344, %lt3A_2346 : vector<16xi32>
    %add3A_2348 = arith.constant 16 : i32
    %add3A_2349 = vector.broadcast %add3A_2348 : i32 to vector<16xi32>
    %add3A_2350 = arith.addi %xor3A_2344, %add3A_2349 : vector<16xi32>
    %select_n3A_2351 = arith.select %lt3A_2347, %add3A_2350, %xor3A_2344 : vector<16xi1>, vector<16xi32>
    %broadcast_in_dim3A_2352 = vector.shape_cast %select_n3A_2351 : vector<16xi32> to vector<16x1xi32>
    %gather3A_2353 = vector.shape_cast %broadcast_in_dim3A_2352 : vector<16x1xi32> to vector<16xi32>
    %gather3A_2354 = tpu.dynamic_gather %scan3A_2334#0[%gather3A_2353] in [0] : vector<16xf32>, vector<16xi32> -> vector<16xf32>
    %add3A_2355 = arith.addf %scan3A_2334#0, %gather3A_2354 : vector<16xf32>
    %xor3A_2356 = arith.constant 2 : i32
    %xor3A_2357 = vector.broadcast %xor3A_2356 : i32 to vector<16xi32>
    %xor3A_2358 = arith.xori %iota3A_2341, %xor3A_2357 : vector<16xi32>
    %lt3A_2359 = arith.constant 0 : i32
    %lt3A_2360 = vector.broadcast %lt3A_2359 : i32 to vector<16xi32>
    %lt3A_2361 = arith.cmpi slt, %xor3A_2358, %lt3A_2360 : vector<16xi32>
    %add3A_2362 = arith.constant 16 : i32
    %add3A_2363 = vector.broadcast %add3A_2362 : i32 to vector<16xi32>
    %add3A_2364 = arith.addi %xor3A_2358, %add3A_2363 : vector<16xi32>
    %select_n3A_2365 = arith.select %lt3A_2361, %add3A_2364, %xor3A_2358 : vector<16xi1>, vector<16xi32>
    %broadcast_in_dim3A_2366 = vector.shape_cast %select_n3A_2365 : vector<16xi32> to vector<16x1xi32>
    %gather3A_2367 = vector.shape_cast %broadcast_in_dim3A_2366 : vector<16x1xi32> to vector<16xi32>
    %gather3A_2368 = tpu.dynamic_gather %add3A_2355[%gather3A_2367] in [0] : vector<16xf32>, vector<16xi32> -> vector<16xf32>
    %add3A_2369 = arith.addf %add3A_2355, %gather3A_2368 : vector<16xf32>
    %xor3A_2370 = arith.constant 4 : i32
    %xor3A_2371 = vector.broadcast %xor3A_2370 : i32 to vector<16xi32>
    %xor3A_2372 = arith.xori %iota3A_2341, %xor3A_2371 : vector<16xi32>
    %lt3A_2373 = arith.constant 0 : i32
    %lt3A_2374 = vector.broadcast %lt3A_2373 : i32 to vector<16xi32>
    %lt3A_2375 = arith.cmpi slt, %xor3A_2372, %lt3A_2374 : vector<16xi32>
    %add3A_2376 = arith.constant 16 : i32
    %add3A_2377 = vector.broadcast %add3A_2376 : i32 to vector<16xi32>
    %add3A_2378 = arith.addi %xor3A_2372, %add3A_2377 : vector<16xi32>
    %select_n3A_2379 = arith.select %lt3A_2375, %add3A_2378, %xor3A_2372 : vector<16xi1>, vector<16xi32>
    %broadcast_in_dim3A_2380 = vector.shape_cast %select_n3A_2379 : vector<16xi32> to vector<16x1xi32>
    %gather3A_2381 = vector.shape_cast %broadcast_in_dim3A_2380 : vector<16x1xi32> to vector<16xi32>
    %gather3A_2382 = tpu.dynamic_gather %add3A_2369[%gather3A_2381] in [0] : vector<16xf32>, vector<16xi32> -> vector<16xf32>
    %add3A_2383 = arith.addf %add3A_2369, %gather3A_2382 : vector<16xf32>
    %xor3A_2384 = arith.constant 8 : i32
    %xor3A_2385 = vector.broadcast %xor3A_2384 : i32 to vector<16xi32>
    %xor3A_2386 = arith.xori %iota3A_2341, %xor3A_2385 : vector<16xi32>
    %lt3A_2387 = arith.constant 0 : i32
    %lt3A_2388 = vector.broadcast %lt3A_2387 : i32 to vector<16xi32>
    %lt3A_2389 = arith.cmpi slt, %xor3A_2386, %lt3A_2388 : vector<16xi32>
    %add3A_2390 = arith.constant 16 : i32
    %add3A_2391 = vector.broadcast %add3A_2390 : i32 to vector<16xi32>
    %add3A_2392 = arith.addi %xor3A_2386, %add3A_2391 : vector<16xi32>
    %select_n3A_2393 = arith.select %lt3A_2389, %add3A_2392, %xor3A_2386 : vector<16xi1>, vector<16xi32>
    %broadcast_in_dim3A_2394 = vector.shape_cast %select_n3A_2393 : vector<16xi32> to vector<16x1xi32>
    %gather3A_2395 = vector.shape_cast %broadcast_in_dim3A_2394 : vector<16x1xi32> to vector<16xi32>
    %gather3A_2396 = tpu.dynamic_gather %add3A_2383[%gather3A_2395] in [0] : vector<16xf32>, vector<16xi32> -> vector<16xf32>
    %add3A_2397 = arith.addf %add3A_2383, %gather3A_2396 : vector<16xf32>
    %select_n3A_2398 = arith.select %eq3A_2340, %add3A_2397, %broadcast_in_dim3A_2337 : vector<16xi1>, vector<16xf32>
    %eq3A_2399 = arith.constant 1 : i32
    %eq3A_2400 = vector.broadcast %eq3A_2399 : i32 to vector<16xi32>
    %eq3A_2401 = arith.cmpi eq, %iota3A, %eq3A_2400 : vector<16xi32>
    %iota3A_2402 = tpu.iota {dimensions = array<i32: 0>} : vector<16xi32>
    %xor3A_2403 = arith.constant 1 : i32
    %xor3A_2404 = vector.broadcast %xor3A_2403 : i32 to vector<16xi32>
    %xor3A_2405 = arith.xori %iota3A_2402, %xor3A_2404 : vector<16xi32>
    %lt3A_2406 = arith.constant 0 : i32
    %lt3A_2407 = vector.broadcast %lt3A_2406 : i32 to vector<16xi32>
    %lt3A_2408 = arith.cmpi slt, %xor3A_2405, %lt3A_2407 : vector<16xi32>
    %add3A_2409 = arith.constant 16 : i32
    %add3A_2410 = vector.broadcast %add3A_2409 : i32 to vector<16xi32>
    %add3A_2411 = arith.addi %xor3A_2405, %add3A_2410 : vector<16xi32>
    %select_n3A_2412 = arith.select %lt3A_2408, %add3A_2411, %xor3A_2405 : vector<16xi1>, vector<16xi32>
    %broadcast_in_dim3A_2413 = vector.shape_cast %select_n3A_2412 : vector<16xi32> to vector<16x1xi32>
    %gather3A_2414 = vector.shape_cast %broadcast_in_dim3A_2413 : vector<16x1xi32> to vector<16xi32>
    %gather3A_2415 = tpu.dynamic_gather %scan3A_2334#1[%gather3A_2414] in [0] : vector<16xf32>, vector<16xi32> -> vector<16xf32>
    %add3A_2416 = arith.addf %scan3A_2334#1, %gather3A_2415 : vector<16xf32>
    %xor3A_2417 = arith.constant 2 : i32
    %xor3A_2418 = vector.broadcast %xor3A_2417 : i32 to vector<16xi32>
    %xor3A_2419 = arith.xori %iota3A_2402, %xor3A_2418 : vector<16xi32>
    %lt3A_2420 = arith.constant 0 : i32
    %lt3A_2421 = vector.broadcast %lt3A_2420 : i32 to vector<16xi32>
    %lt3A_2422 = arith.cmpi slt, %xor3A_2419, %lt3A_2421 : vector<16xi32>
    %add3A_2423 = arith.constant 16 : i32
    %add3A_2424 = vector.broadcast %add3A_2423 : i32 to vector<16xi32>
    %add3A_2425 = arith.addi %xor3A_2419, %add3A_2424 : vector<16xi32>
    %select_n3A_2426 = arith.select %lt3A_2422, %add3A_2425, %xor3A_2419 : vector<16xi1>, vector<16xi32>
    %broadcast_in_dim3A_2427 = vector.shape_cast %select_n3A_2426 : vector<16xi32> to vector<16x1xi32>
    %gather3A_2428 = vector.shape_cast %broadcast_in_dim3A_2427 : vector<16x1xi32> to vector<16xi32>
    %gather3A_2429 = tpu.dynamic_gather %add3A_2416[%gather3A_2428] in [0] : vector<16xf32>, vector<16xi32> -> vector<16xf32>
    %add3A_2430 = arith.addf %add3A_2416, %gather3A_2429 : vector<16xf32>
    %xor3A_2431 = arith.constant 4 : i32
    %xor3A_2432 = vector.broadcast %xor3A_2431 : i32 to vector<16xi32>
    %xor3A_2433 = arith.xori %iota3A_2402, %xor3A_2432 : vector<16xi32>
    %lt3A_2434 = arith.constant 0 : i32
    %lt3A_2435 = vector.broadcast %lt3A_2434 : i32 to vector<16xi32>
    %lt3A_2436 = arith.cmpi slt, %xor3A_2433, %lt3A_2435 : vector<16xi32>
    %add3A_2437 = arith.constant 16 : i32
    %add3A_2438 = vector.broadcast %add3A_2437 : i32 to vector<16xi32>
    %add3A_2439 = arith.addi %xor3A_2433, %add3A_2438 : vector<16xi32>
    %select_n3A_2440 = arith.select %lt3A_2436, %add3A_2439, %xor3A_2433 : vector<16xi1>, vector<16xi32>
    %broadcast_in_dim3A_2441 = vector.shape_cast %select_n3A_2440 : vector<16xi32> to vector<16x1xi32>
    %gather3A_2442 = vector.shape_cast %broadcast_in_dim3A_2441 : vector<16x1xi32> to vector<16xi32>
    %gather3A_2443 = tpu.dynamic_gather %add3A_2430[%gather3A_2442] in [0] : vector<16xf32>, vector<16xi32> -> vector<16xf32>
    %add3A_2444 = arith.addf %add3A_2430, %gather3A_2443 : vector<16xf32>
    %xor3A_2445 = arith.constant 8 : i32
    %xor3A_2446 = vector.broadcast %xor3A_2445 : i32 to vector<16xi32>
    %xor3A_2447 = arith.xori %iota3A_2402, %xor3A_2446 : vector<16xi32>
    %lt3A_2448 = arith.constant 0 : i32
    %lt3A_2449 = vector.broadcast %lt3A_2448 : i32 to vector<16xi32>
    %lt3A_2450 = arith.cmpi slt, %xor3A_2447, %lt3A_2449 : vector<16xi32>
    %add3A_2451 = arith.constant 16 : i32
    %add3A_2452 = vector.broadcast %add3A_2451 : i32 to vector<16xi32>
    %add3A_2453 = arith.addi %xor3A_2447, %add3A_2452 : vector<16xi32>
    %select_n3A_2454 = arith.select %lt3A_2450, %add3A_2453, %xor3A_2447 : vector<16xi1>, vector<16xi32>
    %broadcast_in_dim3A_2455 = vector.shape_cast %select_n3A_2454 : vector<16xi32> to vector<16x1xi32>
    %gather3A_2456 = vector.shape_cast %broadcast_in_dim3A_2455 : vector<16x1xi32> to vector<16xi32>
    %gather3A_2457 = tpu.dynamic_gather %add3A_2444[%gather3A_2456] in [0] : vector<16xf32>, vector<16xi32> -> vector<16xf32>
    %add3A_2458 = arith.addf %add3A_2444, %gather3A_2457 : vector<16xf32>
    %select_n3A_2459 = arith.select %eq3A_2401, %add3A_2458, %select_n3A_2398 : vector<16xi1>, vector<16xf32>
    %eq3A_2460 = arith.constant 2 : i32
    %eq3A_2461 = vector.broadcast %eq3A_2460 : i32 to vector<16xi32>
    %eq3A_2462 = arith.cmpi eq, %iota3A, %eq3A_2461 : vector<16xi32>
    %iota3A_2463 = tpu.iota {dimensions = array<i32: 0>} : vector<16xi32>
    %xor3A_2464 = arith.constant 1 : i32
    %xor3A_2465 = vector.broadcast %xor3A_2464 : i32 to vector<16xi32>
    %xor3A_2466 = arith.xori %iota3A_2463, %xor3A_2465 : vector<16xi32>
    %lt3A_2467 = arith.constant 0 : i32
    %lt3A_2468 = vector.broadcast %lt3A_2467 : i32 to vector<16xi32>
    %lt3A_2469 = arith.cmpi slt, %xor3A_2466, %lt3A_2468 : vector<16xi32>
    %add3A_2470 = arith.constant 16 : i32
    %add3A_2471 = vector.broadcast %add3A_2470 : i32 to vector<16xi32>
    %add3A_2472 = arith.addi %xor3A_2466, %add3A_2471 : vector<16xi32>
    %select_n3A_2473 = arith.select %lt3A_2469, %add3A_2472, %xor3A_2466 : vector<16xi1>, vector<16xi32>
    %broadcast_in_dim3A_2474 = vector.shape_cast %select_n3A_2473 : vector<16xi32> to vector<16x1xi32>
    %gather3A_2475 = vector.shape_cast %broadcast_in_dim3A_2474 : vector<16x1xi32> to vector<16xi32>
    %gather3A_2476 = tpu.dynamic_gather %scan3A_2334#2[%gather3A_2475] in [0] : vector<16xf32>, vector<16xi32> -> vector<16xf32>
    %add3A_2477 = arith.addf %scan3A_2334#2, %gather3A_2476 : vector<16xf32>
    %xor3A_2478 = arith.constant 2 : i32
    %xor3A_2479 = vector.broadcast %xor3A_2478 : i32 to vector<16xi32>
    %xor3A_2480 = arith.xori %iota3A_2463, %xor3A_2479 : vector<16xi32>
    %lt3A_2481 = arith.constant 0 : i32
    %lt3A_2482 = vector.broadcast %lt3A_2481 : i32 to vector<16xi32>
    %lt3A_2483 = arith.cmpi slt, %xor3A_2480, %lt3A_2482 : vector<16xi32>
    %add3A_2484 = arith.constant 16 : i32
    %add3A_2485 = vector.broadcast %add3A_2484 : i32 to vector<16xi32>
    %add3A_2486 = arith.addi %xor3A_2480, %add3A_2485 : vector<16xi32>
    %select_n3A_2487 = arith.select %lt3A_2483, %add3A_2486, %xor3A_2480 : vector<16xi1>, vector<16xi32>
    %broadcast_in_dim3A_2488 = vector.shape_cast %select_n3A_2487 : vector<16xi32> to vector<16x1xi32>
    %gather3A_2489 = vector.shape_cast %broadcast_in_dim3A_2488 : vector<16x1xi32> to vector<16xi32>
    %gather3A_2490 = tpu.dynamic_gather %add3A_2477[%gather3A_2489] in [0] : vector<16xf32>, vector<16xi32> -> vector<16xf32>
    %add3A_2491 = arith.addf %add3A_2477, %gather3A_2490 : vector<16xf32>
    %xor3A_2492 = arith.constant 4 : i32
    %xor3A_2493 = vector.broadcast %xor3A_2492 : i32 to vector<16xi32>
    %xor3A_2494 = arith.xori %iota3A_2463, %xor3A_2493 : vector<16xi32>
    %lt3A_2495 = arith.constant 0 : i32
    %lt3A_2496 = vector.broadcast %lt3A_2495 : i32 to vector<16xi32>
    %lt3A_2497 = arith.cmpi slt, %xor3A_2494, %lt3A_2496 : vector<16xi32>
    %add3A_2498 = arith.constant 16 : i32
    %add3A_2499 = vector.broadcast %add3A_2498 : i32 to vector<16xi32>
    %add3A_2500 = arith.addi %xor3A_2494, %add3A_2499 : vector<16xi32>
    %select_n3A_2501 = arith.select %lt3A_2497, %add3A_2500, %xor3A_2494 : vector<16xi1>, vector<16xi32>
    %broadcast_in_dim3A_2502 = vector.shape_cast %select_n3A_2501 : vector<16xi32> to vector<16x1xi32>
    %gather3A_2503 = vector.shape_cast %broadcast_in_dim3A_2502 : vector<16x1xi32> to vector<16xi32>
    %gather3A_2504 = tpu.dynamic_gather %add3A_2491[%gather3A_2503] in [0] : vector<16xf32>, vector<16xi32> -> vector<16xf32>
    %add3A_2505 = arith.addf %add3A_2491, %gather3A_2504 : vector<16xf32>
    %xor3A_2506 = arith.constant 8 : i32
    %xor3A_2507 = vector.broadcast %xor3A_2506 : i32 to vector<16xi32>
    %xor3A_2508 = arith.xori %iota3A_2463, %xor3A_2507 : vector<16xi32>
    %lt3A_2509 = arith.constant 0 : i32
    %lt3A_2510 = vector.broadcast %lt3A_2509 : i32 to vector<16xi32>
    %lt3A_2511 = arith.cmpi slt, %xor3A_2508, %lt3A_2510 : vector<16xi32>
    %add3A_2512 = arith.constant 16 : i32
    %add3A_2513 = vector.broadcast %add3A_2512 : i32 to vector<16xi32>
    %add3A_2514 = arith.addi %xor3A_2508, %add3A_2513 : vector<16xi32>
    %select_n3A_2515 = arith.select %lt3A_2511, %add3A_2514, %xor3A_2508 : vector<16xi1>, vector<16xi32>
    %broadcast_in_dim3A_2516 = vector.shape_cast %select_n3A_2515 : vector<16xi32> to vector<16x1xi32>
    %gather3A_2517 = vector.shape_cast %broadcast_in_dim3A_2516 : vector<16x1xi32> to vector<16xi32>
    %gather3A_2518 = tpu.dynamic_gather %add3A_2505[%gather3A_2517] in [0] : vector<16xf32>, vector<16xi32> -> vector<16xf32>
    %add3A_2519 = arith.addf %add3A_2505, %gather3A_2518 : vector<16xf32>
    %select_n3A_2520 = arith.select %eq3A_2462, %add3A_2519, %select_n3A_2459 : vector<16xi1>, vector<16xf32>
    %eq3A_2521 = arith.constant 3 : i32
    %eq3A_2522 = vector.broadcast %eq3A_2521 : i32 to vector<16xi32>
    %eq3A_2523 = arith.cmpi eq, %iota3A, %eq3A_2522 : vector<16xi32>
    %iota3A_2524 = tpu.iota {dimensions = array<i32: 0>} : vector<16xi32>
    %xor3A_2525 = arith.constant 1 : i32
    %xor3A_2526 = vector.broadcast %xor3A_2525 : i32 to vector<16xi32>
    %xor3A_2527 = arith.xori %iota3A_2524, %xor3A_2526 : vector<16xi32>
    %lt3A_2528 = arith.constant 0 : i32
    %lt3A_2529 = vector.broadcast %lt3A_2528 : i32 to vector<16xi32>
    %lt3A_2530 = arith.cmpi slt, %xor3A_2527, %lt3A_2529 : vector<16xi32>
    %add3A_2531 = arith.constant 16 : i32
    %add3A_2532 = vector.broadcast %add3A_2531 : i32 to vector<16xi32>
    %add3A_2533 = arith.addi %xor3A_2527, %add3A_2532 : vector<16xi32>
    %select_n3A_2534 = arith.select %lt3A_2530, %add3A_2533, %xor3A_2527 : vector<16xi1>, vector<16xi32>
    %broadcast_in_dim3A_2535 = vector.shape_cast %select_n3A_2534 : vector<16xi32> to vector<16x1xi32>
    %gather3A_2536 = vector.shape_cast %broadcast_in_dim3A_2535 : vector<16x1xi32> to vector<16xi32>
    %gather3A_2537 = tpu.dynamic_gather %scan3A_2334#3[%gather3A_2536] in [0] : vector<16xf32>, vector<16xi32> -> vector<16xf32>
    %add3A_2538 = arith.addf %scan3A_2334#3, %gather3A_2537 : vector<16xf32>
    %xor3A_2539 = arith.constant 2 : i32
    %xor3A_2540 = vector.broadcast %xor3A_2539 : i32 to vector<16xi32>
    %xor3A_2541 = arith.xori %iota3A_2524, %xor3A_2540 : vector<16xi32>
    %lt3A_2542 = arith.constant 0 : i32
    %lt3A_2543 = vector.broadcast %lt3A_2542 : i32 to vector<16xi32>
    %lt3A_2544 = arith.cmpi slt, %xor3A_2541, %lt3A_2543 : vector<16xi32>
    %add3A_2545 = arith.constant 16 : i32
    %add3A_2546 = vector.broadcast %add3A_2545 : i32 to vector<16xi32>
    %add3A_2547 = arith.addi %xor3A_2541, %add3A_2546 : vector<16xi32>
    %select_n3A_2548 = arith.select %lt3A_2544, %add3A_2547, %xor3A_2541 : vector<16xi1>, vector<16xi32>
    %broadcast_in_dim3A_2549 = vector.shape_cast %select_n3A_2548 : vector<16xi32> to vector<16x1xi32>
    %gather3A_2550 = vector.shape_cast %broadcast_in_dim3A_2549 : vector<16x1xi32> to vector<16xi32>
    %gather3A_2551 = tpu.dynamic_gather %add3A_2538[%gather3A_2550] in [0] : vector<16xf32>, vector<16xi32> -> vector<16xf32>
    %add3A_2552 = arith.addf %add3A_2538, %gather3A_2551 : vector<16xf32>
    %xor3A_2553 = arith.constant 4 : i32
    %xor3A_2554 = vector.broadcast %xor3A_2553 : i32 to vector<16xi32>
    %xor3A_2555 = arith.xori %iota3A_2524, %xor3A_2554 : vector<16xi32>
    %lt3A_2556 = arith.constant 0 : i32
    %lt3A_2557 = vector.broadcast %lt3A_2556 : i32 to vector<16xi32>
    %lt3A_2558 = arith.cmpi slt, %xor3A_2555, %lt3A_2557 : vector<16xi32>
    %add3A_2559 = arith.constant 16 : i32
    %add3A_2560 = vector.broadcast %add3A_2559 : i32 to vector<16xi32>
    %add3A_2561 = arith.addi %xor3A_2555, %add3A_2560 : vector<16xi32>
    %select_n3A_2562 = arith.select %lt3A_2558, %add3A_2561, %xor3A_2555 : vector<16xi1>, vector<16xi32>
    %broadcast_in_dim3A_2563 = vector.shape_cast %select_n3A_2562 : vector<16xi32> to vector<16x1xi32>
    %gather3A_2564 = vector.shape_cast %broadcast_in_dim3A_2563 : vector<16x1xi32> to vector<16xi32>
    %gather3A_2565 = tpu.dynamic_gather %add3A_2552[%gather3A_2564] in [0] : vector<16xf32>, vector<16xi32> -> vector<16xf32>
    %add3A_2566 = arith.addf %add3A_2552, %gather3A_2565 : vector<16xf32>
    %xor3A_2567 = arith.constant 8 : i32
    %xor3A_2568 = vector.broadcast %xor3A_2567 : i32 to vector<16xi32>
    %xor3A_2569 = arith.xori %iota3A_2524, %xor3A_2568 : vector<16xi32>
    %lt3A_2570 = arith.constant 0 : i32
    %lt3A_2571 = vector.broadcast %lt3A_2570 : i32 to vector<16xi32>
    %lt3A_2572 = arith.cmpi slt, %xor3A_2569, %lt3A_2571 : vector<16xi32>
    %add3A_2573 = arith.constant 16 : i32
    %add3A_2574 = vector.broadcast %add3A_2573 : i32 to vector<16xi32>
    %add3A_2575 = arith.addi %xor3A_2569, %add3A_2574 : vector<16xi32>
    %select_n3A_2576 = arith.select %lt3A_2572, %add3A_2575, %xor3A_2569 : vector<16xi1>, vector<16xi32>
    %broadcast_in_dim3A_2577 = vector.shape_cast %select_n3A_2576 : vector<16xi32> to vector<16x1xi32>
    %gather3A_2578 = vector.shape_cast %broadcast_in_dim3A_2577 : vector<16x1xi32> to vector<16xi32>
    %gather3A_2579 = tpu.dynamic_gather %add3A_2566[%gather3A_2578] in [0] : vector<16xf32>, vector<16xi32> -> vector<16xf32>
    %add3A_2580 = arith.addf %add3A_2566, %gather3A_2579 : vector<16xf32>
    %select_n3A_2581 = arith.select %eq3A_2523, %add3A_2580, %select_n3A_2520 : vector<16xi1>, vector<16xf32>
    %eq3A_2582 = arith.constant 4 : i32
    %eq3A_2583 = vector.broadcast %eq3A_2582 : i32 to vector<16xi32>
    %eq3A_2584 = arith.cmpi eq, %iota3A, %eq3A_2583 : vector<16xi32>
    %iota3A_2585 = tpu.iota {dimensions = array<i32: 0>} : vector<16xi32>
    %xor3A_2586 = arith.constant 1 : i32
    %xor3A_2587 = vector.broadcast %xor3A_2586 : i32 to vector<16xi32>
    %xor3A_2588 = arith.xori %iota3A_2585, %xor3A_2587 : vector<16xi32>
    %lt3A_2589 = arith.constant 0 : i32
    %lt3A_2590 = vector.broadcast %lt3A_2589 : i32 to vector<16xi32>
    %lt3A_2591 = arith.cmpi slt, %xor3A_2588, %lt3A_2590 : vector<16xi32>
    %add3A_2592 = arith.constant 16 : i32
    %add3A_2593 = vector.broadcast %add3A_2592 : i32 to vector<16xi32>
    %add3A_2594 = arith.addi %xor3A_2588, %add3A_2593 : vector<16xi32>
    %select_n3A_2595 = arith.select %lt3A_2591, %add3A_2594, %xor3A_2588 : vector<16xi1>, vector<16xi32>
    %broadcast_in_dim3A_2596 = vector.shape_cast %select_n3A_2595 : vector<16xi32> to vector<16x1xi32>
    %gather3A_2597 = vector.shape_cast %broadcast_in_dim3A_2596 : vector<16x1xi32> to vector<16xi32>
    %gather3A_2598 = tpu.dynamic_gather %scan3A_2334#4[%gather3A_2597] in [0] : vector<16xf32>, vector<16xi32> -> vector<16xf32>
    %add3A_2599 = arith.addf %scan3A_2334#4, %gather3A_2598 : vector<16xf32>
    %xor3A_2600 = arith.constant 2 : i32
    %xor3A_2601 = vector.broadcast %xor3A_2600 : i32 to vector<16xi32>
    %xor3A_2602 = arith.xori %iota3A_2585, %xor3A_2601 : vector<16xi32>
    %lt3A_2603 = arith.constant 0 : i32
    %lt3A_2604 = vector.broadcast %lt3A_2603 : i32 to vector<16xi32>
    %lt3A_2605 = arith.cmpi slt, %xor3A_2602, %lt3A_2604 : vector<16xi32>
    %add3A_2606 = arith.constant 16 : i32
    %add3A_2607 = vector.broadcast %add3A_2606 : i32 to vector<16xi32>
    %add3A_2608 = arith.addi %xor3A_2602, %add3A_2607 : vector<16xi32>
    %select_n3A_2609 = arith.select %lt3A_2605, %add3A_2608, %xor3A_2602 : vector<16xi1>, vector<16xi32>
    %broadcast_in_dim3A_2610 = vector.shape_cast %select_n3A_2609 : vector<16xi32> to vector<16x1xi32>
    %gather3A_2611 = vector.shape_cast %broadcast_in_dim3A_2610 : vector<16x1xi32> to vector<16xi32>
    %gather3A_2612 = tpu.dynamic_gather %add3A_2599[%gather3A_2611] in [0] : vector<16xf32>, vector<16xi32> -> vector<16xf32>
    %add3A_2613 = arith.addf %add3A_2599, %gather3A_2612 : vector<16xf32>
    %xor3A_2614 = arith.constant 4 : i32
    %xor3A_2615 = vector.broadcast %xor3A_2614 : i32 to vector<16xi32>
    %xor3A_2616 = arith.xori %iota3A_2585, %xor3A_2615 : vector<16xi32>
    %lt3A_2617 = arith.constant 0 : i32
    %lt3A_2618 = vector.broadcast %lt3A_2617 : i32 to vector<16xi32>
    %lt3A_2619 = arith.cmpi slt, %xor3A_2616, %lt3A_2618 : vector<16xi32>
    %add3A_2620 = arith.constant 16 : i32
    %add3A_2621 = vector.broadcast %add3A_2620 : i32 to vector<16xi32>
    %add3A_2622 = arith.addi %xor3A_2616, %add3A_2621 : vector<16xi32>
    %select_n3A_2623 = arith.select %lt3A_2619, %add3A_2622, %xor3A_2616 : vector<16xi1>, vector<16xi32>
    %broadcast_in_dim3A_2624 = vector.shape_cast %select_n3A_2623 : vector<16xi32> to vector<16x1xi32>
    %gather3A_2625 = vector.shape_cast %broadcast_in_dim3A_2624 : vector<16x1xi32> to vector<16xi32>
    %gather3A_2626 = tpu.dynamic_gather %add3A_2613[%gather3A_2625] in [0] : vector<16xf32>, vector<16xi32> -> vector<16xf32>
    %add3A_2627 = arith.addf %add3A_2613, %gather3A_2626 : vector<16xf32>
    %xor3A_2628 = arith.constant 8 : i32
    %xor3A_2629 = vector.broadcast %xor3A_2628 : i32 to vector<16xi32>
    %xor3A_2630 = arith.xori %iota3A_2585, %xor3A_2629 : vector<16xi32>
    %lt3A_2631 = arith.constant 0 : i32
    %lt3A_2632 = vector.broadcast %lt3A_2631 : i32 to vector<16xi32>
    %lt3A_2633 = arith.cmpi slt, %xor3A_2630, %lt3A_2632 : vector<16xi32>
    %add3A_2634 = arith.constant 16 : i32
    %add3A_2635 = vector.broadcast %add3A_2634 : i32 to vector<16xi32>
    %add3A_2636 = arith.addi %xor3A_2630, %add3A_2635 : vector<16xi32>
    %select_n3A_2637 = arith.select %lt3A_2633, %add3A_2636, %xor3A_2630 : vector<16xi1>, vector<16xi32>
    %broadcast_in_dim3A_2638 = vector.shape_cast %select_n3A_2637 : vector<16xi32> to vector<16x1xi32>
    %gather3A_2639 = vector.shape_cast %broadcast_in_dim3A_2638 : vector<16x1xi32> to vector<16xi32>
    %gather3A_2640 = tpu.dynamic_gather %add3A_2627[%gather3A_2639] in [0] : vector<16xf32>, vector<16xi32> -> vector<16xf32>
    %add3A_2641 = arith.addf %add3A_2627, %gather3A_2640 : vector<16xf32>
    %select_n3A_2642 = arith.select %eq3A_2584, %add3A_2641, %select_n3A_2581 : vector<16xi1>, vector<16xf32>
    %eq3A_2643 = arith.constant 5 : i32
    %eq3A_2644 = vector.broadcast %eq3A_2643 : i32 to vector<16xi32>
    %eq3A_2645 = arith.cmpi eq, %iota3A, %eq3A_2644 : vector<16xi32>
    %iota3A_2646 = tpu.iota {dimensions = array<i32: 0>} : vector<16xi32>
    %xor3A_2647 = arith.constant 1 : i32
    %xor3A_2648 = vector.broadcast %xor3A_2647 : i32 to vector<16xi32>
    %xor3A_2649 = arith.xori %iota3A_2646, %xor3A_2648 : vector<16xi32>
    %lt3A_2650 = arith.constant 0 : i32
    %lt3A_2651 = vector.broadcast %lt3A_2650 : i32 to vector<16xi32>
    %lt3A_2652 = arith.cmpi slt, %xor3A_2649, %lt3A_2651 : vector<16xi32>
    %add3A_2653 = arith.constant 16 : i32
    %add3A_2654 = vector.broadcast %add3A_2653 : i32 to vector<16xi32>
    %add3A_2655 = arith.addi %xor3A_2649, %add3A_2654 : vector<16xi32>
    %select_n3A_2656 = arith.select %lt3A_2652, %add3A_2655, %xor3A_2649 : vector<16xi1>, vector<16xi32>
    %broadcast_in_dim3A_2657 = vector.shape_cast %select_n3A_2656 : vector<16xi32> to vector<16x1xi32>
    %gather3A_2658 = vector.shape_cast %broadcast_in_dim3A_2657 : vector<16x1xi32> to vector<16xi32>
    %gather3A_2659 = tpu.dynamic_gather %scan3A_2334#5[%gather3A_2658] in [0] : vector<16xf32>, vector<16xi32> -> vector<16xf32>
    %add3A_2660 = arith.addf %scan3A_2334#5, %gather3A_2659 : vector<16xf32>
    %xor3A_2661 = arith.constant 2 : i32
    %xor3A_2662 = vector.broadcast %xor3A_2661 : i32 to vector<16xi32>
    %xor3A_2663 = arith.xori %iota3A_2646, %xor3A_2662 : vector<16xi32>
    %lt3A_2664 = arith.constant 0 : i32
    %lt3A_2665 = vector.broadcast %lt3A_2664 : i32 to vector<16xi32>
    %lt3A_2666 = arith.cmpi slt, %xor3A_2663, %lt3A_2665 : vector<16xi32>
    %add3A_2667 = arith.constant 16 : i32
    %add3A_2668 = vector.broadcast %add3A_2667 : i32 to vector<16xi32>
    %add3A_2669 = arith.addi %xor3A_2663, %add3A_2668 : vector<16xi32>
    %select_n3A_2670 = arith.select %lt3A_2666, %add3A_2669, %xor3A_2663 : vector<16xi1>, vector<16xi32>
    %broadcast_in_dim3A_2671 = vector.shape_cast %select_n3A_2670 : vector<16xi32> to vector<16x1xi32>
    %gather3A_2672 = vector.shape_cast %broadcast_in_dim3A_2671 : vector<16x1xi32> to vector<16xi32>
    %gather3A_2673 = tpu.dynamic_gather %add3A_2660[%gather3A_2672] in [0] : vector<16xf32>, vector<16xi32> -> vector<16xf32>
    %add3A_2674 = arith.addf %add3A_2660, %gather3A_2673 : vector<16xf32>
    %xor3A_2675 = arith.constant 4 : i32
    %xor3A_2676 = vector.broadcast %xor3A_2675 : i32 to vector<16xi32>
    %xor3A_2677 = arith.xori %iota3A_2646, %xor3A_2676 : vector<16xi32>
    %lt3A_2678 = arith.constant 0 : i32
    %lt3A_2679 = vector.broadcast %lt3A_2678 : i32 to vector<16xi32>
    %lt3A_2680 = arith.cmpi slt, %xor3A_2677, %lt3A_2679 : vector<16xi32>
    %add3A_2681 = arith.constant 16 : i32
    %add3A_2682 = vector.broadcast %add3A_2681 : i32 to vector<16xi32>
    %add3A_2683 = arith.addi %xor3A_2677, %add3A_2682 : vector<16xi32>
    %select_n3A_2684 = arith.select %lt3A_2680, %add3A_2683, %xor3A_2677 : vector<16xi1>, vector<16xi32>
    %broadcast_in_dim3A_2685 = vector.shape_cast %select_n3A_2684 : vector<16xi32> to vector<16x1xi32>
    %gather3A_2686 = vector.shape_cast %broadcast_in_dim3A_2685 : vector<16x1xi32> to vector<16xi32>
    %gather3A_2687 = tpu.dynamic_gather %add3A_2674[%gather3A_2686] in [0] : vector<16xf32>, vector<16xi32> -> vector<16xf32>
    %add3A_2688 = arith.addf %add3A_2674, %gather3A_2687 : vector<16xf32>
    %xor3A_2689 = arith.constant 8 : i32
    %xor3A_2690 = vector.broadcast %xor3A_2689 : i32 to vector<16xi32>
    %xor3A_2691 = arith.xori %iota3A_2646, %xor3A_2690 : vector<16xi32>
    %lt3A_2692 = arith.constant 0 : i32
    %lt3A_2693 = vector.broadcast %lt3A_2692 : i32 to vector<16xi32>
    %lt3A_2694 = arith.cmpi slt, %xor3A_2691, %lt3A_2693 : vector<16xi32>
    %add3A_2695 = arith.constant 16 : i32
    %add3A_2696 = vector.broadcast %add3A_2695 : i32 to vector<16xi32>
    %add3A_2697 = arith.addi %xor3A_2691, %add3A_2696 : vector<16xi32>
    %select_n3A_2698 = arith.select %lt3A_2694, %add3A_2697, %xor3A_2691 : vector<16xi1>, vector<16xi32>
    %broadcast_in_dim3A_2699 = vector.shape_cast %select_n3A_2698 : vector<16xi32> to vector<16x1xi32>
    %gather3A_2700 = vector.shape_cast %broadcast_in_dim3A_2699 : vector<16x1xi32> to vector<16xi32>
    %gather3A_2701 = tpu.dynamic_gather %add3A_2688[%gather3A_2700] in [0] : vector<16xf32>, vector<16xi32> -> vector<16xf32>
    %add3A_2702 = arith.addf %add3A_2688, %gather3A_2701 : vector<16xf32>
    %select_n3A_2703 = arith.select %eq3A_2645, %add3A_2702, %select_n3A_2642 : vector<16xi1>, vector<16xf32>
    %eq3A_2704 = arith.constant 6 : i32
    %eq3A_2705 = vector.broadcast %eq3A_2704 : i32 to vector<16xi32>
    %eq3A_2706 = arith.cmpi eq, %iota3A, %eq3A_2705 : vector<16xi32>
    %iota3A_2707 = tpu.iota {dimensions = array<i32: 0>} : vector<16xi32>
    %xor3A_2708 = arith.constant 1 : i32
    %xor3A_2709 = vector.broadcast %xor3A_2708 : i32 to vector<16xi32>
    %xor3A_2710 = arith.xori %iota3A_2707, %xor3A_2709 : vector<16xi32>
    %lt3A_2711 = arith.constant 0 : i32
    %lt3A_2712 = vector.broadcast %lt3A_2711 : i32 to vector<16xi32>
    %lt3A_2713 = arith.cmpi slt, %xor3A_2710, %lt3A_2712 : vector<16xi32>
    %add3A_2714 = arith.constant 16 : i32
    %add3A_2715 = vector.broadcast %add3A_2714 : i32 to vector<16xi32>
    %add3A_2716 = arith.addi %xor3A_2710, %add3A_2715 : vector<16xi32>
    %select_n3A_2717 = arith.select %lt3A_2713, %add3A_2716, %xor3A_2710 : vector<16xi1>, vector<16xi32>
    %broadcast_in_dim3A_2718 = vector.shape_cast %select_n3A_2717 : vector<16xi32> to vector<16x1xi32>
    %gather3A_2719 = vector.shape_cast %broadcast_in_dim3A_2718 : vector<16x1xi32> to vector<16xi32>
    %gather3A_2720 = tpu.dynamic_gather %scan3A_2334#6[%gather3A_2719] in [0] : vector<16xf32>, vector<16xi32> -> vector<16xf32>
    %add3A_2721 = arith.addf %scan3A_2334#6, %gather3A_2720 : vector<16xf32>
    %xor3A_2722 = arith.constant 2 : i32
    %xor3A_2723 = vector.broadcast %xor3A_2722 : i32 to vector<16xi32>
    %xor3A_2724 = arith.xori %iota3A_2707, %xor3A_2723 : vector<16xi32>
    %lt3A_2725 = arith.constant 0 : i32
    %lt3A_2726 = vector.broadcast %lt3A_2725 : i32 to vector<16xi32>
    %lt3A_2727 = arith.cmpi slt, %xor3A_2724, %lt3A_2726 : vector<16xi32>
    %add3A_2728 = arith.constant 16 : i32
    %add3A_2729 = vector.broadcast %add3A_2728 : i32 to vector<16xi32>
    %add3A_2730 = arith.addi %xor3A_2724, %add3A_2729 : vector<16xi32>
    %select_n3A_2731 = arith.select %lt3A_2727, %add3A_2730, %xor3A_2724 : vector<16xi1>, vector<16xi32>
    %broadcast_in_dim3A_2732 = vector.shape_cast %select_n3A_2731 : vector<16xi32> to vector<16x1xi32>
    %gather3A_2733 = vector.shape_cast %broadcast_in_dim3A_2732 : vector<16x1xi32> to vector<16xi32>
    %gather3A_2734 = tpu.dynamic_gather %add3A_2721[%gather3A_2733] in [0] : vector<16xf32>, vector<16xi32> -> vector<16xf32>
    %add3A_2735 = arith.addf %add3A_2721, %gather3A_2734 : vector<16xf32>
    %xor3A_2736 = arith.constant 4 : i32
    %xor3A_2737 = vector.broadcast %xor3A_2736 : i32 to vector<16xi32>
    %xor3A_2738 = arith.xori %iota3A_2707, %xor3A_2737 : vector<16xi32>
    %lt3A_2739 = arith.constant 0 : i32
    %lt3A_2740 = vector.broadcast %lt3A_2739 : i32 to vector<16xi32>
    %lt3A_2741 = arith.cmpi slt, %xor3A_2738, %lt3A_2740 : vector<16xi32>
    %add3A_2742 = arith.constant 16 : i32
    %add3A_2743 = vector.broadcast %add3A_2742 : i32 to vector<16xi32>
    %add3A_2744 = arith.addi %xor3A_2738, %add3A_2743 : vector<16xi32>
    %select_n3A_2745 = arith.select %lt3A_2741, %add3A_2744, %xor3A_2738 : vector<16xi1>, vector<16xi32>
    %broadcast_in_dim3A_2746 = vector.shape_cast %select_n3A_2745 : vector<16xi32> to vector<16x1xi32>
    %gather3A_2747 = vector.shape_cast %broadcast_in_dim3A_2746 : vector<16x1xi32> to vector<16xi32>
    %gather3A_2748 = tpu.dynamic_gather %add3A_2735[%gather3A_2747] in [0] : vector<16xf32>, vector<16xi32> -> vector<16xf32>
    %add3A_2749 = arith.addf %add3A_2735, %gather3A_2748 : vector<16xf32>
    %xor3A_2750 = arith.constant 8 : i32
    %xor3A_2751 = vector.broadcast %xor3A_2750 : i32 to vector<16xi32>
    %xor3A_2752 = arith.xori %iota3A_2707, %xor3A_2751 : vector<16xi32>
    %lt3A_2753 = arith.constant 0 : i32
    %lt3A_2754 = vector.broadcast %lt3A_2753 : i32 to vector<16xi32>
    %lt3A_2755 = arith.cmpi slt, %xor3A_2752, %lt3A_2754 : vector<16xi32>
    %add3A_2756 = arith.constant 16 : i32
    %add3A_2757 = vector.broadcast %add3A_2756 : i32 to vector<16xi32>
    %add3A_2758 = arith.addi %xor3A_2752, %add3A_2757 : vector<16xi32>
    %select_n3A_2759 = arith.select %lt3A_2755, %add3A_2758, %xor3A_2752 : vector<16xi1>, vector<16xi32>
    %broadcast_in_dim3A_2760 = vector.shape_cast %select_n3A_2759 : vector<16xi32> to vector<16x1xi32>
    %gather3A_2761 = vector.shape_cast %broadcast_in_dim3A_2760 : vector<16x1xi32> to vector<16xi32>
    %gather3A_2762 = tpu.dynamic_gather %add3A_2749[%gather3A_2761] in [0] : vector<16xf32>, vector<16xi32> -> vector<16xf32>
    %add3A_2763 = arith.addf %add3A_2749, %gather3A_2762 : vector<16xf32>
    %select_n3A_2764 = arith.select %eq3A_2706, %add3A_2763, %select_n3A_2703 : vector<16xi1>, vector<16xf32>
    %eq3A_2765 = arith.constant 7 : i32
    %eq3A_2766 = vector.broadcast %eq3A_2765 : i32 to vector<16xi32>
    %eq3A_2767 = arith.cmpi eq, %iota3A, %eq3A_2766 : vector<16xi32>
    %iota3A_2768 = tpu.iota {dimensions = array<i32: 0>} : vector<16xi32>
    %xor3A_2769 = arith.constant 1 : i32
    %xor3A_2770 = vector.broadcast %xor3A_2769 : i32 to vector<16xi32>
    %xor3A_2771 = arith.xori %iota3A_2768, %xor3A_2770 : vector<16xi32>
    %lt3A_2772 = arith.constant 0 : i32
    %lt3A_2773 = vector.broadcast %lt3A_2772 : i32 to vector<16xi32>
    %lt3A_2774 = arith.cmpi slt, %xor3A_2771, %lt3A_2773 : vector<16xi32>
    %add3A_2775 = arith.constant 16 : i32
    %add3A_2776 = vector.broadcast %add3A_2775 : i32 to vector<16xi32>
    %add3A_2777 = arith.addi %xor3A_2771, %add3A_2776 : vector<16xi32>
    %select_n3A_2778 = arith.select %lt3A_2774, %add3A_2777, %xor3A_2771 : vector<16xi1>, vector<16xi32>
    %broadcast_in_dim3A_2779 = vector.shape_cast %select_n3A_2778 : vector<16xi32> to vector<16x1xi32>
    %gather3A_2780 = vector.shape_cast %broadcast_in_dim3A_2779 : vector<16x1xi32> to vector<16xi32>
    %gather3A_2781 = tpu.dynamic_gather %scan3A_2334#7[%gather3A_2780] in [0] : vector<16xf32>, vector<16xi32> -> vector<16xf32>
    %add3A_2782 = arith.addf %scan3A_2334#7, %gather3A_2781 : vector<16xf32>
    %xor3A_2783 = arith.constant 2 : i32
    %xor3A_2784 = vector.broadcast %xor3A_2783 : i32 to vector<16xi32>
    %xor3A_2785 = arith.xori %iota3A_2768, %xor3A_2784 : vector<16xi32>
    %lt3A_2786 = arith.constant 0 : i32
    %lt3A_2787 = vector.broadcast %lt3A_2786 : i32 to vector<16xi32>
    %lt3A_2788 = arith.cmpi slt, %xor3A_2785, %lt3A_2787 : vector<16xi32>
    %add3A_2789 = arith.constant 16 : i32
    %add3A_2790 = vector.broadcast %add3A_2789 : i32 to vector<16xi32>
    %add3A_2791 = arith.addi %xor3A_2785, %add3A_2790 : vector<16xi32>
    %select_n3A_2792 = arith.select %lt3A_2788, %add3A_2791, %xor3A_2785 : vector<16xi1>, vector<16xi32>
    %broadcast_in_dim3A_2793 = vector.shape_cast %select_n3A_2792 : vector<16xi32> to vector<16x1xi32>
    %gather3A_2794 = vector.shape_cast %broadcast_in_dim3A_2793 : vector<16x1xi32> to vector<16xi32>
    %gather3A_2795 = tpu.dynamic_gather %add3A_2782[%gather3A_2794] in [0] : vector<16xf32>, vector<16xi32> -> vector<16xf32>
    %add3A_2796 = arith.addf %add3A_2782, %gather3A_2795 : vector<16xf32>
    %xor3A_2797 = arith.constant 4 : i32
    %xor3A_2798 = vector.broadcast %xor3A_2797 : i32 to vector<16xi32>
    %xor3A_2799 = arith.xori %iota3A_2768, %xor3A_2798 : vector<16xi32>
    %lt3A_2800 = arith.constant 0 : i32
    %lt3A_2801 = vector.broadcast %lt3A_2800 : i32 to vector<16xi32>
    %lt3A_2802 = arith.cmpi slt, %xor3A_2799, %lt3A_2801 : vector<16xi32>
    %add3A_2803 = arith.constant 16 : i32
    %add3A_2804 = vector.broadcast %add3A_2803 : i32 to vector<16xi32>
    %add3A_2805 = arith.addi %xor3A_2799, %add3A_2804 : vector<16xi32>
    %select_n3A_2806 = arith.select %lt3A_2802, %add3A_2805, %xor3A_2799 : vector<16xi1>, vector<16xi32>
    %broadcast_in_dim3A_2807 = vector.shape_cast %select_n3A_2806 : vector<16xi32> to vector<16x1xi32>
    %gather3A_2808 = vector.shape_cast %broadcast_in_dim3A_2807 : vector<16x1xi32> to vector<16xi32>
    %gather3A_2809 = tpu.dynamic_gather %add3A_2796[%gather3A_2808] in [0] : vector<16xf32>, vector<16xi32> -> vector<16xf32>
    %add3A_2810 = arith.addf %add3A_2796, %gather3A_2809 : vector<16xf32>
    %xor3A_2811 = arith.constant 8 : i32
    %xor3A_2812 = vector.broadcast %xor3A_2811 : i32 to vector<16xi32>
    %xor3A_2813 = arith.xori %iota3A_2768, %xor3A_2812 : vector<16xi32>
    %lt3A_2814 = arith.constant 0 : i32
    %lt3A_2815 = vector.broadcast %lt3A_2814 : i32 to vector<16xi32>
    %lt3A_2816 = arith.cmpi slt, %xor3A_2813, %lt3A_2815 : vector<16xi32>
    %add3A_2817 = arith.constant 16 : i32
    %add3A_2818 = vector.broadcast %add3A_2817 : i32 to vector<16xi32>
    %add3A_2819 = arith.addi %xor3A_2813, %add3A_2818 : vector<16xi32>
    %select_n3A_2820 = arith.select %lt3A_2816, %add3A_2819, %xor3A_2813 : vector<16xi1>, vector<16xi32>
    %broadcast_in_dim3A_2821 = vector.shape_cast %select_n3A_2820 : vector<16xi32> to vector<16x1xi32>
    %gather3A_2822 = vector.shape_cast %broadcast_in_dim3A_2821 : vector<16x1xi32> to vector<16xi32>
    %gather3A_2823 = tpu.dynamic_gather %add3A_2810[%gather3A_2822] in [0] : vector<16xf32>, vector<16xi32> -> vector<16xf32>
    %add3A_2824 = arith.addf %add3A_2810, %gather3A_2823 : vector<16xf32>
    %select_n3A_2825 = arith.select %eq3A_2767, %add3A_2824, %select_n3A_2764 : vector<16xi1>, vector<16xf32>
    %iota3A_2826 = tpu.iota {dimensions = array<i32: 0>} : vector<16xi32>
    %xor3A_2827 = arith.constant 1 : i32
    %xor3A_2828 = vector.broadcast %xor3A_2827 : i32 to vector<16xi32>
    %xor3A_2829 = arith.xori %iota3A_2826, %xor3A_2828 : vector<16xi32>
    %lt3A_2830 = arith.constant 0 : i32
    %lt3A_2831 = vector.broadcast %lt3A_2830 : i32 to vector<16xi32>
    %lt3A_2832 = arith.cmpi slt, %xor3A_2829, %lt3A_2831 : vector<16xi32>
    %add3A_2833 = arith.constant 16 : i32
    %add3A_2834 = vector.broadcast %add3A_2833 : i32 to vector<16xi32>
    %add3A_2835 = arith.addi %xor3A_2829, %add3A_2834 : vector<16xi32>
    %select_n3A_2836 = arith.select %lt3A_2832, %add3A_2835, %xor3A_2829 : vector<16xi1>, vector<16xi32>
    %broadcast_in_dim3A_2837 = vector.shape_cast %select_n3A_2836 : vector<16xi32> to vector<16x1xi32>
    %gather3A_2838 = vector.shape_cast %broadcast_in_dim3A_2837 : vector<16x1xi32> to vector<16xi32>
    %gather3A_2839 = tpu.dynamic_gather %select_n3A_2825[%gather3A_2838] in [0] : vector<16xf32>, vector<16xi32> -> vector<16xf32>
    %max3A_2840 = arith.maximumf %select_n3A_2825, %gather3A_2839 : vector<16xf32>
    %xor3A_2841 = arith.constant 2 : i32
    %xor3A_2842 = vector.broadcast %xor3A_2841 : i32 to vector<16xi32>
    %xor3A_2843 = arith.xori %iota3A_2826, %xor3A_2842 : vector<16xi32>
    %lt3A_2844 = arith.constant 0 : i32
    %lt3A_2845 = vector.broadcast %lt3A_2844 : i32 to vector<16xi32>
    %lt3A_2846 = arith.cmpi slt, %xor3A_2843, %lt3A_2845 : vector<16xi32>
    %add3A_2847 = arith.constant 16 : i32
    %add3A_2848 = vector.broadcast %add3A_2847 : i32 to vector<16xi32>
    %add3A_2849 = arith.addi %xor3A_2843, %add3A_2848 : vector<16xi32>
    %select_n3A_2850 = arith.select %lt3A_2846, %add3A_2849, %xor3A_2843 : vector<16xi1>, vector<16xi32>
    %broadcast_in_dim3A_2851 = vector.shape_cast %select_n3A_2850 : vector<16xi32> to vector<16x1xi32>
    %gather3A_2852 = vector.shape_cast %broadcast_in_dim3A_2851 : vector<16x1xi32> to vector<16xi32>
    %gather3A_2853 = tpu.dynamic_gather %max3A_2840[%gather3A_2852] in [0] : vector<16xf32>, vector<16xi32> -> vector<16xf32>
    %max3A_2854 = arith.maximumf %max3A_2840, %gather3A_2853 : vector<16xf32>
    %xor3A_2855 = arith.constant 4 : i32
    %xor3A_2856 = vector.broadcast %xor3A_2855 : i32 to vector<16xi32>
    %xor3A_2857 = arith.xori %iota3A_2826, %xor3A_2856 : vector<16xi32>
    %lt3A_2858 = arith.constant 0 : i32
    %lt3A_2859 = vector.broadcast %lt3A_2858 : i32 to vector<16xi32>
    %lt3A_2860 = arith.cmpi slt, %xor3A_2857, %lt3A_2859 : vector<16xi32>
    %add3A_2861 = arith.constant 16 : i32
    %add3A_2862 = vector.broadcast %add3A_2861 : i32 to vector<16xi32>
    %add3A_2863 = arith.addi %xor3A_2857, %add3A_2862 : vector<16xi32>
    %select_n3A_2864 = arith.select %lt3A_2860, %add3A_2863, %xor3A_2857 : vector<16xi1>, vector<16xi32>
    %broadcast_in_dim3A_2865 = vector.shape_cast %select_n3A_2864 : vector<16xi32> to vector<16x1xi32>
    %gather3A_2866 = vector.shape_cast %broadcast_in_dim3A_2865 : vector<16x1xi32> to vector<16xi32>
    %gather3A_2867 = tpu.dynamic_gather %max3A_2854[%gather3A_2866] in [0] : vector<16xf32>, vector<16xi32> -> vector<16xf32>
    %max3A_2868 = arith.maximumf %max3A_2854, %gather3A_2867 : vector<16xf32>
    %xor3A_2869 = arith.constant 8 : i32
    %xor3A_2870 = vector.broadcast %xor3A_2869 : i32 to vector<16xi32>
    %xor3A_2871 = arith.xori %iota3A_2826, %xor3A_2870 : vector<16xi32>
    %lt3A_2872 = arith.constant 0 : i32
    %lt3A_2873 = vector.broadcast %lt3A_2872 : i32 to vector<16xi32>
    %lt3A_2874 = arith.cmpi slt, %xor3A_2871, %lt3A_2873 : vector<16xi32>
    %add3A_2875 = arith.constant 16 : i32
    %add3A_2876 = vector.broadcast %add3A_2875 : i32 to vector<16xi32>
    %add3A_2877 = arith.addi %xor3A_2871, %add3A_2876 : vector<16xi32>
    %select_n3A_2878 = arith.select %lt3A_2874, %add3A_2877, %xor3A_2871 : vector<16xi1>, vector<16xi32>
    %broadcast_in_dim3A_2879 = vector.shape_cast %select_n3A_2878 : vector<16xi32> to vector<16x1xi32>
    %gather3A_2880 = vector.shape_cast %broadcast_in_dim3A_2879 : vector<16x1xi32> to vector<16xi32>
    %gather3A_2881 = tpu.dynamic_gather %max3A_2868[%gather3A_2880] in [0] : vector<16xf32>, vector<16xi32> -> vector<16xf32>
    %max3A_2882 = arith.maximumf %max3A_2868, %gather3A_2881 : vector<16xf32>
    %eq3A_2883 = arith.cmpf oeq, %select_n3A_2825, %max3A_2882 : vector<16xf32>
    %jit3A_2884 = arith.constant 16 : i32
    %broadcast_in_dim3A_2885 = vector.broadcast %jit3A_2884 : i32 to vector<16xi32>
    %select_n3A_2886 = arith.select %eq3A_2883, %iota3A, %broadcast_in_dim3A_2885 : vector<16xi1>, vector<16xi32>
    %iota3A_2887 = tpu.iota {dimensions = array<i32: 0>} : vector<16xi32>
    %xor3A_2888 = arith.constant 1 : i32
    %xor3A_2889 = vector.broadcast %xor3A_2888 : i32 to vector<16xi32>
    %xor3A_2890 = arith.xori %iota3A_2887, %xor3A_2889 : vector<16xi32>
    %lt3A_2891 = arith.constant 0 : i32
    %lt3A_2892 = vector.broadcast %lt3A_2891 : i32 to vector<16xi32>
    %lt3A_2893 = arith.cmpi slt, %xor3A_2890, %lt3A_2892 : vector<16xi32>
    %add3A_2894 = arith.constant 16 : i32
    %add3A_2895 = vector.broadcast %add3A_2894 : i32 to vector<16xi32>
    %add3A_2896 = arith.addi %xor3A_2890, %add3A_2895 : vector<16xi32>
    %select_n3A_2897 = arith.select %lt3A_2893, %add3A_2896, %xor3A_2890 : vector<16xi1>, vector<16xi32>
    %broadcast_in_dim3A_2898 = vector.shape_cast %select_n3A_2897 : vector<16xi32> to vector<16x1xi32>
    %gather3A_2899 = vector.shape_cast %broadcast_in_dim3A_2898 : vector<16x1xi32> to vector<16xi32>
    %gather3A_2900 = tpu.dynamic_gather %select_n3A_2886[%gather3A_2899] in [0] : vector<16xi32>, vector<16xi32> -> vector<16xi32>
    %min3A_2901 = arith.minsi %select_n3A_2886, %gather3A_2900 : vector<16xi32>
    %xor3A_2902 = arith.constant 2 : i32
    %xor3A_2903 = vector.broadcast %xor3A_2902 : i32 to vector<16xi32>
    %xor3A_2904 = arith.xori %iota3A_2887, %xor3A_2903 : vector<16xi32>
    %lt3A_2905 = arith.constant 0 : i32
    %lt3A_2906 = vector.broadcast %lt3A_2905 : i32 to vector<16xi32>
    %lt3A_2907 = arith.cmpi slt, %xor3A_2904, %lt3A_2906 : vector<16xi32>
    %add3A_2908 = arith.constant 16 : i32
    %add3A_2909 = vector.broadcast %add3A_2908 : i32 to vector<16xi32>
    %add3A_2910 = arith.addi %xor3A_2904, %add3A_2909 : vector<16xi32>
    %select_n3A_2911 = arith.select %lt3A_2907, %add3A_2910, %xor3A_2904 : vector<16xi1>, vector<16xi32>
    %broadcast_in_dim3A_2912 = vector.shape_cast %select_n3A_2911 : vector<16xi32> to vector<16x1xi32>
    %gather3A_2913 = vector.shape_cast %broadcast_in_dim3A_2912 : vector<16x1xi32> to vector<16xi32>
    %gather3A_2914 = tpu.dynamic_gather %min3A_2901[%gather3A_2913] in [0] : vector<16xi32>, vector<16xi32> -> vector<16xi32>
    %min3A_2915 = arith.minsi %min3A_2901, %gather3A_2914 : vector<16xi32>
    %xor3A_2916 = arith.constant 4 : i32
    %xor3A_2917 = vector.broadcast %xor3A_2916 : i32 to vector<16xi32>
    %xor3A_2918 = arith.xori %iota3A_2887, %xor3A_2917 : vector<16xi32>
    %lt3A_2919 = arith.constant 0 : i32
    %lt3A_2920 = vector.broadcast %lt3A_2919 : i32 to vector<16xi32>
    %lt3A_2921 = arith.cmpi slt, %xor3A_2918, %lt3A_2920 : vector<16xi32>
    %add3A_2922 = arith.constant 16 : i32
    %add3A_2923 = vector.broadcast %add3A_2922 : i32 to vector<16xi32>
    %add3A_2924 = arith.addi %xor3A_2918, %add3A_2923 : vector<16xi32>
    %select_n3A_2925 = arith.select %lt3A_2921, %add3A_2924, %xor3A_2918 : vector<16xi1>, vector<16xi32>
    %broadcast_in_dim3A_2926 = vector.shape_cast %select_n3A_2925 : vector<16xi32> to vector<16x1xi32>
    %gather3A_2927 = vector.shape_cast %broadcast_in_dim3A_2926 : vector<16x1xi32> to vector<16xi32>
    %gather3A_2928 = tpu.dynamic_gather %min3A_2915[%gather3A_2927] in [0] : vector<16xi32>, vector<16xi32> -> vector<16xi32>
    %min3A_2929 = arith.minsi %min3A_2915, %gather3A_2928 : vector<16xi32>
    %xor3A_2930 = arith.constant 8 : i32
    %xor3A_2931 = vector.broadcast %xor3A_2930 : i32 to vector<16xi32>
    %xor3A_2932 = arith.xori %iota3A_2887, %xor3A_2931 : vector<16xi32>
    %lt3A_2933 = arith.constant 0 : i32
    %lt3A_2934 = vector.broadcast %lt3A_2933 : i32 to vector<16xi32>
    %lt3A_2935 = arith.cmpi slt, %xor3A_2932, %lt3A_2934 : vector<16xi32>
    %add3A_2936 = arith.constant 16 : i32
    %add3A_2937 = vector.broadcast %add3A_2936 : i32 to vector<16xi32>
    %add3A_2938 = arith.addi %xor3A_2932, %add3A_2937 : vector<16xi32>
    %select_n3A_2939 = arith.select %lt3A_2935, %add3A_2938, %xor3A_2932 : vector<16xi1>, vector<16xi32>
    %broadcast_in_dim3A_2940 = vector.shape_cast %select_n3A_2939 : vector<16xi32> to vector<16x1xi32>
    %gather3A_2941 = vector.shape_cast %broadcast_in_dim3A_2940 : vector<16x1xi32> to vector<16xi32>
    %gather3A_2942 = tpu.dynamic_gather %min3A_2929[%gather3A_2941] in [0] : vector<16xi32>, vector<16xi32> -> vector<16xi32>
    %min3A_2943 = arith.minsi %min3A_2929, %gather3A_2942 : vector<16xi32>
    %eq3A_2944 = arith.cmpi eq, %iota3A, %min3A_2943 : vector<16xi32>
    %jit3A_2945 = arith.constant 0xFF800000 : f32
    %broadcast_in_dim3A_2946 = vector.broadcast %jit3A_2945 : f32 to vector<16xf32>
    %select_n3A_2947 = arith.select %eq3A_2944, %broadcast_in_dim3A_2946, %select_n3A_2825 : vector<16xi1>, vector<16xf32>
    %iota3A_2948 = tpu.iota {dimensions = array<i32: 0>} : vector<16xi32>
    %xor3A_2949 = arith.constant 1 : i32
    %xor3A_2950 = vector.broadcast %xor3A_2949 : i32 to vector<16xi32>
    %xor3A_2951 = arith.xori %iota3A_2948, %xor3A_2950 : vector<16xi32>
    %lt3A_2952 = arith.constant 0 : i32
    %lt3A_2953 = vector.broadcast %lt3A_2952 : i32 to vector<16xi32>
    %lt3A_2954 = arith.cmpi slt, %xor3A_2951, %lt3A_2953 : vector<16xi32>
    %add3A_2955 = arith.constant 16 : i32
    %add3A_2956 = vector.broadcast %add3A_2955 : i32 to vector<16xi32>
    %add3A_2957 = arith.addi %xor3A_2951, %add3A_2956 : vector<16xi32>
    %select_n3A_2958 = arith.select %lt3A_2954, %add3A_2957, %xor3A_2951 : vector<16xi1>, vector<16xi32>
    %broadcast_in_dim3A_2959 = vector.shape_cast %select_n3A_2958 : vector<16xi32> to vector<16x1xi32>
    %gather3A_2960 = vector.shape_cast %broadcast_in_dim3A_2959 : vector<16x1xi32> to vector<16xi32>
    %gather3A_2961 = tpu.dynamic_gather %select_n3A_2947[%gather3A_2960] in [0] : vector<16xf32>, vector<16xi32> -> vector<16xf32>
    %max3A_2962 = arith.maximumf %select_n3A_2947, %gather3A_2961 : vector<16xf32>
    %xor3A_2963 = arith.constant 2 : i32
    %xor3A_2964 = vector.broadcast %xor3A_2963 : i32 to vector<16xi32>
    %xor3A_2965 = arith.xori %iota3A_2948, %xor3A_2964 : vector<16xi32>
    %lt3A_2966 = arith.constant 0 : i32
    %lt3A_2967 = vector.broadcast %lt3A_2966 : i32 to vector<16xi32>
    %lt3A_2968 = arith.cmpi slt, %xor3A_2965, %lt3A_2967 : vector<16xi32>
    %add3A_2969 = arith.constant 16 : i32
    %add3A_2970 = vector.broadcast %add3A_2969 : i32 to vector<16xi32>
    %add3A_2971 = arith.addi %xor3A_2965, %add3A_2970 : vector<16xi32>
    %select_n3A_2972 = arith.select %lt3A_2968, %add3A_2971, %xor3A_2965 : vector<16xi1>, vector<16xi32>
    %broadcast_in_dim3A_2973 = vector.shape_cast %select_n3A_2972 : vector<16xi32> to vector<16x1xi32>
    %gather3A_2974 = vector.shape_cast %broadcast_in_dim3A_2973 : vector<16x1xi32> to vector<16xi32>
    %gather3A_2975 = tpu.dynamic_gather %max3A_2962[%gather3A_2974] in [0] : vector<16xf32>, vector<16xi32> -> vector<16xf32>
    %max3A_2976 = arith.maximumf %max3A_2962, %gather3A_2975 : vector<16xf32>
    %xor3A_2977 = arith.constant 4 : i32
    %xor3A_2978 = vector.broadcast %xor3A_2977 : i32 to vector<16xi32>
    %xor3A_2979 = arith.xori %iota3A_2948, %xor3A_2978 : vector<16xi32>
    %lt3A_2980 = arith.constant 0 : i32
    %lt3A_2981 = vector.broadcast %lt3A_2980 : i32 to vector<16xi32>
    %lt3A_2982 = arith.cmpi slt, %xor3A_2979, %lt3A_2981 : vector<16xi32>
    %add3A_2983 = arith.constant 16 : i32
    %add3A_2984 = vector.broadcast %add3A_2983 : i32 to vector<16xi32>
    %add3A_2985 = arith.addi %xor3A_2979, %add3A_2984 : vector<16xi32>
    %select_n3A_2986 = arith.select %lt3A_2982, %add3A_2985, %xor3A_2979 : vector<16xi1>, vector<16xi32>
    %broadcast_in_dim3A_2987 = vector.shape_cast %select_n3A_2986 : vector<16xi32> to vector<16x1xi32>
    %gather3A_2988 = vector.shape_cast %broadcast_in_dim3A_2987 : vector<16x1xi32> to vector<16xi32>
    %gather3A_2989 = tpu.dynamic_gather %max3A_2976[%gather3A_2988] in [0] : vector<16xf32>, vector<16xi32> -> vector<16xf32>
    %max3A_2990 = arith.maximumf %max3A_2976, %gather3A_2989 : vector<16xf32>
    %xor3A_2991 = arith.constant 8 : i32
    %xor3A_2992 = vector.broadcast %xor3A_2991 : i32 to vector<16xi32>
    %xor3A_2993 = arith.xori %iota3A_2948, %xor3A_2992 : vector<16xi32>
    %lt3A_2994 = arith.constant 0 : i32
    %lt3A_2995 = vector.broadcast %lt3A_2994 : i32 to vector<16xi32>
    %lt3A_2996 = arith.cmpi slt, %xor3A_2993, %lt3A_2995 : vector<16xi32>
    %add3A_2997 = arith.constant 16 : i32
    %add3A_2998 = vector.broadcast %add3A_2997 : i32 to vector<16xi32>
    %add3A_2999 = arith.addi %xor3A_2993, %add3A_2998 : vector<16xi32>
    %select_n3A_3000 = arith.select %lt3A_2996, %add3A_2999, %xor3A_2993 : vector<16xi1>, vector<16xi32>
    %broadcast_in_dim3A_3001 = vector.shape_cast %select_n3A_3000 : vector<16xi32> to vector<16x1xi32>
    %gather3A_3002 = vector.shape_cast %broadcast_in_dim3A_3001 : vector<16x1xi32> to vector<16xi32>
    %gather3A_3003 = tpu.dynamic_gather %max3A_2990[%gather3A_3002] in [0] : vector<16xf32>, vector<16xi32> -> vector<16xf32>
    %max3A_3004 = arith.maximumf %max3A_2990, %gather3A_3003 : vector<16xf32>
    %eq3A_3005 = arith.cmpf oeq, %select_n3A_2947, %max3A_3004 : vector<16xf32>
    %jit3A_3006 = arith.constant 16 : i32
    %broadcast_in_dim3A_3007 = vector.broadcast %jit3A_3006 : i32 to vector<16xi32>
    %select_n3A_3008 = arith.select %eq3A_3005, %iota3A, %broadcast_in_dim3A_3007 : vector<16xi1>, vector<16xi32>
    %iota3A_3009 = tpu.iota {dimensions = array<i32: 0>} : vector<16xi32>
    %xor3A_3010 = arith.constant 1 : i32
    %xor3A_3011 = vector.broadcast %xor3A_3010 : i32 to vector<16xi32>
    %xor3A_3012 = arith.xori %iota3A_3009, %xor3A_3011 : vector<16xi32>
    %lt3A_3013 = arith.constant 0 : i32
    %lt3A_3014 = vector.broadcast %lt3A_3013 : i32 to vector<16xi32>
    %lt3A_3015 = arith.cmpi slt, %xor3A_3012, %lt3A_3014 : vector<16xi32>
    %add3A_3016 = arith.constant 16 : i32
    %add3A_3017 = vector.broadcast %add3A_3016 : i32 to vector<16xi32>
    %add3A_3018 = arith.addi %xor3A_3012, %add3A_3017 : vector<16xi32>
    %select_n3A_3019 = arith.select %lt3A_3015, %add3A_3018, %xor3A_3012 : vector<16xi1>, vector<16xi32>
    %broadcast_in_dim3A_3020 = vector.shape_cast %select_n3A_3019 : vector<16xi32> to vector<16x1xi32>
    %gather3A_3021 = vector.shape_cast %broadcast_in_dim3A_3020 : vector<16x1xi32> to vector<16xi32>
    %gather3A_3022 = tpu.dynamic_gather %select_n3A_3008[%gather3A_3021] in [0] : vector<16xi32>, vector<16xi32> -> vector<16xi32>
    %min3A_3023 = arith.minsi %select_n3A_3008, %gather3A_3022 : vector<16xi32>
    %xor3A_3024 = arith.constant 2 : i32
    %xor3A_3025 = vector.broadcast %xor3A_3024 : i32 to vector<16xi32>
    %xor3A_3026 = arith.xori %iota3A_3009, %xor3A_3025 : vector<16xi32>
    %lt3A_3027 = arith.constant 0 : i32
    %lt3A_3028 = vector.broadcast %lt3A_3027 : i32 to vector<16xi32>
    %lt3A_3029 = arith.cmpi slt, %xor3A_3026, %lt3A_3028 : vector<16xi32>
    %add3A_3030 = arith.constant 16 : i32
    %add3A_3031 = vector.broadcast %add3A_3030 : i32 to vector<16xi32>
    %add3A_3032 = arith.addi %xor3A_3026, %add3A_3031 : vector<16xi32>
    %select_n3A_3033 = arith.select %lt3A_3029, %add3A_3032, %xor3A_3026 : vector<16xi1>, vector<16xi32>
    %broadcast_in_dim3A_3034 = vector.shape_cast %select_n3A_3033 : vector<16xi32> to vector<16x1xi32>
    %gather3A_3035 = vector.shape_cast %broadcast_in_dim3A_3034 : vector<16x1xi32> to vector<16xi32>
    %gather3A_3036 = tpu.dynamic_gather %min3A_3023[%gather3A_3035] in [0] : vector<16xi32>, vector<16xi32> -> vector<16xi32>
    %min3A_3037 = arith.minsi %min3A_3023, %gather3A_3036 : vector<16xi32>
    %xor3A_3038 = arith.constant 4 : i32
    %xor3A_3039 = vector.broadcast %xor3A_3038 : i32 to vector<16xi32>
    %xor3A_3040 = arith.xori %iota3A_3009, %xor3A_3039 : vector<16xi32>
    %lt3A_3041 = arith.constant 0 : i32
    %lt3A_3042 = vector.broadcast %lt3A_3041 : i32 to vector<16xi32>
    %lt3A_3043 = arith.cmpi slt, %xor3A_3040, %lt3A_3042 : vector<16xi32>
    %add3A_3044 = arith.constant 16 : i32
    %add3A_3045 = vector.broadcast %add3A_3044 : i32 to vector<16xi32>
    %add3A_3046 = arith.addi %xor3A_3040, %add3A_3045 : vector<16xi32>
    %select_n3A_3047 = arith.select %lt3A_3043, %add3A_3046, %xor3A_3040 : vector<16xi1>, vector<16xi32>
    %broadcast_in_dim3A_3048 = vector.shape_cast %select_n3A_3047 : vector<16xi32> to vector<16x1xi32>
    %gather3A_3049 = vector.shape_cast %broadcast_in_dim3A_3048 : vector<16x1xi32> to vector<16xi32>
    %gather3A_3050 = tpu.dynamic_gather %min3A_3037[%gather3A_3049] in [0] : vector<16xi32>, vector<16xi32> -> vector<16xi32>
    %min3A_3051 = arith.minsi %min3A_3037, %gather3A_3050 : vector<16xi32>
    %xor3A_3052 = arith.constant 8 : i32
    %xor3A_3053 = vector.broadcast %xor3A_3052 : i32 to vector<16xi32>
    %xor3A_3054 = arith.xori %iota3A_3009, %xor3A_3053 : vector<16xi32>
    %lt3A_3055 = arith.constant 0 : i32
    %lt3A_3056 = vector.broadcast %lt3A_3055 : i32 to vector<16xi32>
    %lt3A_3057 = arith.cmpi slt, %xor3A_3054, %lt3A_3056 : vector<16xi32>
    %add3A_3058 = arith.constant 16 : i32
    %add3A_3059 = vector.broadcast %add3A_3058 : i32 to vector<16xi32>
    %add3A_3060 = arith.addi %xor3A_3054, %add3A_3059 : vector<16xi32>
    %select_n3A_3061 = arith.select %lt3A_3057, %add3A_3060, %xor3A_3054 : vector<16xi1>, vector<16xi32>
    %broadcast_in_dim3A_3062 = vector.shape_cast %select_n3A_3061 : vector<16xi32> to vector<16x1xi32>
    %gather3A_3063 = vector.shape_cast %broadcast_in_dim3A_3062 : vector<16x1xi32> to vector<16xi32>
    %gather3A_3064 = tpu.dynamic_gather %min3A_3051[%gather3A_3063] in [0] : vector<16xi32>, vector<16xi32> -> vector<16xi32>
    %min3A_3065 = arith.minsi %min3A_3051, %gather3A_3064 : vector<16xi32>
    %sub3A_3066 = arith.subf %max3A_3004, %max3A_2882 : vector<16xf32>
    %exp3A_3067 = math.exp %sub3A_3066 : vector<16xf32>
    %add3A_3068 = arith.constant 1.000000e+00 : f32
    %add3A_3069 = vector.broadcast %add3A_3068 : f32 to vector<16xf32>
    %add3A_3070 = arith.addf %add3A_3069, %exp3A_3067 : vector<16xf32>
    %div3A_3071 = arith.constant 1.000000e+00 : f32
    %div3A_3072 = vector.broadcast %div3A_3071 : f32 to vector<16xf32>
    %div3A_3073 = arith.divf %div3A_3072, %add3A_3070 : vector<16xf32>
    %eq3A_3074 = arith.cmpi eq, %iota3A, %min3A_2943 : vector<16xi32>
    %eq3A_3075 = arith.cmpi eq, %iota3A, %min3A_3065 : vector<16xi32>
    %sub3A_3076 = arith.constant 1.000000e+00 : f32
    %sub3A_3077 = vector.broadcast %sub3A_3076 : f32 to vector<16xf32>
    %sub3A_3078 = arith.subf %sub3A_3077, %div3A_3073 : vector<16xf32>
    %broadcast_in_dim3A_3079 = arith.constant 0.000000e+00 : f32
    %broadcast_in_dim3A_3080 = vector.broadcast %broadcast_in_dim3A_3079 : f32 to vector<16xf32>
    %select_n3A_3081 = arith.select %eq3A_3075, %sub3A_3078, %broadcast_in_dim3A_3080 : vector<16xi1>, vector<16xf32>
    %select_n3A_3082 = arith.select %eq3A_3074, %div3A_3073, %select_n3A_3081 : vector<16xi1>, vector<16xf32>
    %swap3A_3083 = arith.constant 3 : i32
    %swap3A_3084 = arith.index_cast %swap3A_3083 : i32 to index
    %swap3A_3085 = arith.constant 0 : index
    %swap3A_3086 = tpu.vector_load %arg7[%swap3A_3084, %swap3A_3085] {strides = array<i32>} : memref<4x16xf32, #tpu.memory_space<vmem>>, vector<1x16xf32>,
    %swap3A_3087 = vector.shape_cast %swap3A_3086 : vector<1x16xf32> to vector<16xf32>
    %swap3A_3088 = vector.shape_cast %select_n3A_3082 : vector<16xf32> to vector<1x16xf32>
    tpu.vector_store %arg7[%swap3A_3084, %swap3A_3085], %swap3A_3088 {strides = array<i32>} : memref<4x16xf32, #tpu.memory_space<vmem>>, vector<1x16xf32>,
    "tpu.region"() ({
      %run_scoped3A = tpu.sem_alloc : memref<!tpu.dma_semaphore, #tpu.memory_space<semaphore_mem>>
      %dma_start3A = arith.constant 0 : i32
      %dma_start3A_3089 = tpu.memref_slice %arg4[%mul3A_2, %dma_start3A] : memref<128x16xf32, #tpu.memory_space<hbm>> -> memref<4x16xf32, #tpu.memory_space<hbm>>
      %dma_start3A_3090 = arith.constant 0 : i32
      %dma_start3A_3091 = tpu.memref_slice %arg4[%mul3A_2, %dma_start3A_3090] : memref<128x16xf32, #tpu.memory_space<hbm>> -> memref<4x16xf32, #tpu.memory_space<hbm>>
      tpu.enqueue_dma source(%arg7 : memref<4x16xf32, #tpu.memory_space<vmem>>) target(%dma_start3A_3091 : memref<4x16xf32, #tpu.memory_space<hbm>>) target_semaphore(%run_scoped3A : memref<!tpu.dma_semaphore, #tpu.memory_space<semaphore_mem>>)
      %dma_wait3A = arith.constant 0 : i32
      %dma_wait3A_3092 = tpu.memref_slice %arg4[%mul3A_2, %dma_wait3A] : memref<128x16xf32, #tpu.memory_space<hbm>> -> memref<4x16xf32, #tpu.memory_space<hbm>>
      %dma_wait3A_3093 = arith.constant 0 : i32
      %dma_wait3A_3094 = tpu.memref_slice %arg4[%mul3A_2, %dma_wait3A_3093] : memref<128x16xf32, #tpu.memory_space<hbm>> -> memref<4x16xf32, #tpu.memory_space<hbm>>
      tpu.wait_dma2 semaphore(%run_scoped3A : memref<!tpu.dma_semaphore, #tpu.memory_space<semaphore_mem>>) src(%arg7 : memref<4x16xf32, #tpu.memory_space<vmem>>) dst(%dma_wait3A_3094 : memref<4x16xf32, #tpu.memory_space<hbm>>)
      tpu.yield
    }) : () -> ()
    return
  }
}

module attributes {stable_mosaic.version = 14 : i64} {
  func.func @_moe_body(%arg0: i32, %arg1: i32, %arg2: memref<128x1024xf32, #tpu.memory_space<vmem>>, %arg3: memref<128x16xf32, #tpu.memory_space<vmem>>, %arg4: memref<1x896x1024xf32, #tpu.memory_space<vmem>>, %arg5: memref<1x896x1024xf32, #tpu.memory_space<vmem>>, %arg6: memref<1x1024x896xf32, #tpu.memory_space<vmem>>, %arg7: memref<128x1024xf32, #tpu.memory_space<vmem>>) attributes {dimension_semantics = [#tpu.dimension_semantics<arbitrary>, #tpu.dimension_semantics<arbitrary>], iteration_bounds = array<i64: 8, 4>, scalar_prefetch = 0 : i64, scratch_operands = 0 : i64, tpu.core_type = #tpu.core_type<tc>, window_params = [{pipeline_mode = #tpu.pipeline_mode<synchronous>, transform_indices = @transform_0, window_bounds = array<i64: 128, 1024>}, {pipeline_mode = #tpu.pipeline_mode<synchronous>, transform_indices = @transform_1, window_bounds = array<i64: 128, 16>}, {transform_indices = @transform_2, window_bounds = array<i64: 1, 896, 1024>}, {transform_indices = @transform_3, window_bounds = array<i64: 1, 896, 1024>}, {transform_indices = @transform_4, window_bounds = array<i64: 1, 1024, 896>}, {pipeline_mode = #tpu.pipeline_mode<synchronous>, transform_indices = @transform_5, window_bounds = array<i64: 128, 1024>}]} {
    %get3A = arith.constant 0 : index
    %get3A_0 = arith.constant 0 : index
    %get3A_1 = vector.load %arg2[%get3A, %get3A_0] : memref<128x1024xf32, #tpu.memory_space<vmem>>, vector<128x1024xf32>
    %iota3A = tpu.iota {dimensions = array<i32: 1>} : vector<128x16xi32>
    %eq3A = vector.broadcast %arg0 : i32 to vector<128x16xi32>
    %eq3A_2 = arith.cmpi eq, %iota3A, %eq3A : vector<128x16xi32>
    %get3A_3 = arith.constant 0 : index
    %get3A_4 = arith.constant 0 : index
    %get3A_5 = vector.load %arg3[%get3A_3, %get3A_4] : memref<128x16xf32, #tpu.memory_space<vmem>>, vector<128x16xf32>
    %jit3A = arith.constant 0.000000e+00 : f32
    %broadcast_in_dim3A = vector.broadcast %jit3A : f32 to vector<128x16xf32>
    %select_n3A = arith.select %eq3A_2, %get3A_5, %broadcast_in_dim3A : vector<128x16xi1>, vector<128x16xf32>
    %reduce_sum3A = arith.constant dense<0.000000e+00> : vector<128xf32>
    %reduce_sum3A_6 = vector.multi_reduction <add>, %select_n3A, %reduce_sum3A [1] : vector<128x16xf32> to vector<128xf32>
    %broadcast_in_dim3A_7 = vector.shape_cast %reduce_sum3A_6 : vector<128xf32> to vector<128x1xf32>
    %get3A_8 = arith.constant 0 : index
    %get3A_9 = arith.constant 0 : index
    %get3A_10 = arith.constant 0 : index
    %get3A_11 = vector.load %arg4[%get3A_8, %get3A_9, %get3A_10] : memref<1x896x1024xf32, #tpu.memory_space<vmem>>, vector<1x896x1024xf32>
    %get3A_12 = vector.shape_cast %get3A_11 : vector<1x896x1024xf32> to vector<896x1024xf32>
    %get3A_13 = arith.constant 0 : index
    %get3A_14 = arith.constant 0 : index
    %get3A_15 = arith.constant 0 : index
    %get3A_16 = vector.load %arg5[%get3A_13, %get3A_14, %get3A_15] : memref<1x896x1024xf32, #tpu.memory_space<vmem>>, vector<1x896x1024xf32>
    %get3A_17 = vector.shape_cast %get3A_16 : vector<1x896x1024xf32> to vector<896x1024xf32>
    %get3A_18 = arith.constant 0 : index
    %get3A_19 = arith.constant 0 : index
    %get3A_20 = arith.constant 0 : index
    %get3A_21 = vector.load %arg6[%get3A_18, %get3A_19, %get3A_20] : memref<1x1024x896xf32, #tpu.memory_space<vmem>>, vector<1x1024x896xf32>
    %get3A_22 = vector.shape_cast %get3A_21 : vector<1x1024x896xf32> to vector<1024x896xf32>
    %dot_general3A = arith.constant dense<0.000000e+00> : vector<128x896xf32>
    %dot_general3A_23 = tpu.matmul %get3A_1, %get3A_12, %dot_general3A {dimension_numbers = #tpu.dot_dimension_numbers<[1], [1], [0], [0], [0, 0, 1, 0], [], []>, transpose_lhs_hint = false} : vector<128x1024xf32>, vector<896x1024xf32>, vector<128x896xf32> -> vector<128x896xf32>
    %dot_general3A_24 = arith.constant dense<0.000000e+00> : vector<128x896xf32>
    %dot_general3A_25 = tpu.matmul %get3A_1, %get3A_17, %dot_general3A_24 {dimension_numbers = #tpu.dot_dimension_numbers<[1], [1], [0], [0], [0, 0, 1, 0], [], []>, transpose_lhs_hint = false} : vector<128x1024xf32>, vector<896x1024xf32>, vector<128x896xf32> -> vector<128x896xf32>
    %logistic3A = arith.negf %dot_general3A_23 : vector<128x896xf32>
    %logistic3A_26 = math.exp %logistic3A : vector<128x896xf32>
    %logistic3A_27 = arith.constant 1.000000e+00 : f32
    %logistic3A_28 = vector.broadcast %logistic3A_27 : f32 to vector<128x896xf32>
    %logistic3A_29 = arith.addf %logistic3A_28, %logistic3A_26 : vector<128x896xf32>
    %logistic3A_30 = arith.divf %logistic3A_28, %logistic3A_29 : vector<128x896xf32>
    %mul3A = arith.mulf %dot_general3A_23, %logistic3A_30 : vector<128x896xf32>
    %mul3A_31 = arith.mulf %mul3A, %dot_general3A_25 : vector<128x896xf32>
    %mul3A_32 = vector.broadcast %broadcast_in_dim3A_7 : vector<128x1xf32> to vector<128x896xf32>
    %mul3A_33 = arith.mulf %mul3A_31, %mul3A_32 : vector<128x896xf32>
    %dot_general3A_34 = arith.constant dense<0.000000e+00> : vector<128x1024xf32>
    %dot_general3A_35 = tpu.matmul %mul3A_33, %get3A_22, %dot_general3A_34 {dimension_numbers = #tpu.dot_dimension_numbers<[1], [1], [0], [0], [0, 0, 1, 0], [], []>, transpose_lhs_hint = false} : vector<128x896xf32>, vector<1024x896xf32>, vector<128x1024xf32> -> vector<128x1024xf32>
    %eq3A_36 = arith.constant 0 : i32
    %eq3A_37 = arith.cmpi eq, %arg0, %eq3A_36 : i32
    %eq3A_38 = arith.constant 0 : i32
    %eq3A_39 = arith.cmpi eq, %arg1, %eq3A_38 : i32
    %and3A = arith.andi %eq3A_37, %eq3A_39 : i1
    %convert_element_type3A = arith.extui %and3A : i1 to i32
    %cond3A = arith.constant 0 : i32
    %cond3A_40 = arith.cmpi ne, %convert_element_type3A, %cond3A : i32
    scf.if %cond3A_40 {
      %broadcast_in_dim3A_46 = arith.constant 0.000000e+00 : f32
      %broadcast_in_dim3A_47 = vector.broadcast %broadcast_in_dim3A_46 : f32 to vector<128x1024xf32>
      %swap3A_48 = arith.constant 0 : index
      %swap3A_49 = arith.constant 0 : index
      %swap3A_50 = vector.load %arg7[%swap3A_48, %swap3A_49] : memref<128x1024xf32, #tpu.memory_space<vmem>>, vector<128x1024xf32>
      tpu.vector_store %arg7[%swap3A_48, %swap3A_49], %broadcast_in_dim3A_47 {strides = array<i32>} : memref<128x1024xf32, #tpu.memory_space<vmem>>, vector<128x1024xf32>,
    } else {
    }
    %get3A_41 = arith.constant 0 : index
    %get3A_42 = arith.constant 0 : index
    %get3A_43 = vector.load %arg7[%get3A_41, %get3A_42] : memref<128x1024xf32, #tpu.memory_space<vmem>>, vector<128x1024xf32>
    %add3A = arith.addf %get3A_43, %dot_general3A_35 : vector<128x1024xf32>
    %swap3A = arith.constant 0 : index
    %swap3A_44 = arith.constant 0 : index
    %swap3A_45 = vector.load %arg7[%swap3A, %swap3A_44] : memref<128x1024xf32, #tpu.memory_space<vmem>>, vector<128x1024xf32>
    tpu.vector_store %arg7[%swap3A, %swap3A_44], %add3A {strides = array<i32>} : memref<128x1024xf32, #tpu.memory_space<vmem>>, vector<128x1024xf32>,
    return
  }
  func.func @transform_0(%arg0: i32, %arg1: i32) -> (i32, i32) {
    %c0_i32 = arith.constant 0 : i32
    %c0_i32_0 = arith.constant 0 : i32
    %c0_i32_1 = arith.constant 0 : i32
    return %c0_i32, %c0_i32_0 : i32, i32
  }
  func.func @transform_1(%arg0: i32, %arg1: i32) -> (i32, i32) {
    %c0_i32 = arith.constant 0 : i32
    %c0_i32_0 = arith.constant 0 : i32
    %c0_i32_1 = arith.constant 0 : i32
    return %c0_i32, %c0_i32_0 : i32, i32
  }
  func.func @transform_2(%arg0: i32, %arg1: i32) -> (i32, i32, i32) {
    %c0_i32 = arith.constant 0 : i32
    %c0_i32_0 = arith.constant 0 : i32
    return %arg0, %arg1, %c0_i32 : i32, i32, i32
  }
  func.func @transform_3(%arg0: i32, %arg1: i32) -> (i32, i32, i32) {
    %c0_i32 = arith.constant 0 : i32
    %c0_i32_0 = arith.constant 0 : i32
    return %arg0, %arg1, %c0_i32 : i32, i32, i32
  }
  func.func @transform_4(%arg0: i32, %arg1: i32) -> (i32, i32, i32) {
    %c0_i32 = arith.constant 0 : i32
    %c0_i32_0 = arith.constant 0 : i32
    return %arg0, %c0_i32, %arg1 : i32, i32, i32
  }
  func.func @transform_5(%arg0: i32, %arg1: i32) -> (i32, i32) {
    %c0_i32 = arith.constant 0 : i32
    %c0_i32_0 = arith.constant 0 : i32
    %c0_i32_1 = arith.constant 0 : i32
    return %c0_i32, %c0_i32_0 : i32, i32
  }
}

</mosaic_0001>

<sc_bundles>
// kernel: kernel.4.cloned.1.call-start
scs
__scs_entry_jumppad:
0x0: {  	(pc) =	sbr.rel $0x88, $3  }
0x1: {  	(tag) =	ssettag $0x0;
	lr =	simm.s32 $0x1  }
0x2: {  	[smem:$0x3F9C] =	sst lr;
	_ =	strace $0xD0000000  }
0x3: {  	_ = 	snop  }
0x4: {  	_ = 	snop  }
0x5: {  	_ = 	snop  }
0x6: {  	_ = 	snop  }
0x7: {  	_ = 	snop  }
__scs_overlays_trampoline_lowered:
0x8: {  	[smem:$0x3FAB] =	sst s0  }
0x9: {  	[smem:$0x3FAC] =	sst s1  }
0xa: {  	[smem:$0x3FAD] =	sst s2  }
0xb: {  	[smem:$0x3FAE] =	sst s3  }
0xc: {  	[smem:$0x3FAF] =	sst s4  }
0xd: {  	[smem:$0x3FB0] =	sst s5  }
0xe: {  	[smem:$0x3FB1] =	sst s6  }
0xf: {  	[smem:$0x3FB2] =	sst s7  }
0x10: {  	[smem:$0x3FB3] =	sst s8  }
0x11: {  	[smem:$0x3FB4] =	sst s9;
	s0 =	simm.s32 @!p0 $0x0  }
0x12: {  	s1 =	sld [smem:$0x3F9A];
	s0 =	simm.s32 @p0 $0x1  }
0x13: {  	[smem:$0x3FB5] =	sst s0;
	s0 =	simm.s32 @!p1 $0x0  }
0x14: {  	s2 =	sld [smem:$0x3F99];
	s0 =	simm.s32 @p1 $0x1  }
0x15: {  	[smem:$0x3FB6] =	sst s0;
	s0 =	simm.s32 @!p2 $0x0  }
0x16: {  	s3 =	sld [smem:$0x3FDB];
	s0 =	simm.s32 @p2 $0x1  }
0x17: {  	s4 =	simm.s32 $0x1BF5;
	[smem:$0x3FB8] =	sst s0  }
0x18: {  	s0 =	sld [smem:$0x3F9B];
	_ =	swait.ge [sflag:s4], $0x0  }
0x19: {  	s7 =	sld [smem:$0x3F9C]  }
0x1a: {  	s8 =	sadd.s32 $0xFFFFE003, lr  }
0x1b: {  	s9 =	sadd.s32 $0xFFFFFEF7, lr;
	s5 =	simm.s32 $0xFFFFFFFF;
	p2 =	slt.u32 s8, $0xFFFFF086  }
0x1c: {  	p1 =	slt.u32 s9, $0xF7A;
	s5 =	simm.s32 @!p2 $0x0  }
0x1d: {  	s5 =	simm.s32 @p1 $0x1;
	p0 =	seq.s32 s7, s2  }
0x1e: {  	s7 =	smul.u32 @!p0 $0xF7A, s2;
	p2 =	seq.s32 @!p0 s5, $0x0  }
0x1f: {  	s9 =	smul.u32 $0xF7A, s1;
	s8 =	simm.s32 @!p0 $0x1BF5;
	p2 =	por !p2, p0  }
0x20: {  	[sflag:s8] =	ssyncset.s32 @!p0 $0xFFFFF086;
	s6 =	sadd.s32 @!p0 s3, s7;
	s7 =	simm.s32 @!p0 $0x108  }
0x21: {  	s3 =	sadd.s32 s3, s9;
	s6 =	sadd.s32 @!p0 $0x88, s6;
	s7 =	simm.s32 @p2 $0x1082  }
0x22: {  	[simem:s7], [sflag:s8] =	dma.local @!p0 [hbm:s6], $0xF7A  }
0x23: {  	s9 =	sor.u32 $0xD0000000, s2;
	s6 =	simm.s32 $0x108;
	_ =	swait.ge @!p0 [sflag:s8], $0x0  }
0x24: {  	s3 =	sadd.s32 $0x88, s3;
	s6 =	simm.s32 @!p1 $0x1082;
	[sflag:s4] =	ssyncset.s32 $0xFFFFF086  }
0x25: {  	[simem:s6], [sflag:s4] =	dma.local [hbm:s3], $0xF7A  }
0x26: {  	[smem:$0x3F9C] =	sst s1;
	(tag) =	ssettag s2;
	_ =	strace s9  }
0x27: {  	s1 =	sld [smem:$0x3FAC]  }
0x28: {  	s2 =	sld [smem:$0x3FAD]  }
0x29: {  	s4 =	sld [smem:$0x3FAF]  }
0x2a: {  	p0 =	seq.s32 s5, $0x0;
	s5 =	sld [smem:$0x3FB0]  }
0x2b: {  	s6 =	sld [smem:$0x3FB1]  }
0x2c: {  	s7 =	sld [smem:$0x3FB2]  }
0x2d: {  	s3 =	simm.s32 $0x108;
	s8 =	sld [smem:$0x3FB3]  }
0x2e: {  	s3 =	simm.s32 @!p0 $0x1082;
	s9 =	sld [smem:$0x3FB4]  }
0x2f: {  	lr =	sadd.s32 s0, s3;
	s0 =	sld [smem:$0x3FAB]  }
0x30: {  	s3 =	sld [smem:$0x3FAE]  }
0x31: {  	[smem:$0x3FB7] =	sst s10  }
0x32: {  	s10 =	sld [smem:$0x3FB5];
	_ =	sdelay $0x3  }
0x33: {  	p0 =	seq.s32 s10, $0x1;
	s10 =	sld [smem:$0x3FB7];
	_ =	sdelay $0x3  }
0x34: {  	[smem:$0x3FB7] =	sst s10  }
0x35: {  	s10 =	sld [smem:$0x3FB6];
	_ =	sdelay $0x3  }
0x36: {  	p1 =	seq.s32 s10, $0x1;
	s10 =	sld [smem:$0x3FB7];
	_ =	sdelay $0x3  }
0x37: {  	[smem:$0x3FB7] =	sst s10  }
0x38: {  	s10 =	sld [smem:$0x3FB8]  }
0x39: {  	_ = 	snop;
	(pc) =	sbr.ind lr, $3  }
0x3a: {  	_ = 	snop  }
0x3b: {  	_ = 	snop  }
0x3c: {  	p2 =	seq.s32 s10, $0x1;
	s10 =	sld [smem:$0x3FB7]  }
0x3d: {  	_ =	shalt  }
0x3e: {  	_ =	shalt  }
0x3f: {  	_ =	shalt  }
0x40: {  	_ =	shalt  }
0x41: {  	_ =	shalt  }
0x42: {  	_ =	shalt  }
0x43: {  	_ =	shalt  }
0x44: {  	_ =	shalt  }
0x45: {  	_ =	shalt  }
0x46: {  	_ =	shalt  }
0x47: {  	_ =	shalt  }
0x48: {  	_ =	shalt  }
0x49: {  	_ =	shalt  }
0x4a: {  	_ =	shalt  }
0x4b: {  	_ =	shalt  }
0x4c: {  	_ =	shalt  }
0x4d: {  	_ =	shalt  }
0x4e: {  	_ =	shalt  }
0x4f: {  	_ =	shalt  }
0x50: {  	_ =	shalt  }
0x51: {  	_ =	shalt  }
0x52: {  	_ =	shalt  }
0x53: {  	_ =	shalt  }
0x54: {  	_ =	shalt  }
0x55: {  	_ =	shalt  }
0x56: {  	_ =	shalt  }
0x57: {  	_ =	shalt  }
0x58: {  	_ =	shalt  }
0x59: {  	_ =	shalt  }
0x5a: {  	_ =	shalt  }
0x5b: {  	_ =	shalt  }
0x5c: {  	_ =	shalt  }
0x5d: {  	_ =	shalt  }
0x5e: {  	_ =	shalt  }
0x5f: {  	_ =	shalt  }
0x60: {  	_ =	shalt  }
0x61: {  	_ =	shalt  }
0x62: {  	_ =	shalt  }
0x63: {  	_ =	shalt  }
0x64: {  	_ =	shalt  }
0x65: {  	_ =	shalt  }
0x66: {  	_ =	shalt  }
0x67: {  	_ =	shalt  }
0x68: {  	_ =	shalt  }
0x69: {  	_ =	shalt  }
0x6a: {  	_ =	shalt  }
0x6b: {  	_ =	shalt  }
0x6c: {  	_ =	shalt  }
0x6d: {  	_ =	shalt  }
0x6e: {  	_ =	shalt  }
0x6f: {  	_ =	shalt  }
0x70: {  	_ =	shalt  }
0x71: {  	_ =	shalt  }
0x72: {  	_ =	shalt  }
0x73: {  	_ =	shalt  }
0x74: {  	_ =	shalt  }
0x75: {  	_ =	shalt  }
0x76: {  	_ =	shalt  }
0x77: {  	_ =	shalt  }
0x78: {  	_ =	shalt  }
0x79: {  	_ =	shalt  }
0x7a: {  	_ =	shalt  }
0x7b: {  	_ =	shalt  }
0x7c: {  	_ =	shalt  }
0x7d: {  	_ =	shalt  }
0x7e: {  	_ =	shalt  }
0x7f: {  	_ =	shalt  }
0x80: {  	_ =	shalt  }
0x81: {  	_ =	shalt  }
0x82: {  	_ =	shalt  }
0x83: {  	_ =	shalt  }
0x84: {  	_ =	shalt  }
0x85: {  	_ =	shalt  }
0x86: {  	_ =	shalt  }
0x87: {  	_ =	shalt  }
.Lfunc_end0:
.L_simem_size_0:
called_computation_lowered:
.L_overlay_start_0:
0x88: {  	s2 =	sld [smem:$0x3FD9]  }
0x89: {  	s3 =	sld [smem:$0x3FFE];
	_ =	sdelay $0x1  }
0x8a: {  	s1 =	srdreg.scid  }
0x8b: {  	s0 =	sand.u32 $0x1, s1  }
0x8c: {  	s18 =	sshll.u32 s0, $0xA;
	s2 =	sadd.s32 s3, s2  }
0x8d: {  	s2 =	sadd.s32 s2, s18  }
0x8e: {  	[smem:$0x3FC3] =	sst s2  }
0x8f: {  	_ = 	snop  }
0x90: {  	s2 =	sld [smem:$0x3FC9]  }
0x91: {  	s19 =	sld [smem:$0x3FC8]  }
0x92: {  	s4 =	sld [smem:$0x3FD0];
	(tm) =	ssettm $0x1  }
0x93: {  	s5 =	sld [smem:$0x3FFB];
	_ =	sdelay $0x3  }
0x94: {  	_ =	strace s5  }
0x95: {  	s5 =	sld [smem:$0x3FFC];
	_ =	sdelay $0x3  }
0x96: {  	_ =	strace s5  }
0x97: {  	s5 =	sld [smem:$0x3FFD];
	_ =	sdelay $0x3  }
0x98: {  	_ =	strace s5  }
0x99: {  	_ =	strace $0x8FFFFFFF  }
0x9a: {  	s20 =	sld [smem:$0x3FDB];
	_ =	sdelay $0x1  }
0x9b: {  	s6 =	simm.s32 $_scs_section_size  }
0x9c: {  	s7 =	simm.s32 $_size__tile_overlayer_lowered;
	s8 =	simm.s32 $_tile_overlayer_lowered  }
0x9d: {  	s23 =	simm.s32 $0x1BFF;
	s22 =	sshll.u32 s8, $0x1;
	s5 =	sadd.s32 s6, s20  }
0x9e: {  	s9 =	simm.s32 $0x0;
	s21 =	sshll.u32 s7, $0x1;
	s7 =	sadd.s32 s22, s5  }
0x9f: {  	[timem:s9], [sflag:s23] =	dma.local [hbm:s7], s21  }
0xa0: {  	_ =	swait.ge [sflag:s23], s21  }
0xa1: {  	s6 =	ssub.s32 $0x0, s21;
	[sflag:s23] =	ssyncset.done $0x0  }
0xa2: {  	[sflag:s23] =	ssyncadd.s32 s6;
	_ =	sdelay $0x1  }
0xa3: {  	s24 =	simm.s32 $0x1B8B  }
0xa4: {  	_ =	swait.ge [sflag:s24], $0x1  }
0xa5: {  	[sflag:s24] =	ssyncset.done $0x0  }
0xa6: {  	s25 =	simm.s32 $0x1B8E;
	[sflag:s24] =	ssyncadd.s32 $0xFFFFFFFF  }
0xa7: {  	s26 =	simm.s32 $execute0_lowered;
	[smem:$0x3FD2] =	sst s25  }
0xa8: {  	s6 =	sshll.u32 s26, $0x1;
	_ =	strace $0x80000046;
	[dreg:$0x1] =	wrdreg $0xFFFFFFFF  }
0xa9: {  	s28 =	simm.s32 $_size_execute0_lowered;
	s5 =	sadd.s32 s5, s6;
	[dreg:$0x0] =	wrdreg $0x0  }
0xaa: {  	s6 =	sshll.u32 s28, $0x1;
	[dreg:$0x2] =	wrdreg s5  }
0xab: {  	[dreg:$0x3] =	wrdreg s6  }
0xac: {  	[dreg:$0x4] =	wrdreg $0xC0  }
0xad: {  	_ =	task [dreg:s9], $0x5FFFF  }
0xae: {  	[dreg:$0x1] =	wrdreg $0xFFFFFFFF  }
0xaf: {  	[dreg:$0x0] =	wrdreg $0x60  }
0xb0: {  	[dreg:$0x2] =	wrdreg s2  }
0xb1: {  	[dreg:$0x3] =	wrdreg s19  }
0xb2: {  	[dreg:$0x4] =	wrdreg s4  }
0xb3: {  	[dreg:$0x5] =	wrdreg $0x9  }
0xb4: {  	_ =	task.clear_ibuf [dreg:s9], $0x6FFFF;
	_ =	strace $0x90000046  }
0xb5: {  	s29 =	simm.s32 $0x9;
	_ =	strace $0x80000048  }
0xb6: {  	_ =	swait.ge [sflag:s29], $0x1  }
0xb7: {  	[sflag:s29] =	ssyncadd.s32 $0xFFFFFFFF  }
0xb8: {  	_ =	strace $0x90000048  }
0xb9: {  	_ =	sfence  }
0xba: {  	s30 =	sld [smem:$0x0];
	_ =	sdelay $0x2  }
0xbb: {  	s31 =	sshll.u32 s1, $0xD;
	s1 =	sshrl.u32 s1, $0x2  }
0xbc: {  	s3 =	sand.u32 $0x4000, s31;
	s1 =	sadd.s32 s1, s30  }
0xbd: {  	s0 =	sor.u32 s3, s0;
	s1 =	sshll.u32 s1, $0x11  }
0xbe: {  	s0 =	sor.u32 s1, s0  }
0xbf: {  	s0 =	sadd.s32 $0x8F2B, s0  }
0xc0: {  	[sflag:s0] =	ssyncadd.remote.s32 $0x1  }
0xc1: {  	_ =	sfence.sel $0xFFFF  }
0xc2: {  	[dreg:$0x0] =	wrdreg $0xFFFFFFFF;
	(pc) =	sbr.abs _section_cstart, $3  }
0xc3: {  	[dreg:$0x1] =	wrdreg $0xFFFFFFFF  }
0xc4: {  	_ =	task.clear_ibuf [dreg:s9], $0x2FFFF;
	_ =	strace $0x9FFFFFFF  }
0xc5: {  	(tm) =	ssettm $0x7FFFFFFF  }
tec
execute0_lowered:
.L_overlay_start_1:
0x0: {  	(tag) =	ssettag $0x1  }
0x1: {  	v0 =	vimm.s32 $0xEFCDAB89;
	v1 =	vimm.s32 $0x67452301  }
0x2: {  	v2 =	vimm.s32 $0xDCFE98BA;
	v3 =	vimm.s32 $0x54761032;
	v4 =	vimm.s32 $0xBA98FEDC  }
0x3: {  	s4 =	rddreg [dreg:$0x0];
	v5 =	vimm.s32 $0x32107654;
	v6 =	vimm.s32 $0xFEDCBA98;
	v7 =	vimm.s32 $0x76543210  }
0x4: {  	s0 =	rddreg [dreg:$0x1];
	vm0 =	vmmov $0x1;
	vm1 =	vcmask $0x320;
	vm2 =	vcmask $0x720  }
0x5: {  	s5 =	rddreg [dreg:$0x2];
	vm3 =	vcmask $0xB20;
	vm4 =	vcmask $0xF20;
	vm5 =	vcmask $0x1320  }
0x6: {  	s1 =	rddreg [dreg:$0x3];
	s2 =	simm.s32 $0x0;
	vm6 =	vcmask $0x1720;
	v0 =	vunpack.c.l.s4.s8 v0;
	v1 =	vunpack.c.l.s4.s8 v1  }
0x7: {  	s3 =	srdreg.scid;
	s11 =	simm.s32 $0x3000;
	s12 =	simm.s32 $0x0;
	v2 =	vunpack.c.l.s4.s8 v2;
	v3 =	vunpack.c.l.s4.s8 v3;
	v4 =	vunpack.c.l.s4.s8 v4  }
0x8: {  	v5 =	vunpack.c.l.s4.s8 v5;
	v6 =	vunpack.c.l.s4.s8 v6;
	[smem:$0x7FF] =	sst s2;
	s6 =	sand.u32 $0x1, s3;
	s3 =	stileid.u32;
	v0 =	vunpack.c.0.s8.s32 v0  }
0x9: {  	_ =	strace $0x80000047;
	s7 =	ssub.s32 $0x2, s6;
	s6 =	sshll.u32 s6, $0x9;
	v1 =	vunpack.c.0.s8.s32 v1;
	v2 =	vunpack.c.0.s8.s32 v2;
	v3 =	vunpack.c.0.s8.s32 v3  }
0xa: {  	v7 =	vunpack.c.l.s4.s8 v7;
	s8 =	sshll.u32 s3, $0xD;
	s9 =	sshll.u32 s3, $0xA;
	v4 =	vunpack.c.0.s8.s32 v4;
	v5 =	vunpack.c.0.s8.s32 v5;
	s10 =	sshrl.u32 s7, $0x1  }
0xb: {  	s8 =	sor.u32 s6, s8;
	s6 =	sor.u32 s6, s9;
	s9 =	simm.s32 $0x1;
	v0 =	vcombine.low v1, v0;
	v1 =	vunpack.c.0.s8.s32 v6;
	v2 =	vcombine.low v3, v2  }
0xc: {  	vm7 =	vcmask $0x1B20;
	s7 =	ssub.s32 s7, s10;
	s8 =	sshrl.u32 s8, $0x3;
	s6 =	sshrl.u32 s6, $0x3;
	v3 =	vcombine.low v5, v4;
	v4 =	vunpack.c.0.s8.s32 v7  }
0xd: {  	s10 =	simm.s32 $0x1000;
	s4 =	sadd.s32 s4, s8;
	s5 =	sadd.s32 s5, s6;
	v0 =	vand.u32 $0xF, v0;
	v5 =	vand.u32 $0xF, v1;
	v1 =	vand.u32 $0xF, v2  }
0xe: {  	s6 =	smax.u32 s7, $0x1;
	s7 =	simm.s32 $0x200;
	s8 =	simm.s32 $0x400;
	v2 =	vand.u32 $0xF, v3;
	v3 =	vcombine.low v5, v4;
	v4 =	vlaneseq.u32  }
.LBB2_1:
0xf: {  	[tilespmem:s2], [sflag:$0x1] =	stream.strided.gather [hbm4b:s4+s7], $0x1000, s8, s7, $0x38;
	[tilespmem:$0x3200] =	vst v63  }
0x10: {  	_ =	swait.ge [sflag:s9], $0x1000  }
0x11: {  	[sflag:s9] =	ssyncset.done $0x0  }
0x12: {  	[sflag:s9] =	ssyncadd.s32 $0xFFFFF000  }
0x13: {  	[tilespmem:s10], [sflag:$0x1] =	stream.linear.gather [hbm4b:s0+s2], $0x2000, $0x38;
	[tilespmem:$0x3200] =	vst v63  }
0x14: {  	s13 =	simm.s32 $0x0;
	s14 =	simm.s32 $0x0;
	_ =	swait.ge [sflag:s9], $0x2000  }
0x15: {  	s15 =	sand.u32 $0x70, s2;
	s13 =	sand.u32 $0x3FFFFE00, s13;
	[sflag:s9] =	ssyncset.done $0x0  }
0x16: {  	s14 =	sand.u32 $0x3FFFFC00, s14;
	s13 =	sor.u32 s15, s13;
	[sflag:s9] =	ssyncadd.s32 $0xFFFFE000  }
0x17: {  	v5 =	vld [tilespmem:s13+$0x0];
	s13 =	sor.u32 s15, s14  }
0x18: {  	v6 =	vld [tilespmem:s13+$0x1380]  }
0x19: {  	v8 =	vld [tilespmem:s13+$0x1000]  }
0x1a: {  	v18 =	vld [tilespmem:s13+$0x1080]  }
0x1b: {  	v7 =	vimm.f32 $0.0e+00;
	v14 =	vld [tilespmem:s13+$0x1100]  }
0x1c: {  	v13 =	vimm.f32 $0.0e+00;
	v16 =	vimm.f32 $0.0e+00;
	v11 =	vimm.f32 $0.0e+00;
	v12 =	vld [tilespmem:s13+$0x1180]  }
0x1d: {  	s31 =	simm.s32 $0x40;
	s16 =	simm.s32 $0x80;
	v9 =	vimm.f32 $0.0e+00;
	v10 =	vimm.f32 $0.0e+00;
	s14 =	simm.s32 $0x10;
	v15 =	vld [tilespmem:s13+$0x1200];
	v19 =	vmul.f32 v6, v5  }
0x1e: {  	s18 =	sand.u32 $0x3FFFFE00, s31;
	s15 =	simm.s32 $0x2;
	s17 =	sand.u32 $0x70, s14;
	v17 =	vld [tilespmem:s13+$0x1280];
	v20 =	vmul.f32 v8, v5;
	v8 =	vimm.f32 $0.0e+00;
	v6 =	vimm.f32 $0.0e+00  }
.LBB2_2:
0x1f: {  	p0 =	sne.s32 s15, $0x3F;
	s18 =	sor.u32 s17, s18;
	s16 =	sand.u32 $0x3FFFFC00, s16;
	v18 =	vmul.f32 v18, v5;
	v21 =	vld [tilespmem:s13+$0x1300];
	v7 =	vadd.f32 v19, v7  }
0x20: {  	v19 =	vld [tilespmem:s18+$0x0];
	s13 =	sor.u32 s17, s16;
	v13 =	vadd.f32 v20, v13;
	v14 =	vmul.f32 v14, v5  }
0x21: {  	v20 =	vld [tilespmem:s13+$0x1380];
	v16 =	vadd.f32 v18, v16;
	v12 =	vmul.f32 v12, v5  }
0x22: {  	v22 =	vld [tilespmem:s13+$0x1000];
	v11 =	vadd.f32 v14, v11;
	v15 =	vmul.f32 v15, v5  }
.Ltmp0:
0x23: {  	v18 =	vld [tilespmem:s13+$0x1080];
	v9 =	vadd.f32 v12, v9;
	v17 =	vmul.f32 v17, v5;
	(pc) =	sbr.rel @p0 .LBB2_2-.Ltmp0, $4  }
0x24: {  	v14 =	vld [tilespmem:s13+$0x1100];
	v10 =	vadd.f32 v15, v10;
	v21 =	vmul.f32 v21, v5  }
0x25: {  	v12 =	vld [tilespmem:s13+$0x1180];
	v8 =	vadd.f32 v17, v8;
	v5 =	vmov v19  }
0x26: {  	s14 =	sadd.s32 $0x10, s14;
	s18 =	sshll.u32 s15, $0x6;
	s16 =	sshll.u32 s15, $0x7;
	v15 =	vld [tilespmem:s13+$0x1200];
	v19 =	vmul.f32 v20, v5;
	v6 =	vadd.f32 v21, v6  }
0x27: {  	s17 =	sand.u32 $0x70, s14;
	s15 =	sadd.s32 $0x1, s15;
	s18 =	sand.u32 $0x3FFFFE00, s18;
	v20 =	vmul.f32 v22, v5;
	v17 =	vld [tilespmem:s13+$0x1280]  }
0x28: {  	s14 =	sor.u32 s17, s18;
	s15 =	sand.u32 $0x3FFFFC00, s16  }
0x29: {  	v21 =	vld [tilespmem:s14+$0x0];
	s26 =	sor.u32 s17, s15  }
0x2a: {  	v22 =	vld [tilespmem:s26+$0x1000]  }
0x2b: {  	v23 =	vld [tilespmem:s26+$0x1080];
	_ =	sdelay $0x2  }
0x2c: {  	v18 =	vmul.f32 v18, v5  }
0x2d: {  	v13 =	vadd.f32 v20, v13;
	v20 =	vmul.f32 v22, v21  }
0x2e: {  	v16 =	vadd.f32 v18, v16;
	v18 =	vmul.f32 v23, v21  }
0x2f: {  	v13 =	vadd.f32 v20, v13  }
0x30: {  	v16 =	vadd.f32 v18, v16  }
0x31: {  	v18 =	vperm.xlane v13, v0  }
0x32: {  	v20 =	vperm.xlane v16, v0  }
0x33: {  	v22 =	vld [tilespmem:s13+$0x1300];
	v13 =	vadd.f32 v18, v13  }
0x34: {  	v14 =	vmul.f32 v14, v5;
	v18 =	vld [tilespmem:s26+$0x1380];
	v16 =	vadd.f32 v20, v16  }
0x35: {  	v7 =	vadd.f32 v19, v7;
	v12 =	vmul.f32 v12, v5;
	v19 =	vld [tilespmem:s26+$0x1100];
	v20 =	vperm.xlane v13, v1  }
0x36: {  	v11 =	vadd.f32 v14, v11;
	v14 =	vmul.f32 v15, v5;
	v15 =	vld [tilespmem:s26+$0x1180];
	v23 =	vperm.xlane v16, v1  }
0x37: {  	v9 =	vadd.f32 v12, v9;
	v12 =	vmul.f32 v17, v5;
	v17 =	vld [tilespmem:s26+$0x1200];
	v13 =	vadd.f32 v20, v13  }
0x38: {  	v10 =	vadd.f32 v14, v10;
	v14 =	vld [tilespmem:s26+$0x1280];
	v5 =	vmul.f32 v22, v5;
	v16 =	vadd.f32 v23, v16  }
0x39: {  	v8 =	vadd.f32 v12, v8;
	v12 =	vmul.f32 v18, v21;
	v18 =	vld [tilespmem:s26+$0x1300];
	v20 =	vperm.xlane v13, v2  }
0x3a: {  	v5 =	vadd.f32 v5, v6;
	v6 =	vmul.f32 v19, v21;
	v19 =	vperm.xlane v16, v2  }
0x3b: {  	v7 =	vadd.f32 v12, v7;
	v12 =	vmul.f32 v15, v21;
	v13 =	vadd.f32 v20, v13  }
0x3c: {  	v6 =	vadd.f32 v6, v11;
	v11 =	vmul.f32 v17, v21;
	v15 =	vadd.f32 v19, v16  }
0x3d: {  	v9 =	vadd.f32 v12, v9;
	v12 =	vmul.f32 v14, v21;
	v14 =	vperm.xlane v13, v3  }
0x3e: {  	v10 =	vadd.f32 v11, v10;
	v11 =	vmul.f32 v18, v21;
	v16 =	vperm.xlane v15, v3  }
0x3f: {  	v8 =	vadd.f32 v12, v8;
	v12 =	vadd.f32 v14, v13;
	v13 =	vperm.xlane v6, v0  }
0x40: {  	v5 =	vadd.f32 v11, v5;
	v11 =	vadd.f32 v16, v15;
	v14 =	vperm.xlane v9, v0  }
0x41: {  	v12 =	vnsel vm0, $0xF149F2CA, v12;
	v6 =	vadd.f32 v13, v6;
	v13 =	vperm.xlane v10, v0  }
0x42: {  	v9 =	vadd.f32 v14, v9;
	v11 =	vsel vm1, v12, v11;
	v12 =	vperm.xlane v8, v0  }
0x43: {  	v14 =	vperm.xlane v6, v1;
	v10 =	vadd.f32 v13, v10;
	v13 =	vperm.xlane v5, v0  }
0x44: {  	v15 =	vperm.xlane v9, v1;
	v8 =	vadd.f32 v12, v8;
	v12 =	vperm.xlane v7, v0  }
0x45: {  	v6 =	vadd.f32 v14, v6;
	v14 =	vperm.xlane v10, v1;
	v5 =	vadd.f32 v13, v5  }
0x46: {  	v9 =	vadd.f32 v15, v9;
	v13 =	vperm.xlane v8, v1;
	v7 =	vadd.f32 v12, v7  }
0x47: {  	v12 =	vperm.xlane v6, v2;
	v10 =	vadd.f32 v14, v10;
	v14 =	vperm.xlane v5, v1  }
0x48: {  	v15 =	vperm.xlane v9, v2;
	v8 =	vadd.f32 v13, v8;
	v13 =	vperm.xlane v7, v1  }
0x49: {  	v6 =	vadd.f32 v12, v6;
	v12 =	vperm.xlane v10, v2;
	v5 =	vadd.f32 v14, v5  }
0x4a: {  	v9 =	vadd.f32 v15, v9;
	v14 =	vperm.xlane v8, v2;
	v7 =	vadd.f32 v13, v7  }
0x4b: {  	v13 =	vperm.xlane v6, v3;
	v10 =	vadd.f32 v12, v10;
	v12 =	vperm.xlane v5, v2  }
0x4c: {  	v15 =	vperm.xlane v9, v3;
	v8 =	vadd.f32 v14, v8;
	v14 =	vperm.xlane v7, v2  }
0x4d: {  	v6 =	vadd.f32 v13, v6;
	v13 =	vperm.xlane v10, v3;
	v5 =	vadd.f32 v12, v5  }
0x4e: {  	v9 =	vadd.f32 v15, v9;
	v12 =	vperm.xlane v8, v3;
	v7 =	vadd.f32 v14, v7  }
0x4f: {  	v6 =	vsel vm2, v11, v6;
	v10 =	vadd.f32 v13, v10;
	v11 =	vperm.xlane v5, v3  }
0x50: {  	v6 =	vsel vm3, v6, v9;
	v8 =	vadd.f32 v12, v8;
	v9 =	vperm.xlane v7, v3  }
0x51: {  	v6 =	vsel vm4, v6, v10;
	v5 =	vadd.f32 v11, v5  }
0x52: {  	v6 =	vsel vm5, v6, v8;
	v7 =	vadd.f32 v9, v7  }
0x53: {  	v5 =	vsel vm6, v6, v5  }
0x54: {  	v5 =	vsel vm7, v5, v7  }
0x55: {  	v6 =	vperm.xlane v5, v0;
	_ =	sdelay $0x1  }
0x56: {  	v6 =	vmax.f32 v5, v6  }
0x57: {  	v7 =	vperm.xlane v6, v1;
	_ =	sdelay $0x1  }
0x58: {  	v6 =	vmax.f32 v6, v7  }
0x59: {  	v7 =	vperm.xlane v6, v2;
	_ =	sdelay $0x1  }
0x5a: {  	v6 =	vmax.f32 v6, v7  }
0x5b: {  	v7 =	vperm.xlane v6, v3;
	_ =	sdelay $0x1  }
0x5c: {  	v6 =	vmax.f32 v6, v7  }
0x5d: {  	vm8 =	veq.f32 v5, v6  }
0x5e: {  	v7 =	vnsel vm8, $0x10, v4  }
0x5f: {  	v8 =	vperm.xlane v7, v0;
	_ =	sdelay $0x1  }
0x60: {  	vm8 =	vlt.s32 v7, v8  }
0x61: {  	v7 =	vsel vm8, v7, v8  }
0x62: {  	v8 =	vperm.xlane v7, v1;
	_ =	sdelay $0x1  }
0x63: {  	vm8 =	vlt.s32 v7, v8  }
0x64: {  	v7 =	vsel vm8, v7, v8  }
0x65: {  	v8 =	vperm.xlane v7, v2;
	_ =	sdelay $0x1  }
0x66: {  	vm8 =	vlt.s32 v7, v8  }
0x67: {  	v7 =	vsel vm8, v7, v8  }
0x68: {  	v8 =	vperm.xlane v7, v3;
	_ =	sdelay $0x1  }
0x69: {  	vm8 =	vlt.s32 v7, v8  }
0x6a: {  	v7 =	vsel vm8, v7, v8  }
0x6b: {  	vm8 =	veq.s32 v7, v4  }
0x6c: {  	v5 =	vsel vm8, $0xFF800000, v5  }
0x6d: {  	v7 =	vperm.xlane v5, v0;
	_ =	sdelay $0x1  }
0x6e: {  	v7 =	vmax.f32 v5, v7  }
0x6f: {  	v8 =	vperm.xlane v7, v1;
	_ =	sdelay $0x1  }
0x70: {  	v7 =	vmax.f32 v7, v8  }
0x71: {  	v8 =	vperm.xlane v7, v2;
	_ =	sdelay $0x1  }
0x72: {  	v7 =	vmax.f32 v7, v8  }
0x73: {  	v8 =	vperm.xlane v7, v3;
	_ =	sdelay $0x1  }
0x74: {  	v7 =	vmax.f32 v7, v8  }
0x75: {  	v6 =	vsub.f32 v7, v6;
	_ =	sdelay $0x1  }
0x76: {  	v6 =	vmul.f32 $1.442695020e+00, v6;
	_ =	sdelay $0x1  }
0x77: {  	(erf) = vpow2.f32 v6;
	_ =	sdelay $0x4  }
0x78: {  	vm9 =	veq.f32 v5, v7  }
0x79: {  	v5 =	vnsel vm9, $0x10, v4  }
0x7a: {  	v6 =	vperm.xlane v5, v0;
	_ =	sdelay $0x1  }
0x7b: {  	vm9 =	vlt.s32 v5, v6;
	v7 =	vpop (erf)  }
0x7c: {  	v5 =	vsel vm9, v5, v6;
	v6 =	vadd.f32 $1.000000000e+00, v7  }
0x7d: {  	v7 =	vperm.xlane v5, v1  }
0x7e: {  	(erf) = vrcp.f32 v6  }
0x7f: {  	vm9 =	vlt.s32 v5, v7  }
0x80: {  	v5 =	vsel vm9, v5, v7  }
0x81: {  	v6 =	vperm.xlane v5, v2;
	_ =	sdelay $0x1  }
0x82: {  	vm9 =	vlt.s32 v5, v6  }
0x83: {  	v5 =	vsel vm9, v5, v6  }
0x84: {  	v6 =	vperm.xlane v5, v3;
	_ =	sdelay $0x1  }
0x85: {  	vm9 =	vlt.s32 v5, v6;
	v7 =	vpop (erf)  }
0x86: {  	v5 =	vsel vm9, v5, v6;
	v6 =	vsub.f32 $1.000000000e+00, v7  }
0x87: {  	vm9 =	veq.s32 v5, v4  }
0x88: {  	s28 =	simm.s32 $0x0;
	s29 =	simm.s32 $0x0;
	v5 =	vnsel vm9, $0x0, v6  }
0x89: {  	s30 =	simm.s32 $0x0;
	s14 =	sand.u32 $0x3FFFFE00, s29;
	s13 =	sand.u32 $0x70, s28;
	v5 =	vsel vm8, v7, v5  }
0x8a: {  	s15 =	sand.u32 $0x3FFFFC00, s30;
	s14 =	sor.u32 s13, s14;
	[tilespmem:$0x3000] =	vst v5  }
0x8b: {  	s13 =	sor.u32 s13, s15;
	v5 =	vld [tilespmem:s14+$0x80]  }
0x8c: {  	v6 =	vld [tilespmem:s13+$0x1380]  }
0x8d: {  	v8 =	vld [tilespmem:s13+$0x1000]  }
0x8e: {  	v18 =	vld [tilespmem:s13+$0x1080]  }
0x8f: {  	v16 =	vimm.f32 $0.0e+00;
	v14 =	vld [tilespmem:s13+$0x1100]  }
0x90: {  	v13 =	vimm.f32 $0.0e+00;
	v11 =	vimm.f32 $0.0e+00;
	v10 =	vimm.f32 $0.0e+00;
	v12 =	vld [tilespmem:s13+$0x1180]  }
0x91: {  	s31 =	simm.s32 $0x40;
	s16 =	simm.s32 $0x80;
	v9 =	vimm.f32 $0.0e+00;
	v7 =	vimm.f32 $0.0e+00;
	v15 =	vld [tilespmem:s13+$0x1200];
	s14 =	simm.s32 $0x10;
	v19 =	vmul.f32 v6, v5  }
0x92: {  	s18 =	sand.u32 $0x3FFFFE00, s31;
	s15 =	simm.s32 $0x2;
	v17 =	vld [tilespmem:s13+$0x1280];
	s17 =	sand.u32 $0x70, s14;
	v20 =	vmul.f32 v8, v5;
	v8 =	vimm.f32 $0.0e+00;
	v6 =	vimm.f32 $0.0e+00  }
.LBB2_4:
0x93: {  	p0 =	sne.s32 s15, $0x3F;
	s18 =	sor.u32 s17, s18;
	s16 =	sand.u32 $0x3FFFFC00, s16;
	v18 =	vmul.f32 v18, v5;
	v21 =	vld [tilespmem:s13+$0x1300];
	v7 =	vadd.f32 v19, v7  }
0x94: {  	v19 =	vld [tilespmem:s18+$0x80];
	s13 =	sor.u32 s17, s16;
	v13 =	vadd.f32 v20, v13;
	v14 =	vmul.f32 v14, v5  }
0x95: {  	v20 =	vld [tilespmem:s13+$0x1380];
	v16 =	vadd.f32 v18, v16;
	v12 =	vmul.f32 v12, v5  }
0x96: {  	v22 =	vld [tilespmem:s13+$0x1000];
	v11 =	vadd.f32 v14, v11;
	v15 =	vmul.f32 v15, v5  }
.Ltmp1:
0x97: {  	v18 =	vld [tilespmem:s13+$0x1080];
	v9 =	vadd.f32 v12, v9;
	v17 =	vmul.f32 v17, v5;
	(pc) =	sbr.rel @p0 .LBB2_4-.Ltmp1, $4  }
0x98: {  	v14 =	vld [tilespmem:s13+$0x1100];
	v10 =	vadd.f32 v15, v10;
	v21 =	vmul.f32 v21, v5  }
0x99: {  	v12 =	vld [tilespmem:s13+$0x1180];
	v8 =	vadd.f32 v17, v8;
	v5 =	vmov v19  }
0x9a: {  	s14 =	sadd.s32 $0x10, s14;
	s18 =	sshll.u32 s15, $0x6;
	s16 =	sshll.u32 s15, $0x7;
	v15 =	vld [tilespmem:s13+$0x1200];
	v19 =	vmul.f32 v20, v5;
	v6 =	vadd.f32 v21, v6  }
0x9b: {  	s17 =	sand.u32 $0x70, s14;
	s15 =	sadd.s32 $0x1, s15;
	s18 =	sand.u32 $0x3FFFFE00, s18;
	v20 =	vmul.f32 v22, v5;
	v17 =	vld [tilespmem:s13+$0x1280]  }
0x9c: {  	s14 =	sor.u32 s17, s18;
	s15 =	sand.u32 $0x3FFFFC00, s16  }
0x9d: {  	v21 =	vld [tilespmem:s14+$0x80];
	s26 =	sor.u32 s17, s15  }
0x9e: {  	v22 =	vld [tilespmem:s26+$0x1000]  }
0x9f: {  	v23 =	vld [tilespmem:s26+$0x1080];
	_ =	sdelay $0x2  }
0xa0: {  	v18 =	vmul.f32 v18, v5  }
0xa1: {  	v13 =	vadd.f32 v20, v13;
	v20 =	vmul.f32 v22, v21  }
0xa2: {  	v16 =	vadd.f32 v18, v16;
	v18 =	vmul.f32 v23, v21  }
0xa3: {  	v13 =	vadd.f32 v20, v13  }
0xa4: {  	v16 =	vadd.f32 v18, v16  }
0xa5: {  	v18 =	vperm.xlane v13, v0  }
0xa6: {  	v20 =	vperm.xlane v16, v0  }
0xa7: {  	v22 =	vld [tilespmem:s13+$0x1300];
	v13 =	vadd.f32 v18, v13  }
0xa8: {  	v14 =	vmul.f32 v14, v5;
	v18 =	vld [tilespmem:s26+$0x1380];
	v16 =	vadd.f32 v20, v16  }
0xa9: {  	v7 =	vadd.f32 v19, v7;
	v12 =	vmul.f32 v12, v5;
	v19 =	vld [tilespmem:s26+$0x1100];
	v20 =	vperm.xlane v13, v1  }
0xaa: {  	v11 =	vadd.f32 v14, v11;
	v14 =	vmul.f32 v15, v5;
	v15 =	vld [tilespmem:s26+$0x1180];
	v23 =	vperm.xlane v16, v1  }
0xab: {  	v9 =	vadd.f32 v12, v9;
	v12 =	vmul.f32 v17, v5;
	v17 =	vld [tilespmem:s26+$0x1200];
	v13 =	vadd.f32 v20, v13  }
0xac: {  	v10 =	vadd.f32 v14, v10;
	v14 =	vld [tilespmem:s26+$0x1280];
	v5 =	vmul.f32 v22, v5;
	v16 =	vadd.f32 v23, v16  }
0xad: {  	v8 =	vadd.f32 v12, v8;
	v12 =	vmul.f32 v18, v21;
	v18 =	vld [tilespmem:s26+$0x1300];
	v20 =	vperm.xlane v13, v2  }
0xae: {  	v5 =	vadd.f32 v5, v6;
	v6 =	vmul.f32 v19, v21;
	v19 =	vperm.xlane v16, v2  }
0xaf: {  	v7 =	vadd.f32 v12, v7;
	v12 =	vmul.f32 v15, v21;
	v13 =	vadd.f32 v20, v13  }
0xb0: {  	v6 =	vadd.f32 v6, v11;
	v11 =	vmul.f32 v17, v21;
	v15 =	vadd.f32 v19, v16  }
0xb1: {  	v9 =	vadd.f32 v12, v9;
	v12 =	vmul.f32 v14, v21;
	v14 =	vperm.xlane v13, v3  }
0xb2: {  	v10 =	vadd.f32 v11, v10;
	v11 =	vmul.f32 v18, v21;
	v16 =	vperm.xlane v15, v3  }
0xb3: {  	v8 =	vadd.f32 v12, v8;
	v12 =	vadd.f32 v14, v13;
	v13 =	vperm.xlane v6, v0  }
0xb4: {  	v5 =	vadd.f32 v11, v5;
	v11 =	vadd.f32 v16, v15;
	v14 =	vperm.xlane v9, v0  }
0xb5: {  	v12 =	vnsel vm0, $0xF149F2CA, v12;
	v6 =	vadd.f32 v13, v6;
	v13 =	vperm.xlane v10, v0  }
0xb6: {  	v9 =	vadd.f32 v14, v9;
	v11 =	vsel vm1, v12, v11;
	v12 =	vperm.xlane v8, v0  }
0xb7: {  	v14 =	vperm.xlane v6, v1;
	v10 =	vadd.f32 v13, v10;
	v13 =	vperm.xlane v5, v0  }
0xb8: {  	v15 =	vperm.xlane v9, v1;
	v8 =	vadd.f32 v12, v8;
	v12 =	vperm.xlane v7, v0  }
0xb9: {  	v6 =	vadd.f32 v14, v6;
	v14 =	vperm.xlane v10, v1;
	v5 =	vadd.f32 v13, v5  }
0xba: {  	v9 =	vadd.f32 v15, v9;
	v13 =	vperm.xlane v8, v1;
	v7 =	vadd.f32 v12, v7  }
0xbb: {  	v12 =	vperm.xlane v6, v2;
	v10 =	vadd.f32 v14, v10;
	v14 =	vperm.xlane v5, v1  }
0xbc: {  	v15 =	vperm.xlane v9, v2;
	v8 =	vadd.f32 v13, v8;
	v13 =	vperm.xlane v7, v1  }
0xbd: {  	v6 =	vadd.f32 v12, v6;
	v12 =	vperm.xlane v10, v2;
	v5 =	vadd.f32 v14, v5  }
0xbe: {  	v9 =	vadd.f32 v15, v9;
	v14 =	vperm.xlane v8, v2;
	v7 =	vadd.f32 v13, v7  }
0xbf: {  	v13 =	vperm.xlane v6, v3;
	v10 =	vadd.f32 v12, v10;
	v12 =	vperm.xlane v5, v2  }
0xc0: {  	v15 =	vperm.xlane v9, v3;
	v8 =	vadd.f32 v14, v8;
	v14 =	vperm.xlane v7, v2  }
0xc1: {  	v6 =	vadd.f32 v13, v6;
	v13 =	vperm.xlane v10, v3;
	v5 =	vadd.f32 v12, v5  }
0xc2: {  	v9 =	vadd.f32 v15, v9;
	v12 =	vperm.xlane v8, v3;
	v7 =	vadd.f32 v14, v7  }
0xc3: {  	v6 =	vsel vm2, v11, v6;
	v10 =	vadd.f32 v13, v10;
	v11 =	vperm.xlane v5, v3  }
0xc4: {  	v6 =	vsel vm3, v6, v9;
	v8 =	vadd.f32 v12, v8;
	v9 =	vperm.xlane v7, v3  }
0xc5: {  	v6 =	vsel vm4, v6, v10;
	v5 =	vadd.f32 v11, v5  }
0xc6: {  	v6 =	vsel vm5, v6, v8;
	v7 =	vadd.f32 v9, v7  }
0xc7: {  	v5 =	vsel vm6, v6, v5  }
0xc8: {  	v5 =	vsel vm7, v5, v7  }
0xc9: {  	v6 =	vperm.xlane v5, v0;
	_ =	sdelay $0x1  }
0xca: {  	v6 =	vmax.f32 v5, v6  }
0xcb: {  	v7 =	vperm.xlane v6, v1;
	_ =	sdelay $0x1  }
0xcc: {  	v6 =	vmax.f32 v6, v7  }
0xcd: {  	v7 =	vperm.xlane v6, v2;
	_ =	sdelay $0x1  }
0xce: {  	v6 =	vmax.f32 v6, v7  }
0xcf: {  	v7 =	vperm.xlane v6, v3;
	_ =	sdelay $0x1  }
0xd0: {  	v6 =	vmax.f32 v6, v7  }
0xd1: {  	vm8 =	veq.f32 v5, v6  }
0xd2: {  	v7 =	vnsel vm8, $0x10, v4  }
0xd3: {  	v8 =	vperm.xlane v7, v0;
	_ =	sdelay $0x1  }
0xd4: {  	vm8 =	vlt.s32 v7, v8  }
0xd5: {  	v7 =	vsel vm8, v7, v8  }
0xd6: {  	v8 =	vperm.xlane v7, v1;
	_ =	sdelay $0x1  }
0xd7: {  	vm8 =	vlt.s32 v7, v8  }
0xd8: {  	v7 =	vsel vm8, v7, v8  }
0xd9: {  	v8 =	vperm.xlane v7, v2;
	_ =	sdelay $0x1  }
0xda: {  	vm8 =	vlt.s32 v7, v8  }
0xdb: {  	v7 =	vsel vm8, v7, v8  }
0xdc: {  	v8 =	vperm.xlane v7, v3;
	_ =	sdelay $0x1  }
0xdd: {  	vm8 =	vlt.s32 v7, v8  }
0xde: {  	v7 =	vsel vm8, v7, v8  }
0xdf: {  	vm8 =	veq.s32 v7, v4  }
0xe0: {  	v5 =	vsel vm8, $0xFF800000, v5  }
0xe1: {  	v7 =	vperm.xlane v5, v0;
	_ =	sdelay $0x1  }
0xe2: {  	v7 =	vmax.f32 v5, v7  }
0xe3: {  	v8 =	vperm.xlane v7, v1;
	_ =	sdelay $0x1  }
0xe4: {  	v7 =	vmax.f32 v7, v8  }
0xe5: {  	v8 =	vperm.xlane v7, v2;
	_ =	sdelay $0x1  }
0xe6: {  	v7 =	vmax.f32 v7, v8  }
0xe7: {  	v8 =	vperm.xlane v7, v3;
	_ =	sdelay $0x1  }
0xe8: {  	v7 =	vmax.f32 v7, v8  }
0xe9: {  	v6 =	vsub.f32 v7, v6;
	_ =	sdelay $0x1  }
0xea: {  	v6 =	vmul.f32 $1.442695020e+00, v6;
	_ =	sdelay $0x1  }
0xeb: {  	(erf) = vpow2.f32 v6;
	_ =	sdelay $0x4  }
0xec: {  	vm9 =	veq.f32 v5, v7  }
0xed: {  	v5 =	vnsel vm9, $0x10, v4  }
0xee: {  	v6 =	vperm.xlane v5, v0;
	_ =	sdelay $0x1  }
0xef: {  	vm9 =	vlt.s32 v5, v6;
	v7 =	vpop (erf)  }
0xf0: {  	v5 =	vsel vm9, v5, v6;
	v6 =	vadd.f32 $1.000000000e+00, v7  }
0xf1: {  	v7 =	vperm.xlane v5, v1  }
0xf2: {  	(erf) = vrcp.f32 v6  }
0xf3: {  	vm9 =	vlt.s32 v5, v7  }
0xf4: {  	v5 =	vsel vm9, v5, v7  }
0xf5: {  	v6 =	vperm.xlane v5, v2;
	_ =	sdelay $0x1  }
0xf6: {  	vm9 =	vlt.s32 v5, v6  }
0xf7: {  	v5 =	vsel vm9, v5, v6  }
0xf8: {  	v6 =	vperm.xlane v5, v3;
	_ =	sdelay $0x1  }
0xf9: {  	vm9 =	vlt.s32 v5, v6;
	v7 =	vpop (erf)  }
0xfa: {  	v5 =	vsel vm9, v5, v6;
	v6 =	vsub.f32 $1.000000000e+00, v7  }
0xfb: {  	vm9 =	veq.s32 v5, v4  }
0xfc: {  	s28 =	simm.s32 $0x0;
	s29 =	simm.s32 $0x0;
	v5 =	vnsel vm9, $0x0, v6  }
0xfd: {  	s30 =	simm.s32 $0x0;
	s14 =	sand.u32 $0x3FFFFE00, s29;
	s13 =	sand.u32 $0x70, s28;
	v5 =	vsel vm8, v7, v5  }
0xfe: {  	s15 =	sand.u32 $0x3FFFFC00, s30;
	s14 =	sor.u32 s13, s14;
	[tilespmem:$0x3080] =	vst v5  }
0xff: {  	s13 =	sor.u32 s13, s15;
	v5 =	vld [tilespmem:s14+$0x100]  }
0x100: {  	v6 =	vld [tilespmem:s13+$0x1380]  }
0x101: {  	v8 =	vld [tilespmem:s13+$0x1000]  }
0x102: {  	v18 =	vld [tilespmem:s13+$0x1080]  }
0x103: {  	v16 =	vimm.f32 $0.0e+00;
	v14 =	vld [tilespmem:s13+$0x1100]  }
0x104: {  	v13 =	vimm.f32 $0.0e+00;
	v11 =	vimm.f32 $0.0e+00;
	v10 =	vimm.f32 $0.0e+00;
	v12 =	vld [tilespmem:s13+$0x1180]  }
0x105: {  	s31 =	simm.s32 $0x40;
	s16 =	simm.s32 $0x80;
	v9 =	vimm.f32 $0.0e+00;
	v7 =	vimm.f32 $0.0e+00;
	v15 =	vld [tilespmem:s13+$0x1200];
	s14 =	simm.s32 $0x10;
	v19 =	vmul.f32 v6, v5  }
0x106: {  	s18 =	sand.u32 $0x3FFFFE00, s31;
	s15 =	simm.s32 $0x2;
	v17 =	vld [tilespmem:s13+$0x1280];
	s17 =	sand.u32 $0x70, s14;
	v20 =	vmul.f32 v8, v5;
	v8 =	vimm.f32 $0.0e+00;
	v6 =	vimm.f32 $0.0e+00  }
.LBB2_6:
0x107: {  	p0 =	sne.s32 s15, $0x3F;
	s18 =	sor.u32 s17, s18;
	s16 =	sand.u32 $0x3FFFFC00, s16;
	v18 =	vmul.f32 v18, v5;
	v21 =	vld [tilespmem:s13+$0x1300];
	v7 =	vadd.f32 v19, v7  }
0x108: {  	v19 =	vld [tilespmem:s18+$0x100];
	s13 =	sor.u32 s17, s16;
	v13 =	vadd.f32 v20, v13;
	v14 =	vmul.f32 v14, v5  }
0x109: {  	v20 =	vld [tilespmem:s13+$0x1380];
	v16 =	vadd.f32 v18, v16;
	v12 =	vmul.f32 v12, v5  }
0x10a: {  	v22 =	vld [tilespmem:s13+$0x1000];
	v11 =	vadd.f32 v14, v11;
	v15 =	vmul.f32 v15, v5  }
.Ltmp2:
0x10b: {  	v18 =	vld [tilespmem:s13+$0x1080];
	v9 =	vadd.f32 v12, v9;
	v17 =	vmul.f32 v17, v5;
	(pc) =	sbr.rel @p0 .LBB2_6-.Ltmp2, $4  }
0x10c: {  	v14 =	vld [tilespmem:s13+$0x1100];
	v10 =	vadd.f32 v15, v10;
	v21 =	vmul.f32 v21, v5  }
0x10d: {  	v12 =	vld [tilespmem:s13+$0x1180];
	v8 =	vadd.f32 v17, v8;
	v5 =	vmov v19  }
0x10e: {  	s14 =	sadd.s32 $0x10, s14;
	s18 =	sshll.u32 s15, $0x6;
	s16 =	sshll.u32 s15, $0x7;
	v15 =	vld [tilespmem:s13+$0x1200];
	v19 =	vmul.f32 v20, v5;
	v6 =	vadd.f32 v21, v6  }
0x10f: {  	s17 =	sand.u32 $0x70, s14;
	s15 =	sadd.s32 $0x1, s15;
	s18 =	sand.u32 $0x3FFFFE00, s18;
	v20 =	vmul.f32 v22, v5;
	v17 =	vld [tilespmem:s13+$0x1280]  }
0x110: {  	s14 =	sor.u32 s17, s18;
	s15 =	sand.u32 $0x3FFFFC00, s16  }
0x111: {  	v21 =	vld [tilespmem:s14+$0x100];
	s26 =	sor.u32 s17, s15  }
0x112: {  	v22 =	vld [tilespmem:s26+$0x1000]  }
0x113: {  	v23 =	vld [tilespmem:s26+$0x1080];
	_ =	sdelay $0x2  }
0x114: {  	v18 =	vmul.f32 v18, v5  }
0x115: {  	v13 =	vadd.f32 v20, v13;
	v20 =	vmul.f32 v22, v21  }
0x116: {  	v16 =	vadd.f32 v18, v16;
	v18 =	vmul.f32 v23, v21  }
0x117: {  	v13 =	vadd.f32 v20, v13  }
0x118: {  	v16 =	vadd.f32 v18, v16  }
0x119: {  	v18 =	vperm.xlane v13, v0  }
0x11a: {  	v20 =	vperm.xlane v16, v0  }
0x11b: {  	v22 =	vld [tilespmem:s13+$0x1300];
	v13 =	vadd.f32 v18, v13  }
0x11c: {  	v14 =	vmul.f32 v14, v5;
	v18 =	vld [tilespmem:s26+$0x1380];
	v16 =	vadd.f32 v20, v16  }
0x11d: {  	v7 =	vadd.f32 v19, v7;
	v12 =	vmul.f32 v12, v5;
	v19 =	vld [tilespmem:s26+$0x1100];
	v20 =	vperm.xlane v13, v1  }
0x11e: {  	v11 =	vadd.f32 v14, v11;
	v14 =	vmul.f32 v15, v5;
	v15 =	vld [tilespmem:s26+$0x1180];
	v23 =	vperm.xlane v16, v1  }
0x11f: {  	v9 =	vadd.f32 v12, v9;
	v12 =	vmul.f32 v17, v5;
	v17 =	vld [tilespmem:s26+$0x1200];
	v13 =	vadd.f32 v20, v13  }
0x120: {  	v10 =	vadd.f32 v14, v10;
	v14 =	vld [tilespmem:s26+$0x1280];
	v5 =	vmul.f32 v22, v5;
	v16 =	vadd.f32 v23, v16  }
0x121: {  	v8 =	vadd.f32 v12, v8;
	v12 =	vmul.f32 v18, v21;
	v18 =	vld [tilespmem:s26+$0x1300];
	v20 =	vperm.xlane v13, v2  }
0x122: {  	v5 =	vadd.f32 v5, v6;
	v6 =	vmul.f32 v19, v21;
	v19 =	vperm.xlane v16, v2  }
0x123: {  	v7 =	vadd.f32 v12, v7;
	v12 =	vmul.f32 v15, v21;
	v13 =	vadd.f32 v20, v13  }
0x124: {  	v6 =	vadd.f32 v6, v11;
	v11 =	vmul.f32 v17, v21;
	v15 =	vadd.f32 v19, v16  }
0x125: {  	v9 =	vadd.f32 v12, v9;
	v12 =	vmul.f32 v14, v21;
	v14 =	vperm.xlane v13, v3  }
0x126: {  	v10 =	vadd.f32 v11, v10;
	v11 =	vmul.f32 v18, v21;
	v16 =	vperm.xlane v15, v3  }
0x127: {  	v8 =	vadd.f32 v12, v8;
	v12 =	vadd.f32 v14, v13;
	v13 =	vperm.xlane v6, v0  }
0x128: {  	v5 =	vadd.f32 v11, v5;
	v11 =	vadd.f32 v16, v15;
	v14 =	vperm.xlane v9, v0  }
0x129: {  	v12 =	vnsel vm0, $0xF149F2CA, v12;
	v6 =	vadd.f32 v13, v6;
	v13 =	vperm.xlane v10, v0  }
0x12a: {  	v9 =	vadd.f32 v14, v9;
	v11 =	vsel vm1, v12, v11;
	v12 =	vperm.xlane v8, v0  }
0x12b: {  	v14 =	vperm.xlane v6, v1;
	v10 =	vadd.f32 v13, v10;
	v13 =	vperm.xlane v5, v0  }
0x12c: {  	v15 =	vperm.xlane v9, v1;
	v8 =	vadd.f32 v12, v8;
	v12 =	vperm.xlane v7, v0  }
0x12d: {  	v6 =	vadd.f32 v14, v6;
	v14 =	vperm.xlane v10, v1;
	v5 =	vadd.f32 v13, v5  }
0x12e: {  	v9 =	vadd.f32 v15, v9;
	v13 =	vperm.xlane v8, v1;
	v7 =	vadd.f32 v12, v7  }
0x12f: {  	v12 =	vperm.xlane v6, v2;
	v10 =	vadd.f32 v14, v10;
	v14 =	vperm.xlane v5, v1  }
0x130: {  	v15 =	vperm.xlane v9, v2;
	v8 =	vadd.f32 v13, v8;
	v13 =	vperm.xlane v7, v1  }
0x131: {  	v6 =	vadd.f32 v12, v6;
	v12 =	vperm.xlane v10, v2;
	v5 =	vadd.f32 v14, v5  }
0x132: {  	v9 =	vadd.f32 v15, v9;
	v14 =	vperm.xlane v8, v2;
	v7 =	vadd.f32 v13, v7  }
0x133: {  	v13 =	vperm.xlane v6, v3;
	v10 =	vadd.f32 v12, v10;
	v12 =	vperm.xlane v5, v2  }
0x134: {  	v15 =	vperm.xlane v9, v3;
	v8 =	vadd.f32 v14, v8;
	v14 =	vperm.xlane v7, v2  }
0x135: {  	v6 =	vadd.f32 v13, v6;
	v13 =	vperm.xlane v10, v3;
	v5 =	vadd.f32 v12, v5  }
0x136: {  	v9 =	vadd.f32 v15, v9;
	v12 =	vperm.xlane v8, v3;
	v7 =	vadd.f32 v14, v7  }
0x137: {  	v6 =	vsel vm2, v11, v6;
	v10 =	vadd.f32 v13, v10;
	v11 =	vperm.xlane v5, v3  }
0x138: {  	v6 =	vsel vm3, v6, v9;
	v8 =	vadd.f32 v12, v8;
	v9 =	vperm.xlane v7, v3  }
0x139: {  	v6 =	vsel vm4, v6, v10;
	v5 =	vadd.f32 v11, v5  }
0x13a: {  	v6 =	vsel vm5, v6, v8;
	v7 =	vadd.f32 v9, v7  }
0x13b: {  	v5 =	vsel vm6, v6, v5  }
0x13c: {  	v5 =	vsel vm7, v5, v7  }
0x13d: {  	v6 =	vperm.xlane v5, v0;
	_ =	sdelay $0x1  }
0x13e: {  	v6 =	vmax.f32 v5, v6  }
0x13f: {  	v7 =	vperm.xlane v6, v1;
	_ =	sdelay $0x1  }
0x140: {  	v6 =	vmax.f32 v6, v7  }
0x141: {  	v7 =	vperm.xlane v6, v2;
	_ =	sdelay $0x1  }
0x142: {  	v6 =	vmax.f32 v6, v7  }
0x143: {  	v7 =	vperm.xlane v6, v3;
	_ =	sdelay $0x1  }
0x144: {  	v6 =	vmax.f32 v6, v7  }
0x145: {  	vm8 =	veq.f32 v5, v6  }
0x146: {  	v7 =	vnsel vm8, $0x10, v4  }
0x147: {  	v8 =	vperm.xlane v7, v0;
	_ =	sdelay $0x1  }
0x148: {  	vm8 =	vlt.s32 v7, v8  }
0x149: {  	v7 =	vsel vm8, v7, v8  }
0x14a: {  	v8 =	vperm.xlane v7, v1;
	_ =	sdelay $0x1  }
0x14b: {  	vm8 =	vlt.s32 v7, v8  }
0x14c: {  	v7 =	vsel vm8, v7, v8  }
0x14d: {  	v8 =	vperm.xlane v7, v2;
	_ =	sdelay $0x1  }
0x14e: {  	vm8 =	vlt.s32 v7, v8  }
0x14f: {  	v7 =	vsel vm8, v7, v8  }
0x150: {  	v8 =	vperm.xlane v7, v3;
	_ =	sdelay $0x1  }
0x151: {  	vm8 =	vlt.s32 v7, v8  }
0x152: {  	v7 =	vsel vm8, v7, v8  }
0x153: {  	vm8 =	veq.s32 v7, v4  }
0x154: {  	v5 =	vsel vm8, $0xFF800000, v5  }
0x155: {  	v7 =	vperm.xlane v5, v0;
	_ =	sdelay $0x1  }
0x156: {  	v7 =	vmax.f32 v5, v7  }
0x157: {  	v8 =	vperm.xlane v7, v1;
	_ =	sdelay $0x1  }
0x158: {  	v7 =	vmax.f32 v7, v8  }
0x159: {  	v8 =	vperm.xlane v7, v2;
	_ =	sdelay $0x1  }
0x15a: {  	v7 =	vmax.f32 v7, v8  }
0x15b: {  	v8 =	vperm.xlane v7, v3;
	_ =	sdelay $0x1  }
0x15c: {  	v7 =	vmax.f32 v7, v8  }
0x15d: {  	v6 =	vsub.f32 v7, v6;
	_ =	sdelay $0x1  }
0x15e: {  	v6 =	vmul.f32 $1.442695020e+00, v6;
	_ =	sdelay $0x1  }
0x15f: {  	(erf) = vpow2.f32 v6;
	_ =	sdelay $0x4  }
0x160: {  	vm9 =	veq.f32 v5, v7  }
0x161: {  	v5 =	vnsel vm9, $0x10, v4  }
0x162: {  	v6 =	vperm.xlane v5, v0;
	_ =	sdelay $0x1  }
0x163: {  	vm9 =	vlt.s32 v5, v6;
	v7 =	vpop (erf)  }
0x164: {  	v5 =	vsel vm9, v5, v6;
	v6 =	vadd.f32 $1.000000000e+00, v7  }
0x165: {  	v7 =	vperm.xlane v5, v1  }
0x166: {  	(erf) = vrcp.f32 v6  }
0x167: {  	vm9 =	vlt.s32 v5, v7  }
0x168: {  	v5 =	vsel vm9, v5, v7  }
0x169: {  	v6 =	vperm.xlane v5, v2;
	_ =	sdelay $0x1  }
0x16a: {  	vm9 =	vlt.s32 v5, v6  }
0x16b: {  	v5 =	vsel vm9, v5, v6  }
0x16c: {  	v6 =	vperm.xlane v5, v3;
	_ =	sdelay $0x1  }
0x16d: {  	vm9 =	vlt.s32 v5, v6;
	v7 =	vpop (erf)  }
0x16e: {  	v5 =	vsel vm9, v5, v6;
	v6 =	vsub.f32 $1.000000000e+00, v7  }
0x16f: {  	vm9 =	veq.s32 v5, v4  }
0x170: {  	s28 =	simm.s32 $0x0;
	s29 =	simm.s32 $0x0;
	v5 =	vnsel vm9, $0x0, v6  }
0x171: {  	s30 =	simm.s32 $0x0;
	s14 =	sand.u32 $0x3FFFFE00, s29;
	s13 =	sand.u32 $0x70, s28;
	v5 =	vsel vm8, v7, v5  }
0x172: {  	s15 =	sand.u32 $0x3FFFFC00, s30;
	s14 =	sor.u32 s13, s14;
	[tilespmem:$0x3100] =	vst v5  }
0x173: {  	s13 =	sor.u32 s13, s15;
	v5 =	vld [tilespmem:s14+$0x180]  }
0x174: {  	v6 =	vld [tilespmem:s13+$0x1380]  }
0x175: {  	v8 =	vld [tilespmem:s13+$0x1000]  }
0x176: {  	v18 =	vld [tilespmem:s13+$0x1080]  }
0x177: {  	v16 =	vimm.f32 $0.0e+00;
	v14 =	vld [tilespmem:s13+$0x1100]  }
0x178: {  	v13 =	vimm.f32 $0.0e+00;
	v11 =	vimm.f32 $0.0e+00;
	v10 =	vimm.f32 $0.0e+00;
	v12 =	vld [tilespmem:s13+$0x1180]  }
0x179: {  	s31 =	simm.s32 $0x40;
	s16 =	simm.s32 $0x80;
	v9 =	vimm.f32 $0.0e+00;
	v7 =	vimm.f32 $0.0e+00;
	v15 =	vld [tilespmem:s13+$0x1200];
	s14 =	simm.s32 $0x10;
	v19 =	vmul.f32 v6, v5  }
0x17a: {  	s18 =	sand.u32 $0x3FFFFE00, s31;
	s15 =	simm.s32 $0x2;
	v17 =	vld [tilespmem:s13+$0x1280];
	s17 =	sand.u32 $0x70, s14;
	v20 =	vmul.f32 v8, v5;
	v8 =	vimm.f32 $0.0e+00;
	v6 =	vimm.f32 $0.0e+00  }
.LBB2_8:
0x17b: {  	p0 =	sne.s32 s15, $0x3F;
	s18 =	sor.u32 s17, s18;
	s16 =	sand.u32 $0x3FFFFC00, s16;
	v18 =	vmul.f32 v18, v5;
	v21 =	vld [tilespmem:s13+$0x1300];
	v7 =	vadd.f32 v19, v7  }
0x17c: {  	v19 =	vld [tilespmem:s18+$0x180];
	s13 =	sor.u32 s17, s16;
	v13 =	vadd.f32 v20, v13;
	v14 =	vmul.f32 v14, v5  }
0x17d: {  	v20 =	vld [tilespmem:s13+$0x1380];
	v16 =	vadd.f32 v18, v16;
	v12 =	vmul.f32 v12, v5  }
0x17e: {  	v22 =	vld [tilespmem:s13+$0x1000];
	v11 =	vadd.f32 v14, v11;
	v15 =	vmul.f32 v15, v5  }
.Ltmp3:
0x17f: {  	v18 =	vld [tilespmem:s13+$0x1080];
	v9 =	vadd.f32 v12, v9;
	v17 =	vmul.f32 v17, v5;
	(pc) =	sbr.rel @p0 .LBB2_8-.Ltmp3, $4  }
0x180: {  	v14 =	vld [tilespmem:s13+$0x1100];
	v10 =	vadd.f32 v15, v10;
	v21 =	vmul.f32 v21, v5  }
0x181: {  	v12 =	vld [tilespmem:s13+$0x1180];
	v8 =	vadd.f32 v17, v8;
	v5 =	vmov v19  }
0x182: {  	s14 =	sadd.s32 $0x10, s14;
	s18 =	sshll.u32 s15, $0x6;
	s16 =	sshll.u32 s15, $0x7;
	v15 =	vld [tilespmem:s13+$0x1200];
	v19 =	vmul.f32 v20, v5;
	v6 =	vadd.f32 v21, v6  }
0x183: {  	s17 =	sand.u32 $0x70, s14;
	s15 =	sadd.s32 $0x1, s15;
	s18 =	sand.u32 $0x3FFFFE00, s18;
	v20 =	vmul.f32 v22, v5;
	v17 =	vld [tilespmem:s13+$0x1280]  }
0x184: {  	s14 =	sor.u32 s17, s18;
	s15 =	sand.u32 $0x3FFFFC00, s16;
	v59 =	vld [tilespmem:s13+$0x1300]  }
0x185: {  	v21 =	vld [tilespmem:s14+$0x180];
	s31 =	sor.u32 s17, s15  }
0x186: {  	v22 =	vld [tilespmem:s31+$0x1000]  }
0x187: {  	v23 =	vld [tilespmem:s31+$0x1080]  }
0x188: {  	v60 =	vld [tilespmem:s31+$0x1380]  }
0x189: {  	v61 =	vld [tilespmem:s31+$0x1100]  }
0x18a: {  	v18 =	vmul.f32 v18, v5;
	v7 =	vadd.f32 v19, v7;
	v14 =	vmul.f32 v14, v5;
	v24 =	vld [tilespmem:s31+$0x1180]  }
0x18b: {  	v13 =	vadd.f32 v20, v13;
	v12 =	vmul.f32 v12, v5;
	v27 =	vld [tilespmem:s31+$0x1200];
	v63 =	vmul.f32 v15, v5  }
0x18c: {  	v16 =	vadd.f32 v18, v16;
	v28 =	vld [tilespmem:s31+$0x1280];
	v11 =	vadd.f32 v14, v11;
	v26 =	vmul.f32 v17, v5  }
0x18d: {  	v30 =	vld [tilespmem:s31+$0x1300];
	v9 =	vadd.f32 v12, v9;
	v10 =	vadd.f32 v63, v10;
	v5 =	vmul.f32 v59, v5  }
0x18e: {  	v8 =	vadd.f32 v26, v8;
	v55 =	vmul.f32 v22, v21;
	v56 =	vmul.f32 v23, v21  }
0x18f: {  	v29 =	vmul.f32 v60, v21;
	v5 =	vadd.f32 v5, v6;
	v6 =	vmul.f32 v61, v21  }
0x190: {  	v32 =	vmul.f32 v24, v21;
	v33 =	vmul.f32 v27, v21;
	v13 =	vadd.f32 v55, v13  }
0x191: {  	v35 =	vmul.f32 v28, v21;
	v16 =	vadd.f32 v56, v16;
	v6 =	vadd.f32 v6, v11  }
0x192: {  	v37 =	vmul.f32 v30, v21;
	v9 =	vadd.f32 v32, v9;
	v10 =	vadd.f32 v33, v10  }
0x193: {  	v8 =	vadd.f32 v35, v8;
	v57 =	vperm.xlane v13, v0;
	v58 =	vperm.xlane v16, v0  }
0x194: {  	v5 =	vadd.f32 v37, v5;
	v39 =	vperm.xlane v6, v0;
	v41 =	vperm.xlane v9, v0  }
0x195: {  	v7 =	vadd.f32 v29, v7;
	v42 =	vperm.xlane v10, v0;
	v43 =	vperm.xlane v8, v0  }
0x196: {  	v45 =	vperm.xlane v5, v0;
	v13 =	vadd.f32 v57, v13;
	v16 =	vadd.f32 v58, v16  }
0x197: {  	v47 =	vperm.xlane v7, v0;
	v6 =	vadd.f32 v39, v6;
	v9 =	vadd.f32 v41, v9  }
0x198: {  	v10 =	vadd.f32 v42, v10;
	v8 =	vadd.f32 v43, v8;
	v62 =	vperm.xlane v13, v1  }
0x199: {  	v5 =	vadd.f32 v45, v5;
	v25 =	vperm.xlane v16, v1;
	v44 =	vperm.xlane v6, v1  }
0x19a: {  	v7 =	vadd.f32 v47, v7;
	v46 =	vperm.xlane v9, v1;
	v48 =	vperm.xlane v10, v1  }
0x19b: {  	v49 =	vperm.xlane v8, v1;
	v13 =	vadd.f32 v62, v13;
	v16 =	vadd.f32 v25, v16  }
0x19c: {  	v51 =	vperm.xlane v5, v1;
	v6 =	vadd.f32 v44, v6;
	v9 =	vadd.f32 v46, v9  }
0x19d: {  	v52 =	vperm.xlane v7, v1;
	v10 =	vadd.f32 v48, v10;
	v8 =	vadd.f32 v49, v8  }
0x19e: {  	v5 =	vadd.f32 v51, v5;
	v20 =	vperm.xlane v13, v2;
	v31 =	vperm.xlane v16, v2  }
0x19f: {  	v7 =	vadd.f32 v52, v7;
	v50 =	vperm.xlane v6, v2;
	v15 =	vperm.xlane v9, v2  }
0x1a0: {  	v53 =	vperm.xlane v10, v2;
	v54 =	vperm.xlane v8, v2;
	v13 =	vadd.f32 v20, v13  }
0x1a1: {  	v56 =	vperm.xlane v5, v2;
	v57 =	vperm.xlane v7, v2;
	v34 =	vadd.f32 v31, v16  }
0x1a2: {  	v6 =	vadd.f32 v50, v6;
	v9 =	vadd.f32 v15, v9;
	v36 =	vperm.xlane v13, v3  }
0x1a3: {  	v10 =	vadd.f32 v53, v10;
	v8 =	vadd.f32 v54, v8;
	v16 =	vperm.xlane v34, v3  }
0x1a4: {  	v5 =	vadd.f32 v56, v5;
	v55 =	vperm.xlane v6, v3;
	v38 =	vadd.f32 v36, v13  }
0x1a5: {  	v7 =	vadd.f32 v57, v7;
	v15 =	vperm.xlane v9, v3;
	v40 =	vadd.f32 v16, v34  }
0x1a6: {  	v58 =	vperm.xlane v10, v3;
	v6 =	vadd.f32 v55, v6;
	v12 =	vnsel vm0, $0xF149F2CA, v38  }
0x1a7: {  	v59 =	vperm.xlane v8, v3;
	v9 =	vadd.f32 v15, v9;
	v11 =	vsel vm1, v12, v40  }
0x1a8: {  	v60 =	vperm.xlane v5, v3;
	v10 =	vadd.f32 v58, v10;
	v6 =	vsel vm2, v11, v6  }
0x1a9: {  	v61 =	vperm.xlane v7, v3;
	v8 =	vadd.f32 v59, v8;
	v6 =	vsel vm3, v6, v9  }
0x1aa: {  	v5 =	vadd.f32 v60, v5;
	v6 =	vsel vm4, v6, v10  }
0x1ab: {  	v7 =	vadd.f32 v61, v7;
	v6 =	vsel vm5, v6, v8  }
0x1ac: {  	v5 =	vsel vm6, v6, v5  }
0x1ad: {  	v5 =	vsel vm7, v5, v7  }
0x1ae: {  	v6 =	vperm.xlane v5, v0;
	_ =	sdelay $0x1  }
0x1af: {  	v6 =	vmax.f32 v5, v6  }
0x1b0: {  	v7 =	vperm.xlane v6, v1;
	_ =	sdelay $0x1  }
0x1b1: {  	v6 =	vmax.f32 v6, v7  }
0x1b2: {  	v7 =	vperm.xlane v6, v2;
	_ =	sdelay $0x1  }
0x1b3: {  	v6 =	vmax.f32 v6, v7  }
0x1b4: {  	v7 =	vperm.xlane v6, v3;
	_ =	sdelay $0x1  }
0x1b5: {  	v6 =	vmax.f32 v6, v7  }
0x1b6: {  	vm8 =	veq.f32 v5, v6  }
0x1b7: {  	v7 =	vnsel vm8, $0x10, v4  }
0x1b8: {  	v62 =	vperm.xlane v7, v0;
	_ =	sdelay $0x1  }
0x1b9: {  	vm8 =	vlt.s32 v7, v62  }
0x1ba: {  	v7 =	vsel vm8, v7, v62  }
0x1bb: {  	v8 =	vperm.xlane v7, v1;
	_ =	sdelay $0x1  }
0x1bc: {  	vm8 =	vlt.s32 v7, v8  }
0x1bd: {  	v7 =	vsel vm8, v7, v8  }
0x1be: {  	v8 =	vperm.xlane v7, v2;
	_ =	sdelay $0x1  }
0x1bf: {  	vm8 =	vlt.s32 v7, v8  }
0x1c0: {  	v7 =	vsel vm8, v7, v8  }
0x1c1: {  	v8 =	vperm.xlane v7, v3;
	_ =	sdelay $0x1  }
0x1c2: {  	vm8 =	vlt.s32 v7, v8  }
0x1c3: {  	v7 =	vsel vm8, v7, v8  }
0x1c4: {  	vm8 =	veq.s32 v7, v4  }
0x1c5: {  	v5 =	vsel vm8, $0xFF800000, v5  }
0x1c6: {  	v7 =	vperm.xlane v5, v0;
	_ =	sdelay $0x1  }
0x1c7: {  	v7 =	vmax.f32 v5, v7  }
0x1c8: {  	v63 =	vperm.xlane v7, v1;
	_ =	sdelay $0x1  }
0x1c9: {  	v7 =	vmax.f32 v7, v63  }
0x1ca: {  	v8 =	vperm.xlane v7, v2;
	_ =	sdelay $0x1  }
0x1cb: {  	v7 =	vmax.f32 v7, v8  }
0x1cc: {  	v8 =	vperm.xlane v7, v3;
	_ =	sdelay $0x1  }
0x1cd: {  	v7 =	vmax.f32 v7, v8  }
0x1ce: {  	v6 =	vsub.f32 v7, v6;
	_ =	sdelay $0x1  }
0x1cf: {  	v6 =	vmul.f32 $1.442695020e+00, v6;
	_ =	sdelay $0x1  }
0x1d0: {  	(erf) = vpow2.f32 v6;
	_ =	sdelay $0x4  }
0x1d1: {  	vm9 =	veq.f32 v5, v7  }
0x1d2: {  	v5 =	vnsel vm9, $0x10, v4  }
0x1d3: {  	v6 =	vperm.xlane v5, v0;
	_ =	sdelay $0x1  }
0x1d4: {  	vm9 =	vlt.s32 v5, v6;
	v7 =	vpop (erf)  }
0x1d5: {  	v5 =	vsel vm9, v5, v6;
	v6 =	vadd.f32 $1.000000000e+00, v7  }
0x1d6: {  	v7 =	vperm.xlane v5, v1  }
0x1d7: {  	(erf) = vrcp.f32 v6  }
0x1d8: {  	vm9 =	vlt.s32 v5, v7  }
0x1d9: {  	v5 =	vsel vm9, v5, v7  }
0x1da: {  	v6 =	vperm.xlane v5, v2;
	_ =	sdelay $0x1  }
0x1db: {  	vm9 =	vlt.s32 v5, v6  }
0x1dc: {  	v5 =	vsel vm9, v5, v6  }
0x1dd: {  	v6 =	vperm.xlane v5, v3;
	_ =	sdelay $0x1  }
0x1de: {  	vm9 =	vlt.s32 v5, v6;
	v7 =	vpop (erf)  }
0x1df: {  	v5 =	vsel vm9, v5, v6;
	v6 =	vsub.f32 $1.000000000e+00, v7  }
0x1e0: {  	vm9 =	veq.s32 v5, v4  }
0x1e1: {  	s12 =	sadd.s32 $0x1, s12;
	v5 =	vnsel vm9, $0x0, v6  }
0x1e2: {  	p0 =	sne.s32 s12, s6;
	v5 =	vsel vm8, v7, v5  }
.Ltmp4:
0x1e3: {  	[tilespmem:$0x3180] =	vst v5;
	(pc) =	sbr.rel @p0 .LBB2_1-.Ltmp4, $4  }
0x1e4: {  	[hbm4b:s5+s2] =	stream.linear.scatter [tilespmem:s11], [sflag:$0x1], $0x200, $0x38;
	[tilespmem:$0x3200] =	vst v63  }
0x1e5: {  	_ =	swait.ge [sflag:s9], $0x200  }
0x1e6: {  	[sflag:s9] =	ssyncset.done $0x0  }
0x1e7: {  	[sflag:s9] =	ssyncadd.s32 $0xFFFFFE00  }
0x1e8: {  	_ =	sfence.sel $0x180000  }
0x1e9: {  	[bflag:$0x0] =	sbarrier.arrive $0xFFFF  }
0x1ea: {  	p0 =	sne.s32 s3, $0x0;
	_ =	strace $0x90000047  }
0x1eb: {  	s0 =	sadd.s32 @!p0 $0x100000, s1;
	[bflag:$0x2] =	sbarrier.arrive $0xFFFF  }
0x1ec: {  	[sflag:s0] =	ssyncadd.tile.s32 @!p0 $0x1;
	_ =	shalt  }
.Lfunc_end2:
_tile_overlayer_lowered:
.L_overlay_start_2:
0x1ed: {  	(tag) =	ssettag $0x2  }
0x1ee: {  	s0 =	rddreg [dreg:$0x0];
	s2 =	stileid.u32  }
0x1ef: {  	s1 =	rddreg [dreg:$0x1];
	p0 =	sne.s32 s2, $0x0  }
0x1f0: {  	s3 =	rddreg [dreg:$0x2];
	[bflag:$0x3] =	sbarrier.arrive $0xFFFF;
	s2 =	simm.s32 @!p0 $0x1C01  }
0x1f1: {  	[timem:s3], [sflag:s2] =	dma.local @!p0 [hbm:s0], s1  }
0x1f2: {  	s0 =	simm.s32 @!p0 $0x1  }
0x1f3: {  	_ =	swait.ge @!p0 [sflag:s0], s1  }
0x1f4: {  	s1 =	ssub.s32 @!p0 $0x0, s1;
	[sflag:s0] =	ssyncset.done @!p0 $0x0  }
0x1f5: {  	[sflag:s0] =	ssyncadd.s32 @!p0 s1  }
0x1f6: {  	[bflag:$0x3] =	sbarrier.arrive $0xFFFF  }
0x1f7: {  	_ =	shalt  }

</sc_bundles>
